<compile_context>
chip_gen: v7x
topology: tpu7x:2x2x1
jax: 0.10.2.dev20260603
libtpu: 0.0.44.dev20260713+nightly
codegen_flags: <defaults>
</compile_context>

<pallas_src>
import jax
import jax.numpy as jnp
from jax import lax
from jax.experimental import pallas as pl
from jax.experimental.pallas import tpu as pltpu
from jax.experimental.pallas import tpu_sc as plsc

N_TOK = 10
D = 64
DP = 128
B = 1024
S = 200
V = 1000000
SEQ_G = S - N_TOK
HALF = SEQ_G // 2
G = 96

NC = 2
NS = 16
NW = NC * NS
BPW = B // NW
CH = 2
NCH = BPW // CH

def _soft_embed_sc(table, idx95, learned, out,
                   idx_v0, idx_v1, buf0, buf1, sem0, sem1):
    wid = lax.axis_index("s") * NC + lax.axis_index("c")
    idxs = (idx_v0, idx_v1)
    bufs = (buf0, buf1)
    sems = (sem0, sem1)

    for nb in range(2):
        for j in range(CH):
            pltpu.sync_copy(learned, bufs[nb].at[pl.ds(j * S, N_TOK), pl.ds(0, D)])

    def fetch(c, nb):
        b0 = wid * BPW + c * CH
        pltpu.sync_copy(idx95.at[pl.ds(b0 * 2, CH * 2), pl.ds(0, G)],
                        idxs[nb])
        dmas = []
        for j in range(CH * 2):
            row0 = (j // 2) * S + (N_TOK if j % 2 == 0 else S - G)
            dst = bufs[nb].at[pl.ds(row0, G)]
            src = table.at[idxs[nb].at[j]]
            dmas.append(pltpu.async_copy(src, dst, sems[nb]))
        return dmas

    pending = fetch(0, 0)
    for c in range(NCH):
        nb = c % 2
        nxt = fetch(c + 1, 1 - nb) if c + 1 < NCH else None
        for d in pending:
            d.wait()
        b0 = wid * BPW + c * CH
        for j in range(CH):
            pltpu.sync_copy(bufs[nb].at[pl.ds(j * S, S), pl.ds(0, D)],
                            out.at[b0 + j])
        pending = nxt


def kernel(tokens, wte_weight, learned_embedding):
    idxc = jnp.minimum(tokens, V - 1)
    idx96 = jnp.pad(
        jnp.stack([idxc[:, N_TOK:N_TOK + G], idxc[:, S - G:]], 1)
        .reshape(B * 2, G),
        ((0, 0), (0, DP - G)))
    mesh = plsc.VectorSubcoreMesh(core_axis_name="c", subcore_axis_name="s")

    eye_pad = jnp.eye(D, DP, dtype=jnp.float32)
    table_pad = jnp.dot(wte_weight, eye_pad)

    emb = pl.kernel(
        _soft_embed_sc,
        mesh=mesh,
        compiler_params=pltpu.CompilerParams(use_tc_tiling_on_sc=False),
        out_type=jax.ShapeDtypeStruct((B, S, D), jnp.float32),
        scratch_types=[
            pltpu.VMEM((CH * 2, G), jnp.int32),
            pltpu.VMEM((CH * 2, G), jnp.int32),
            pltpu.VMEM((CH * S, DP), jnp.float32),
            pltpu.VMEM((CH * S, DP), jnp.float32),
            pltpu.SemaphoreType.DMA,
            pltpu.SemaphoreType.DMA,
        ],
    )
    return emb(table_pad, idx96, learned_embedding)

# --- scband reference (transcript-rebuilt; emitter-appended) ---
"""Pipeline reference for scband-soft-embedding-62826781606183 (READ-ONLY COPY).

The authoritative reference and input builder live on the scoring server;
editing this copy changes nothing except your own understanding.
"""

import jax, jax.numpy as jnp
import numpy as np

N_TOKENS = 10
VOCAB = 1000000
EMBED_DIM = 64
BATCH = 1024
SEQ = 200


def setup_inputs(seed: int = 0) -> dict:
    key = jax.random.key(seed)
    k1, k2 = jax.random.split(key, 2)
    tokens = jax.random.randint(k1, (BATCH, SEQ), 0, VOCAB, dtype=jnp.int32)
    wte_weight = jax.random.normal(k2, (VOCAB, EMBED_DIM), dtype=jnp.float32) * 0.02
    # initialize_from_vocab=True: learned embedding initialized from first n_tokens rows
    learned_embedding = wte_weight[:N_TOKENS].copy()
    return {"tokens": tokens, "wte_weight": wte_weight, "learned_embedding": learned_embedding}


def reference(tokens, wte_weight, learned_embedding):
    # input_embedding = self.wte(tokens[:, self.n_tokens:])
    input_embedding = jnp.take(wte_weight, tokens[:, N_TOKENS:], axis=0)
    b = input_embedding.shape[0]
    # learned_embedding.repeat(B, 1, 1)
    learned = jnp.broadcast_to(learned_embedding[None, :, :], (b,) + learned_embedding.shape)
    # torch.cat([learned_embedding, input_embedding], 1)
    return jnp.concatenate([learned, input_embedding], axis=1)

if __name__ == "__main__":
    import jax
    _d = setup_inputs()
    print(jax.jit(kernel)(*tuple(_d.values())))

</pallas_src>

<mosaic_0001>
#map = affine_map<(d0, d1) -> (0, 0)>
#map1 = affine_map<(d0, d1) -> (0, 0, 0)>
module attributes {stable_mosaic.version = 14 : i64} {
  func.func @_soft_embed_sc(%arg0: i32, %arg1: i32, %arg2: memref<1000000x128xf32, #tpu.memory_space<hbm>>, %arg3: memref<2048x128xi32, #tpu.memory_space<hbm>>, %arg4: memref<10x64xf32, #tpu.memory_space<hbm>>, %arg5: memref<1024x200x64xf32, #tpu.memory_space<hbm>>, %arg6: memref<4x96xi32, #tpu.memory_space<vmem>>, %arg7: memref<4x96xi32, #tpu.memory_space<vmem>>, %arg8: memref<400x128xf32, #tpu.memory_space<vmem>>, %arg9: memref<400x128xf32, #tpu.memory_space<vmem>>, %arg10: memref<!tpu.dma_semaphore, #tpu.memory_space<semaphore_mem>>, %arg11: memref<!tpu.dma_semaphore, #tpu.memory_space<semaphore_mem>>) attributes {dimension_semantics = [#tpu.dimension_semantics<core_parallel>, #tpu.dimension_semantics<subcore_parallel>], iteration_bounds = array<i64: 2, 16>, scalar_prefetch = 0 : i64, scratch_operands = 6 : i64, tpu.core_type = #tpu.core_type<sc_vector_subcore>, window_params = [{transform_indices = #map}, {transform_indices = #map}, {transform_indices = #map}, {transform_indices = #map1}]} {
    %mul3A = arith.constant 2 : i32
    %mul3A_0 = arith.muli %arg1, %mul3A : i32
    %add3A = arith.addi %mul3A_0, %arg0 : i32
    "tpu.region"() ({
      %run_scoped3A = tpu.sem_alloc : memref<!tpu.dma_semaphore, #tpu.memory_space<semaphore_mem>>
      %dma_start3A_1503 = arith.constant 0 : i32
      %dma_start3A_1504 = arith.constant 0 : i32
      %dma_start3A_1505 = tpu.memref_slice %arg8[%dma_start3A_1503, %dma_start3A_1504] : memref<400x128xf32, #tpu.memory_space<vmem>> -> memref<10x64xf32, #tpu.memory_space<vmem>>
      %dma_start3A_1506 = arith.constant 0 : i32
      %dma_start3A_1507 = arith.constant 0 : i32
      %dma_start3A_1508 = tpu.memref_slice %arg8[%dma_start3A_1506, %dma_start3A_1507] : memref<400x128xf32, #tpu.memory_space<vmem>> -> memref<10x64xf32, #tpu.memory_space<vmem>>
      tpu.enqueue_dma source(%arg4 : memref<10x64xf32, #tpu.memory_space<hbm>>) target(%dma_start3A_1508 : memref<10x64xf32, #tpu.memory_space<vmem>>) target_semaphore(%run_scoped3A : memref<!tpu.dma_semaphore, #tpu.memory_space<semaphore_mem>>)
      %dma_wait3A_1509 = arith.constant 0 : i32
      %dma_wait3A_1510 = arith.constant 0 : i32
      %dma_wait3A_1511 = tpu.memref_slice %arg8[%dma_wait3A_1509, %dma_wait3A_1510] : memref<400x128xf32, #tpu.memory_space<vmem>> -> memref<10x64xf32, #tpu.memory_space<vmem>>
      %dma_wait3A_1512 = arith.constant 0 : i32
      %dma_wait3A_1513 = arith.constant 0 : i32
      %dma_wait3A_1514 = tpu.memref_slice %arg8[%dma_wait3A_1512, %dma_wait3A_1513] : memref<400x128xf32, #tpu.memory_space<vmem>> -> memref<10x64xf32, #tpu.memory_space<vmem>>
      tpu.wait_dma2 semaphore(%run_scoped3A : memref<!tpu.dma_semaphore, #tpu.memory_space<semaphore_mem>>) src(%arg4 : memref<10x64xf32, #tpu.memory_space<hbm>>) dst(%dma_wait3A_1514 : memref<10x64xf32, #tpu.memory_space<vmem>>)
      tpu.yield
    }) : () -> ()
    "tpu.region"() ({
      %run_scoped3A = tpu.sem_alloc : memref<!tpu.dma_semaphore, #tpu.memory_space<semaphore_mem>>
      %dma_start3A_1503 = arith.constant 200 : i32
      %dma_start3A_1504 = arith.constant 0 : i32
      %dma_start3A_1505 = tpu.memref_slice %arg8[%dma_start3A_1503, %dma_start3A_1504] : memref<400x128xf32, #tpu.memory_space<vmem>> -> memref<10x64xf32, #tpu.memory_space<vmem>>
      %dma_start3A_1506 = arith.constant 200 : i32
      %dma_start3A_1507 = arith.constant 0 : i32
      %dma_start3A_1508 = tpu.memref_slice %arg8[%dma_start3A_1506, %dma_start3A_1507] : memref<400x128xf32, #tpu.memory_space<vmem>> -> memref<10x64xf32, #tpu.memory_space<vmem>>
      tpu.enqueue_dma source(%arg4 : memref<10x64xf32, #tpu.memory_space<hbm>>) target(%dma_start3A_1508 : memref<10x64xf32, #tpu.memory_space<vmem>>) target_semaphore(%run_scoped3A : memref<!tpu.dma_semaphore, #tpu.memory_space<semaphore_mem>>)
      %dma_wait3A_1509 = arith.constant 200 : i32
      %dma_wait3A_1510 = arith.constant 0 : i32
      %dma_wait3A_1511 = tpu.memref_slice %arg8[%dma_wait3A_1509, %dma_wait3A_1510] : memref<400x128xf32, #tpu.memory_space<vmem>> -> memref<10x64xf32, #tpu.memory_space<vmem>>
      %dma_wait3A_1512 = arith.constant 200 : i32
      %dma_wait3A_1513 = arith.constant 0 : i32
      %dma_wait3A_1514 = tpu.memref_slice %arg8[%dma_wait3A_1512, %dma_wait3A_1513] : memref<400x128xf32, #tpu.memory_space<vmem>> -> memref<10x64xf32, #tpu.memory_space<vmem>>
      tpu.wait_dma2 semaphore(%run_scoped3A : memref<!tpu.dma_semaphore, #tpu.memory_space<semaphore_mem>>) src(%arg4 : memref<10x64xf32, #tpu.memory_space<hbm>>) dst(%dma_wait3A_1514 : memref<10x64xf32, #tpu.memory_space<vmem>>)
      tpu.yield
    }) : () -> ()
    "tpu.region"() ({
      %run_scoped3A = tpu.sem_alloc : memref<!tpu.dma_semaphore, #tpu.memory_space<semaphore_mem>>
      %dma_start3A_1503 = arith.constant 0 : i32
      %dma_start3A_1504 = arith.constant 0 : i32
      %dma_start3A_1505 = tpu.memref_slice %arg9[%dma_start3A_1503, %dma_start3A_1504] : memref<400x128xf32, #tpu.memory_space<vmem>> -> memref<10x64xf32, #tpu.memory_space<vmem>>
      %dma_start3A_1506 = arith.constant 0 : i32
      %dma_start3A_1507 = arith.constant 0 : i32
      %dma_start3A_1508 = tpu.memref_slice %arg9[%dma_start3A_1506, %dma_start3A_1507] : memref<400x128xf32, #tpu.memory_space<vmem>> -> memref<10x64xf32, #tpu.memory_space<vmem>>
      tpu.enqueue_dma source(%arg4 : memref<10x64xf32, #tpu.memory_space<hbm>>) target(%dma_start3A_1508 : memref<10x64xf32, #tpu.memory_space<vmem>>) target_semaphore(%run_scoped3A : memref<!tpu.dma_semaphore, #tpu.memory_space<semaphore_mem>>)
      %dma_wait3A_1509 = arith.constant 0 : i32
      %dma_wait3A_1510 = arith.constant 0 : i32
      %dma_wait3A_1511 = tpu.memref_slice %arg9[%dma_wait3A_1509, %dma_wait3A_1510] : memref<400x128xf32, #tpu.memory_space<vmem>> -> memref<10x64xf32, #tpu.memory_space<vmem>>
      %dma_wait3A_1512 = arith.constant 0 : i32
      %dma_wait3A_1513 = arith.constant 0 : i32
      %dma_wait3A_1514 = tpu.memref_slice %arg9[%dma_wait3A_1512, %dma_wait3A_1513] : memref<400x128xf32, #tpu.memory_space<vmem>> -> memref<10x64xf32, #tpu.memory_space<vmem>>
      tpu.wait_dma2 semaphore(%run_scoped3A : memref<!tpu.dma_semaphore, #tpu.memory_space<semaphore_mem>>) src(%arg4 : memref<10x64xf32, #tpu.memory_space<hbm>>) dst(%dma_wait3A_1514 : memref<10x64xf32, #tpu.memory_space<vmem>>)
      tpu.yield
    }) : () -> ()
    "tpu.region"() ({
      %run_scoped3A = tpu.sem_alloc : memref<!tpu.dma_semaphore, #tpu.memory_space<semaphore_mem>>
      %dma_start3A_1503 = arith.constant 200 : i32
      %dma_start3A_1504 = arith.constant 0 : i32
      %dma_start3A_1505 = tpu.memref_slice %arg9[%dma_start3A_1503, %dma_start3A_1504] : memref<400x128xf32, #tpu.memory_space<vmem>> -> memref<10x64xf32, #tpu.memory_space<vmem>>
      %dma_start3A_1506 = arith.constant 200 : i32
      %dma_start3A_1507 = arith.constant 0 : i32
      %dma_start3A_1508 = tpu.memref_slice %arg9[%dma_start3A_1506, %dma_start3A_1507] : memref<400x128xf32, #tpu.memory_space<vmem>> -> memref<10x64xf32, #tpu.memory_space<vmem>>
      tpu.enqueue_dma source(%arg4 : memref<10x64xf32, #tpu.memory_space<hbm>>) target(%dma_start3A_1508 : memref<10x64xf32, #tpu.memory_space<vmem>>) target_semaphore(%run_scoped3A : memref<!tpu.dma_semaphore, #tpu.memory_space<semaphore_mem>>)
      %dma_wait3A_1509 = arith.constant 200 : i32
      %dma_wait3A_1510 = arith.constant 0 : i32
      %dma_wait3A_1511 = tpu.memref_slice %arg9[%dma_wait3A_1509, %dma_wait3A_1510] : memref<400x128xf32, #tpu.memory_space<vmem>> -> memref<10x64xf32, #tpu.memory_space<vmem>>
      %dma_wait3A_1512 = arith.constant 200 : i32
      %dma_wait3A_1513 = arith.constant 0 : i32
      %dma_wait3A_1514 = tpu.memref_slice %arg9[%dma_wait3A_1512, %dma_wait3A_1513] : memref<400x128xf32, #tpu.memory_space<vmem>> -> memref<10x64xf32, #tpu.memory_space<vmem>>
      tpu.wait_dma2 semaphore(%run_scoped3A : memref<!tpu.dma_semaphore, #tpu.memory_space<semaphore_mem>>) src(%arg4 : memref<10x64xf32, #tpu.memory_space<hbm>>) dst(%dma_wait3A_1514 : memref<10x64xf32, #tpu.memory_space<vmem>>)
      tpu.yield
    }) : () -> ()
    %mul3A_1 = arith.constant 32 : i32
    %mul3A_2 = arith.muli %add3A, %mul3A_1 : i32
    %add3A_3 = arith.constant 0 : i32
    %add3A_4 = arith.addi %mul3A_2, %add3A_3 : i32
    %mul3A_5 = arith.constant 2 : i32
    %mul3A_6 = arith.muli %add3A_4, %mul3A_5 : i32
    "tpu.region"() ({
      %run_scoped3A = tpu.sem_alloc : memref<!tpu.dma_semaphore, #tpu.memory_space<semaphore_mem>>
      %dma_start3A_1503 = arith.constant 0 : i32
      %dma_start3A_1504 = tpu.memref_slice %arg3[%mul3A_6, %dma_start3A_1503] : memref<2048x128xi32, #tpu.memory_space<hbm>> -> memref<4x96xi32, #tpu.memory_space<hbm>>
      %dma_start3A_1505 = arith.constant 0 : i32
      %dma_start3A_1506 = tpu.memref_slice %arg3[%mul3A_6, %dma_start3A_1505] : memref<2048x128xi32, #tpu.memory_space<hbm>> -> memref<4x96xi32, #tpu.memory_space<hbm>>
      tpu.enqueue_dma source(%dma_start3A_1506 : memref<4x96xi32, #tpu.memory_space<hbm>>) target(%arg6 : memref<4x96xi32, #tpu.memory_space<vmem>>) target_semaphore(%run_scoped3A : memref<!tpu.dma_semaphore, #tpu.memory_space<semaphore_mem>>)
      %dma_wait3A_1507 = arith.constant 0 : i32
      %dma_wait3A_1508 = tpu.memref_slice %arg3[%mul3A_6, %dma_wait3A_1507] : memref<2048x128xi32, #tpu.memory_space<hbm>> -> memref<4x96xi32, #tpu.memory_space<hbm>>
      %dma_wait3A_1509 = arith.constant 0 : i32
      %dma_wait3A_1510 = tpu.memref_slice %arg3[%mul3A_6, %dma_wait3A_1509] : memref<2048x128xi32, #tpu.memory_space<hbm>> -> memref<4x96xi32, #tpu.memory_space<hbm>>
      tpu.wait_dma2 semaphore(%run_scoped3A : memref<!tpu.dma_semaphore, #tpu.memory_space<semaphore_mem>>) src(%dma_wait3A_1510 : memref<4x96xi32, #tpu.memory_space<hbm>>) dst(%arg6 : memref<4x96xi32, #tpu.memory_space<vmem>>)
      tpu.yield
    }) : () -> ()
    %dma_start3A = arith.constant 0 : i32
    %dma_start3A_7 = arith.constant 10 : i32
    %dma_start3A_8 = arith.constant 0 : i32
    %dma_start3A_9 = tpu.memref_slice %arg8[%dma_start3A_7, %dma_start3A_8] : memref<400x128xf32, #tpu.memory_space<vmem>> -> memref<96x128xf32, #tpu.memory_space<vmem>>
    %dma_start3A_10 = arith.constant 0 : i32
    %dma_start3A_11 = tpu.memref_slice %arg6[%dma_start3A, %dma_start3A_10] : memref<4x96xi32, #tpu.memory_space<vmem>> -> memref<1x96xi32, #tpu.memory_space<vmem>>
    %dma_start3A_12 = tpu.memref_squeeze %dma_start3A_11 : memref<1x96xi32, #tpu.memory_space<vmem>> -> memref<96xi32, #tpu.memory_space<vmem>>
    %dma_start3A_13 = arith.constant 0 : i32
    %dma_start3A_14 = arith.constant 0 : i32
    %dma_start3A_15 = tpu.memref_slice %arg2[%dma_start3A_13, %dma_start3A_14] : memref<1000000x128xf32, #tpu.memory_space<hbm>> -> memref<1000000x128xf32, #tpu.memory_space<hbm>>
    tpu.enqueue_indirect_dma source(%dma_start3A_15 : memref<1000000x128xf32, #tpu.memory_space<hbm>>) target(%dma_start3A_9 : memref<96x128xf32, #tpu.memory_space<vmem>>) offsets(%dma_start3A_12 : memref<96xi32, #tpu.memory_space<vmem>>) semaphore(%arg10 : memref<!tpu.dma_semaphore, #tpu.memory_space<semaphore_mem>>)
    %dma_start3A_16 = arith.constant 1 : i32
    %dma_start3A_17 = arith.constant 104 : i32
    %dma_start3A_18 = arith.constant 0 : i32
    %dma_start3A_19 = tpu.memref_slice %arg8[%dma_start3A_17, %dma_start3A_18] : memref<400x128xf32, #tpu.memory_space<vmem>> -> memref<96x128xf32, #tpu.memory_space<vmem>>
    %dma_start3A_20 = arith.constant 0 : i32
    %dma_start3A_21 = tpu.memref_slice %arg6[%dma_start3A_16, %dma_start3A_20] : memref<4x96xi32, #tpu.memory_space<vmem>> -> memref<1x96xi32, #tpu.memory_space<vmem>>
    %dma_start3A_22 = tpu.memref_squeeze %dma_start3A_21 : memref<1x96xi32, #tpu.memory_space<vmem>> -> memref<96xi32, #tpu.memory_space<vmem>>
    %dma_start3A_23 = arith.constant 0 : i32
    %dma_start3A_24 = arith.constant 0 : i32
    %dma_start3A_25 = tpu.memref_slice %arg2[%dma_start3A_23, %dma_start3A_24] : memref<1000000x128xf32, #tpu.memory_space<hbm>> -> memref<1000000x128xf32, #tpu.memory_space<hbm>>
    tpu.enqueue_indirect_dma source(%dma_start3A_25 : memref<1000000x128xf32, #tpu.memory_space<hbm>>) target(%dma_start3A_19 : memref<96x128xf32, #tpu.memory_space<vmem>>) offsets(%dma_start3A_22 : memref<96xi32, #tpu.memory_space<vmem>>) semaphore(%arg10 : memref<!tpu.dma_semaphore, #tpu.memory_space<semaphore_mem>>)
    %dma_start3A_26 = arith.constant 2 : i32
    %dma_start3A_27 = arith.constant 210 : i32
    %dma_start3A_28 = arith.constant 0 : i32
    %dma_start3A_29 = tpu.memref_slice %arg8[%dma_start3A_27, %dma_start3A_28] : memref<400x128xf32, #tpu.memory_space<vmem>> -> memref<96x128xf32, #tpu.memory_space<vmem>>
    %dma_start3A_30 = arith.constant 0 : i32
    %dma_start3A_31 = tpu.memref_slice %arg6[%dma_start3A_26, %dma_start3A_30] : memref<4x96xi32, #tpu.memory_space<vmem>> -> memref<1x96xi32, #tpu.memory_space<vmem>>
    %dma_start3A_32 = tpu.memref_squeeze %dma_start3A_31 : memref<1x96xi32, #tpu.memory_space<vmem>> -> memref<96xi32, #tpu.memory_space<vmem>>
    %dma_start3A_33 = arith.constant 0 : i32
    %dma_start3A_34 = arith.constant 0 : i32
    %dma_start3A_35 = tpu.memref_slice %arg2[%dma_start3A_33, %dma_start3A_34] : memref<1000000x128xf32, #tpu.memory_space<hbm>> -> memref<1000000x128xf32, #tpu.memory_space<hbm>>
    tpu.enqueue_indirect_dma source(%dma_start3A_35 : memref<1000000x128xf32, #tpu.memory_space<hbm>>) target(%dma_start3A_29 : memref<96x128xf32, #tpu.memory_space<vmem>>) offsets(%dma_start3A_32 : memref<96xi32, #tpu.memory_space<vmem>>) semaphore(%arg10 : memref<!tpu.dma_semaphore, #tpu.memory_space<semaphore_mem>>)
    %dma_start3A_36 = arith.constant 3 : i32
    %dma_start3A_37 = arith.constant 304 : i32
    %dma_start3A_38 = arith.constant 0 : i32
    %dma_start3A_39 = tpu.memref_slice %arg8[%dma_start3A_37, %dma_start3A_38] : memref<400x128xf32, #tpu.memory_space<vmem>> -> memref<96x128xf32, #tpu.memory_space<vmem>>
    %dma_start3A_40 = arith.constant 0 : i32
    %dma_start3A_41 = tpu.memref_slice %arg6[%dma_start3A_36, %dma_start3A_40] : memref<4x96xi32, #tpu.memory_space<vmem>> -> memref<1x96xi32, #tpu.memory_space<vmem>>
    %dma_start3A_42 = tpu.memref_squeeze %dma_start3A_41 : memref<1x96xi32, #tpu.memory_space<vmem>> -> memref<96xi32, #tpu.memory_space<vmem>>
    %dma_start3A_43 = arith.constant 0 : i32
    %dma_start3A_44 = arith.constant 0 : i32
    %dma_start3A_45 = tpu.memref_slice %arg2[%dma_start3A_43, %dma_start3A_44] : memref<1000000x128xf32, #tpu.memory_space<hbm>> -> memref<1000000x128xf32, #tpu.memory_space<hbm>>
    tpu.enqueue_indirect_dma source(%dma_start3A_45 : memref<1000000x128xf32, #tpu.memory_space<hbm>>) target(%dma_start3A_39 : memref<96x128xf32, #tpu.memory_space<vmem>>) offsets(%dma_start3A_42 : memref<96xi32, #tpu.memory_space<vmem>>) semaphore(%arg10 : memref<!tpu.dma_semaphore, #tpu.memory_space<semaphore_mem>>)
    %mul3A_46 = arith.constant 32 : i32
    %mul3A_47 = arith.muli %add3A, %mul3A_46 : i32
    %add3A_48 = arith.constant 2 : i32
    %add3A_49 = arith.addi %mul3A_47, %add3A_48 : i32
    %mul3A_50 = arith.constant 2 : i32
    %mul3A_51 = arith.muli %add3A_49, %mul3A_50 : i32
    "tpu.region"() ({
      %run_scoped3A = tpu.sem_alloc : memref<!tpu.dma_semaphore, #tpu.memory_space<semaphore_mem>>
      %dma_start3A_1503 = arith.constant 0 : i32
      %dma_start3A_1504 = tpu.memref_slice %arg3[%mul3A_51, %dma_start3A_1503] : memref<2048x128xi32, #tpu.memory_space<hbm>> -> memref<4x96xi32, #tpu.memory_space<hbm>>
      %dma_start3A_1505 = arith.constant 0 : i32
      %dma_start3A_1506 = tpu.memref_slice %arg3[%mul3A_51, %dma_start3A_1505] : memref<2048x128xi32, #tpu.memory_space<hbm>> -> memref<4x96xi32, #tpu.memory_space<hbm>>
      tpu.enqueue_dma source(%dma_start3A_1506 : memref<4x96xi32, #tpu.memory_space<hbm>>) target(%arg7 : memref<4x96xi32, #tpu.memory_space<vmem>>) target_semaphore(%run_scoped3A : memref<!tpu.dma_semaphore, #tpu.memory_space<semaphore_mem>>)
      %dma_wait3A_1507 = arith.constant 0 : i32
      %dma_wait3A_1508 = tpu.memref_slice %arg3[%mul3A_51, %dma_wait3A_1507] : memref<2048x128xi32, #tpu.memory_space<hbm>> -> memref<4x96xi32, #tpu.memory_space<hbm>>
      %dma_wait3A_1509 = arith.constant 0 : i32
      %dma_wait3A_1510 = tpu.memref_slice %arg3[%mul3A_51, %dma_wait3A_1509] : memref<2048x128xi32, #tpu.memory_space<hbm>> -> memref<4x96xi32, #tpu.memory_space<hbm>>
      tpu.wait_dma2 semaphore(%run_scoped3A : memref<!tpu.dma_semaphore, #tpu.memory_space<semaphore_mem>>) src(%dma_wait3A_1510 : memref<4x96xi32, #tpu.memory_space<hbm>>) dst(%arg7 : memref<4x96xi32, #tpu.memory_space<vmem>>)
      tpu.yield
    }) : () -> ()
    %dma_start3A_52 = arith.constant 0 : i32
    %dma_start3A_53 = arith.constant 10 : i32
    %dma_start3A_54 = arith.constant 0 : i32
    %dma_start3A_55 = tpu.memref_slice %arg9[%dma_start3A_53, %dma_start3A_54] : memref<400x128xf32, #tpu.memory_space<vmem>> -> memref<96x128xf32, #tpu.memory_space<vmem>>
    %dma_start3A_56 = arith.constant 0 : i32
    %dma_start3A_57 = tpu.memref_slice %arg7[%dma_start3A_52, %dma_start3A_56] : memref<4x96xi32, #tpu.memory_space<vmem>> -> memref<1x96xi32, #tpu.memory_space<vmem>>
    %dma_start3A_58 = tpu.memref_squeeze %dma_start3A_57 : memref<1x96xi32, #tpu.memory_space<vmem>> -> memref<96xi32, #tpu.memory_space<vmem>>
    %dma_start3A_59 = arith.constant 0 : i32
    %dma_start3A_60 = arith.constant 0 : i32
    %dma_start3A_61 = tpu.memref_slice %arg2[%dma_start3A_59, %dma_start3A_60] : memref<1000000x128xf32, #tpu.memory_space<hbm>> -> memref<1000000x128xf32, #tpu.memory_space<hbm>>
    tpu.enqueue_indirect_dma source(%dma_start3A_61 : memref<1000000x128xf32, #tpu.memory_space<hbm>>) target(%dma_start3A_55 : memref<96x128xf32, #tpu.memory_space<vmem>>) offsets(%dma_start3A_58 : memref<96xi32, #tpu.memory_space<vmem>>) semaphore(%arg11 : memref<!tpu.dma_semaphore, #tpu.memory_space<semaphore_mem>>)
    %dma_start3A_62 = arith.constant 1 : i32
    %dma_start3A_63 = arith.constant 104 : i32
    %dma_start3A_64 = arith.constant 0 : i32
    %dma_start3A_65 = tpu.memref_slice %arg9[%dma_start3A_63, %dma_start3A_64] : memref<400x128xf32, #tpu.memory_space<vmem>> -> memref<96x128xf32, #tpu.memory_space<vmem>>
    %dma_start3A_66 = arith.constant 0 : i32
    %dma_start3A_67 = tpu.memref_slice %arg7[%dma_start3A_62, %dma_start3A_66] : memref<4x96xi32, #tpu.memory_space<vmem>> -> memref<1x96xi32, #tpu.memory_space<vmem>>
    %dma_start3A_68 = tpu.memref_squeeze %dma_start3A_67 : memref<1x96xi32, #tpu.memory_space<vmem>> -> memref<96xi32, #tpu.memory_space<vmem>>
    %dma_start3A_69 = arith.constant 0 : i32
    %dma_start3A_70 = arith.constant 0 : i32
    %dma_start3A_71 = tpu.memref_slice %arg2[%dma_start3A_69, %dma_start3A_70] : memref<1000000x128xf32, #tpu.memory_space<hbm>> -> memref<1000000x128xf32, #tpu.memory_space<hbm>>
    tpu.enqueue_indirect_dma source(%dma_start3A_71 : memref<1000000x128xf32, #tpu.memory_space<hbm>>) target(%dma_start3A_65 : memref<96x128xf32, #tpu.memory_space<vmem>>) offsets(%dma_start3A_68 : memref<96xi32, #tpu.memory_space<vmem>>) semaphore(%arg11 : memref<!tpu.dma_semaphore, #tpu.memory_space<semaphore_mem>>)
    %dma_start3A_72 = arith.constant 2 : i32
    %dma_start3A_73 = arith.constant 210 : i32
    %dma_start3A_74 = arith.constant 0 : i32
    %dma_start3A_75 = tpu.memref_slice %arg9[%dma_start3A_73, %dma_start3A_74] : memref<400x128xf32, #tpu.memory_space<vmem>> -> memref<96x128xf32, #tpu.memory_space<vmem>>
    %dma_start3A_76 = arith.constant 0 : i32
    %dma_start3A_77 = tpu.memref_slice %arg7[%dma_start3A_72, %dma_start3A_76] : memref<4x96xi32, #tpu.memory_space<vmem>> -> memref<1x96xi32, #tpu.memory_space<vmem>>
    %dma_start3A_78 = tpu.memref_squeeze %dma_start3A_77 : memref<1x96xi32, #tpu.memory_space<vmem>> -> memref<96xi32, #tpu.memory_space<vmem>>
    %dma_start3A_79 = arith.constant 0 : i32
    %dma_start3A_80 = arith.constant 0 : i32
    %dma_start3A_81 = tpu.memref_slice %arg2[%dma_start3A_79, %dma_start3A_80] : memref<1000000x128xf32, #tpu.memory_space<hbm>> -> memref<1000000x128xf32, #tpu.memory_space<hbm>>
    tpu.enqueue_indirect_dma source(%dma_start3A_81 : memref<1000000x128xf32, #tpu.memory_space<hbm>>) target(%dma_start3A_75 : memref<96x128xf32, #tpu.memory_space<vmem>>) offsets(%dma_start3A_78 : memref<96xi32, #tpu.memory_space<vmem>>) semaphore(%arg11 : memref<!tpu.dma_semaphore, #tpu.memory_space<semaphore_mem>>)
    %dma_start3A_82 = arith.constant 3 : i32
    %dma_start3A_83 = arith.constant 304 : i32
    %dma_start3A_84 = arith.constant 0 : i32
    %dma_start3A_85 = tpu.memref_slice %arg9[%dma_start3A_83, %dma_start3A_84] : memref<400x128xf32, #tpu.memory_space<vmem>> -> memref<96x128xf32, #tpu.memory_space<vmem>>
    %dma_start3A_86 = arith.constant 0 : i32
    %dma_start3A_87 = tpu.memref_slice %arg7[%dma_start3A_82, %dma_start3A_86] : memref<4x96xi32, #tpu.memory_space<vmem>> -> memref<1x96xi32, #tpu.memory_space<vmem>>
    %dma_start3A_88 = tpu.memref_squeeze %dma_start3A_87 : memref<1x96xi32, #tpu.memory_space<vmem>> -> memref<96xi32, #tpu.memory_space<vmem>>
    %dma_start3A_89 = arith.constant 0 : i32
    %dma_start3A_90 = arith.constant 0 : i32
    %dma_start3A_91 = tpu.memref_slice %arg2[%dma_start3A_89, %dma_start3A_90] : memref<1000000x128xf32, #tpu.memory_space<hbm>> -> memref<1000000x128xf32, #tpu.memory_space<hbm>>
    tpu.enqueue_indirect_dma source(%dma_start3A_91 : memref<1000000x128xf32, #tpu.memory_space<hbm>>) target(%dma_start3A_85 : memref<96x128xf32, #tpu.memory_space<vmem>>) offsets(%dma_start3A_88 : memref<96xi32, #tpu.memory_space<vmem>>) semaphore(%arg11 : memref<!tpu.dma_semaphore, #tpu.memory_space<semaphore_mem>>)
    %dma_wait3A = arith.constant 0 : i32
    %dma_wait3A_92 = arith.constant 10 : i32
    %dma_wait3A_93 = arith.constant 0 : i32
    %dma_wait3A_94 = tpu.memref_slice %arg8[%dma_wait3A_92, %dma_wait3A_93] : memref<400x128xf32, #tpu.memory_space<vmem>> -> memref<96x128xf32, #tpu.memory_space<vmem>>
    %dma_wait3A_95 = arith.constant 0 : i32
    %dma_wait3A_96 = tpu.memref_slice %arg6[%dma_wait3A, %dma_wait3A_95] : memref<4x96xi32, #tpu.memory_space<vmem>> -> memref<1x96xi32, #tpu.memory_space<vmem>>
    %dma_wait3A_97 = tpu.memref_squeeze %dma_wait3A_96 : memref<1x96xi32, #tpu.memory_space<vmem>> -> memref<96xi32, #tpu.memory_space<vmem>>
    %dma_wait3A_98 = arith.constant 0 : i32
    %dma_wait3A_99 = arith.constant 0 : i32
    %dma_wait3A_100 = tpu.memref_slice %arg2[%dma_wait3A_98, %dma_wait3A_99] : memref<1000000x128xf32, #tpu.memory_space<hbm>> -> memref<1000000x128xf32, #tpu.memory_space<hbm>>
    tpu.wait_indirect_dma semaphore(%arg10 : memref<!tpu.dma_semaphore, #tpu.memory_space<semaphore_mem>>) src(%dma_wait3A_100 : memref<1000000x128xf32, #tpu.memory_space<hbm>>) dst(%dma_wait3A_94 : memref<96x128xf32, #tpu.memory_space<vmem>>)
    %dma_wait3A_101 = arith.constant 1 : i32
    %dma_wait3A_102 = arith.constant 104 : i32
    %dma_wait3A_103 = arith.constant 0 : i32
    %dma_wait3A_104 = tpu.memref_slice %arg8[%dma_wait3A_102, %dma_wait3A_103] : memref<400x128xf32, #tpu.memory_space<vmem>> -> memref<96x128xf32, #tpu.memory_space<vmem>>
    %dma_wait3A_105 = arith.constant 0 : i32
    %dma_wait3A_106 = tpu.memref_slice %arg6[%dma_wait3A_101, %dma_wait3A_105] : memref<4x96xi32, #tpu.memory_space<vmem>> -> memref<1x96xi32, #tpu.memory_space<vmem>>
    %dma_wait3A_107 = tpu.memref_squeeze %dma_wait3A_106 : memref<1x96xi32, #tpu.memory_space<vmem>> -> memref<96xi32, #tpu.memory_space<vmem>>
    %dma_wait3A_108 = arith.constant 0 : i32
    %dma_wait3A_109 = arith.constant 0 : i32
    %dma_wait3A_110 = tpu.memref_slice %arg2[%dma_wait3A_108, %dma_wait3A_109] : memref<1000000x128xf32, #tpu.memory_space<hbm>> -> memref<1000000x128xf32, #tpu.memory_space<hbm>>
    tpu.wait_indirect_dma semaphore(%arg10 : memref<!tpu.dma_semaphore, #tpu.memory_space<semaphore_mem>>) src(%dma_wait3A_110 : memref<1000000x128xf32, #tpu.memory_space<hbm>>) dst(%dma_wait3A_104 : memref<96x128xf32, #tpu.memory_space<vmem>>)
    %dma_wait3A_111 = arith.constant 2 : i32
    %dma_wait3A_112 = arith.constant 210 : i32
    %dma_wait3A_113 = arith.constant 0 : i32
    %dma_wait3A_114 = tpu.memref_slice %arg8[%dma_wait3A_112, %dma_wait3A_113] : memref<400x128xf32, #tpu.memory_space<vmem>> -> memref<96x128xf32, #tpu.memory_space<vmem>>
    %dma_wait3A_115 = arith.constant 0 : i32
    %dma_wait3A_116 = tpu.memref_slice %arg6[%dma_wait3A_111, %dma_wait3A_115] : memref<4x96xi32, #tpu.memory_space<vmem>> -> memref<1x96xi32, #tpu.memory_space<vmem>>
    %dma_wait3A_117 = tpu.memref_squeeze %dma_wait3A_116 : memref<1x96xi32, #tpu.memory_space<vmem>> -> memref<96xi32, #tpu.memory_space<vmem>>
    %dma_wait3A_118 = arith.constant 0 : i32
    %dma_wait3A_119 = arith.constant 0 : i32
    %dma_wait3A_120 = tpu.memref_slice %arg2[%dma_wait3A_118, %dma_wait3A_119] : memref<1000000x128xf32, #tpu.memory_space<hbm>> -> memref<1000000x128xf32, #tpu.memory_space<hbm>>
    tpu.wait_indirect_dma semaphore(%arg10 : memref<!tpu.dma_semaphore, #tpu.memory_space<semaphore_mem>>) src(%dma_wait3A_120 : memref<1000000x128xf32, #tpu.memory_space<hbm>>) dst(%dma_wait3A_114 : memref<96x128xf32, #tpu.memory_space<vmem>>)
    %dma_wait3A_121 = arith.constant 3 : i32
    %dma_wait3A_122 = arith.constant 304 : i32
    %dma_wait3A_123 = arith.constant 0 : i32
    %dma_wait3A_124 = tpu.memref_slice %arg8[%dma_wait3A_122, %dma_wait3A_123] : memref<400x128xf32, #tpu.memory_space<vmem>> -> memref<96x128xf32, #tpu.memory_space<vmem>>
    %dma_wait3A_125 = arith.constant 0 : i32
    %dma_wait3A_126 = tpu.memref_slice %arg6[%dma_wait3A_121, %dma_wait3A_125] : memref<4x96xi32, #tpu.memory_space<vmem>> -> memref<1x96xi32, #tpu.memory_space<vmem>>
    %dma_wait3A_127 = tpu.memref_squeeze %dma_wait3A_126 : memref<1x96xi32, #tpu.memory_space<vmem>> -> memref<96xi32, #tpu.memory_space<vmem>>
    %dma_wait3A_128 = arith.constant 0 : i32
    %dma_wait3A_129 = arith.constant 0 : i32
    %dma_wait3A_130 = tpu.memref_slice %arg2[%dma_wait3A_128, %dma_wait3A_129] : memref<1000000x128xf32, #tpu.memory_space<hbm>> -> memref<1000000x128xf32, #tpu.memory_space<hbm>>
    tpu.wait_indirect_dma semaphore(%arg10 : memref<!tpu.dma_semaphore, #tpu.memory_space<semaphore_mem>>) src(%dma_wait3A_130 : memref<1000000x128xf32, #tpu.memory_space<hbm>>) dst(%dma_wait3A_124 : memref<96x128xf32, #tpu.memory_space<vmem>>)
    %mul3A_131 = arith.constant 32 : i32
    %mul3A_132 = arith.muli %add3A, %mul3A_131 : i32
    %add3A_133 = arith.constant 0 : i32
    %add3A_134 = arith.addi %mul3A_132, %add3A_133 : i32
    %add3A_135 = arith.constant 0 : i32
    %add3A_136 = arith.addi %add3A_134, %add3A_135 : i32
    "tpu.region"() ({
      %run_scoped3A = tpu.sem_alloc : memref<!tpu.dma_semaphore, #tpu.memory_space<semaphore_mem>>
      %dma_start3A_1503 = arith.constant 0 : i32
      %dma_start3A_1504 = arith.constant 0 : i32
      %dma_start3A_1505 = tpu.memref_slice %arg8[%dma_start3A_1503, %dma_start3A_1504] : memref<400x128xf32, #tpu.memory_space<vmem>> -> memref<200x64xf32, #tpu.memory_space<vmem>>
      %dma_start3A_1506 = arith.constant 0 : i32
      %dma_start3A_1507 = arith.constant 0 : i32
      %dma_start3A_1508 = tpu.memref_slice %arg5[%add3A_136, %dma_start3A_1506, %dma_start3A_1507] : memref<1024x200x64xf32, #tpu.memory_space<hbm>> -> memref<1x200x64xf32, #tpu.memory_space<hbm>>
      %dma_start3A_1509 = tpu.memref_squeeze %dma_start3A_1508 : memref<1x200x64xf32, #tpu.memory_space<hbm>> -> memref<200x64xf32, #tpu.memory_space<hbm>>
      %dma_start3A_1510 = arith.constant 0 : i32
      %dma_start3A_1511 = arith.constant 0 : i32
      %dma_start3A_1512 = tpu.memref_slice %arg5[%add3A_136, %dma_start3A_1510, %dma_start3A_1511] : memref<1024x200x64xf32, #tpu.memory_space<hbm>> -> memref<1x200x64xf32, #tpu.memory_space<hbm>>
      %dma_start3A_1513 = tpu.memref_squeeze %dma_start3A_1512 : memref<1x200x64xf32, #tpu.memory_space<hbm>> -> memref<200x64xf32, #tpu.memory_space<hbm>>
      %dma_start3A_1514 = arith.constant 0 : i32
      %dma_start3A_1515 = arith.constant 0 : i32
      %dma_start3A_1516 = tpu.memref_slice %arg8[%dma_start3A_1514, %dma_start3A_1515] : memref<400x128xf32, #tpu.memory_space<vmem>> -> memref<200x64xf32, #tpu.memory_space<vmem>>
      tpu.enqueue_dma source(%dma_start3A_1516 : memref<200x64xf32, #tpu.memory_space<vmem>>) target(%dma_start3A_1513 : memref<200x64xf32, #tpu.memory_space<hbm>>) target_semaphore(%run_scoped3A : memref<!tpu.dma_semaphore, #tpu.memory_space<semaphore_mem>>)
      %dma_wait3A_1517 = arith.constant 0 : i32
      %dma_wait3A_1518 = arith.constant 0 : i32
      %dma_wait3A_1519 = tpu.memref_slice %arg8[%dma_wait3A_1517, %dma_wait3A_1518] : memref<400x128xf32, #tpu.memory_space<vmem>> -> memref<200x64xf32, #tpu.memory_space<vmem>>
      %dma_wait3A_1520 = arith.constant 0 : i32
      %dma_wait3A_1521 = arith.constant 0 : i32
      %dma_wait3A_1522 = tpu.memref_slice %arg5[%add3A_136, %dma_wait3A_1520, %dma_wait3A_1521] : memref<1024x200x64xf32, #tpu.memory_space<hbm>> -> memref<1x200x64xf32, #tpu.memory_space<hbm>>
      %dma_wait3A_1523 = tpu.memref_squeeze %dma_wait3A_1522 : memref<1x200x64xf32, #tpu.memory_space<hbm>> -> memref<200x64xf32, #tpu.memory_space<hbm>>
      %dma_wait3A_1524 = arith.constant 0 : i32
      %dma_wait3A_1525 = arith.constant 0 : i32
      %dma_wait3A_1526 = tpu.memref_slice %arg5[%add3A_136, %dma_wait3A_1524, %dma_wait3A_1525] : memref<1024x200x64xf32, #tpu.memory_space<hbm>> -> memref<1x200x64xf32, #tpu.memory_space<hbm>>
      %dma_wait3A_1527 = tpu.memref_squeeze %dma_wait3A_1526 : memref<1x200x64xf32, #tpu.memory_space<hbm>> -> memref<200x64xf32, #tpu.memory_space<hbm>>
      %dma_wait3A_1528 = arith.constant 0 : i32
      %dma_wait3A_1529 = arith.constant 0 : i32
      %dma_wait3A_1530 = tpu.memref_slice %arg8[%dma_wait3A_1528, %dma_wait3A_1529] : memref<400x128xf32, #tpu.memory_space<vmem>> -> memref<200x64xf32, #tpu.memory_space<vmem>>
      tpu.wait_dma2 semaphore(%run_scoped3A : memref<!tpu.dma_semaphore, #tpu.memory_space<semaphore_mem>>) src(%dma_wait3A_1530 : memref<200x64xf32, #tpu.memory_space<vmem>>) dst(%dma_wait3A_1527 : memref<200x64xf32, #tpu.memory_space<hbm>>)
      tpu.yield
    }) : () -> ()
    %add3A_137 = arith.constant 1 : i32
    %add3A_138 = arith.addi %add3A_134, %add3A_137 : i32
    "tpu.region"() ({
      %run_scoped3A = tpu.sem_alloc : memref<!tpu.dma_semaphore, #tpu.memory_space<semaphore_mem>>
      %dma_start3A_1503 = arith.constant 200 : i32
      %dma_start3A_1504 = arith.constant 0 : i32
      %dma_start3A_1505 = tpu.memref_slice %arg8[%dma_start3A_1503, %dma_start3A_1504] : memref<400x128xf32, #tpu.memory_space<vmem>> -> memref<200x64xf32, #tpu.memory_space<vmem>>
      %dma_start3A_1506 = arith.constant 0 : i32
      %dma_start3A_1507 = arith.constant 0 : i32
      %dma_start3A_1508 = tpu.memref_slice %arg5[%add3A_138, %dma_start3A_1506, %dma_start3A_1507] : memref<1024x200x64xf32, #tpu.memory_space<hbm>> -> memref<1x200x64xf32, #tpu.memory_space<hbm>>
      %dma_start3A_1509 = tpu.memref_squeeze %dma_start3A_1508 : memref<1x200x64xf32, #tpu.memory_space<hbm>> -> memref<200x64xf32, #tpu.memory_space<hbm>>
      %dma_start3A_1510 = arith.constant 0 : i32
      %dma_start3A_1511 = arith.constant 0 : i32
      %dma_start3A_1512 = tpu.memref_slice %arg5[%add3A_138, %dma_start3A_1510, %dma_start3A_1511] : memref<1024x200x64xf32, #tpu.memory_space<hbm>> -> memref<1x200x64xf32, #tpu.memory_space<hbm>>
      %dma_start3A_1513 = tpu.memref_squeeze %dma_start3A_1512 : memref<1x200x64xf32, #tpu.memory_space<hbm>> -> memref<200x64xf32, #tpu.memory_space<hbm>>
      %dma_start3A_1514 = arith.constant 200 : i32
      %dma_start3A_1515 = arith.constant 0 : i32
      %dma_start3A_1516 = tpu.memref_slice %arg8[%dma_start3A_1514, %dma_start3A_1515] : memref<400x128xf32, #tpu.memory_space<vmem>> -> memref<200x64xf32, #tpu.memory_space<vmem>>
      tpu.enqueue_dma source(%dma_start3A_1516 : memref<200x64xf32, #tpu.memory_space<vmem>>) target(%dma_start3A_1513 : memref<200x64xf32, #tpu.memory_space<hbm>>) target_semaphore(%run_scoped3A : memref<!tpu.dma_semaphore, #tpu.memory_space<semaphore_mem>>)
      %dma_wait3A_1517 = arith.constant 200 : i32
      %dma_wait3A_1518 = arith.constant 0 : i32
      %dma_wait3A_1519 = tpu.memref_slice %arg8[%dma_wait3A_1517, %dma_wait3A_1518] : memref<400x128xf32, #tpu.memory_space<vmem>> -> memref<200x64xf32, #tpu.memory_space<vmem>>
      %dma_wait3A_1520 = arith.constant 0 : i32
      %dma_wait3A_1521 = arith.constant 0 : i32
      %dma_wait3A_1522 = tpu.memref_slice %arg5[%add3A_138, %dma_wait3A_1520, %dma_wait3A_1521] : memref<1024x200x64xf32, #tpu.memory_space<hbm>> -> memref<1x200x64xf32, #tpu.memory_space<hbm>>
      %dma_wait3A_1523 = tpu.memref_squeeze %dma_wait3A_1522 : memref<1x200x64xf32, #tpu.memory_space<hbm>> -> memref<200x64xf32, #tpu.memory_space<hbm>>
      %dma_wait3A_1524 = arith.constant 0 : i32
      %dma_wait3A_1525 = arith.constant 0 : i32
      %dma_wait3A_1526 = tpu.memref_slice %arg5[%add3A_138, %dma_wait3A_1524, %dma_wait3A_1525] : memref<1024x200x64xf32, #tpu.memory_space<hbm>> -> memref<1x200x64xf32, #tpu.memory_space<hbm>>
      %dma_wait3A_1527 = tpu.memref_squeeze %dma_wait3A_1526 : memref<1x200x64xf32, #tpu.memory_space<hbm>> -> memref<200x64xf32, #tpu.memory_space<hbm>>
      %dma_wait3A_1528 = arith.constant 200 : i32
      %dma_wait3A_1529 = arith.constant 0 : i32
      %dma_wait3A_1530 = tpu.memref_slice %arg8[%dma_wait3A_1528, %dma_wait3A_1529] : memref<400x128xf32, #tpu.memory_space<vmem>> -> memref<200x64xf32, #tpu.memory_space<vmem>>
      tpu.wait_dma2 semaphore(%run_scoped3A : memref<!tpu.dma_semaphore, #tpu.memory_space<semaphore_mem>>) src(%dma_wait3A_1530 : memref<200x64xf32, #tpu.memory_space<vmem>>) dst(%dma_wait3A_1527 : memref<200x64xf32, #tpu.memory_space<hbm>>)
      tpu.yield
    }) : () -> ()
    %mul3A_139 = arith.constant 32 : i32
    %mul3A_140 = arith.muli %add3A, %mul3A_139 : i32
    %add3A_141 = arith.constant 4 : i32
    %add3A_142 = arith.addi %mul3A_140, %add3A_141 : i32
    %mul3A_143 = arith.constant 2 : i32
    %mul3A_144 = arith.muli %add3A_142, %mul3A_143 : i32
    "tpu.region"() ({
      %run_scoped3A = tpu.sem_alloc : memref<!tpu.dma_semaphore, #tpu.memory_space<semaphore_mem>>
      %dma_start3A_1503 = arith.constant 0 : i32
      %dma_start3A_1504 = tpu.memref_slice %arg3[%mul3A_144, %dma_start3A_1503] : memref<2048x128xi32, #tpu.memory_space<hbm>> -> memref<4x96xi32, #tpu.memory_space<hbm>>
      %dma_start3A_1505 = arith.constant 0 : i32
      %dma_start3A_1506 = tpu.memref_slice %arg3[%mul3A_144, %dma_start3A_1505] : memref<2048x128xi32, #tpu.memory_space<hbm>> -> memref<4x96xi32, #tpu.memory_space<hbm>>
      tpu.enqueue_dma source(%dma_start3A_1506 : memref<4x96xi32, #tpu.memory_space<hbm>>) target(%arg6 : memref<4x96xi32, #tpu.memory_space<vmem>>) target_semaphore(%run_scoped3A : memref<!tpu.dma_semaphore, #tpu.memory_space<semaphore_mem>>)
      %dma_wait3A_1507 = arith.constant 0 : i32
      %dma_wait3A_1508 = tpu.memref_slice %arg3[%mul3A_144, %dma_wait3A_1507] : memref<2048x128xi32, #tpu.memory_space<hbm>> -> memref<4x96xi32, #tpu.memory_space<hbm>>
      %dma_wait3A_1509 = arith.constant 0 : i32
      %dma_wait3A_1510 = tpu.memref_slice %arg3[%mul3A_144, %dma_wait3A_1509] : memref<2048x128xi32, #tpu.memory_space<hbm>> -> memref<4x96xi32, #tpu.memory_space<hbm>>
      tpu.wait_dma2 semaphore(%run_scoped3A : memref<!tpu.dma_semaphore, #tpu.memory_space<semaphore_mem>>) src(%dma_wait3A_1510 : memref<4x96xi32, #tpu.memory_space<hbm>>) dst(%arg6 : memref<4x96xi32, #tpu.memory_space<vmem>>)
      tpu.yield
    }) : () -> ()
    %dma_start3A_145 = arith.constant 0 : i32
    %dma_start3A_146 = arith.constant 10 : i32
    %dma_start3A_147 = arith.constant 0 : i32
    %dma_start3A_148 = tpu.memref_slice %arg8[%dma_start3A_146, %dma_start3A_147] : memref<400x128xf32, #tpu.memory_space<vmem>> -> memref<96x128xf32, #tpu.memory_space<vmem>>
    %dma_start3A_149 = arith.constant 0 : i32
    %dma_start3A_150 = tpu.memref_slice %arg6[%dma_start3A_145, %dma_start3A_149] : memref<4x96xi32, #tpu.memory_space<vmem>> -> memref<1x96xi32, #tpu.memory_space<vmem>>
    %dma_start3A_151 = tpu.memref_squeeze %dma_start3A_150 : memref<1x96xi32, #tpu.memory_space<vmem>> -> memref<96xi32, #tpu.memory_space<vmem>>
    %dma_start3A_152 = arith.constant 0 : i32
    %dma_start3A_153 = arith.constant 0 : i32
    %dma_start3A_154 = tpu.memref_slice %arg2[%dma_start3A_152, %dma_start3A_153] : memref<1000000x128xf32, #tpu.memory_space<hbm>> -> memref<1000000x128xf32, #tpu.memory_space<hbm>>
    tpu.enqueue_indirect_dma source(%dma_start3A_154 : memref<1000000x128xf32, #tpu.memory_space<hbm>>) target(%dma_start3A_148 : memref<96x128xf32, #tpu.memory_space<vmem>>) offsets(%dma_start3A_151 : memref<96xi32, #tpu.memory_space<vmem>>) semaphore(%arg10 : memref<!tpu.dma_semaphore, #tpu.memory_space<semaphore_mem>>)
    %dma_start3A_155 = arith.constant 1 : i32
    %dma_start3A_156 = arith.constant 104 : i32
    %dma_start3A_157 = arith.constant 0 : i32
    %dma_start3A_158 = tpu.memref_slice %arg8[%dma_start3A_156, %dma_start3A_157] : memref<400x128xf32, #tpu.memory_space<vmem>> -> memref<96x128xf32, #tpu.memory_space<vmem>>
    %dma_start3A_159 = arith.constant 0 : i32
    %dma_start3A_160 = tpu.memref_slice %arg6[%dma_start3A_155, %dma_start3A_159] : memref<4x96xi32, #tpu.memory_space<vmem>> -> memref<1x96xi32, #tpu.memory_space<vmem>>
    %dma_start3A_161 = tpu.memref_squeeze %dma_start3A_160 : memref<1x96xi32, #tpu.memory_space<vmem>> -> memref<96xi32, #tpu.memory_space<vmem>>
    %dma_start3A_162 = arith.constant 0 : i32
    %dma_start3A_163 = arith.constant 0 : i32
    %dma_start3A_164 = tpu.memref_slice %arg2[%dma_start3A_162, %dma_start3A_163] : memref<1000000x128xf32, #tpu.memory_space<hbm>> -> memref<1000000x128xf32, #tpu.memory_space<hbm>>
    tpu.enqueue_indirect_dma source(%dma_start3A_164 : memref<1000000x128xf32, #tpu.memory_space<hbm>>) target(%dma_start3A_158 : memref<96x128xf32, #tpu.memory_space<vmem>>) offsets(%dma_start3A_161 : memref<96xi32, #tpu.memory_space<vmem>>) semaphore(%arg10 : memref<!tpu.dma_semaphore, #tpu.memory_space<semaphore_mem>>)
    %dma_start3A_165 = arith.constant 2 : i32
    %dma_start3A_166 = arith.constant 210 : i32
    %dma_start3A_167 = arith.constant 0 : i32
    %dma_start3A_168 = tpu.memref_slice %arg8[%dma_start3A_166, %dma_start3A_167] : memref<400x128xf32, #tpu.memory_space<vmem>> -> memref<96x128xf32, #tpu.memory_space<vmem>>
    %dma_start3A_169 = arith.constant 0 : i32
    %dma_start3A_170 = tpu.memref_slice %arg6[%dma_start3A_165, %dma_start3A_169] : memref<4x96xi32, #tpu.memory_space<vmem>> -> memref<1x96xi32, #tpu.memory_space<vmem>>
    %dma_start3A_171 = tpu.memref_squeeze %dma_start3A_170 : memref<1x96xi32, #tpu.memory_space<vmem>> -> memref<96xi32, #tpu.memory_space<vmem>>
    %dma_start3A_172 = arith.constant 0 : i32
    %dma_start3A_173 = arith.constant 0 : i32
    %dma_start3A_174 = tpu.memref_slice %arg2[%dma_start3A_172, %dma_start3A_173] : memref<1000000x128xf32, #tpu.memory_space<hbm>> -> memref<1000000x128xf32, #tpu.memory_space<hbm>>
    tpu.enqueue_indirect_dma source(%dma_start3A_174 : memref<1000000x128xf32, #tpu.memory_space<hbm>>) target(%dma_start3A_168 : memref<96x128xf32, #tpu.memory_space<vmem>>) offsets(%dma_start3A_171 : memref<96xi32, #tpu.memory_space<vmem>>) semaphore(%arg10 : memref<!tpu.dma_semaphore, #tpu.memory_space<semaphore_mem>>)
    %dma_start3A_175 = arith.constant 3 : i32
    %dma_start3A_176 = arith.constant 304 : i32
    %dma_start3A_177 = arith.constant 0 : i32
    %dma_start3A_178 = tpu.memref_slice %arg8[%dma_start3A_176, %dma_start3A_177] : memref<400x128xf32, #tpu.memory_space<vmem>> -> memref<96x128xf32, #tpu.memory_space<vmem>>
    %dma_start3A_179 = arith.constant 0 : i32
    %dma_start3A_180 = tpu.memref_slice %arg6[%dma_start3A_175, %dma_start3A_179] : memref<4x96xi32, #tpu.memory_space<vmem>> -> memref<1x96xi32, #tpu.memory_space<vmem>>
    %dma_start3A_181 = tpu.memref_squeeze %dma_start3A_180 : memref<1x96xi32, #tpu.memory_space<vmem>> -> memref<96xi32, #tpu.memory_space<vmem>>
    %dma_start3A_182 = arith.constant 0 : i32
    %dma_start3A_183 = arith.constant 0 : i32
    %dma_start3A_184 = tpu.memref_slice %arg2[%dma_start3A_182, %dma_start3A_183] : memref<1000000x128xf32, #tpu.memory_space<hbm>> -> memref<1000000x128xf32, #tpu.memory_space<hbm>>
    tpu.enqueue_indirect_dma source(%dma_start3A_184 : memref<1000000x128xf32, #tpu.memory_space<hbm>>) target(%dma_start3A_178 : memref<96x128xf32, #tpu.memory_space<vmem>>) offsets(%dma_start3A_181 : memref<96xi32, #tpu.memory_space<vmem>>) semaphore(%arg10 : memref<!tpu.dma_semaphore, #tpu.memory_space<semaphore_mem>>)
    %dma_wait3A_185 = arith.constant 0 : i32
    %dma_wait3A_186 = arith.constant 10 : i32
    %dma_wait3A_187 = arith.constant 0 : i32
    %dma_wait3A_188 = tpu.memref_slice %arg9[%dma_wait3A_186, %dma_wait3A_187] : memref<400x128xf32, #tpu.memory_space<vmem>> -> memref<96x128xf32, #tpu.memory_space<vmem>>
    %dma_wait3A_189 = arith.constant 0 : i32
    %dma_wait3A_190 = tpu.memref_slice %arg7[%dma_wait3A_185, %dma_wait3A_189] : memref<4x96xi32, #tpu.memory_space<vmem>> -> memref<1x96xi32, #tpu.memory_space<vmem>>
    %dma_wait3A_191 = tpu.memref_squeeze %dma_wait3A_190 : memref<1x96xi32, #tpu.memory_space<vmem>> -> memref<96xi32, #tpu.memory_space<vmem>>
    %dma_wait3A_192 = arith.constant 0 : i32
    %dma_wait3A_193 = arith.constant 0 : i32
    %dma_wait3A_194 = tpu.memref_slice %arg2[%dma_wait3A_192, %dma_wait3A_193] : memref<1000000x128xf32, #tpu.memory_space<hbm>> -> memref<1000000x128xf32, #tpu.memory_space<hbm>>
    tpu.wait_indirect_dma semaphore(%arg11 : memref<!tpu.dma_semaphore, #tpu.memory_space<semaphore_mem>>) src(%dma_wait3A_194 : memref<1000000x128xf32, #tpu.memory_space<hbm>>) dst(%dma_wait3A_188 : memref<96x128xf32, #tpu.memory_space<vmem>>)
    %dma_wait3A_195 = arith.constant 1 : i32
    %dma_wait3A_196 = arith.constant 104 : i32
    %dma_wait3A_197 = arith.constant 0 : i32
    %dma_wait3A_198 = tpu.memref_slice %arg9[%dma_wait3A_196, %dma_wait3A_197] : memref<400x128xf32, #tpu.memory_space<vmem>> -> memref<96x128xf32, #tpu.memory_space<vmem>>
    %dma_wait3A_199 = arith.constant 0 : i32
    %dma_wait3A_200 = tpu.memref_slice %arg7[%dma_wait3A_195, %dma_wait3A_199] : memref<4x96xi32, #tpu.memory_space<vmem>> -> memref<1x96xi32, #tpu.memory_space<vmem>>
    %dma_wait3A_201 = tpu.memref_squeeze %dma_wait3A_200 : memref<1x96xi32, #tpu.memory_space<vmem>> -> memref<96xi32, #tpu.memory_space<vmem>>
    %dma_wait3A_202 = arith.constant 0 : i32
    %dma_wait3A_203 = arith.constant 0 : i32
    %dma_wait3A_204 = tpu.memref_slice %arg2[%dma_wait3A_202, %dma_wait3A_203] : memref<1000000x128xf32, #tpu.memory_space<hbm>> -> memref<1000000x128xf32, #tpu.memory_space<hbm>>
    tpu.wait_indirect_dma semaphore(%arg11 : memref<!tpu.dma_semaphore, #tpu.memory_space<semaphore_mem>>) src(%dma_wait3A_204 : memref<1000000x128xf32, #tpu.memory_space<hbm>>) dst(%dma_wait3A_198 : memref<96x128xf32, #tpu.memory_space<vmem>>)
    %dma_wait3A_205 = arith.constant 2 : i32
    %dma_wait3A_206 = arith.constant 210 : i32
    %dma_wait3A_207 = arith.constant 0 : i32
    %dma_wait3A_208 = tpu.memref_slice %arg9[%dma_wait3A_206, %dma_wait3A_207] : memref<400x128xf32, #tpu.memory_space<vmem>> -> memref<96x128xf32, #tpu.memory_space<vmem>>
    %dma_wait3A_209 = arith.constant 0 : i32
    %dma_wait3A_210 = tpu.memref_slice %arg7[%dma_wait3A_205, %dma_wait3A_209] : memref<4x96xi32, #tpu.memory_space<vmem>> -> memref<1x96xi32, #tpu.memory_space<vmem>>
    %dma_wait3A_211 = tpu.memref_squeeze %dma_wait3A_210 : memref<1x96xi32, #tpu.memory_space<vmem>> -> memref<96xi32, #tpu.memory_space<vmem>>
    %dma_wait3A_212 = arith.constant 0 : i32
    %dma_wait3A_213 = arith.constant 0 : i32
    %dma_wait3A_214 = tpu.memref_slice %arg2[%dma_wait3A_212, %dma_wait3A_213] : memref<1000000x128xf32, #tpu.memory_space<hbm>> -> memref<1000000x128xf32, #tpu.memory_space<hbm>>
    tpu.wait_indirect_dma semaphore(%arg11 : memref<!tpu.dma_semaphore, #tpu.memory_space<semaphore_mem>>) src(%dma_wait3A_214 : memref<1000000x128xf32, #tpu.memory_space<hbm>>) dst(%dma_wait3A_208 : memref<96x128xf32, #tpu.memory_space<vmem>>)
    %dma_wait3A_215 = arith.constant 3 : i32
    %dma_wait3A_216 = arith.constant 304 : i32
    %dma_wait3A_217 = arith.constant 0 : i32
    %dma_wait3A_218 = tpu.memref_slice %arg9[%dma_wait3A_216, %dma_wait3A_217] : memref<400x128xf32, #tpu.memory_space<vmem>> -> memref<96x128xf32, #tpu.memory_space<vmem>>
    %dma_wait3A_219 = arith.constant 0 : i32
    %dma_wait3A_220 = tpu.memref_slice %arg7[%dma_wait3A_215, %dma_wait3A_219] : memref<4x96xi32, #tpu.memory_space<vmem>> -> memref<1x96xi32, #tpu.memory_space<vmem>>
    %dma_wait3A_221 = tpu.memref_squeeze %dma_wait3A_220 : memref<1x96xi32, #tpu.memory_space<vmem>> -> memref<96xi32, #tpu.memory_space<vmem>>
    %dma_wait3A_222 = arith.constant 0 : i32
    %dma_wait3A_223 = arith.constant 0 : i32
    %dma_wait3A_224 = tpu.memref_slice %arg2[%dma_wait3A_222, %dma_wait3A_223] : memref<1000000x128xf32, #tpu.memory_space<hbm>> -> memref<1000000x128xf32, #tpu.memory_space<hbm>>
    tpu.wait_indirect_dma semaphore(%arg11 : memref<!tpu.dma_semaphore, #tpu.memory_space<semaphore_mem>>) src(%dma_wait3A_224 : memref<1000000x128xf32, #tpu.memory_space<hbm>>) dst(%dma_wait3A_218 : memref<96x128xf32, #tpu.memory_space<vmem>>)
    %mul3A_225 = arith.constant 32 : i32
    %mul3A_226 = arith.muli %add3A, %mul3A_225 : i32
    %add3A_227 = arith.constant 2 : i32
    %add3A_228 = arith.addi %mul3A_226, %add3A_227 : i32
    %add3A_229 = arith.constant 0 : i32
    %add3A_230 = arith.addi %add3A_228, %add3A_229 : i32
    "tpu.region"() ({
      %run_scoped3A = tpu.sem_alloc : memref<!tpu.dma_semaphore, #tpu.memory_space<semaphore_mem>>
      %dma_start3A_1503 = arith.constant 0 : i32
      %dma_start3A_1504 = arith.constant 0 : i32
      %dma_start3A_1505 = tpu.memref_slice %arg9[%dma_start3A_1503, %dma_start3A_1504] : memref<400x128xf32, #tpu.memory_space<vmem>> -> memref<200x64xf32, #tpu.memory_space<vmem>>
      %dma_start3A_1506 = arith.constant 0 : i32
      %dma_start3A_1507 = arith.constant 0 : i32
      %dma_start3A_1508 = tpu.memref_slice %arg5[%add3A_230, %dma_start3A_1506, %dma_start3A_1507] : memref<1024x200x64xf32, #tpu.memory_space<hbm>> -> memref<1x200x64xf32, #tpu.memory_space<hbm>>
      %dma_start3A_1509 = tpu.memref_squeeze %dma_start3A_1508 : memref<1x200x64xf32, #tpu.memory_space<hbm>> -> memref<200x64xf32, #tpu.memory_space<hbm>>
      %dma_start3A_1510 = arith.constant 0 : i32
      %dma_start3A_1511 = arith.constant 0 : i32
      %dma_start3A_1512 = tpu.memref_slice %arg5[%add3A_230, %dma_start3A_1510, %dma_start3A_1511] : memref<1024x200x64xf32, #tpu.memory_space<hbm>> -> memref<1x200x64xf32, #tpu.memory_space<hbm>>
      %dma_start3A_1513 = tpu.memref_squeeze %dma_start3A_1512 : memref<1x200x64xf32, #tpu.memory_space<hbm>> -> memref<200x64xf32, #tpu.memory_space<hbm>>
      %dma_start3A_1514 = arith.constant 0 : i32
      %dma_start3A_1515 = arith.constant 0 : i32
      %dma_start3A_1516 = tpu.memref_slice %arg9[%dma_start3A_1514, %dma_start3A_1515] : memref<400x128xf32, #tpu.memory_space<vmem>> -> memref<200x64xf32, #tpu.memory_space<vmem>>
      tpu.enqueue_dma source(%dma_start3A_1516 : memref<200x64xf32, #tpu.memory_space<vmem>>) target(%dma_start3A_1513 : memref<200x64xf32, #tpu.memory_space<hbm>>) target_semaphore(%run_scoped3A : memref<!tpu.dma_semaphore, #tpu.memory_space<semaphore_mem>>)
      %dma_wait3A_1517 = arith.constant 0 : i32
      %dma_wait3A_1518 = arith.constant 0 : i32
      %dma_wait3A_1519 = tpu.memref_slice %arg9[%dma_wait3A_1517, %dma_wait3A_1518] : memref<400x128xf32, #tpu.memory_space<vmem>> -> memref<200x64xf32, #tpu.memory_space<vmem>>
      %dma_wait3A_1520 = arith.constant 0 : i32
      %dma_wait3A_1521 = arith.constant 0 : i32
      %dma_wait3A_1522 = tpu.memref_slice %arg5[%add3A_230, %dma_wait3A_1520, %dma_wait3A_1521] : memref<1024x200x64xf32, #tpu.memory_space<hbm>> -> memref<1x200x64xf32, #tpu.memory_space<hbm>>
      %dma_wait3A_1523 = tpu.memref_squeeze %dma_wait3A_1522 : memref<1x200x64xf32, #tpu.memory_space<hbm>> -> memref<200x64xf32, #tpu.memory_space<hbm>>
      %dma_wait3A_1524 = arith.constant 0 : i32
      %dma_wait3A_1525 = arith.constant 0 : i32
      %dma_wait3A_1526 = tpu.memref_slice %arg5[%add3A_230, %dma_wait3A_1524, %dma_wait3A_1525] : memref<1024x200x64xf32, #tpu.memory_space<hbm>> -> memref<1x200x64xf32, #tpu.memory_space<hbm>>
      %dma_wait3A_1527 = tpu.memref_squeeze %dma_wait3A_1526 : memref<1x200x64xf32, #tpu.memory_space<hbm>> -> memref<200x64xf32, #tpu.memory_space<hbm>>
      %dma_wait3A_1528 = arith.constant 0 : i32
      %dma_wait3A_1529 = arith.constant 0 : i32
      %dma_wait3A_1530 = tpu.memref_slice %arg9[%dma_wait3A_1528, %dma_wait3A_1529] : memref<400x128xf32, #tpu.memory_space<vmem>> -> memref<200x64xf32, #tpu.memory_space<vmem>>
      tpu.wait_dma2 semaphore(%run_scoped3A : memref<!tpu.dma_semaphore, #tpu.memory_space<semaphore_mem>>) src(%dma_wait3A_1530 : memref<200x64xf32, #tpu.memory_space<vmem>>) dst(%dma_wait3A_1527 : memref<200x64xf32, #tpu.memory_space<hbm>>)
      tpu.yield
    }) : () -> ()
    %add3A_231 = arith.constant 1 : i32
    %add3A_232 = arith.addi %add3A_228, %add3A_231 : i32
    "tpu.region"() ({
      %run_scoped3A = tpu.sem_alloc : memref<!tpu.dma_semaphore, #tpu.memory_space<semaphore_mem>>
      %dma_start3A_1503 = arith.constant 200 : i32
      %dma_start3A_1504 = arith.constant 0 : i32
      %dma_start3A_1505 = tpu.memref_slice %arg9[%dma_start3A_1503, %dma_start3A_1504] : memref<400x128xf32, #tpu.memory_space<vmem>> -> memref<200x64xf32, #tpu.memory_space<vmem>>
      %dma_start3A_1506 = arith.constant 0 : i32
      %dma_start3A_1507 = arith.constant 0 : i32
      %dma_start3A_1508 = tpu.memref_slice %arg5[%add3A_232, %dma_start3A_1506, %dma_start3A_1507] : memref<1024x200x64xf32, #tpu.memory_space<hbm>> -> memref<1x200x64xf32, #tpu.memory_space<hbm>>
      %dma_start3A_1509 = tpu.memref_squeeze %dma_start3A_1508 : memref<1x200x64xf32, #tpu.memory_space<hbm>> -> memref<200x64xf32, #tpu.memory_space<hbm>>
      %dma_start3A_1510 = arith.constant 0 : i32
      %dma_start3A_1511 = arith.constant 0 : i32
      %dma_start3A_1512 = tpu.memref_slice %arg5[%add3A_232, %dma_start3A_1510, %dma_start3A_1511] : memref<1024x200x64xf32, #tpu.memory_space<hbm>> -> memref<1x200x64xf32, #tpu.memory_space<hbm>>
      %dma_start3A_1513 = tpu.memref_squeeze %dma_start3A_1512 : memref<1x200x64xf32, #tpu.memory_space<hbm>> -> memref<200x64xf32, #tpu.memory_space<hbm>>
      %dma_start3A_1514 = arith.constant 200 : i32
      %dma_start3A_1515 = arith.constant 0 : i32
      %dma_start3A_1516 = tpu.memref_slice %arg9[%dma_start3A_1514, %dma_start3A_1515] : memref<400x128xf32, #tpu.memory_space<vmem>> -> memref<200x64xf32, #tpu.memory_space<vmem>>
      tpu.enqueue_dma source(%dma_start3A_1516 : memref<200x64xf32, #tpu.memory_space<vmem>>) target(%dma_start3A_1513 : memref<200x64xf32, #tpu.memory_space<hbm>>) target_semaphore(%run_scoped3A : memref<!tpu.dma_semaphore, #tpu.memory_space<semaphore_mem>>)
      %dma_wait3A_1517 = arith.constant 200 : i32
      %dma_wait3A_1518 = arith.constant 0 : i32
      %dma_wait3A_1519 = tpu.memref_slice %arg9[%dma_wait3A_1517, %dma_wait3A_1518] : memref<400x128xf32, #tpu.memory_space<vmem>> -> memref<200x64xf32, #tpu.memory_space<vmem>>
      %dma_wait3A_1520 = arith.constant 0 : i32
      %dma_wait3A_1521 = arith.constant 0 : i32
      %dma_wait3A_1522 = tpu.memref_slice %arg5[%add3A_232, %dma_wait3A_1520, %dma_wait3A_1521] : memref<1024x200x64xf32, #tpu.memory_space<hbm>> -> memref<1x200x64xf32, #tpu.memory_space<hbm>>
      %dma_wait3A_1523 = tpu.memref_squeeze %dma_wait3A_1522 : memref<1x200x64xf32, #tpu.memory_space<hbm>> -> memref<200x64xf32, #tpu.memory_space<hbm>>
      %dma_wait3A_1524 = arith.constant 0 : i32
      %dma_wait3A_1525 = arith.constant 0 : i32
      %dma_wait3A_1526 = tpu.memref_slice %arg5[%add3A_232, %dma_wait3A_1524, %dma_wait3A_1525] : memref<1024x200x64xf32, #tpu.memory_space<hbm>> -> memref<1x200x64xf32, #tpu.memory_space<hbm>>
      %dma_wait3A_1527 = tpu.memref_squeeze %dma_wait3A_1526 : memref<1x200x64xf32, #tpu.memory_space<hbm>> -> memref<200x64xf32, #tpu.memory_space<hbm>>
      %dma_wait3A_1528 = arith.constant 200 : i32
      %dma_wait3A_1529 = arith.constant 0 : i32
      %dma_wait3A_1530 = tpu.memref_slice %arg9[%dma_wait3A_1528, %dma_wait3A_1529] : memref<400x128xf32, #tpu.memory_space<vmem>> -> memref<200x64xf32, #tpu.memory_space<vmem>>
      tpu.wait_dma2 semaphore(%run_scoped3A : memref<!tpu.dma_semaphore, #tpu.memory_space<semaphore_mem>>) src(%dma_wait3A_1530 : memref<200x64xf32, #tpu.memory_space<vmem>>) dst(%dma_wait3A_1527 : memref<200x64xf32, #tpu.memory_space<hbm>>)
      tpu.yield
    }) : () -> ()
    %mul3A_233 = arith.constant 32 : i32
    %mul3A_234 = arith.muli %add3A, %mul3A_233 : i32
    %add3A_235 = arith.constant 6 : i32
    %add3A_236 = arith.addi %mul3A_234, %add3A_235 : i32
    %mul3A_237 = arith.constant 2 : i32
    %mul3A_238 = arith.muli %add3A_236, %mul3A_237 : i32
    "tpu.region"() ({
      %run_scoped3A = tpu.sem_alloc : memref<!tpu.dma_semaphore, #tpu.memory_space<semaphore_mem>>
      %dma_start3A_1503 = arith.constant 0 : i32
      %dma_start3A_1504 = tpu.memref_slice %arg3[%mul3A_238, %dma_start3A_1503] : memref<2048x128xi32, #tpu.memory_space<hbm>> -> memref<4x96xi32, #tpu.memory_space<hbm>>
      %dma_start3A_1505 = arith.constant 0 : i32
      %dma_start3A_1506 = tpu.memref_slice %arg3[%mul3A_238, %dma_start3A_1505] : memref<2048x128xi32, #tpu.memory_space<hbm>> -> memref<4x96xi32, #tpu.memory_space<hbm>>
      tpu.enqueue_dma source(%dma_start3A_1506 : memref<4x96xi32, #tpu.memory_space<hbm>>) target(%arg7 : memref<4x96xi32, #tpu.memory_space<vmem>>) target_semaphore(%run_scoped3A : memref<!tpu.dma_semaphore, #tpu.memory_space<semaphore_mem>>)
      %dma_wait3A_1507 = arith.constant 0 : i32
      %dma_wait3A_1508 = tpu.memref_slice %arg3[%mul3A_238, %dma_wait3A_1507] : memref<2048x128xi32, #tpu.memory_space<hbm>> -> memref<4x96xi32, #tpu.memory_space<hbm>>
      %dma_wait3A_1509 = arith.constant 0 : i32
      %dma_wait3A_1510 = tpu.memref_slice %arg3[%mul3A_238, %dma_wait3A_1509] : memref<2048x128xi32, #tpu.memory_space<hbm>> -> memref<4x96xi32, #tpu.memory_space<hbm>>
      tpu.wait_dma2 semaphore(%run_scoped3A : memref<!tpu.dma_semaphore, #tpu.memory_space<semaphore_mem>>) src(%dma_wait3A_1510 : memref<4x96xi32, #tpu.memory_space<hbm>>) dst(%arg7 : memref<4x96xi32, #tpu.memory_space<vmem>>)
      tpu.yield
    }) : () -> ()
    %dma_start3A_239 = arith.constant 0 : i32
    %dma_start3A_240 = arith.constant 10 : i32
    %dma_start3A_241 = arith.constant 0 : i32
    %dma_start3A_242 = tpu.memref_slice %arg9[%dma_start3A_240, %dma_start3A_241] : memref<400x128xf32, #tpu.memory_space<vmem>> -> memref<96x128xf32, #tpu.memory_space<vmem>>
    %dma_start3A_243 = arith.constant 0 : i32
    %dma_start3A_244 = tpu.memref_slice %arg7[%dma_start3A_239, %dma_start3A_243] : memref<4x96xi32, #tpu.memory_space<vmem>> -> memref<1x96xi32, #tpu.memory_space<vmem>>
    %dma_start3A_245 = tpu.memref_squeeze %dma_start3A_244 : memref<1x96xi32, #tpu.memory_space<vmem>> -> memref<96xi32, #tpu.memory_space<vmem>>
    %dma_start3A_246 = arith.constant 0 : i32
    %dma_start3A_247 = arith.constant 0 : i32
    %dma_start3A_248 = tpu.memref_slice %arg2[%dma_start3A_246, %dma_start3A_247] : memref<1000000x128xf32, #tpu.memory_space<hbm>> -> memref<1000000x128xf32, #tpu.memory_space<hbm>>
    tpu.enqueue_indirect_dma source(%dma_start3A_248 : memref<1000000x128xf32, #tpu.memory_space<hbm>>) target(%dma_start3A_242 : memref<96x128xf32, #tpu.memory_space<vmem>>) offsets(%dma_start3A_245 : memref<96xi32, #tpu.memory_space<vmem>>) semaphore(%arg11 : memref<!tpu.dma_semaphore, #tpu.memory_space<semaphore_mem>>)
    %dma_start3A_249 = arith.constant 1 : i32
    %dma_start3A_250 = arith.constant 104 : i32
    %dma_start3A_251 = arith.constant 0 : i32
    %dma_start3A_252 = tpu.memref_slice %arg9[%dma_start3A_250, %dma_start3A_251] : memref<400x128xf32, #tpu.memory_space<vmem>> -> memref<96x128xf32, #tpu.memory_space<vmem>>
    %dma_start3A_253 = arith.constant 0 : i32
    %dma_start3A_254 = tpu.memref_slice %arg7[%dma_start3A_249, %dma_start3A_253] : memref<4x96xi32, #tpu.memory_space<vmem>> -> memref<1x96xi32, #tpu.memory_space<vmem>>
    %dma_start3A_255 = tpu.memref_squeeze %dma_start3A_254 : memref<1x96xi32, #tpu.memory_space<vmem>> -> memref<96xi32, #tpu.memory_space<vmem>>
    %dma_start3A_256 = arith.constant 0 : i32
    %dma_start3A_257 = arith.constant 0 : i32
    %dma_start3A_258 = tpu.memref_slice %arg2[%dma_start3A_256, %dma_start3A_257] : memref<1000000x128xf32, #tpu.memory_space<hbm>> -> memref<1000000x128xf32, #tpu.memory_space<hbm>>
    tpu.enqueue_indirect_dma source(%dma_start3A_258 : memref<1000000x128xf32, #tpu.memory_space<hbm>>) target(%dma_start3A_252 : memref<96x128xf32, #tpu.memory_space<vmem>>) offsets(%dma_start3A_255 : memref<96xi32, #tpu.memory_space<vmem>>) semaphore(%arg11 : memref<!tpu.dma_semaphore, #tpu.memory_space<semaphore_mem>>)
    %dma_start3A_259 = arith.constant 2 : i32
    %dma_start3A_260 = arith.constant 210 : i32
    %dma_start3A_261 = arith.constant 0 : i32
    %dma_start3A_262 = tpu.memref_slice %arg9[%dma_start3A_260, %dma_start3A_261] : memref<400x128xf32, #tpu.memory_space<vmem>> -> memref<96x128xf32, #tpu.memory_space<vmem>>
    %dma_start3A_263 = arith.constant 0 : i32
    %dma_start3A_264 = tpu.memref_slice %arg7[%dma_start3A_259, %dma_start3A_263] : memref<4x96xi32, #tpu.memory_space<vmem>> -> memref<1x96xi32, #tpu.memory_space<vmem>>
    %dma_start3A_265 = tpu.memref_squeeze %dma_start3A_264 : memref<1x96xi32, #tpu.memory_space<vmem>> -> memref<96xi32, #tpu.memory_space<vmem>>
    %dma_start3A_266 = arith.constant 0 : i32
    %dma_start3A_267 = arith.constant 0 : i32
    %dma_start3A_268 = tpu.memref_slice %arg2[%dma_start3A_266, %dma_start3A_267] : memref<1000000x128xf32, #tpu.memory_space<hbm>> -> memref<1000000x128xf32, #tpu.memory_space<hbm>>
    tpu.enqueue_indirect_dma source(%dma_start3A_268 : memref<1000000x128xf32, #tpu.memory_space<hbm>>) target(%dma_start3A_262 : memref<96x128xf32, #tpu.memory_space<vmem>>) offsets(%dma_start3A_265 : memref<96xi32, #tpu.memory_space<vmem>>) semaphore(%arg11 : memref<!tpu.dma_semaphore, #tpu.memory_space<semaphore_mem>>)
    %dma_start3A_269 = arith.constant 3 : i32
    %dma_start3A_270 = arith.constant 304 : i32
    %dma_start3A_271 = arith.constant 0 : i32
    %dma_start3A_272 = tpu.memref_slice %arg9[%dma_start3A_270, %dma_start3A_271] : memref<400x128xf32, #tpu.memory_space<vmem>> -> memref<96x128xf32, #tpu.memory_space<vmem>>
    %dma_start3A_273 = arith.constant 0 : i32
    %dma_start3A_274 = tpu.memref_slice %arg7[%dma_start3A_269, %dma_start3A_273] : memref<4x96xi32, #tpu.memory_space<vmem>> -> memref<1x96xi32, #tpu.memory_space<vmem>>
    %dma_start3A_275 = tpu.memref_squeeze %dma_start3A_274 : memref<1x96xi32, #tpu.memory_space<vmem>> -> memref<96xi32, #tpu.memory_space<vmem>>
    %dma_start3A_276 = arith.constant 0 : i32
    %dma_start3A_277 = arith.constant 0 : i32
    %dma_start3A_278 = tpu.memref_slice %arg2[%dma_start3A_276, %dma_start3A_277] : memref<1000000x128xf32, #tpu.memory_space<hbm>> -> memref<1000000x128xf32, #tpu.memory_space<hbm>>
    tpu.enqueue_indirect_dma source(%dma_start3A_278 : memref<1000000x128xf32, #tpu.memory_space<hbm>>) target(%dma_start3A_272 : memref<96x128xf32, #tpu.memory_space<vmem>>) offsets(%dma_start3A_275 : memref<96xi32, #tpu.memory_space<vmem>>) semaphore(%arg11 : memref<!tpu.dma_semaphore, #tpu.memory_space<semaphore_mem>>)
    %dma_wait3A_279 = arith.constant 0 : i32
    %dma_wait3A_280 = arith.constant 10 : i32
    %dma_wait3A_281 = arith.constant 0 : i32
    %dma_wait3A_282 = tpu.memref_slice %arg8[%dma_wait3A_280, %dma_wait3A_281] : memref<400x128xf32, #tpu.memory_space<vmem>> -> memref<96x128xf32, #tpu.memory_space<vmem>>
    %dma_wait3A_283 = arith.constant 0 : i32
    %dma_wait3A_284 = tpu.memref_slice %arg6[%dma_wait3A_279, %dma_wait3A_283] : memref<4x96xi32, #tpu.memory_space<vmem>> -> memref<1x96xi32, #tpu.memory_space<vmem>>
    %dma_wait3A_285 = tpu.memref_squeeze %dma_wait3A_284 : memref<1x96xi32, #tpu.memory_space<vmem>> -> memref<96xi32, #tpu.memory_space<vmem>>
    %dma_wait3A_286 = arith.constant 0 : i32
    %dma_wait3A_287 = arith.constant 0 : i32
    %dma_wait3A_288 = tpu.memref_slice %arg2[%dma_wait3A_286, %dma_wait3A_287] : memref<1000000x128xf32, #tpu.memory_space<hbm>> -> memref<1000000x128xf32, #tpu.memory_space<hbm>>
    tpu.wait_indirect_dma semaphore(%arg10 : memref<!tpu.dma_semaphore, #tpu.memory_space<semaphore_mem>>) src(%dma_wait3A_288 : memref<1000000x128xf32, #tpu.memory_space<hbm>>) dst(%dma_wait3A_282 : memref<96x128xf32, #tpu.memory_space<vmem>>)
    %dma_wait3A_289 = arith.constant 1 : i32
    %dma_wait3A_290 = arith.constant 104 : i32
    %dma_wait3A_291 = arith.constant 0 : i32
    %dma_wait3A_292 = tpu.memref_slice %arg8[%dma_wait3A_290, %dma_wait3A_291] : memref<400x128xf32, #tpu.memory_space<vmem>> -> memref<96x128xf32, #tpu.memory_space<vmem>>
    %dma_wait3A_293 = arith.constant 0 : i32
    %dma_wait3A_294 = tpu.memref_slice %arg6[%dma_wait3A_289, %dma_wait3A_293] : memref<4x96xi32, #tpu.memory_space<vmem>> -> memref<1x96xi32, #tpu.memory_space<vmem>>
    %dma_wait3A_295 = tpu.memref_squeeze %dma_wait3A_294 : memref<1x96xi32, #tpu.memory_space<vmem>> -> memref<96xi32, #tpu.memory_space<vmem>>
    %dma_wait3A_296 = arith.constant 0 : i32
    %dma_wait3A_297 = arith.constant 0 : i32
    %dma_wait3A_298 = tpu.memref_slice %arg2[%dma_wait3A_296, %dma_wait3A_297] : memref<1000000x128xf32, #tpu.memory_space<hbm>> -> memref<1000000x128xf32, #tpu.memory_space<hbm>>
    tpu.wait_indirect_dma semaphore(%arg10 : memref<!tpu.dma_semaphore, #tpu.memory_space<semaphore_mem>>) src(%dma_wait3A_298 : memref<1000000x128xf32, #tpu.memory_space<hbm>>) dst(%dma_wait3A_292 : memref<96x128xf32, #tpu.memory_space<vmem>>)
    %dma_wait3A_299 = arith.constant 2 : i32
    %dma_wait3A_300 = arith.constant 210 : i32
    %dma_wait3A_301 = arith.constant 0 : i32
    %dma_wait3A_302 = tpu.memref_slice %arg8[%dma_wait3A_300, %dma_wait3A_301] : memref<400x128xf32, #tpu.memory_space<vmem>> -> memref<96x128xf32, #tpu.memory_space<vmem>>
    %dma_wait3A_303 = arith.constant 0 : i32
    %dma_wait3A_304 = tpu.memref_slice %arg6[%dma_wait3A_299, %dma_wait3A_303] : memref<4x96xi32, #tpu.memory_space<vmem>> -> memref<1x96xi32, #tpu.memory_space<vmem>>
    %dma_wait3A_305 = tpu.memref_squeeze %dma_wait3A_304 : memref<1x96xi32, #tpu.memory_space<vmem>> -> memref<96xi32, #tpu.memory_space<vmem>>
    %dma_wait3A_306 = arith.constant 0 : i32
    %dma_wait3A_307 = arith.constant 0 : i32
    %dma_wait3A_308 = tpu.memref_slice %arg2[%dma_wait3A_306, %dma_wait3A_307] : memref<1000000x128xf32, #tpu.memory_space<hbm>> -> memref<1000000x128xf32, #tpu.memory_space<hbm>>
    tpu.wait_indirect_dma semaphore(%arg10 : memref<!tpu.dma_semaphore, #tpu.memory_space<semaphore_mem>>) src(%dma_wait3A_308 : memref<1000000x128xf32, #tpu.memory_space<hbm>>) dst(%dma_wait3A_302 : memref<96x128xf32, #tpu.memory_space<vmem>>)
    %dma_wait3A_309 = arith.constant 3 : i32
    %dma_wait3A_310 = arith.constant 304 : i32
    %dma_wait3A_311 = arith.constant 0 : i32
    %dma_wait3A_312 = tpu.memref_slice %arg8[%dma_wait3A_310, %dma_wait3A_311] : memref<400x128xf32, #tpu.memory_space<vmem>> -> memref<96x128xf32, #tpu.memory_space<vmem>>
    %dma_wait3A_313 = arith.constant 0 : i32
    %dma_wait3A_314 = tpu.memref_slice %arg6[%dma_wait3A_309, %dma_wait3A_313] : memref<4x96xi32, #tpu.memory_space<vmem>> -> memref<1x96xi32, #tpu.memory_space<vmem>>
    %dma_wait3A_315 = tpu.memref_squeeze %dma_wait3A_314 : memref<1x96xi32, #tpu.memory_space<vmem>> -> memref<96xi32, #tpu.memory_space<vmem>>
    %dma_wait3A_316 = arith.constant 0 : i32
    %dma_wait3A_317 = arith.constant 0 : i32
    %dma_wait3A_318 = tpu.memref_slice %arg2[%dma_wait3A_316, %dma_wait3A_317] : memref<1000000x128xf32, #tpu.memory_space<hbm>> -> memref<1000000x128xf32, #tpu.memory_space<hbm>>
    tpu.wait_indirect_dma semaphore(%arg10 : memref<!tpu.dma_semaphore, #tpu.memory_space<semaphore_mem>>) src(%dma_wait3A_318 : memref<1000000x128xf32, #tpu.memory_space<hbm>>) dst(%dma_wait3A_312 : memref<96x128xf32, #tpu.memory_space<vmem>>)
    %mul3A_319 = arith.constant 32 : i32
    %mul3A_320 = arith.muli %add3A, %mul3A_319 : i32
    %add3A_321 = arith.constant 4 : i32
    %add3A_322 = arith.addi %mul3A_320, %add3A_321 : i32
    %add3A_323 = arith.constant 0 : i32
    %add3A_324 = arith.addi %add3A_322, %add3A_323 : i32
    "tpu.region"() ({
      %run_scoped3A = tpu.sem_alloc : memref<!tpu.dma_semaphore, #tpu.memory_space<semaphore_mem>>
      %dma_start3A_1503 = arith.constant 0 : i32
      %dma_start3A_1504 = arith.constant 0 : i32
      %dma_start3A_1505 = tpu.memref_slice %arg8[%dma_start3A_1503, %dma_start3A_1504] : memref<400x128xf32, #tpu.memory_space<vmem>> -> memref<200x64xf32, #tpu.memory_space<vmem>>
      %dma_start3A_1506 = arith.constant 0 : i32
      %dma_start3A_1507 = arith.constant 0 : i32
      %dma_start3A_1508 = tpu.memref_slice %arg5[%add3A_324, %dma_start3A_1506, %dma_start3A_1507] : memref<1024x200x64xf32, #tpu.memory_space<hbm>> -> memref<1x200x64xf32, #tpu.memory_space<hbm>>
      %dma_start3A_1509 = tpu.memref_squeeze %dma_start3A_1508 : memref<1x200x64xf32, #tpu.memory_space<hbm>> -> memref<200x64xf32, #tpu.memory_space<hbm>>
      %dma_start3A_1510 = arith.constant 0 : i32
      %dma_start3A_1511 = arith.constant 0 : i32
      %dma_start3A_1512 = tpu.memref_slice %arg5[%add3A_324, %dma_start3A_1510, %dma_start3A_1511] : memref<1024x200x64xf32, #tpu.memory_space<hbm>> -> memref<1x200x64xf32, #tpu.memory_space<hbm>>
      %dma_start3A_1513 = tpu.memref_squeeze %dma_start3A_1512 : memref<1x200x64xf32, #tpu.memory_space<hbm>> -> memref<200x64xf32, #tpu.memory_space<hbm>>
      %dma_start3A_1514 = arith.constant 0 : i32
      %dma_start3A_1515 = arith.constant 0 : i32
      %dma_start3A_1516 = tpu.memref_slice %arg8[%dma_start3A_1514, %dma_start3A_1515] : memref<400x128xf32, #tpu.memory_space<vmem>> -> memref<200x64xf32, #tpu.memory_space<vmem>>
      tpu.enqueue_dma source(%dma_start3A_1516 : memref<200x64xf32, #tpu.memory_space<vmem>>) target(%dma_start3A_1513 : memref<200x64xf32, #tpu.memory_space<hbm>>) target_semaphore(%run_scoped3A : memref<!tpu.dma_semaphore, #tpu.memory_space<semaphore_mem>>)
      %dma_wait3A_1517 = arith.constant 0 : i32
      %dma_wait3A_1518 = arith.constant 0 : i32
      %dma_wait3A_1519 = tpu.memref_slice %arg8[%dma_wait3A_1517, %dma_wait3A_1518] : memref<400x128xf32, #tpu.memory_space<vmem>> -> memref<200x64xf32, #tpu.memory_space<vmem>>
      %dma_wait3A_1520 = arith.constant 0 : i32
      %dma_wait3A_1521 = arith.constant 0 : i32
      %dma_wait3A_1522 = tpu.memref_slice %arg5[%add3A_324, %dma_wait3A_1520, %dma_wait3A_1521] : memref<1024x200x64xf32, #tpu.memory_space<hbm>> -> memref<1x200x64xf32, #tpu.memory_space<hbm>>
      %dma_wait3A_1523 = tpu.memref_squeeze %dma_wait3A_1522 : memref<1x200x64xf32, #tpu.memory_space<hbm>> -> memref<200x64xf32, #tpu.memory_space<hbm>>
      %dma_wait3A_1524 = arith.constant 0 : i32
      %dma_wait3A_1525 = arith.constant 0 : i32
      %dma_wait3A_1526 = tpu.memref_slice %arg5[%add3A_324, %dma_wait3A_1524, %dma_wait3A_1525] : memref<1024x200x64xf32, #tpu.memory_space<hbm>> -> memref<1x200x64xf32, #tpu.memory_space<hbm>>
      %dma_wait3A_1527 = tpu.memref_squeeze %dma_wait3A_1526 : memref<1x200x64xf32, #tpu.memory_space<hbm>> -> memref<200x64xf32, #tpu.memory_space<hbm>>
      %dma_wait3A_1528 = arith.constant 0 : i32
      %dma_wait3A_1529 = arith.constant 0 : i32
      %dma_wait3A_1530 = tpu.memref_slice %arg8[%dma_wait3A_1528, %dma_wait3A_1529] : memref<400x128xf32, #tpu.memory_space<vmem>> -> memref<200x64xf32, #tpu.memory_space<vmem>>
      tpu.wait_dma2 semaphore(%run_scoped3A : memref<!tpu.dma_semaphore, #tpu.memory_space<semaphore_mem>>) src(%dma_wait3A_1530 : memref<200x64xf32, #tpu.memory_space<vmem>>) dst(%dma_wait3A_1527 : memref<200x64xf32, #tpu.memory_space<hbm>>)
      tpu.yield
    }) : () -> ()
    %add3A_325 = arith.constant 1 : i32
    %add3A_326 = arith.addi %add3A_322, %add3A_325 : i32
    "tpu.region"() ({
      %run_scoped3A = tpu.sem_alloc : memref<!tpu.dma_semaphore, #tpu.memory_space<semaphore_mem>>
      %dma_start3A_1503 = arith.constant 200 : i32
      %dma_start3A_1504 = arith.constant 0 : i32
      %dma_start3A_1505 = tpu.memref_slice %arg8[%dma_start3A_1503, %dma_start3A_1504] : memref<400x128xf32, #tpu.memory_space<vmem>> -> memref<200x64xf32, #tpu.memory_space<vmem>>
      %dma_start3A_1506 = arith.constant 0 : i32
      %dma_start3A_1507 = arith.constant 0 : i32
      %dma_start3A_1508 = tpu.memref_slice %arg5[%add3A_326, %dma_start3A_1506, %dma_start3A_1507] : memref<1024x200x64xf32, #tpu.memory_space<hbm>> -> memref<1x200x64xf32, #tpu.memory_space<hbm>>
      %dma_start3A_1509 = tpu.memref_squeeze %dma_start3A_1508 : memref<1x200x64xf32, #tpu.memory_space<hbm>> -> memref<200x64xf32, #tpu.memory_space<hbm>>
      %dma_start3A_1510 = arith.constant 0 : i32
      %dma_start3A_1511 = arith.constant 0 : i32
      %dma_start3A_1512 = tpu.memref_slice %arg5[%add3A_326, %dma_start3A_1510, %dma_start3A_1511] : memref<1024x200x64xf32, #tpu.memory_space<hbm>> -> memref<1x200x64xf32, #tpu.memory_space<hbm>>
      %dma_start3A_1513 = tpu.memref_squeeze %dma_start3A_1512 : memref<1x200x64xf32, #tpu.memory_space<hbm>> -> memref<200x64xf32, #tpu.memory_space<hbm>>
      %dma_start3A_1514 = arith.constant 200 : i32
      %dma_start3A_1515 = arith.constant 0 : i32
      %dma_start3A_1516 = tpu.memref_slice %arg8[%dma_start3A_1514, %dma_start3A_1515] : memref<400x128xf32, #tpu.memory_space<vmem>> -> memref<200x64xf32, #tpu.memory_space<vmem>>
      tpu.enqueue_dma source(%dma_start3A_1516 : memref<200x64xf32, #tpu.memory_space<vmem>>) target(%dma_start3A_1513 : memref<200x64xf32, #tpu.memory_space<hbm>>) target_semaphore(%run_scoped3A : memref<!tpu.dma_semaphore, #tpu.memory_space<semaphore_mem>>)
      %dma_wait3A_1517 = arith.constant 200 : i32
      %dma_wait3A_1518 = arith.constant 0 : i32
      %dma_wait3A_1519 = tpu.memref_slice %arg8[%dma_wait3A_1517, %dma_wait3A_1518] : memref<400x128xf32, #tpu.memory_space<vmem>> -> memref<200x64xf32, #tpu.memory_space<vmem>>
      %dma_wait3A_1520 = arith.constant 0 : i32
      %dma_wait3A_1521 = arith.constant 0 : i32
      %dma_wait3A_1522 = tpu.memref_slice %arg5[%add3A_326, %dma_wait3A_1520, %dma_wait3A_1521] : memref<1024x200x64xf32, #tpu.memory_space<hbm>> -> memref<1x200x64xf32, #tpu.memory_space<hbm>>
      %dma_wait3A_1523 = tpu.memref_squeeze %dma_wait3A_1522 : memref<1x200x64xf32, #tpu.memory_space<hbm>> -> memref<200x64xf32, #tpu.memory_space<hbm>>
      %dma_wait3A_1524 = arith.constant 0 : i32
      %dma_wait3A_1525 = arith.constant 0 : i32
      %dma_wait3A_1526 = tpu.memref_slice %arg5[%add3A_326, %dma_wait3A_1524, %dma_wait3A_1525] : memref<1024x200x64xf32, #tpu.memory_space<hbm>> -> memref<1x200x64xf32, #tpu.memory_space<hbm>>
      %dma_wait3A_1527 = tpu.memref_squeeze %dma_wait3A_1526 : memref<1x200x64xf32, #tpu.memory_space<hbm>> -> memref<200x64xf32, #tpu.memory_space<hbm>>
      %dma_wait3A_1528 = arith.constant 200 : i32
      %dma_wait3A_1529 = arith.constant 0 : i32
      %dma_wait3A_1530 = tpu.memref_slice %arg8[%dma_wait3A_1528, %dma_wait3A_1529] : memref<400x128xf32, #tpu.memory_space<vmem>> -> memref<200x64xf32, #tpu.memory_space<vmem>>
      tpu.wait_dma2 semaphore(%run_scoped3A : memref<!tpu.dma_semaphore, #tpu.memory_space<semaphore_mem>>) src(%dma_wait3A_1530 : memref<200x64xf32, #tpu.memory_space<vmem>>) dst(%dma_wait3A_1527 : memref<200x64xf32, #tpu.memory_space<hbm>>)
      tpu.yield
    }) : () -> ()
    %mul3A_327 = arith.constant 32 : i32
    %mul3A_328 = arith.muli %add3A, %mul3A_327 : i32
    %add3A_329 = arith.constant 8 : i32
    %add3A_330 = arith.addi %mul3A_328, %add3A_329 : i32
    %mul3A_331 = arith.constant 2 : i32
    %mul3A_332 = arith.muli %add3A_330, %mul3A_331 : i32
    "tpu.region"() ({
      %run_scoped3A = tpu.sem_alloc : memref<!tpu.dma_semaphore, #tpu.memory_space<semaphore_mem>>
      %dma_start3A_1503 = arith.constant 0 : i32
      %dma_start3A_1504 = tpu.memref_slice %arg3[%mul3A_332, %dma_start3A_1503] : memref<2048x128xi32, #tpu.memory_space<hbm>> -> memref<4x96xi32, #tpu.memory_space<hbm>>
      %dma_start3A_1505 = arith.constant 0 : i32
      %dma_start3A_1506 = tpu.memref_slice %arg3[%mul3A_332, %dma_start3A_1505] : memref<2048x128xi32, #tpu.memory_space<hbm>> -> memref<4x96xi32, #tpu.memory_space<hbm>>
      tpu.enqueue_dma source(%dma_start3A_1506 : memref<4x96xi32, #tpu.memory_space<hbm>>) target(%arg6 : memref<4x96xi32, #tpu.memory_space<vmem>>) target_semaphore(%run_scoped3A : memref<!tpu.dma_semaphore, #tpu.memory_space<semaphore_mem>>)
      %dma_wait3A_1507 = arith.constant 0 : i32
      %dma_wait3A_1508 = tpu.memref_slice %arg3[%mul3A_332, %dma_wait3A_1507] : memref<2048x128xi32, #tpu.memory_space<hbm>> -> memref<4x96xi32, #tpu.memory_space<hbm>>
      %dma_wait3A_1509 = arith.constant 0 : i32
      %dma_wait3A_1510 = tpu.memref_slice %arg3[%mul3A_332, %dma_wait3A_1509] : memref<2048x128xi32, #tpu.memory_space<hbm>> -> memref<4x96xi32, #tpu.memory_space<hbm>>
      tpu.wait_dma2 semaphore(%run_scoped3A : memref<!tpu.dma_semaphore, #tpu.memory_space<semaphore_mem>>) src(%dma_wait3A_1510 : memref<4x96xi32, #tpu.memory_space<hbm>>) dst(%arg6 : memref<4x96xi32, #tpu.memory_space<vmem>>)
      tpu.yield
    }) : () -> ()
    %dma_start3A_333 = arith.constant 0 : i32
    %dma_start3A_334 = arith.constant 10 : i32
    %dma_start3A_335 = arith.constant 0 : i32
    %dma_start3A_336 = tpu.memref_slice %arg8[%dma_start3A_334, %dma_start3A_335] : memref<400x128xf32, #tpu.memory_space<vmem>> -> memref<96x128xf32, #tpu.memory_space<vmem>>
    %dma_start3A_337 = arith.constant 0 : i32
    %dma_start3A_338 = tpu.memref_slice %arg6[%dma_start3A_333, %dma_start3A_337] : memref<4x96xi32, #tpu.memory_space<vmem>> -> memref<1x96xi32, #tpu.memory_space<vmem>>
    %dma_start3A_339 = tpu.memref_squeeze %dma_start3A_338 : memref<1x96xi32, #tpu.memory_space<vmem>> -> memref<96xi32, #tpu.memory_space<vmem>>
    %dma_start3A_340 = arith.constant 0 : i32
    %dma_start3A_341 = arith.constant 0 : i32
    %dma_start3A_342 = tpu.memref_slice %arg2[%dma_start3A_340, %dma_start3A_341] : memref<1000000x128xf32, #tpu.memory_space<hbm>> -> memref<1000000x128xf32, #tpu.memory_space<hbm>>
    tpu.enqueue_indirect_dma source(%dma_start3A_342 : memref<1000000x128xf32, #tpu.memory_space<hbm>>) target(%dma_start3A_336 : memref<96x128xf32, #tpu.memory_space<vmem>>) offsets(%dma_start3A_339 : memref<96xi32, #tpu.memory_space<vmem>>) semaphore(%arg10 : memref<!tpu.dma_semaphore, #tpu.memory_space<semaphore_mem>>)
    %dma_start3A_343 = arith.constant 1 : i32
    %dma_start3A_344 = arith.constant 104 : i32
    %dma_start3A_345 = arith.constant 0 : i32
    %dma_start3A_346 = tpu.memref_slice %arg8[%dma_start3A_344, %dma_start3A_345] : memref<400x128xf32, #tpu.memory_space<vmem>> -> memref<96x128xf32, #tpu.memory_space<vmem>>
    %dma_start3A_347 = arith.constant 0 : i32
    %dma_start3A_348 = tpu.memref_slice %arg6[%dma_start3A_343, %dma_start3A_347] : memref<4x96xi32, #tpu.memory_space<vmem>> -> memref<1x96xi32, #tpu.memory_space<vmem>>
    %dma_start3A_349 = tpu.memref_squeeze %dma_start3A_348 : memref<1x96xi32, #tpu.memory_space<vmem>> -> memref<96xi32, #tpu.memory_space<vmem>>
    %dma_start3A_350 = arith.constant 0 : i32
    %dma_start3A_351 = arith.constant 0 : i32
    %dma_start3A_352 = tpu.memref_slice %arg2[%dma_start3A_350, %dma_start3A_351] : memref<1000000x128xf32, #tpu.memory_space<hbm>> -> memref<1000000x128xf32, #tpu.memory_space<hbm>>
    tpu.enqueue_indirect_dma source(%dma_start3A_352 : memref<1000000x128xf32, #tpu.memory_space<hbm>>) target(%dma_start3A_346 : memref<96x128xf32, #tpu.memory_space<vmem>>) offsets(%dma_start3A_349 : memref<96xi32, #tpu.memory_space<vmem>>) semaphore(%arg10 : memref<!tpu.dma_semaphore, #tpu.memory_space<semaphore_mem>>)
    %dma_start3A_353 = arith.constant 2 : i32
    %dma_start3A_354 = arith.constant 210 : i32
    %dma_start3A_355 = arith.constant 0 : i32
    %dma_start3A_356 = tpu.memref_slice %arg8[%dma_start3A_354, %dma_start3A_355] : memref<400x128xf32, #tpu.memory_space<vmem>> -> memref<96x128xf32, #tpu.memory_space<vmem>>
    %dma_start3A_357 = arith.constant 0 : i32
    %dma_start3A_358 = tpu.memref_slice %arg6[%dma_start3A_353, %dma_start3A_357] : memref<4x96xi32, #tpu.memory_space<vmem>> -> memref<1x96xi32, #tpu.memory_space<vmem>>
    %dma_start3A_359 = tpu.memref_squeeze %dma_start3A_358 : memref<1x96xi32, #tpu.memory_space<vmem>> -> memref<96xi32, #tpu.memory_space<vmem>>
    %dma_start3A_360 = arith.constant 0 : i32
    %dma_start3A_361 = arith.constant 0 : i32
    %dma_start3A_362 = tpu.memref_slice %arg2[%dma_start3A_360, %dma_start3A_361] : memref<1000000x128xf32, #tpu.memory_space<hbm>> -> memref<1000000x128xf32, #tpu.memory_space<hbm>>
    tpu.enqueue_indirect_dma source(%dma_start3A_362 : memref<1000000x128xf32, #tpu.memory_space<hbm>>) target(%dma_start3A_356 : memref<96x128xf32, #tpu.memory_space<vmem>>) offsets(%dma_start3A_359 : memref<96xi32, #tpu.memory_space<vmem>>) semaphore(%arg10 : memref<!tpu.dma_semaphore, #tpu.memory_space<semaphore_mem>>)
    %dma_start3A_363 = arith.constant 3 : i32
    %dma_start3A_364 = arith.constant 304 : i32
    %dma_start3A_365 = arith.constant 0 : i32
    %dma_start3A_366 = tpu.memref_slice %arg8[%dma_start3A_364, %dma_start3A_365] : memref<400x128xf32, #tpu.memory_space<vmem>> -> memref<96x128xf32, #tpu.memory_space<vmem>>
    %dma_start3A_367 = arith.constant 0 : i32
    %dma_start3A_368 = tpu.memref_slice %arg6[%dma_start3A_363, %dma_start3A_367] : memref<4x96xi32, #tpu.memory_space<vmem>> -> memref<1x96xi32, #tpu.memory_space<vmem>>
    %dma_start3A_369 = tpu.memref_squeeze %dma_start3A_368 : memref<1x96xi32, #tpu.memory_space<vmem>> -> memref<96xi32, #tpu.memory_space<vmem>>
    %dma_start3A_370 = arith.constant 0 : i32
    %dma_start3A_371 = arith.constant 0 : i32
    %dma_start3A_372 = tpu.memref_slice %arg2[%dma_start3A_370, %dma_start3A_371] : memref<1000000x128xf32, #tpu.memory_space<hbm>> -> memref<1000000x128xf32, #tpu.memory_space<hbm>>
    tpu.enqueue_indirect_dma source(%dma_start3A_372 : memref<1000000x128xf32, #tpu.memory_space<hbm>>) target(%dma_start3A_366 : memref<96x128xf32, #tpu.memory_space<vmem>>) offsets(%dma_start3A_369 : memref<96xi32, #tpu.memory_space<vmem>>) semaphore(%arg10 : memref<!tpu.dma_semaphore, #tpu.memory_space<semaphore_mem>>)
    %dma_wait3A_373 = arith.constant 0 : i32
    %dma_wait3A_374 = arith.constant 10 : i32
    %dma_wait3A_375 = arith.constant 0 : i32
    %dma_wait3A_376 = tpu.memref_slice %arg9[%dma_wait3A_374, %dma_wait3A_375] : memref<400x128xf32, #tpu.memory_space<vmem>> -> memref<96x128xf32, #tpu.memory_space<vmem>>
    %dma_wait3A_377 = arith.constant 0 : i32
    %dma_wait3A_378 = tpu.memref_slice %arg7[%dma_wait3A_373, %dma_wait3A_377] : memref<4x96xi32, #tpu.memory_space<vmem>> -> memref<1x96xi32, #tpu.memory_space<vmem>>
    %dma_wait3A_379 = tpu.memref_squeeze %dma_wait3A_378 : memref<1x96xi32, #tpu.memory_space<vmem>> -> memref<96xi32, #tpu.memory_space<vmem>>
    %dma_wait3A_380 = arith.constant 0 : i32
    %dma_wait3A_381 = arith.constant 0 : i32
    %dma_wait3A_382 = tpu.memref_slice %arg2[%dma_wait3A_380, %dma_wait3A_381] : memref<1000000x128xf32, #tpu.memory_space<hbm>> -> memref<1000000x128xf32, #tpu.memory_space<hbm>>
    tpu.wait_indirect_dma semaphore(%arg11 : memref<!tpu.dma_semaphore, #tpu.memory_space<semaphore_mem>>) src(%dma_wait3A_382 : memref<1000000x128xf32, #tpu.memory_space<hbm>>) dst(%dma_wait3A_376 : memref<96x128xf32, #tpu.memory_space<vmem>>)
    %dma_wait3A_383 = arith.constant 1 : i32
    %dma_wait3A_384 = arith.constant 104 : i32
    %dma_wait3A_385 = arith.constant 0 : i32
    %dma_wait3A_386 = tpu.memref_slice %arg9[%dma_wait3A_384, %dma_wait3A_385] : memref<400x128xf32, #tpu.memory_space<vmem>> -> memref<96x128xf32, #tpu.memory_space<vmem>>
    %dma_wait3A_387 = arith.constant 0 : i32
    %dma_wait3A_388 = tpu.memref_slice %arg7[%dma_wait3A_383, %dma_wait3A_387] : memref<4x96xi32, #tpu.memory_space<vmem>> -> memref<1x96xi32, #tpu.memory_space<vmem>>
    %dma_wait3A_389 = tpu.memref_squeeze %dma_wait3A_388 : memref<1x96xi32, #tpu.memory_space<vmem>> -> memref<96xi32, #tpu.memory_space<vmem>>
    %dma_wait3A_390 = arith.constant 0 : i32
    %dma_wait3A_391 = arith.constant 0 : i32
    %dma_wait3A_392 = tpu.memref_slice %arg2[%dma_wait3A_390, %dma_wait3A_391] : memref<1000000x128xf32, #tpu.memory_space<hbm>> -> memref<1000000x128xf32, #tpu.memory_space<hbm>>
    tpu.wait_indirect_dma semaphore(%arg11 : memref<!tpu.dma_semaphore, #tpu.memory_space<semaphore_mem>>) src(%dma_wait3A_392 : memref<1000000x128xf32, #tpu.memory_space<hbm>>) dst(%dma_wait3A_386 : memref<96x128xf32, #tpu.memory_space<vmem>>)
    %dma_wait3A_393 = arith.constant 2 : i32
    %dma_wait3A_394 = arith.constant 210 : i32
    %dma_wait3A_395 = arith.constant 0 : i32
    %dma_wait3A_396 = tpu.memref_slice %arg9[%dma_wait3A_394, %dma_wait3A_395] : memref<400x128xf32, #tpu.memory_space<vmem>> -> memref<96x128xf32, #tpu.memory_space<vmem>>
    %dma_wait3A_397 = arith.constant 0 : i32
    %dma_wait3A_398 = tpu.memref_slice %arg7[%dma_wait3A_393, %dma_wait3A_397] : memref<4x96xi32, #tpu.memory_space<vmem>> -> memref<1x96xi32, #tpu.memory_space<vmem>>
    %dma_wait3A_399 = tpu.memref_squeeze %dma_wait3A_398 : memref<1x96xi32, #tpu.memory_space<vmem>> -> memref<96xi32, #tpu.memory_space<vmem>>
    %dma_wait3A_400 = arith.constant 0 : i32
    %dma_wait3A_401 = arith.constant 0 : i32
    %dma_wait3A_402 = tpu.memref_slice %arg2[%dma_wait3A_400, %dma_wait3A_401] : memref<1000000x128xf32, #tpu.memory_space<hbm>> -> memref<1000000x128xf32, #tpu.memory_space<hbm>>
    tpu.wait_indirect_dma semaphore(%arg11 : memref<!tpu.dma_semaphore, #tpu.memory_space<semaphore_mem>>) src(%dma_wait3A_402 : memref<1000000x128xf32, #tpu.memory_space<hbm>>) dst(%dma_wait3A_396 : memref<96x128xf32, #tpu.memory_space<vmem>>)
    %dma_wait3A_403 = arith.constant 3 : i32
    %dma_wait3A_404 = arith.constant 304 : i32
    %dma_wait3A_405 = arith.constant 0 : i32
    %dma_wait3A_406 = tpu.memref_slice %arg9[%dma_wait3A_404, %dma_wait3A_405] : memref<400x128xf32, #tpu.memory_space<vmem>> -> memref<96x128xf32, #tpu.memory_space<vmem>>
    %dma_wait3A_407 = arith.constant 0 : i32
    %dma_wait3A_408 = tpu.memref_slice %arg7[%dma_wait3A_403, %dma_wait3A_407] : memref<4x96xi32, #tpu.memory_space<vmem>> -> memref<1x96xi32, #tpu.memory_space<vmem>>
    %dma_wait3A_409 = tpu.memref_squeeze %dma_wait3A_408 : memref<1x96xi32, #tpu.memory_space<vmem>> -> memref<96xi32, #tpu.memory_space<vmem>>
    %dma_wait3A_410 = arith.constant 0 : i32
    %dma_wait3A_411 = arith.constant 0 : i32
    %dma_wait3A_412 = tpu.memref_slice %arg2[%dma_wait3A_410, %dma_wait3A_411] : memref<1000000x128xf32, #tpu.memory_space<hbm>> -> memref<1000000x128xf32, #tpu.memory_space<hbm>>
    tpu.wait_indirect_dma semaphore(%arg11 : memref<!tpu.dma_semaphore, #tpu.memory_space<semaphore_mem>>) src(%dma_wait3A_412 : memref<1000000x128xf32, #tpu.memory_space<hbm>>) dst(%dma_wait3A_406 : memref<96x128xf32, #tpu.memory_space<vmem>>)
    %mul3A_413 = arith.constant 32 : i32
    %mul3A_414 = arith.muli %add3A, %mul3A_413 : i32
    %add3A_415 = arith.constant 6 : i32
    %add3A_416 = arith.addi %mul3A_414, %add3A_415 : i32
    %add3A_417 = arith.constant 0 : i32
    %add3A_418 = arith.addi %add3A_416, %add3A_417 : i32
    "tpu.region"() ({
      %run_scoped3A = tpu.sem_alloc : memref<!tpu.dma_semaphore, #tpu.memory_space<semaphore_mem>>
      %dma_start3A_1503 = arith.constant 0 : i32
      %dma_start3A_1504 = arith.constant 0 : i32
      %dma_start3A_1505 = tpu.memref_slice %arg9[%dma_start3A_1503, %dma_start3A_1504] : memref<400x128xf32, #tpu.memory_space<vmem>> -> memref<200x64xf32, #tpu.memory_space<vmem>>
      %dma_start3A_1506 = arith.constant 0 : i32
      %dma_start3A_1507 = arith.constant 0 : i32
      %dma_start3A_1508 = tpu.memref_slice %arg5[%add3A_418, %dma_start3A_1506, %dma_start3A_1507] : memref<1024x200x64xf32, #tpu.memory_space<hbm>> -> memref<1x200x64xf32, #tpu.memory_space<hbm>>
      %dma_start3A_1509 = tpu.memref_squeeze %dma_start3A_1508 : memref<1x200x64xf32, #tpu.memory_space<hbm>> -> memref<200x64xf32, #tpu.memory_space<hbm>>
      %dma_start3A_1510 = arith.constant 0 : i32
      %dma_start3A_1511 = arith.constant 0 : i32
      %dma_start3A_1512 = tpu.memref_slice %arg5[%add3A_418, %dma_start3A_1510, %dma_start3A_1511] : memref<1024x200x64xf32, #tpu.memory_space<hbm>> -> memref<1x200x64xf32, #tpu.memory_space<hbm>>
      %dma_start3A_1513 = tpu.memref_squeeze %dma_start3A_1512 : memref<1x200x64xf32, #tpu.memory_space<hbm>> -> memref<200x64xf32, #tpu.memory_space<hbm>>
      %dma_start3A_1514 = arith.constant 0 : i32
      %dma_start3A_1515 = arith.constant 0 : i32
      %dma_start3A_1516 = tpu.memref_slice %arg9[%dma_start3A_1514, %dma_start3A_1515] : memref<400x128xf32, #tpu.memory_space<vmem>> -> memref<200x64xf32, #tpu.memory_space<vmem>>
      tpu.enqueue_dma source(%dma_start3A_1516 : memref<200x64xf32, #tpu.memory_space<vmem>>) target(%dma_start3A_1513 : memref<200x64xf32, #tpu.memory_space<hbm>>) target_semaphore(%run_scoped3A : memref<!tpu.dma_semaphore, #tpu.memory_space<semaphore_mem>>)
      %dma_wait3A_1517 = arith.constant 0 : i32
      %dma_wait3A_1518 = arith.constant 0 : i32
      %dma_wait3A_1519 = tpu.memref_slice %arg9[%dma_wait3A_1517, %dma_wait3A_1518] : memref<400x128xf32, #tpu.memory_space<vmem>> -> memref<200x64xf32, #tpu.memory_space<vmem>>
      %dma_wait3A_1520 = arith.constant 0 : i32
      %dma_wait3A_1521 = arith.constant 0 : i32
      %dma_wait3A_1522 = tpu.memref_slice %arg5[%add3A_418, %dma_wait3A_1520, %dma_wait3A_1521] : memref<1024x200x64xf32, #tpu.memory_space<hbm>> -> memref<1x200x64xf32, #tpu.memory_space<hbm>>
      %dma_wait3A_1523 = tpu.memref_squeeze %dma_wait3A_1522 : memref<1x200x64xf32, #tpu.memory_space<hbm>> -> memref<200x64xf32, #tpu.memory_space<hbm>>
      %dma_wait3A_1524 = arith.constant 0 : i32
      %dma_wait3A_1525 = arith.constant 0 : i32
      %dma_wait3A_1526 = tpu.memref_slice %arg5[%add3A_418, %dma_wait3A_1524, %dma_wait3A_1525] : memref<1024x200x64xf32, #tpu.memory_space<hbm>> -> memref<1x200x64xf32, #tpu.memory_space<hbm>>
      %dma_wait3A_1527 = tpu.memref_squeeze %dma_wait3A_1526 : memref<1x200x64xf32, #tpu.memory_space<hbm>> -> memref<200x64xf32, #tpu.memory_space<hbm>>
      %dma_wait3A_1528 = arith.constant 0 : i32
      %dma_wait3A_1529 = arith.constant 0 : i32
      %dma_wait3A_1530 = tpu.memref_slice %arg9[%dma_wait3A_1528, %dma_wait3A_1529] : memref<400x128xf32, #tpu.memory_space<vmem>> -> memref<200x64xf32, #tpu.memory_space<vmem>>
      tpu.wait_dma2 semaphore(%run_scoped3A : memref<!tpu.dma_semaphore, #tpu.memory_space<semaphore_mem>>) src(%dma_wait3A_1530 : memref<200x64xf32, #tpu.memory_space<vmem>>) dst(%dma_wait3A_1527 : memref<200x64xf32, #tpu.memory_space<hbm>>)
      tpu.yield
    }) : () -> ()
    %add3A_419 = arith.constant 1 : i32
    %add3A_420 = arith.addi %add3A_416, %add3A_419 : i32
    "tpu.region"() ({
      %run_scoped3A = tpu.sem_alloc : memref<!tpu.dma_semaphore, #tpu.memory_space<semaphore_mem>>
      %dma_start3A_1503 = arith.constant 200 : i32
      %dma_start3A_1504 = arith.constant 0 : i32
      %dma_start3A_1505 = tpu.memref_slice %arg9[%dma_start3A_1503, %dma_start3A_1504] : memref<400x128xf32, #tpu.memory_space<vmem>> -> memref<200x64xf32, #tpu.memory_space<vmem>>
      %dma_start3A_1506 = arith.constant 0 : i32
      %dma_start3A_1507 = arith.constant 0 : i32
      %dma_start3A_1508 = tpu.memref_slice %arg5[%add3A_420, %dma_start3A_1506, %dma_start3A_1507] : memref<1024x200x64xf32, #tpu.memory_space<hbm>> -> memref<1x200x64xf32, #tpu.memory_space<hbm>>
      %dma_start3A_1509 = tpu.memref_squeeze %dma_start3A_1508 : memref<1x200x64xf32, #tpu.memory_space<hbm>> -> memref<200x64xf32, #tpu.memory_space<hbm>>
      %dma_start3A_1510 = arith.constant 0 : i32
      %dma_start3A_1511 = arith.constant 0 : i32
      %dma_start3A_1512 = tpu.memref_slice %arg5[%add3A_420, %dma_start3A_1510, %dma_start3A_1511] : memref<1024x200x64xf32, #tpu.memory_space<hbm>> -> memref<1x200x64xf32, #tpu.memory_space<hbm>>
      %dma_start3A_1513 = tpu.memref_squeeze %dma_start3A_1512 : memref<1x200x64xf32, #tpu.memory_space<hbm>> -> memref<200x64xf32, #tpu.memory_space<hbm>>
      %dma_start3A_1514 = arith.constant 200 : i32
      %dma_start3A_1515 = arith.constant 0 : i32
      %dma_start3A_1516 = tpu.memref_slice %arg9[%dma_start3A_1514, %dma_start3A_1515] : memref<400x128xf32, #tpu.memory_space<vmem>> -> memref<200x64xf32, #tpu.memory_space<vmem>>
      tpu.enqueue_dma source(%dma_start3A_1516 : memref<200x64xf32, #tpu.memory_space<vmem>>) target(%dma_start3A_1513 : memref<200x64xf32, #tpu.memory_space<hbm>>) target_semaphore(%run_scoped3A : memref<!tpu.dma_semaphore, #tpu.memory_space<semaphore_mem>>)
      %dma_wait3A_1517 = arith.constant 200 : i32
      %dma_wait3A_1518 = arith.constant 0 : i32
      %dma_wait3A_1519 = tpu.memref_slice %arg9[%dma_wait3A_1517, %dma_wait3A_1518] : memref<400x128xf32, #tpu.memory_space<vmem>> -> memref<200x64xf32, #tpu.memory_space<vmem>>
      %dma_wait3A_1520 = arith.constant 0 : i32
      %dma_wait3A_1521 = arith.constant 0 : i32
      %dma_wait3A_1522 = tpu.memref_slice %arg5[%add3A_420, %dma_wait3A_1520, %dma_wait3A_1521] : memref<1024x200x64xf32, #tpu.memory_space<hbm>> -> memref<1x200x64xf32, #tpu.memory_space<hbm>>
      %dma_wait3A_1523 = tpu.memref_squeeze %dma_wait3A_1522 : memref<1x200x64xf32, #tpu.memory_space<hbm>> -> memref<200x64xf32, #tpu.memory_space<hbm>>
      %dma_wait3A_1524 = arith.constant 0 : i32
      %dma_wait3A_1525 = arith.constant 0 : i32
      %dma_wait3A_1526 = tpu.memref_slice %arg5[%add3A_420, %dma_wait3A_1524, %dma_wait3A_1525] : memref<1024x200x64xf32, #tpu.memory_space<hbm>> -> memref<1x200x64xf32, #tpu.memory_space<hbm>>
      %dma_wait3A_1527 = tpu.memref_squeeze %dma_wait3A_1526 : memref<1x200x64xf32, #tpu.memory_space<hbm>> -> memref<200x64xf32, #tpu.memory_space<hbm>>
      %dma_wait3A_1528 = arith.constant 200 : i32
      %dma_wait3A_1529 = arith.constant 0 : i32
      %dma_wait3A_1530 = tpu.memref_slice %arg9[%dma_wait3A_1528, %dma_wait3A_1529] : memref<400x128xf32, #tpu.memory_space<vmem>> -> memref<200x64xf32, #tpu.memory_space<vmem>>
      tpu.wait_dma2 semaphore(%run_scoped3A : memref<!tpu.dma_semaphore, #tpu.memory_space<semaphore_mem>>) src(%dma_wait3A_1530 : memref<200x64xf32, #tpu.memory_space<vmem>>) dst(%dma_wait3A_1527 : memref<200x64xf32, #tpu.memory_space<hbm>>)
      tpu.yield
    }) : () -> ()
    %mul3A_421 = arith.constant 32 : i32
    %mul3A_422 = arith.muli %add3A, %mul3A_421 : i32
    %add3A_423 = arith.constant 10 : i32
    %add3A_424 = arith.addi %mul3A_422, %add3A_423 : i32
    %mul3A_425 = arith.constant 2 : i32
    %mul3A_426 = arith.muli %add3A_424, %mul3A_425 : i32
    "tpu.region"() ({
      %run_scoped3A = tpu.sem_alloc : memref<!tpu.dma_semaphore, #tpu.memory_space<semaphore_mem>>
      %dma_start3A_1503 = arith.constant 0 : i32
      %dma_start3A_1504 = tpu.memref_slice %arg3[%mul3A_426, %dma_start3A_1503] : memref<2048x128xi32, #tpu.memory_space<hbm>> -> memref<4x96xi32, #tpu.memory_space<hbm>>
      %dma_start3A_1505 = arith.constant 0 : i32
      %dma_start3A_1506 = tpu.memref_slice %arg3[%mul3A_426, %dma_start3A_1505] : memref<2048x128xi32, #tpu.memory_space<hbm>> -> memref<4x96xi32, #tpu.memory_space<hbm>>
      tpu.enqueue_dma source(%dma_start3A_1506 : memref<4x96xi32, #tpu.memory_space<hbm>>) target(%arg7 : memref<4x96xi32, #tpu.memory_space<vmem>>) target_semaphore(%run_scoped3A : memref<!tpu.dma_semaphore, #tpu.memory_space<semaphore_mem>>)
      %dma_wait3A_1507 = arith.constant 0 : i32
      %dma_wait3A_1508 = tpu.memref_slice %arg3[%mul3A_426, %dma_wait3A_1507] : memref<2048x128xi32, #tpu.memory_space<hbm>> -> memref<4x96xi32, #tpu.memory_space<hbm>>
      %dma_wait3A_1509 = arith.constant 0 : i32
      %dma_wait3A_1510 = tpu.memref_slice %arg3[%mul3A_426, %dma_wait3A_1509] : memref<2048x128xi32, #tpu.memory_space<hbm>> -> memref<4x96xi32, #tpu.memory_space<hbm>>
      tpu.wait_dma2 semaphore(%run_scoped3A : memref<!tpu.dma_semaphore, #tpu.memory_space<semaphore_mem>>) src(%dma_wait3A_1510 : memref<4x96xi32, #tpu.memory_space<hbm>>) dst(%arg7 : memref<4x96xi32, #tpu.memory_space<vmem>>)
      tpu.yield
    }) : () -> ()
    %dma_start3A_427 = arith.constant 0 : i32
    %dma_start3A_428 = arith.constant 10 : i32
    %dma_start3A_429 = arith.constant 0 : i32
    %dma_start3A_430 = tpu.memref_slice %arg9[%dma_start3A_428, %dma_start3A_429] : memref<400x128xf32, #tpu.memory_space<vmem>> -> memref<96x128xf32, #tpu.memory_space<vmem>>
    %dma_start3A_431 = arith.constant 0 : i32
    %dma_start3A_432 = tpu.memref_slice %arg7[%dma_start3A_427, %dma_start3A_431] : memref<4x96xi32, #tpu.memory_space<vmem>> -> memref<1x96xi32, #tpu.memory_space<vmem>>
    %dma_start3A_433 = tpu.memref_squeeze %dma_start3A_432 : memref<1x96xi32, #tpu.memory_space<vmem>> -> memref<96xi32, #tpu.memory_space<vmem>>
    %dma_start3A_434 = arith.constant 0 : i32
    %dma_start3A_435 = arith.constant 0 : i32
    %dma_start3A_436 = tpu.memref_slice %arg2[%dma_start3A_434, %dma_start3A_435] : memref<1000000x128xf32, #tpu.memory_space<hbm>> -> memref<1000000x128xf32, #tpu.memory_space<hbm>>
    tpu.enqueue_indirect_dma source(%dma_start3A_436 : memref<1000000x128xf32, #tpu.memory_space<hbm>>) target(%dma_start3A_430 : memref<96x128xf32, #tpu.memory_space<vmem>>) offsets(%dma_start3A_433 : memref<96xi32, #tpu.memory_space<vmem>>) semaphore(%arg11 : memref<!tpu.dma_semaphore, #tpu.memory_space<semaphore_mem>>)
    %dma_start3A_437 = arith.constant 1 : i32
    %dma_start3A_438 = arith.constant 104 : i32
    %dma_start3A_439 = arith.constant 0 : i32
    %dma_start3A_440 = tpu.memref_slice %arg9[%dma_start3A_438, %dma_start3A_439] : memref<400x128xf32, #tpu.memory_space<vmem>> -> memref<96x128xf32, #tpu.memory_space<vmem>>
    %dma_start3A_441 = arith.constant 0 : i32
    %dma_start3A_442 = tpu.memref_slice %arg7[%dma_start3A_437, %dma_start3A_441] : memref<4x96xi32, #tpu.memory_space<vmem>> -> memref<1x96xi32, #tpu.memory_space<vmem>>
    %dma_start3A_443 = tpu.memref_squeeze %dma_start3A_442 : memref<1x96xi32, #tpu.memory_space<vmem>> -> memref<96xi32, #tpu.memory_space<vmem>>
    %dma_start3A_444 = arith.constant 0 : i32
    %dma_start3A_445 = arith.constant 0 : i32
    %dma_start3A_446 = tpu.memref_slice %arg2[%dma_start3A_444, %dma_start3A_445] : memref<1000000x128xf32, #tpu.memory_space<hbm>> -> memref<1000000x128xf32, #tpu.memory_space<hbm>>
    tpu.enqueue_indirect_dma source(%dma_start3A_446 : memref<1000000x128xf32, #tpu.memory_space<hbm>>) target(%dma_start3A_440 : memref<96x128xf32, #tpu.memory_space<vmem>>) offsets(%dma_start3A_443 : memref<96xi32, #tpu.memory_space<vmem>>) semaphore(%arg11 : memref<!tpu.dma_semaphore, #tpu.memory_space<semaphore_mem>>)
    %dma_start3A_447 = arith.constant 2 : i32
    %dma_start3A_448 = arith.constant 210 : i32
    %dma_start3A_449 = arith.constant 0 : i32
    %dma_start3A_450 = tpu.memref_slice %arg9[%dma_start3A_448, %dma_start3A_449] : memref<400x128xf32, #tpu.memory_space<vmem>> -> memref<96x128xf32, #tpu.memory_space<vmem>>
    %dma_start3A_451 = arith.constant 0 : i32
    %dma_start3A_452 = tpu.memref_slice %arg7[%dma_start3A_447, %dma_start3A_451] : memref<4x96xi32, #tpu.memory_space<vmem>> -> memref<1x96xi32, #tpu.memory_space<vmem>>
    %dma_start3A_453 = tpu.memref_squeeze %dma_start3A_452 : memref<1x96xi32, #tpu.memory_space<vmem>> -> memref<96xi32, #tpu.memory_space<vmem>>
    %dma_start3A_454 = arith.constant 0 : i32
    %dma_start3A_455 = arith.constant 0 : i32
    %dma_start3A_456 = tpu.memref_slice %arg2[%dma_start3A_454, %dma_start3A_455] : memref<1000000x128xf32, #tpu.memory_space<hbm>> -> memref<1000000x128xf32, #tpu.memory_space<hbm>>
    tpu.enqueue_indirect_dma source(%dma_start3A_456 : memref<1000000x128xf32, #tpu.memory_space<hbm>>) target(%dma_start3A_450 : memref<96x128xf32, #tpu.memory_space<vmem>>) offsets(%dma_start3A_453 : memref<96xi32, #tpu.memory_space<vmem>>) semaphore(%arg11 : memref<!tpu.dma_semaphore, #tpu.memory_space<semaphore_mem>>)
    %dma_start3A_457 = arith.constant 3 : i32
    %dma_start3A_458 = arith.constant 304 : i32
    %dma_start3A_459 = arith.constant 0 : i32
    %dma_start3A_460 = tpu.memref_slice %arg9[%dma_start3A_458, %dma_start3A_459] : memref<400x128xf32, #tpu.memory_space<vmem>> -> memref<96x128xf32, #tpu.memory_space<vmem>>
    %dma_start3A_461 = arith.constant 0 : i32
    %dma_start3A_462 = tpu.memref_slice %arg7[%dma_start3A_457, %dma_start3A_461] : memref<4x96xi32, #tpu.memory_space<vmem>> -> memref<1x96xi32, #tpu.memory_space<vmem>>
    %dma_start3A_463 = tpu.memref_squeeze %dma_start3A_462 : memref<1x96xi32, #tpu.memory_space<vmem>> -> memref<96xi32, #tpu.memory_space<vmem>>
    %dma_start3A_464 = arith.constant 0 : i32
    %dma_start3A_465 = arith.constant 0 : i32
    %dma_start3A_466 = tpu.memref_slice %arg2[%dma_start3A_464, %dma_start3A_465] : memref<1000000x128xf32, #tpu.memory_space<hbm>> -> memref<1000000x128xf32, #tpu.memory_space<hbm>>
    tpu.enqueue_indirect_dma source(%dma_start3A_466 : memref<1000000x128xf32, #tpu.memory_space<hbm>>) target(%dma_start3A_460 : memref<96x128xf32, #tpu.memory_space<vmem>>) offsets(%dma_start3A_463 : memref<96xi32, #tpu.memory_space<vmem>>) semaphore(%arg11 : memref<!tpu.dma_semaphore, #tpu.memory_space<semaphore_mem>>)
    %dma_wait3A_467 = arith.constant 0 : i32
    %dma_wait3A_468 = arith.constant 10 : i32
    %dma_wait3A_469 = arith.constant 0 : i32
    %dma_wait3A_470 = tpu.memref_slice %arg8[%dma_wait3A_468, %dma_wait3A_469] : memref<400x128xf32, #tpu.memory_space<vmem>> -> memref<96x128xf32, #tpu.memory_space<vmem>>
    %dma_wait3A_471 = arith.constant 0 : i32
    %dma_wait3A_472 = tpu.memref_slice %arg6[%dma_wait3A_467, %dma_wait3A_471] : memref<4x96xi32, #tpu.memory_space<vmem>> -> memref<1x96xi32, #tpu.memory_space<vmem>>
    %dma_wait3A_473 = tpu.memref_squeeze %dma_wait3A_472 : memref<1x96xi32, #tpu.memory_space<vmem>> -> memref<96xi32, #tpu.memory_space<vmem>>
    %dma_wait3A_474 = arith.constant 0 : i32
    %dma_wait3A_475 = arith.constant 0 : i32
    %dma_wait3A_476 = tpu.memref_slice %arg2[%dma_wait3A_474, %dma_wait3A_475] : memref<1000000x128xf32, #tpu.memory_space<hbm>> -> memref<1000000x128xf32, #tpu.memory_space<hbm>>
    tpu.wait_indirect_dma semaphore(%arg10 : memref<!tpu.dma_semaphore, #tpu.memory_space<semaphore_mem>>) src(%dma_wait3A_476 : memref<1000000x128xf32, #tpu.memory_space<hbm>>) dst(%dma_wait3A_470 : memref<96x128xf32, #tpu.memory_space<vmem>>)
    %dma_wait3A_477 = arith.constant 1 : i32
    %dma_wait3A_478 = arith.constant 104 : i32
    %dma_wait3A_479 = arith.constant 0 : i32
    %dma_wait3A_480 = tpu.memref_slice %arg8[%dma_wait3A_478, %dma_wait3A_479] : memref<400x128xf32, #tpu.memory_space<vmem>> -> memref<96x128xf32, #tpu.memory_space<vmem>>
    %dma_wait3A_481 = arith.constant 0 : i32
    %dma_wait3A_482 = tpu.memref_slice %arg6[%dma_wait3A_477, %dma_wait3A_481] : memref<4x96xi32, #tpu.memory_space<vmem>> -> memref<1x96xi32, #tpu.memory_space<vmem>>
    %dma_wait3A_483 = tpu.memref_squeeze %dma_wait3A_482 : memref<1x96xi32, #tpu.memory_space<vmem>> -> memref<96xi32, #tpu.memory_space<vmem>>
    %dma_wait3A_484 = arith.constant 0 : i32
    %dma_wait3A_485 = arith.constant 0 : i32
    %dma_wait3A_486 = tpu.memref_slice %arg2[%dma_wait3A_484, %dma_wait3A_485] : memref<1000000x128xf32, #tpu.memory_space<hbm>> -> memref<1000000x128xf32, #tpu.memory_space<hbm>>
    tpu.wait_indirect_dma semaphore(%arg10 : memref<!tpu.dma_semaphore, #tpu.memory_space<semaphore_mem>>) src(%dma_wait3A_486 : memref<1000000x128xf32, #tpu.memory_space<hbm>>) dst(%dma_wait3A_480 : memref<96x128xf32, #tpu.memory_space<vmem>>)
    %dma_wait3A_487 = arith.constant 2 : i32
    %dma_wait3A_488 = arith.constant 210 : i32
    %dma_wait3A_489 = arith.constant 0 : i32
    %dma_wait3A_490 = tpu.memref_slice %arg8[%dma_wait3A_488, %dma_wait3A_489] : memref<400x128xf32, #tpu.memory_space<vmem>> -> memref<96x128xf32, #tpu.memory_space<vmem>>
    %dma_wait3A_491 = arith.constant 0 : i32
    %dma_wait3A_492 = tpu.memref_slice %arg6[%dma_wait3A_487, %dma_wait3A_491] : memref<4x96xi32, #tpu.memory_space<vmem>> -> memref<1x96xi32, #tpu.memory_space<vmem>>
    %dma_wait3A_493 = tpu.memref_squeeze %dma_wait3A_492 : memref<1x96xi32, #tpu.memory_space<vmem>> -> memref<96xi32, #tpu.memory_space<vmem>>
    %dma_wait3A_494 = arith.constant 0 : i32
    %dma_wait3A_495 = arith.constant 0 : i32
    %dma_wait3A_496 = tpu.memref_slice %arg2[%dma_wait3A_494, %dma_wait3A_495] : memref<1000000x128xf32, #tpu.memory_space<hbm>> -> memref<1000000x128xf32, #tpu.memory_space<hbm>>
    tpu.wait_indirect_dma semaphore(%arg10 : memref<!tpu.dma_semaphore, #tpu.memory_space<semaphore_mem>>) src(%dma_wait3A_496 : memref<1000000x128xf32, #tpu.memory_space<hbm>>) dst(%dma_wait3A_490 : memref<96x128xf32, #tpu.memory_space<vmem>>)
    %dma_wait3A_497 = arith.constant 3 : i32
    %dma_wait3A_498 = arith.constant 304 : i32
    %dma_wait3A_499 = arith.constant 0 : i32
    %dma_wait3A_500 = tpu.memref_slice %arg8[%dma_wait3A_498, %dma_wait3A_499] : memref<400x128xf32, #tpu.memory_space<vmem>> -> memref<96x128xf32, #tpu.memory_space<vmem>>
    %dma_wait3A_501 = arith.constant 0 : i32
    %dma_wait3A_502 = tpu.memref_slice %arg6[%dma_wait3A_497, %dma_wait3A_501] : memref<4x96xi32, #tpu.memory_space<vmem>> -> memref<1x96xi32, #tpu.memory_space<vmem>>
    %dma_wait3A_503 = tpu.memref_squeeze %dma_wait3A_502 : memref<1x96xi32, #tpu.memory_space<vmem>> -> memref<96xi32, #tpu.memory_space<vmem>>
    %dma_wait3A_504 = arith.constant 0 : i32
    %dma_wait3A_505 = arith.constant 0 : i32
    %dma_wait3A_506 = tpu.memref_slice %arg2[%dma_wait3A_504, %dma_wait3A_505] : memref<1000000x128xf32, #tpu.memory_space<hbm>> -> memref<1000000x128xf32, #tpu.memory_space<hbm>>
    tpu.wait_indirect_dma semaphore(%arg10 : memref<!tpu.dma_semaphore, #tpu.memory_space<semaphore_mem>>) src(%dma_wait3A_506 : memref<1000000x128xf32, #tpu.memory_space<hbm>>) dst(%dma_wait3A_500 : memref<96x128xf32, #tpu.memory_space<vmem>>)
    %mul3A_507 = arith.constant 32 : i32
    %mul3A_508 = arith.muli %add3A, %mul3A_507 : i32
    %add3A_509 = arith.constant 8 : i32
    %add3A_510 = arith.addi %mul3A_508, %add3A_509 : i32
    %add3A_511 = arith.constant 0 : i32
    %add3A_512 = arith.addi %add3A_510, %add3A_511 : i32
    "tpu.region"() ({
      %run_scoped3A = tpu.sem_alloc : memref<!tpu.dma_semaphore, #tpu.memory_space<semaphore_mem>>
      %dma_start3A_1503 = arith.constant 0 : i32
      %dma_start3A_1504 = arith.constant 0 : i32
      %dma_start3A_1505 = tpu.memref_slice %arg8[%dma_start3A_1503, %dma_start3A_1504] : memref<400x128xf32, #tpu.memory_space<vmem>> -> memref<200x64xf32, #tpu.memory_space<vmem>>
      %dma_start3A_1506 = arith.constant 0 : i32
      %dma_start3A_1507 = arith.constant 0 : i32
      %dma_start3A_1508 = tpu.memref_slice %arg5[%add3A_512, %dma_start3A_1506, %dma_start3A_1507] : memref<1024x200x64xf32, #tpu.memory_space<hbm>> -> memref<1x200x64xf32, #tpu.memory_space<hbm>>
      %dma_start3A_1509 = tpu.memref_squeeze %dma_start3A_1508 : memref<1x200x64xf32, #tpu.memory_space<hbm>> -> memref<200x64xf32, #tpu.memory_space<hbm>>
      %dma_start3A_1510 = arith.constant 0 : i32
      %dma_start3A_1511 = arith.constant 0 : i32
      %dma_start3A_1512 = tpu.memref_slice %arg5[%add3A_512, %dma_start3A_1510, %dma_start3A_1511] : memref<1024x200x64xf32, #tpu.memory_space<hbm>> -> memref<1x200x64xf32, #tpu.memory_space<hbm>>
      %dma_start3A_1513 = tpu.memref_squeeze %dma_start3A_1512 : memref<1x200x64xf32, #tpu.memory_space<hbm>> -> memref<200x64xf32, #tpu.memory_space<hbm>>
      %dma_start3A_1514 = arith.constant 0 : i32
      %dma_start3A_1515 = arith.constant 0 : i32
      %dma_start3A_1516 = tpu.memref_slice %arg8[%dma_start3A_1514, %dma_start3A_1515] : memref<400x128xf32, #tpu.memory_space<vmem>> -> memref<200x64xf32, #tpu.memory_space<vmem>>
      tpu.enqueue_dma source(%dma_start3A_1516 : memref<200x64xf32, #tpu.memory_space<vmem>>) target(%dma_start3A_1513 : memref<200x64xf32, #tpu.memory_space<hbm>>) target_semaphore(%run_scoped3A : memref<!tpu.dma_semaphore, #tpu.memory_space<semaphore_mem>>)
      %dma_wait3A_1517 = arith.constant 0 : i32
      %dma_wait3A_1518 = arith.constant 0 : i32
      %dma_wait3A_1519 = tpu.memref_slice %arg8[%dma_wait3A_1517, %dma_wait3A_1518] : memref<400x128xf32, #tpu.memory_space<vmem>> -> memref<200x64xf32, #tpu.memory_space<vmem>>
      %dma_wait3A_1520 = arith.constant 0 : i32
      %dma_wait3A_1521 = arith.constant 0 : i32
      %dma_wait3A_1522 = tpu.memref_slice %arg5[%add3A_512, %dma_wait3A_1520, %dma_wait3A_1521] : memref<1024x200x64xf32, #tpu.memory_space<hbm>> -> memref<1x200x64xf32, #tpu.memory_space<hbm>>
      %dma_wait3A_1523 = tpu.memref_squeeze %dma_wait3A_1522 : memref<1x200x64xf32, #tpu.memory_space<hbm>> -> memref<200x64xf32, #tpu.memory_space<hbm>>
      %dma_wait3A_1524 = arith.constant 0 : i32
      %dma_wait3A_1525 = arith.constant 0 : i32
      %dma_wait3A_1526 = tpu.memref_slice %arg5[%add3A_512, %dma_wait3A_1524, %dma_wait3A_1525] : memref<1024x200x64xf32, #tpu.memory_space<hbm>> -> memref<1x200x64xf32, #tpu.memory_space<hbm>>
      %dma_wait3A_1527 = tpu.memref_squeeze %dma_wait3A_1526 : memref<1x200x64xf32, #tpu.memory_space<hbm>> -> memref<200x64xf32, #tpu.memory_space<hbm>>
      %dma_wait3A_1528 = arith.constant 0 : i32
      %dma_wait3A_1529 = arith.constant 0 : i32
      %dma_wait3A_1530 = tpu.memref_slice %arg8[%dma_wait3A_1528, %dma_wait3A_1529] : memref<400x128xf32, #tpu.memory_space<vmem>> -> memref<200x64xf32, #tpu.memory_space<vmem>>
      tpu.wait_dma2 semaphore(%run_scoped3A : memref<!tpu.dma_semaphore, #tpu.memory_space<semaphore_mem>>) src(%dma_wait3A_1530 : memref<200x64xf32, #tpu.memory_space<vmem>>) dst(%dma_wait3A_1527 : memref<200x64xf32, #tpu.memory_space<hbm>>)
      tpu.yield
    }) : () -> ()
    %add3A_513 = arith.constant 1 : i32
    %add3A_514 = arith.addi %add3A_510, %add3A_513 : i32
    "tpu.region"() ({
      %run_scoped3A = tpu.sem_alloc : memref<!tpu.dma_semaphore, #tpu.memory_space<semaphore_mem>>
      %dma_start3A_1503 = arith.constant 200 : i32
      %dma_start3A_1504 = arith.constant 0 : i32
      %dma_start3A_1505 = tpu.memref_slice %arg8[%dma_start3A_1503, %dma_start3A_1504] : memref<400x128xf32, #tpu.memory_space<vmem>> -> memref<200x64xf32, #tpu.memory_space<vmem>>
      %dma_start3A_1506 = arith.constant 0 : i32
      %dma_start3A_1507 = arith.constant 0 : i32
      %dma_start3A_1508 = tpu.memref_slice %arg5[%add3A_514, %dma_start3A_1506, %dma_start3A_1507] : memref<1024x200x64xf32, #tpu.memory_space<hbm>> -> memref<1x200x64xf32, #tpu.memory_space<hbm>>
      %dma_start3A_1509 = tpu.memref_squeeze %dma_start3A_1508 : memref<1x200x64xf32, #tpu.memory_space<hbm>> -> memref<200x64xf32, #tpu.memory_space<hbm>>
      %dma_start3A_1510 = arith.constant 0 : i32
      %dma_start3A_1511 = arith.constant 0 : i32
      %dma_start3A_1512 = tpu.memref_slice %arg5[%add3A_514, %dma_start3A_1510, %dma_start3A_1511] : memref<1024x200x64xf32, #tpu.memory_space<hbm>> -> memref<1x200x64xf32, #tpu.memory_space<hbm>>
      %dma_start3A_1513 = tpu.memref_squeeze %dma_start3A_1512 : memref<1x200x64xf32, #tpu.memory_space<hbm>> -> memref<200x64xf32, #tpu.memory_space<hbm>>
      %dma_start3A_1514 = arith.constant 200 : i32
      %dma_start3A_1515 = arith.constant 0 : i32
      %dma_start3A_1516 = tpu.memref_slice %arg8[%dma_start3A_1514, %dma_start3A_1515] : memref<400x128xf32, #tpu.memory_space<vmem>> -> memref<200x64xf32, #tpu.memory_space<vmem>>
      tpu.enqueue_dma source(%dma_start3A_1516 : memref<200x64xf32, #tpu.memory_space<vmem>>) target(%dma_start3A_1513 : memref<200x64xf32, #tpu.memory_space<hbm>>) target_semaphore(%run_scoped3A : memref<!tpu.dma_semaphore, #tpu.memory_space<semaphore_mem>>)
      %dma_wait3A_1517 = arith.constant 200 : i32
      %dma_wait3A_1518 = arith.constant 0 : i32
      %dma_wait3A_1519 = tpu.memref_slice %arg8[%dma_wait3A_1517, %dma_wait3A_1518] : memref<400x128xf32, #tpu.memory_space<vmem>> -> memref<200x64xf32, #tpu.memory_space<vmem>>
      %dma_wait3A_1520 = arith.constant 0 : i32
      %dma_wait3A_1521 = arith.constant 0 : i32
      %dma_wait3A_1522 = tpu.memref_slice %arg5[%add3A_514, %dma_wait3A_1520, %dma_wait3A_1521] : memref<1024x200x64xf32, #tpu.memory_space<hbm>> -> memref<1x200x64xf32, #tpu.memory_space<hbm>>
      %dma_wait3A_1523 = tpu.memref_squeeze %dma_wait3A_1522 : memref<1x200x64xf32, #tpu.memory_space<hbm>> -> memref<200x64xf32, #tpu.memory_space<hbm>>
      %dma_wait3A_1524 = arith.constant 0 : i32
      %dma_wait3A_1525 = arith.constant 0 : i32
      %dma_wait3A_1526 = tpu.memref_slice %arg5[%add3A_514, %dma_wait3A_1524, %dma_wait3A_1525] : memref<1024x200x64xf32, #tpu.memory_space<hbm>> -> memref<1x200x64xf32, #tpu.memory_space<hbm>>
      %dma_wait3A_1527 = tpu.memref_squeeze %dma_wait3A_1526 : memref<1x200x64xf32, #tpu.memory_space<hbm>> -> memref<200x64xf32, #tpu.memory_space<hbm>>
      %dma_wait3A_1528 = arith.constant 200 : i32
      %dma_wait3A_1529 = arith.constant 0 : i32
      %dma_wait3A_1530 = tpu.memref_slice %arg8[%dma_wait3A_1528, %dma_wait3A_1529] : memref<400x128xf32, #tpu.memory_space<vmem>> -> memref<200x64xf32, #tpu.memory_space<vmem>>
      tpu.wait_dma2 semaphore(%run_scoped3A : memref<!tpu.dma_semaphore, #tpu.memory_space<semaphore_mem>>) src(%dma_wait3A_1530 : memref<200x64xf32, #tpu.memory_space<vmem>>) dst(%dma_wait3A_1527 : memref<200x64xf32, #tpu.memory_space<hbm>>)
      tpu.yield
    }) : () -> ()
    %mul3A_515 = arith.constant 32 : i32
    %mul3A_516 = arith.muli %add3A, %mul3A_515 : i32
    %add3A_517 = arith.constant 12 : i32
    %add3A_518 = arith.addi %mul3A_516, %add3A_517 : i32
    %mul3A_519 = arith.constant 2 : i32
    %mul3A_520 = arith.muli %add3A_518, %mul3A_519 : i32
    "tpu.region"() ({
      %run_scoped3A = tpu.sem_alloc : memref<!tpu.dma_semaphore, #tpu.memory_space<semaphore_mem>>
      %dma_start3A_1503 = arith.constant 0 : i32
      %dma_start3A_1504 = tpu.memref_slice %arg3[%mul3A_520, %dma_start3A_1503] : memref<2048x128xi32, #tpu.memory_space<hbm>> -> memref<4x96xi32, #tpu.memory_space<hbm>>
      %dma_start3A_1505 = arith.constant 0 : i32
      %dma_start3A_1506 = tpu.memref_slice %arg3[%mul3A_520, %dma_start3A_1505] : memref<2048x128xi32, #tpu.memory_space<hbm>> -> memref<4x96xi32, #tpu.memory_space<hbm>>
      tpu.enqueue_dma source(%dma_start3A_1506 : memref<4x96xi32, #tpu.memory_space<hbm>>) target(%arg6 : memref<4x96xi32, #tpu.memory_space<vmem>>) target_semaphore(%run_scoped3A : memref<!tpu.dma_semaphore, #tpu.memory_space<semaphore_mem>>)
      %dma_wait3A_1507 = arith.constant 0 : i32
      %dma_wait3A_1508 = tpu.memref_slice %arg3[%mul3A_520, %dma_wait3A_1507] : memref<2048x128xi32, #tpu.memory_space<hbm>> -> memref<4x96xi32, #tpu.memory_space<hbm>>
      %dma_wait3A_1509 = arith.constant 0 : i32
      %dma_wait3A_1510 = tpu.memref_slice %arg3[%mul3A_520, %dma_wait3A_1509] : memref<2048x128xi32, #tpu.memory_space<hbm>> -> memref<4x96xi32, #tpu.memory_space<hbm>>
      tpu.wait_dma2 semaphore(%run_scoped3A : memref<!tpu.dma_semaphore, #tpu.memory_space<semaphore_mem>>) src(%dma_wait3A_1510 : memref<4x96xi32, #tpu.memory_space<hbm>>) dst(%arg6 : memref<4x96xi32, #tpu.memory_space<vmem>>)
      tpu.yield
    }) : () -> ()
    %dma_start3A_521 = arith.constant 0 : i32
    %dma_start3A_522 = arith.constant 10 : i32
    %dma_start3A_523 = arith.constant 0 : i32
    %dma_start3A_524 = tpu.memref_slice %arg8[%dma_start3A_522, %dma_start3A_523] : memref<400x128xf32, #tpu.memory_space<vmem>> -> memref<96x128xf32, #tpu.memory_space<vmem>>
    %dma_start3A_525 = arith.constant 0 : i32
    %dma_start3A_526 = tpu.memref_slice %arg6[%dma_start3A_521, %dma_start3A_525] : memref<4x96xi32, #tpu.memory_space<vmem>> -> memref<1x96xi32, #tpu.memory_space<vmem>>
    %dma_start3A_527 = tpu.memref_squeeze %dma_start3A_526 : memref<1x96xi32, #tpu.memory_space<vmem>> -> memref<96xi32, #tpu.memory_space<vmem>>
    %dma_start3A_528 = arith.constant 0 : i32
    %dma_start3A_529 = arith.constant 0 : i32
    %dma_start3A_530 = tpu.memref_slice %arg2[%dma_start3A_528, %dma_start3A_529] : memref<1000000x128xf32, #tpu.memory_space<hbm>> -> memref<1000000x128xf32, #tpu.memory_space<hbm>>
    tpu.enqueue_indirect_dma source(%dma_start3A_530 : memref<1000000x128xf32, #tpu.memory_space<hbm>>) target(%dma_start3A_524 : memref<96x128xf32, #tpu.memory_space<vmem>>) offsets(%dma_start3A_527 : memref<96xi32, #tpu.memory_space<vmem>>) semaphore(%arg10 : memref<!tpu.dma_semaphore, #tpu.memory_space<semaphore_mem>>)
    %dma_start3A_531 = arith.constant 1 : i32
    %dma_start3A_532 = arith.constant 104 : i32
    %dma_start3A_533 = arith.constant 0 : i32
    %dma_start3A_534 = tpu.memref_slice %arg8[%dma_start3A_532, %dma_start3A_533] : memref<400x128xf32, #tpu.memory_space<vmem>> -> memref<96x128xf32, #tpu.memory_space<vmem>>
    %dma_start3A_535 = arith.constant 0 : i32
    %dma_start3A_536 = tpu.memref_slice %arg6[%dma_start3A_531, %dma_start3A_535] : memref<4x96xi32, #tpu.memory_space<vmem>> -> memref<1x96xi32, #tpu.memory_space<vmem>>
    %dma_start3A_537 = tpu.memref_squeeze %dma_start3A_536 : memref<1x96xi32, #tpu.memory_space<vmem>> -> memref<96xi32, #tpu.memory_space<vmem>>
    %dma_start3A_538 = arith.constant 0 : i32
    %dma_start3A_539 = arith.constant 0 : i32
    %dma_start3A_540 = tpu.memref_slice %arg2[%dma_start3A_538, %dma_start3A_539] : memref<1000000x128xf32, #tpu.memory_space<hbm>> -> memref<1000000x128xf32, #tpu.memory_space<hbm>>
    tpu.enqueue_indirect_dma source(%dma_start3A_540 : memref<1000000x128xf32, #tpu.memory_space<hbm>>) target(%dma_start3A_534 : memref<96x128xf32, #tpu.memory_space<vmem>>) offsets(%dma_start3A_537 : memref<96xi32, #tpu.memory_space<vmem>>) semaphore(%arg10 : memref<!tpu.dma_semaphore, #tpu.memory_space<semaphore_mem>>)
    %dma_start3A_541 = arith.constant 2 : i32
    %dma_start3A_542 = arith.constant 210 : i32
    %dma_start3A_543 = arith.constant 0 : i32
    %dma_start3A_544 = tpu.memref_slice %arg8[%dma_start3A_542, %dma_start3A_543] : memref<400x128xf32, #tpu.memory_space<vmem>> -> memref<96x128xf32, #tpu.memory_space<vmem>>
    %dma_start3A_545 = arith.constant 0 : i32
    %dma_start3A_546 = tpu.memref_slice %arg6[%dma_start3A_541, %dma_start3A_545] : memref<4x96xi32, #tpu.memory_space<vmem>> -> memref<1x96xi32, #tpu.memory_space<vmem>>
    %dma_start3A_547 = tpu.memref_squeeze %dma_start3A_546 : memref<1x96xi32, #tpu.memory_space<vmem>> -> memref<96xi32, #tpu.memory_space<vmem>>
    %dma_start3A_548 = arith.constant 0 : i32
    %dma_start3A_549 = arith.constant 0 : i32
    %dma_start3A_550 = tpu.memref_slice %arg2[%dma_start3A_548, %dma_start3A_549] : memref<1000000x128xf32, #tpu.memory_space<hbm>> -> memref<1000000x128xf32, #tpu.memory_space<hbm>>
    tpu.enqueue_indirect_dma source(%dma_start3A_550 : memref<1000000x128xf32, #tpu.memory_space<hbm>>) target(%dma_start3A_544 : memref<96x128xf32, #tpu.memory_space<vmem>>) offsets(%dma_start3A_547 : memref<96xi32, #tpu.memory_space<vmem>>) semaphore(%arg10 : memref<!tpu.dma_semaphore, #tpu.memory_space<semaphore_mem>>)
    %dma_start3A_551 = arith.constant 3 : i32
    %dma_start3A_552 = arith.constant 304 : i32
    %dma_start3A_553 = arith.constant 0 : i32
    %dma_start3A_554 = tpu.memref_slice %arg8[%dma_start3A_552, %dma_start3A_553] : memref<400x128xf32, #tpu.memory_space<vmem>> -> memref<96x128xf32, #tpu.memory_space<vmem>>
    %dma_start3A_555 = arith.constant 0 : i32
    %dma_start3A_556 = tpu.memref_slice %arg6[%dma_start3A_551, %dma_start3A_555] : memref<4x96xi32, #tpu.memory_space<vmem>> -> memref<1x96xi32, #tpu.memory_space<vmem>>
    %dma_start3A_557 = tpu.memref_squeeze %dma_start3A_556 : memref<1x96xi32, #tpu.memory_space<vmem>> -> memref<96xi32, #tpu.memory_space<vmem>>
    %dma_start3A_558 = arith.constant 0 : i32
    %dma_start3A_559 = arith.constant 0 : i32
    %dma_start3A_560 = tpu.memref_slice %arg2[%dma_start3A_558, %dma_start3A_559] : memref<1000000x128xf32, #tpu.memory_space<hbm>> -> memref<1000000x128xf32, #tpu.memory_space<hbm>>
    tpu.enqueue_indirect_dma source(%dma_start3A_560 : memref<1000000x128xf32, #tpu.memory_space<hbm>>) target(%dma_start3A_554 : memref<96x128xf32, #tpu.memory_space<vmem>>) offsets(%dma_start3A_557 : memref<96xi32, #tpu.memory_space<vmem>>) semaphore(%arg10 : memref<!tpu.dma_semaphore, #tpu.memory_space<semaphore_mem>>)
    %dma_wait3A_561 = arith.constant 0 : i32
    %dma_wait3A_562 = arith.constant 10 : i32
    %dma_wait3A_563 = arith.constant 0 : i32
    %dma_wait3A_564 = tpu.memref_slice %arg9[%dma_wait3A_562, %dma_wait3A_563] : memref<400x128xf32, #tpu.memory_space<vmem>> -> memref<96x128xf32, #tpu.memory_space<vmem>>
    %dma_wait3A_565 = arith.constant 0 : i32
    %dma_wait3A_566 = tpu.memref_slice %arg7[%dma_wait3A_561, %dma_wait3A_565] : memref<4x96xi32, #tpu.memory_space<vmem>> -> memref<1x96xi32, #tpu.memory_space<vmem>>
    %dma_wait3A_567 = tpu.memref_squeeze %dma_wait3A_566 : memref<1x96xi32, #tpu.memory_space<vmem>> -> memref<96xi32, #tpu.memory_space<vmem>>
    %dma_wait3A_568 = arith.constant 0 : i32
    %dma_wait3A_569 = arith.constant 0 : i32
    %dma_wait3A_570 = tpu.memref_slice %arg2[%dma_wait3A_568, %dma_wait3A_569] : memref<1000000x128xf32, #tpu.memory_space<hbm>> -> memref<1000000x128xf32, #tpu.memory_space<hbm>>
    tpu.wait_indirect_dma semaphore(%arg11 : memref<!tpu.dma_semaphore, #tpu.memory_space<semaphore_mem>>) src(%dma_wait3A_570 : memref<1000000x128xf32, #tpu.memory_space<hbm>>) dst(%dma_wait3A_564 : memref<96x128xf32, #tpu.memory_space<vmem>>)
    %dma_wait3A_571 = arith.constant 1 : i32
    %dma_wait3A_572 = arith.constant 104 : i32
    %dma_wait3A_573 = arith.constant 0 : i32
    %dma_wait3A_574 = tpu.memref_slice %arg9[%dma_wait3A_572, %dma_wait3A_573] : memref<400x128xf32, #tpu.memory_space<vmem>> -> memref<96x128xf32, #tpu.memory_space<vmem>>
    %dma_wait3A_575 = arith.constant 0 : i32
    %dma_wait3A_576 = tpu.memref_slice %arg7[%dma_wait3A_571, %dma_wait3A_575] : memref<4x96xi32, #tpu.memory_space<vmem>> -> memref<1x96xi32, #tpu.memory_space<vmem>>
    %dma_wait3A_577 = tpu.memref_squeeze %dma_wait3A_576 : memref<1x96xi32, #tpu.memory_space<vmem>> -> memref<96xi32, #tpu.memory_space<vmem>>
    %dma_wait3A_578 = arith.constant 0 : i32
    %dma_wait3A_579 = arith.constant 0 : i32
    %dma_wait3A_580 = tpu.memref_slice %arg2[%dma_wait3A_578, %dma_wait3A_579] : memref<1000000x128xf32, #tpu.memory_space<hbm>> -> memref<1000000x128xf32, #tpu.memory_space<hbm>>
    tpu.wait_indirect_dma semaphore(%arg11 : memref<!tpu.dma_semaphore, #tpu.memory_space<semaphore_mem>>) src(%dma_wait3A_580 : memref<1000000x128xf32, #tpu.memory_space<hbm>>) dst(%dma_wait3A_574 : memref<96x128xf32, #tpu.memory_space<vmem>>)
    %dma_wait3A_581 = arith.constant 2 : i32
    %dma_wait3A_582 = arith.constant 210 : i32
    %dma_wait3A_583 = arith.constant 0 : i32
    %dma_wait3A_584 = tpu.memref_slice %arg9[%dma_wait3A_582, %dma_wait3A_583] : memref<400x128xf32, #tpu.memory_space<vmem>> -> memref<96x128xf32, #tpu.memory_space<vmem>>
    %dma_wait3A_585 = arith.constant 0 : i32
    %dma_wait3A_586 = tpu.memref_slice %arg7[%dma_wait3A_581, %dma_wait3A_585] : memref<4x96xi32, #tpu.memory_space<vmem>> -> memref<1x96xi32, #tpu.memory_space<vmem>>
    %dma_wait3A_587 = tpu.memref_squeeze %dma_wait3A_586 : memref<1x96xi32, #tpu.memory_space<vmem>> -> memref<96xi32, #tpu.memory_space<vmem>>
    %dma_wait3A_588 = arith.constant 0 : i32
    %dma_wait3A_589 = arith.constant 0 : i32
    %dma_wait3A_590 = tpu.memref_slice %arg2[%dma_wait3A_588, %dma_wait3A_589] : memref<1000000x128xf32, #tpu.memory_space<hbm>> -> memref<1000000x128xf32, #tpu.memory_space<hbm>>
    tpu.wait_indirect_dma semaphore(%arg11 : memref<!tpu.dma_semaphore, #tpu.memory_space<semaphore_mem>>) src(%dma_wait3A_590 : memref<1000000x128xf32, #tpu.memory_space<hbm>>) dst(%dma_wait3A_584 : memref<96x128xf32, #tpu.memory_space<vmem>>)
    %dma_wait3A_591 = arith.constant 3 : i32
    %dma_wait3A_592 = arith.constant 304 : i32
    %dma_wait3A_593 = arith.constant 0 : i32
    %dma_wait3A_594 = tpu.memref_slice %arg9[%dma_wait3A_592, %dma_wait3A_593] : memref<400x128xf32, #tpu.memory_space<vmem>> -> memref<96x128xf32, #tpu.memory_space<vmem>>
    %dma_wait3A_595 = arith.constant 0 : i32
    %dma_wait3A_596 = tpu.memref_slice %arg7[%dma_wait3A_591, %dma_wait3A_595] : memref<4x96xi32, #tpu.memory_space<vmem>> -> memref<1x96xi32, #tpu.memory_space<vmem>>
    %dma_wait3A_597 = tpu.memref_squeeze %dma_wait3A_596 : memref<1x96xi32, #tpu.memory_space<vmem>> -> memref<96xi32, #tpu.memory_space<vmem>>
    %dma_wait3A_598 = arith.constant 0 : i32
    %dma_wait3A_599 = arith.constant 0 : i32
    %dma_wait3A_600 = tpu.memref_slice %arg2[%dma_wait3A_598, %dma_wait3A_599] : memref<1000000x128xf32, #tpu.memory_space<hbm>> -> memref<1000000x128xf32, #tpu.memory_space<hbm>>
    tpu.wait_indirect_dma semaphore(%arg11 : memref<!tpu.dma_semaphore, #tpu.memory_space<semaphore_mem>>) src(%dma_wait3A_600 : memref<1000000x128xf32, #tpu.memory_space<hbm>>) dst(%dma_wait3A_594 : memref<96x128xf32, #tpu.memory_space<vmem>>)
    %mul3A_601 = arith.constant 32 : i32
    %mul3A_602 = arith.muli %add3A, %mul3A_601 : i32
    %add3A_603 = arith.constant 10 : i32
    %add3A_604 = arith.addi %mul3A_602, %add3A_603 : i32
    %add3A_605 = arith.constant 0 : i32
    %add3A_606 = arith.addi %add3A_604, %add3A_605 : i32
    "tpu.region"() ({
      %run_scoped3A = tpu.sem_alloc : memref<!tpu.dma_semaphore, #tpu.memory_space<semaphore_mem>>
      %dma_start3A_1503 = arith.constant 0 : i32
      %dma_start3A_1504 = arith.constant 0 : i32
      %dma_start3A_1505 = tpu.memref_slice %arg9[%dma_start3A_1503, %dma_start3A_1504] : memref<400x128xf32, #tpu.memory_space<vmem>> -> memref<200x64xf32, #tpu.memory_space<vmem>>
      %dma_start3A_1506 = arith.constant 0 : i32
      %dma_start3A_1507 = arith.constant 0 : i32
      %dma_start3A_1508 = tpu.memref_slice %arg5[%add3A_606, %dma_start3A_1506, %dma_start3A_1507] : memref<1024x200x64xf32, #tpu.memory_space<hbm>> -> memref<1x200x64xf32, #tpu.memory_space<hbm>>
      %dma_start3A_1509 = tpu.memref_squeeze %dma_start3A_1508 : memref<1x200x64xf32, #tpu.memory_space<hbm>> -> memref<200x64xf32, #tpu.memory_space<hbm>>
      %dma_start3A_1510 = arith.constant 0 : i32
      %dma_start3A_1511 = arith.constant 0 : i32
      %dma_start3A_1512 = tpu.memref_slice %arg5[%add3A_606, %dma_start3A_1510, %dma_start3A_1511] : memref<1024x200x64xf32, #tpu.memory_space<hbm>> -> memref<1x200x64xf32, #tpu.memory_space<hbm>>
      %dma_start3A_1513 = tpu.memref_squeeze %dma_start3A_1512 : memref<1x200x64xf32, #tpu.memory_space<hbm>> -> memref<200x64xf32, #tpu.memory_space<hbm>>
      %dma_start3A_1514 = arith.constant 0 : i32
      %dma_start3A_1515 = arith.constant 0 : i32
      %dma_start3A_1516 = tpu.memref_slice %arg9[%dma_start3A_1514, %dma_start3A_1515] : memref<400x128xf32, #tpu.memory_space<vmem>> -> memref<200x64xf32, #tpu.memory_space<vmem>>
      tpu.enqueue_dma source(%dma_start3A_1516 : memref<200x64xf32, #tpu.memory_space<vmem>>) target(%dma_start3A_1513 : memref<200x64xf32, #tpu.memory_space<hbm>>) target_semaphore(%run_scoped3A : memref<!tpu.dma_semaphore, #tpu.memory_space<semaphore_mem>>)
      %dma_wait3A_1517 = arith.constant 0 : i32
      %dma_wait3A_1518 = arith.constant 0 : i32
      %dma_wait3A_1519 = tpu.memref_slice %arg9[%dma_wait3A_1517, %dma_wait3A_1518] : memref<400x128xf32, #tpu.memory_space<vmem>> -> memref<200x64xf32, #tpu.memory_space<vmem>>
      %dma_wait3A_1520 = arith.constant 0 : i32
      %dma_wait3A_1521 = arith.constant 0 : i32
      %dma_wait3A_1522 = tpu.memref_slice %arg5[%add3A_606, %dma_wait3A_1520, %dma_wait3A_1521] : memref<1024x200x64xf32, #tpu.memory_space<hbm>> -> memref<1x200x64xf32, #tpu.memory_space<hbm>>
      %dma_wait3A_1523 = tpu.memref_squeeze %dma_wait3A_1522 : memref<1x200x64xf32, #tpu.memory_space<hbm>> -> memref<200x64xf32, #tpu.memory_space<hbm>>
      %dma_wait3A_1524 = arith.constant 0 : i32
      %dma_wait3A_1525 = arith.constant 0 : i32
      %dma_wait3A_1526 = tpu.memref_slice %arg5[%add3A_606, %dma_wait3A_1524, %dma_wait3A_1525] : memref<1024x200x64xf32, #tpu.memory_space<hbm>> -> memref<1x200x64xf32, #tpu.memory_space<hbm>>
      %dma_wait3A_1527 = tpu.memref_squeeze %dma_wait3A_1526 : memref<1x200x64xf32, #tpu.memory_space<hbm>> -> memref<200x64xf32, #tpu.memory_space<hbm>>
      %dma_wait3A_1528 = arith.constant 0 : i32
      %dma_wait3A_1529 = arith.constant 0 : i32
      %dma_wait3A_1530 = tpu.memref_slice %arg9[%dma_wait3A_1528, %dma_wait3A_1529] : memref<400x128xf32, #tpu.memory_space<vmem>> -> memref<200x64xf32, #tpu.memory_space<vmem>>
      tpu.wait_dma2 semaphore(%run_scoped3A : memref<!tpu.dma_semaphore, #tpu.memory_space<semaphore_mem>>) src(%dma_wait3A_1530 : memref<200x64xf32, #tpu.memory_space<vmem>>) dst(%dma_wait3A_1527 : memref<200x64xf32, #tpu.memory_space<hbm>>)
      tpu.yield
    }) : () -> ()
    %add3A_607 = arith.constant 1 : i32
    %add3A_608 = arith.addi %add3A_604, %add3A_607 : i32
    "tpu.region"() ({
      %run_scoped3A = tpu.sem_alloc : memref<!tpu.dma_semaphore, #tpu.memory_space<semaphore_mem>>
      %dma_start3A_1503 = arith.constant 200 : i32
      %dma_start3A_1504 = arith.constant 0 : i32
      %dma_start3A_1505 = tpu.memref_slice %arg9[%dma_start3A_1503, %dma_start3A_1504] : memref<400x128xf32, #tpu.memory_space<vmem>> -> memref<200x64xf32, #tpu.memory_space<vmem>>
      %dma_start3A_1506 = arith.constant 0 : i32
      %dma_start3A_1507 = arith.constant 0 : i32
      %dma_start3A_1508 = tpu.memref_slice %arg5[%add3A_608, %dma_start3A_1506, %dma_start3A_1507] : memref<1024x200x64xf32, #tpu.memory_space<hbm>> -> memref<1x200x64xf32, #tpu.memory_space<hbm>>
      %dma_start3A_1509 = tpu.memref_squeeze %dma_start3A_1508 : memref<1x200x64xf32, #tpu.memory_space<hbm>> -> memref<200x64xf32, #tpu.memory_space<hbm>>
      %dma_start3A_1510 = arith.constant 0 : i32
      %dma_start3A_1511 = arith.constant 0 : i32
      %dma_start3A_1512 = tpu.memref_slice %arg5[%add3A_608, %dma_start3A_1510, %dma_start3A_1511] : memref<1024x200x64xf32, #tpu.memory_space<hbm>> -> memref<1x200x64xf32, #tpu.memory_space<hbm>>
      %dma_start3A_1513 = tpu.memref_squeeze %dma_start3A_1512 : memref<1x200x64xf32, #tpu.memory_space<hbm>> -> memref<200x64xf32, #tpu.memory_space<hbm>>
      %dma_start3A_1514 = arith.constant 200 : i32
      %dma_start3A_1515 = arith.constant 0 : i32
      %dma_start3A_1516 = tpu.memref_slice %arg9[%dma_start3A_1514, %dma_start3A_1515] : memref<400x128xf32, #tpu.memory_space<vmem>> -> memref<200x64xf32, #tpu.memory_space<vmem>>
      tpu.enqueue_dma source(%dma_start3A_1516 : memref<200x64xf32, #tpu.memory_space<vmem>>) target(%dma_start3A_1513 : memref<200x64xf32, #tpu.memory_space<hbm>>) target_semaphore(%run_scoped3A : memref<!tpu.dma_semaphore, #tpu.memory_space<semaphore_mem>>)
      %dma_wait3A_1517 = arith.constant 200 : i32
      %dma_wait3A_1518 = arith.constant 0 : i32
      %dma_wait3A_1519 = tpu.memref_slice %arg9[%dma_wait3A_1517, %dma_wait3A_1518] : memref<400x128xf32, #tpu.memory_space<vmem>> -> memref<200x64xf32, #tpu.memory_space<vmem>>
      %dma_wait3A_1520 = arith.constant 0 : i32
      %dma_wait3A_1521 = arith.constant 0 : i32
      %dma_wait3A_1522 = tpu.memref_slice %arg5[%add3A_608, %dma_wait3A_1520, %dma_wait3A_1521] : memref<1024x200x64xf32, #tpu.memory_space<hbm>> -> memref<1x200x64xf32, #tpu.memory_space<hbm>>
      %dma_wait3A_1523 = tpu.memref_squeeze %dma_wait3A_1522 : memref<1x200x64xf32, #tpu.memory_space<hbm>> -> memref<200x64xf32, #tpu.memory_space<hbm>>
      %dma_wait3A_1524 = arith.constant 0 : i32
      %dma_wait3A_1525 = arith.constant 0 : i32
      %dma_wait3A_1526 = tpu.memref_slice %arg5[%add3A_608, %dma_wait3A_1524, %dma_wait3A_1525] : memref<1024x200x64xf32, #tpu.memory_space<hbm>> -> memref<1x200x64xf32, #tpu.memory_space<hbm>>
      %dma_wait3A_1527 = tpu.memref_squeeze %dma_wait3A_1526 : memref<1x200x64xf32, #tpu.memory_space<hbm>> -> memref<200x64xf32, #tpu.memory_space<hbm>>
      %dma_wait3A_1528 = arith.constant 200 : i32
      %dma_wait3A_1529 = arith.constant 0 : i32
      %dma_wait3A_1530 = tpu.memref_slice %arg9[%dma_wait3A_1528, %dma_wait3A_1529] : memref<400x128xf32, #tpu.memory_space<vmem>> -> memref<200x64xf32, #tpu.memory_space<vmem>>
      tpu.wait_dma2 semaphore(%run_scoped3A : memref<!tpu.dma_semaphore, #tpu.memory_space<semaphore_mem>>) src(%dma_wait3A_1530 : memref<200x64xf32, #tpu.memory_space<vmem>>) dst(%dma_wait3A_1527 : memref<200x64xf32, #tpu.memory_space<hbm>>)
      tpu.yield
    }) : () -> ()
    %mul3A_609 = arith.constant 32 : i32
    %mul3A_610 = arith.muli %add3A, %mul3A_609 : i32
    %add3A_611 = arith.constant 14 : i32
    %add3A_612 = arith.addi %mul3A_610, %add3A_611 : i32
    %mul3A_613 = arith.constant 2 : i32
    %mul3A_614 = arith.muli %add3A_612, %mul3A_613 : i32
    "tpu.region"() ({
      %run_scoped3A = tpu.sem_alloc : memref<!tpu.dma_semaphore, #tpu.memory_space<semaphore_mem>>
      %dma_start3A_1503 = arith.constant 0 : i32
      %dma_start3A_1504 = tpu.memref_slice %arg3[%mul3A_614, %dma_start3A_1503] : memref<2048x128xi32, #tpu.memory_space<hbm>> -> memref<4x96xi32, #tpu.memory_space<hbm>>
      %dma_start3A_1505 = arith.constant 0 : i32
      %dma_start3A_1506 = tpu.memref_slice %arg3[%mul3A_614, %dma_start3A_1505] : memref<2048x128xi32, #tpu.memory_space<hbm>> -> memref<4x96xi32, #tpu.memory_space<hbm>>
      tpu.enqueue_dma source(%dma_start3A_1506 : memref<4x96xi32, #tpu.memory_space<hbm>>) target(%arg7 : memref<4x96xi32, #tpu.memory_space<vmem>>) target_semaphore(%run_scoped3A : memref<!tpu.dma_semaphore, #tpu.memory_space<semaphore_mem>>)
      %dma_wait3A_1507 = arith.constant 0 : i32
      %dma_wait3A_1508 = tpu.memref_slice %arg3[%mul3A_614, %dma_wait3A_1507] : memref<2048x128xi32, #tpu.memory_space<hbm>> -> memref<4x96xi32, #tpu.memory_space<hbm>>
      %dma_wait3A_1509 = arith.constant 0 : i32
      %dma_wait3A_1510 = tpu.memref_slice %arg3[%mul3A_614, %dma_wait3A_1509] : memref<2048x128xi32, #tpu.memory_space<hbm>> -> memref<4x96xi32, #tpu.memory_space<hbm>>
      tpu.wait_dma2 semaphore(%run_scoped3A : memref<!tpu.dma_semaphore, #tpu.memory_space<semaphore_mem>>) src(%dma_wait3A_1510 : memref<4x96xi32, #tpu.memory_space<hbm>>) dst(%arg7 : memref<4x96xi32, #tpu.memory_space<vmem>>)
      tpu.yield
    }) : () -> ()
    %dma_start3A_615 = arith.constant 0 : i32
    %dma_start3A_616 = arith.constant 10 : i32
    %dma_start3A_617 = arith.constant 0 : i32
    %dma_start3A_618 = tpu.memref_slice %arg9[%dma_start3A_616, %dma_start3A_617] : memref<400x128xf32, #tpu.memory_space<vmem>> -> memref<96x128xf32, #tpu.memory_space<vmem>>
    %dma_start3A_619 = arith.constant 0 : i32
    %dma_start3A_620 = tpu.memref_slice %arg7[%dma_start3A_615, %dma_start3A_619] : memref<4x96xi32, #tpu.memory_space<vmem>> -> memref<1x96xi32, #tpu.memory_space<vmem>>
    %dma_start3A_621 = tpu.memref_squeeze %dma_start3A_620 : memref<1x96xi32, #tpu.memory_space<vmem>> -> memref<96xi32, #tpu.memory_space<vmem>>
    %dma_start3A_622 = arith.constant 0 : i32
    %dma_start3A_623 = arith.constant 0 : i32
    %dma_start3A_624 = tpu.memref_slice %arg2[%dma_start3A_622, %dma_start3A_623] : memref<1000000x128xf32, #tpu.memory_space<hbm>> -> memref<1000000x128xf32, #tpu.memory_space<hbm>>
    tpu.enqueue_indirect_dma source(%dma_start3A_624 : memref<1000000x128xf32, #tpu.memory_space<hbm>>) target(%dma_start3A_618 : memref<96x128xf32, #tpu.memory_space<vmem>>) offsets(%dma_start3A_621 : memref<96xi32, #tpu.memory_space<vmem>>) semaphore(%arg11 : memref<!tpu.dma_semaphore, #tpu.memory_space<semaphore_mem>>)
    %dma_start3A_625 = arith.constant 1 : i32
    %dma_start3A_626 = arith.constant 104 : i32
    %dma_start3A_627 = arith.constant 0 : i32
    %dma_start3A_628 = tpu.memref_slice %arg9[%dma_start3A_626, %dma_start3A_627] : memref<400x128xf32, #tpu.memory_space<vmem>> -> memref<96x128xf32, #tpu.memory_space<vmem>>
    %dma_start3A_629 = arith.constant 0 : i32
    %dma_start3A_630 = tpu.memref_slice %arg7[%dma_start3A_625, %dma_start3A_629] : memref<4x96xi32, #tpu.memory_space<vmem>> -> memref<1x96xi32, #tpu.memory_space<vmem>>
    %dma_start3A_631 = tpu.memref_squeeze %dma_start3A_630 : memref<1x96xi32, #tpu.memory_space<vmem>> -> memref<96xi32, #tpu.memory_space<vmem>>
    %dma_start3A_632 = arith.constant 0 : i32
    %dma_start3A_633 = arith.constant 0 : i32
    %dma_start3A_634 = tpu.memref_slice %arg2[%dma_start3A_632, %dma_start3A_633] : memref<1000000x128xf32, #tpu.memory_space<hbm>> -> memref<1000000x128xf32, #tpu.memory_space<hbm>>
    tpu.enqueue_indirect_dma source(%dma_start3A_634 : memref<1000000x128xf32, #tpu.memory_space<hbm>>) target(%dma_start3A_628 : memref<96x128xf32, #tpu.memory_space<vmem>>) offsets(%dma_start3A_631 : memref<96xi32, #tpu.memory_space<vmem>>) semaphore(%arg11 : memref<!tpu.dma_semaphore, #tpu.memory_space<semaphore_mem>>)
    %dma_start3A_635 = arith.constant 2 : i32
    %dma_start3A_636 = arith.constant 210 : i32
    %dma_start3A_637 = arith.constant 0 : i32
    %dma_start3A_638 = tpu.memref_slice %arg9[%dma_start3A_636, %dma_start3A_637] : memref<400x128xf32, #tpu.memory_space<vmem>> -> memref<96x128xf32, #tpu.memory_space<vmem>>
    %dma_start3A_639 = arith.constant 0 : i32
    %dma_start3A_640 = tpu.memref_slice %arg7[%dma_start3A_635, %dma_start3A_639] : memref<4x96xi32, #tpu.memory_space<vmem>> -> memref<1x96xi32, #tpu.memory_space<vmem>>
    %dma_start3A_641 = tpu.memref_squeeze %dma_start3A_640 : memref<1x96xi32, #tpu.memory_space<vmem>> -> memref<96xi32, #tpu.memory_space<vmem>>
    %dma_start3A_642 = arith.constant 0 : i32
    %dma_start3A_643 = arith.constant 0 : i32
    %dma_start3A_644 = tpu.memref_slice %arg2[%dma_start3A_642, %dma_start3A_643] : memref<1000000x128xf32, #tpu.memory_space<hbm>> -> memref<1000000x128xf32, #tpu.memory_space<hbm>>
    tpu.enqueue_indirect_dma source(%dma_start3A_644 : memref<1000000x128xf32, #tpu.memory_space<hbm>>) target(%dma_start3A_638 : memref<96x128xf32, #tpu.memory_space<vmem>>) offsets(%dma_start3A_641 : memref<96xi32, #tpu.memory_space<vmem>>) semaphore(%arg11 : memref<!tpu.dma_semaphore, #tpu.memory_space<semaphore_mem>>)
    %dma_start3A_645 = arith.constant 3 : i32
    %dma_start3A_646 = arith.constant 304 : i32
    %dma_start3A_647 = arith.constant 0 : i32
    %dma_start3A_648 = tpu.memref_slice %arg9[%dma_start3A_646, %dma_start3A_647] : memref<400x128xf32, #tpu.memory_space<vmem>> -> memref<96x128xf32, #tpu.memory_space<vmem>>
    %dma_start3A_649 = arith.constant 0 : i32
    %dma_start3A_650 = tpu.memref_slice %arg7[%dma_start3A_645, %dma_start3A_649] : memref<4x96xi32, #tpu.memory_space<vmem>> -> memref<1x96xi32, #tpu.memory_space<vmem>>
    %dma_start3A_651 = tpu.memref_squeeze %dma_start3A_650 : memref<1x96xi32, #tpu.memory_space<vmem>> -> memref<96xi32, #tpu.memory_space<vmem>>
    %dma_start3A_652 = arith.constant 0 : i32
    %dma_start3A_653 = arith.constant 0 : i32
    %dma_start3A_654 = tpu.memref_slice %arg2[%dma_start3A_652, %dma_start3A_653] : memref<1000000x128xf32, #tpu.memory_space<hbm>> -> memref<1000000x128xf32, #tpu.memory_space<hbm>>
    tpu.enqueue_indirect_dma source(%dma_start3A_654 : memref<1000000x128xf32, #tpu.memory_space<hbm>>) target(%dma_start3A_648 : memref<96x128xf32, #tpu.memory_space<vmem>>) offsets(%dma_start3A_651 : memref<96xi32, #tpu.memory_space<vmem>>) semaphore(%arg11 : memref<!tpu.dma_semaphore, #tpu.memory_space<semaphore_mem>>)
    %dma_wait3A_655 = arith.constant 0 : i32
    %dma_wait3A_656 = arith.constant 10 : i32
    %dma_wait3A_657 = arith.constant 0 : i32
    %dma_wait3A_658 = tpu.memref_slice %arg8[%dma_wait3A_656, %dma_wait3A_657] : memref<400x128xf32, #tpu.memory_space<vmem>> -> memref<96x128xf32, #tpu.memory_space<vmem>>
    %dma_wait3A_659 = arith.constant 0 : i32
    %dma_wait3A_660 = tpu.memref_slice %arg6[%dma_wait3A_655, %dma_wait3A_659] : memref<4x96xi32, #tpu.memory_space<vmem>> -> memref<1x96xi32, #tpu.memory_space<vmem>>
    %dma_wait3A_661 = tpu.memref_squeeze %dma_wait3A_660 : memref<1x96xi32, #tpu.memory_space<vmem>> -> memref<96xi32, #tpu.memory_space<vmem>>
    %dma_wait3A_662 = arith.constant 0 : i32
    %dma_wait3A_663 = arith.constant 0 : i32
    %dma_wait3A_664 = tpu.memref_slice %arg2[%dma_wait3A_662, %dma_wait3A_663] : memref<1000000x128xf32, #tpu.memory_space<hbm>> -> memref<1000000x128xf32, #tpu.memory_space<hbm>>
    tpu.wait_indirect_dma semaphore(%arg10 : memref<!tpu.dma_semaphore, #tpu.memory_space<semaphore_mem>>) src(%dma_wait3A_664 : memref<1000000x128xf32, #tpu.memory_space<hbm>>) dst(%dma_wait3A_658 : memref<96x128xf32, #tpu.memory_space<vmem>>)
    %dma_wait3A_665 = arith.constant 1 : i32
    %dma_wait3A_666 = arith.constant 104 : i32
    %dma_wait3A_667 = arith.constant 0 : i32
    %dma_wait3A_668 = tpu.memref_slice %arg8[%dma_wait3A_666, %dma_wait3A_667] : memref<400x128xf32, #tpu.memory_space<vmem>> -> memref<96x128xf32, #tpu.memory_space<vmem>>
    %dma_wait3A_669 = arith.constant 0 : i32
    %dma_wait3A_670 = tpu.memref_slice %arg6[%dma_wait3A_665, %dma_wait3A_669] : memref<4x96xi32, #tpu.memory_space<vmem>> -> memref<1x96xi32, #tpu.memory_space<vmem>>
    %dma_wait3A_671 = tpu.memref_squeeze %dma_wait3A_670 : memref<1x96xi32, #tpu.memory_space<vmem>> -> memref<96xi32, #tpu.memory_space<vmem>>
    %dma_wait3A_672 = arith.constant 0 : i32
    %dma_wait3A_673 = arith.constant 0 : i32
    %dma_wait3A_674 = tpu.memref_slice %arg2[%dma_wait3A_672, %dma_wait3A_673] : memref<1000000x128xf32, #tpu.memory_space<hbm>> -> memref<1000000x128xf32, #tpu.memory_space<hbm>>
    tpu.wait_indirect_dma semaphore(%arg10 : memref<!tpu.dma_semaphore, #tpu.memory_space<semaphore_mem>>) src(%dma_wait3A_674 : memref<1000000x128xf32, #tpu.memory_space<hbm>>) dst(%dma_wait3A_668 : memref<96x128xf32, #tpu.memory_space<vmem>>)
    %dma_wait3A_675 = arith.constant 2 : i32
    %dma_wait3A_676 = arith.constant 210 : i32
    %dma_wait3A_677 = arith.constant 0 : i32
    %dma_wait3A_678 = tpu.memref_slice %arg8[%dma_wait3A_676, %dma_wait3A_677] : memref<400x128xf32, #tpu.memory_space<vmem>> -> memref<96x128xf32, #tpu.memory_space<vmem>>
    %dma_wait3A_679 = arith.constant 0 : i32
    %dma_wait3A_680 = tpu.memref_slice %arg6[%dma_wait3A_675, %dma_wait3A_679] : memref<4x96xi32, #tpu.memory_space<vmem>> -> memref<1x96xi32, #tpu.memory_space<vmem>>
    %dma_wait3A_681 = tpu.memref_squeeze %dma_wait3A_680 : memref<1x96xi32, #tpu.memory_space<vmem>> -> memref<96xi32, #tpu.memory_space<vmem>>
    %dma_wait3A_682 = arith.constant 0 : i32
    %dma_wait3A_683 = arith.constant 0 : i32
    %dma_wait3A_684 = tpu.memref_slice %arg2[%dma_wait3A_682, %dma_wait3A_683] : memref<1000000x128xf32, #tpu.memory_space<hbm>> -> memref<1000000x128xf32, #tpu.memory_space<hbm>>
    tpu.wait_indirect_dma semaphore(%arg10 : memref<!tpu.dma_semaphore, #tpu.memory_space<semaphore_mem>>) src(%dma_wait3A_684 : memref<1000000x128xf32, #tpu.memory_space<hbm>>) dst(%dma_wait3A_678 : memref<96x128xf32, #tpu.memory_space<vmem>>)
    %dma_wait3A_685 = arith.constant 3 : i32
    %dma_wait3A_686 = arith.constant 304 : i32
    %dma_wait3A_687 = arith.constant 0 : i32
    %dma_wait3A_688 = tpu.memref_slice %arg8[%dma_wait3A_686, %dma_wait3A_687] : memref<400x128xf32, #tpu.memory_space<vmem>> -> memref<96x128xf32, #tpu.memory_space<vmem>>
    %dma_wait3A_689 = arith.constant 0 : i32
    %dma_wait3A_690 = tpu.memref_slice %arg6[%dma_wait3A_685, %dma_wait3A_689] : memref<4x96xi32, #tpu.memory_space<vmem>> -> memref<1x96xi32, #tpu.memory_space<vmem>>
    %dma_wait3A_691 = tpu.memref_squeeze %dma_wait3A_690 : memref<1x96xi32, #tpu.memory_space<vmem>> -> memref<96xi32, #tpu.memory_space<vmem>>
    %dma_wait3A_692 = arith.constant 0 : i32
    %dma_wait3A_693 = arith.constant 0 : i32
    %dma_wait3A_694 = tpu.memref_slice %arg2[%dma_wait3A_692, %dma_wait3A_693] : memref<1000000x128xf32, #tpu.memory_space<hbm>> -> memref<1000000x128xf32, #tpu.memory_space<hbm>>
    tpu.wait_indirect_dma semaphore(%arg10 : memref<!tpu.dma_semaphore, #tpu.memory_space<semaphore_mem>>) src(%dma_wait3A_694 : memref<1000000x128xf32, #tpu.memory_space<hbm>>) dst(%dma_wait3A_688 : memref<96x128xf32, #tpu.memory_space<vmem>>)
    %mul3A_695 = arith.constant 32 : i32
    %mul3A_696 = arith.muli %add3A, %mul3A_695 : i32
    %add3A_697 = arith.constant 12 : i32
    %add3A_698 = arith.addi %mul3A_696, %add3A_697 : i32
    %add3A_699 = arith.constant 0 : i32
    %add3A_700 = arith.addi %add3A_698, %add3A_699 : i32
    "tpu.region"() ({
      %run_scoped3A = tpu.sem_alloc : memref<!tpu.dma_semaphore, #tpu.memory_space<semaphore_mem>>
      %dma_start3A_1503 = arith.constant 0 : i32
      %dma_start3A_1504 = arith.constant 0 : i32
      %dma_start3A_1505 = tpu.memref_slice %arg8[%dma_start3A_1503, %dma_start3A_1504] : memref<400x128xf32, #tpu.memory_space<vmem>> -> memref<200x64xf32, #tpu.memory_space<vmem>>
      %dma_start3A_1506 = arith.constant 0 : i32
      %dma_start3A_1507 = arith.constant 0 : i32
      %dma_start3A_1508 = tpu.memref_slice %arg5[%add3A_700, %dma_start3A_1506, %dma_start3A_1507] : memref<1024x200x64xf32, #tpu.memory_space<hbm>> -> memref<1x200x64xf32, #tpu.memory_space<hbm>>
      %dma_start3A_1509 = tpu.memref_squeeze %dma_start3A_1508 : memref<1x200x64xf32, #tpu.memory_space<hbm>> -> memref<200x64xf32, #tpu.memory_space<hbm>>
      %dma_start3A_1510 = arith.constant 0 : i32
      %dma_start3A_1511 = arith.constant 0 : i32
      %dma_start3A_1512 = tpu.memref_slice %arg5[%add3A_700, %dma_start3A_1510, %dma_start3A_1511] : memref<1024x200x64xf32, #tpu.memory_space<hbm>> -> memref<1x200x64xf32, #tpu.memory_space<hbm>>
      %dma_start3A_1513 = tpu.memref_squeeze %dma_start3A_1512 : memref<1x200x64xf32, #tpu.memory_space<hbm>> -> memref<200x64xf32, #tpu.memory_space<hbm>>
      %dma_start3A_1514 = arith.constant 0 : i32
      %dma_start3A_1515 = arith.constant 0 : i32
      %dma_start3A_1516 = tpu.memref_slice %arg8[%dma_start3A_1514, %dma_start3A_1515] : memref<400x128xf32, #tpu.memory_space<vmem>> -> memref<200x64xf32, #tpu.memory_space<vmem>>
      tpu.enqueue_dma source(%dma_start3A_1516 : memref<200x64xf32, #tpu.memory_space<vmem>>) target(%dma_start3A_1513 : memref<200x64xf32, #tpu.memory_space<hbm>>) target_semaphore(%run_scoped3A : memref<!tpu.dma_semaphore, #tpu.memory_space<semaphore_mem>>)
      %dma_wait3A_1517 = arith.constant 0 : i32
      %dma_wait3A_1518 = arith.constant 0 : i32
      %dma_wait3A_1519 = tpu.memref_slice %arg8[%dma_wait3A_1517, %dma_wait3A_1518] : memref<400x128xf32, #tpu.memory_space<vmem>> -> memref<200x64xf32, #tpu.memory_space<vmem>>
      %dma_wait3A_1520 = arith.constant 0 : i32
      %dma_wait3A_1521 = arith.constant 0 : i32
      %dma_wait3A_1522 = tpu.memref_slice %arg5[%add3A_700, %dma_wait3A_1520, %dma_wait3A_1521] : memref<1024x200x64xf32, #tpu.memory_space<hbm>> -> memref<1x200x64xf32, #tpu.memory_space<hbm>>
      %dma_wait3A_1523 = tpu.memref_squeeze %dma_wait3A_1522 : memref<1x200x64xf32, #tpu.memory_space<hbm>> -> memref<200x64xf32, #tpu.memory_space<hbm>>
      %dma_wait3A_1524 = arith.constant 0 : i32
      %dma_wait3A_1525 = arith.constant 0 : i32
      %dma_wait3A_1526 = tpu.memref_slice %arg5[%add3A_700, %dma_wait3A_1524, %dma_wait3A_1525] : memref<1024x200x64xf32, #tpu.memory_space<hbm>> -> memref<1x200x64xf32, #tpu.memory_space<hbm>>
      %dma_wait3A_1527 = tpu.memref_squeeze %dma_wait3A_1526 : memref<1x200x64xf32, #tpu.memory_space<hbm>> -> memref<200x64xf32, #tpu.memory_space<hbm>>
      %dma_wait3A_1528 = arith.constant 0 : i32
      %dma_wait3A_1529 = arith.constant 0 : i32
      %dma_wait3A_1530 = tpu.memref_slice %arg8[%dma_wait3A_1528, %dma_wait3A_1529] : memref<400x128xf32, #tpu.memory_space<vmem>> -> memref<200x64xf32, #tpu.memory_space<vmem>>
      tpu.wait_dma2 semaphore(%run_scoped3A : memref<!tpu.dma_semaphore, #tpu.memory_space<semaphore_mem>>) src(%dma_wait3A_1530 : memref<200x64xf32, #tpu.memory_space<vmem>>) dst(%dma_wait3A_1527 : memref<200x64xf32, #tpu.memory_space<hbm>>)
      tpu.yield
    }) : () -> ()
    %add3A_701 = arith.constant 1 : i32
    %add3A_702 = arith.addi %add3A_698, %add3A_701 : i32
    "tpu.region"() ({
      %run_scoped3A = tpu.sem_alloc : memref<!tpu.dma_semaphore, #tpu.memory_space<semaphore_mem>>
      %dma_start3A_1503 = arith.constant 200 : i32
      %dma_start3A_1504 = arith.constant 0 : i32
      %dma_start3A_1505 = tpu.memref_slice %arg8[%dma_start3A_1503, %dma_start3A_1504] : memref<400x128xf32, #tpu.memory_space<vmem>> -> memref<200x64xf32, #tpu.memory_space<vmem>>
      %dma_start3A_1506 = arith.constant 0 : i32
      %dma_start3A_1507 = arith.constant 0 : i32
      %dma_start3A_1508 = tpu.memref_slice %arg5[%add3A_702, %dma_start3A_1506, %dma_start3A_1507] : memref<1024x200x64xf32, #tpu.memory_space<hbm>> -> memref<1x200x64xf32, #tpu.memory_space<hbm>>
      %dma_start3A_1509 = tpu.memref_squeeze %dma_start3A_1508 : memref<1x200x64xf32, #tpu.memory_space<hbm>> -> memref<200x64xf32, #tpu.memory_space<hbm>>
      %dma_start3A_1510 = arith.constant 0 : i32
      %dma_start3A_1511 = arith.constant 0 : i32
      %dma_start3A_1512 = tpu.memref_slice %arg5[%add3A_702, %dma_start3A_1510, %dma_start3A_1511] : memref<1024x200x64xf32, #tpu.memory_space<hbm>> -> memref<1x200x64xf32, #tpu.memory_space<hbm>>
      %dma_start3A_1513 = tpu.memref_squeeze %dma_start3A_1512 : memref<1x200x64xf32, #tpu.memory_space<hbm>> -> memref<200x64xf32, #tpu.memory_space<hbm>>
      %dma_start3A_1514 = arith.constant 200 : i32
      %dma_start3A_1515 = arith.constant 0 : i32
      %dma_start3A_1516 = tpu.memref_slice %arg8[%dma_start3A_1514, %dma_start3A_1515] : memref<400x128xf32, #tpu.memory_space<vmem>> -> memref<200x64xf32, #tpu.memory_space<vmem>>
      tpu.enqueue_dma source(%dma_start3A_1516 : memref<200x64xf32, #tpu.memory_space<vmem>>) target(%dma_start3A_1513 : memref<200x64xf32, #tpu.memory_space<hbm>>) target_semaphore(%run_scoped3A : memref<!tpu.dma_semaphore, #tpu.memory_space<semaphore_mem>>)
      %dma_wait3A_1517 = arith.constant 200 : i32
      %dma_wait3A_1518 = arith.constant 0 : i32
      %dma_wait3A_1519 = tpu.memref_slice %arg8[%dma_wait3A_1517, %dma_wait3A_1518] : memref<400x128xf32, #tpu.memory_space<vmem>> -> memref<200x64xf32, #tpu.memory_space<vmem>>
      %dma_wait3A_1520 = arith.constant 0 : i32
      %dma_wait3A_1521 = arith.constant 0 : i32
      %dma_wait3A_1522 = tpu.memref_slice %arg5[%add3A_702, %dma_wait3A_1520, %dma_wait3A_1521] : memref<1024x200x64xf32, #tpu.memory_space<hbm>> -> memref<1x200x64xf32, #tpu.memory_space<hbm>>
      %dma_wait3A_1523 = tpu.memref_squeeze %dma_wait3A_1522 : memref<1x200x64xf32, #tpu.memory_space<hbm>> -> memref<200x64xf32, #tpu.memory_space<hbm>>
      %dma_wait3A_1524 = arith.constant 0 : i32
      %dma_wait3A_1525 = arith.constant 0 : i32
      %dma_wait3A_1526 = tpu.memref_slice %arg5[%add3A_702, %dma_wait3A_1524, %dma_wait3A_1525] : memref<1024x200x64xf32, #tpu.memory_space<hbm>> -> memref<1x200x64xf32, #tpu.memory_space<hbm>>
      %dma_wait3A_1527 = tpu.memref_squeeze %dma_wait3A_1526 : memref<1x200x64xf32, #tpu.memory_space<hbm>> -> memref<200x64xf32, #tpu.memory_space<hbm>>
      %dma_wait3A_1528 = arith.constant 200 : i32
      %dma_wait3A_1529 = arith.constant 0 : i32
      %dma_wait3A_1530 = tpu.memref_slice %arg8[%dma_wait3A_1528, %dma_wait3A_1529] : memref<400x128xf32, #tpu.memory_space<vmem>> -> memref<200x64xf32, #tpu.memory_space<vmem>>
      tpu.wait_dma2 semaphore(%run_scoped3A : memref<!tpu.dma_semaphore, #tpu.memory_space<semaphore_mem>>) src(%dma_wait3A_1530 : memref<200x64xf32, #tpu.memory_space<vmem>>) dst(%dma_wait3A_1527 : memref<200x64xf32, #tpu.memory_space<hbm>>)
      tpu.yield
    }) : () -> ()
    %mul3A_703 = arith.constant 32 : i32
    %mul3A_704 = arith.muli %add3A, %mul3A_703 : i32
    %add3A_705 = arith.constant 16 : i32
    %add3A_706 = arith.addi %mul3A_704, %add3A_705 : i32
    %mul3A_707 = arith.constant 2 : i32
    %mul3A_708 = arith.muli %add3A_706, %mul3A_707 : i32
    "tpu.region"() ({
      %run_scoped3A = tpu.sem_alloc : memref<!tpu.dma_semaphore, #tpu.memory_space<semaphore_mem>>
      %dma_start3A_1503 = arith.constant 0 : i32
      %dma_start3A_1504 = tpu.memref_slice %arg3[%mul3A_708, %dma_start3A_1503] : memref<2048x128xi32, #tpu.memory_space<hbm>> -> memref<4x96xi32, #tpu.memory_space<hbm>>
      %dma_start3A_1505 = arith.constant 0 : i32
      %dma_start3A_1506 = tpu.memref_slice %arg3[%mul3A_708, %dma_start3A_1505] : memref<2048x128xi32, #tpu.memory_space<hbm>> -> memref<4x96xi32, #tpu.memory_space<hbm>>
      tpu.enqueue_dma source(%dma_start3A_1506 : memref<4x96xi32, #tpu.memory_space<hbm>>) target(%arg6 : memref<4x96xi32, #tpu.memory_space<vmem>>) target_semaphore(%run_scoped3A : memref<!tpu.dma_semaphore, #tpu.memory_space<semaphore_mem>>)
      %dma_wait3A_1507 = arith.constant 0 : i32
      %dma_wait3A_1508 = tpu.memref_slice %arg3[%mul3A_708, %dma_wait3A_1507] : memref<2048x128xi32, #tpu.memory_space<hbm>> -> memref<4x96xi32, #tpu.memory_space<hbm>>
      %dma_wait3A_1509 = arith.constant 0 : i32
      %dma_wait3A_1510 = tpu.memref_slice %arg3[%mul3A_708, %dma_wait3A_1509] : memref<2048x128xi32, #tpu.memory_space<hbm>> -> memref<4x96xi32, #tpu.memory_space<hbm>>
      tpu.wait_dma2 semaphore(%run_scoped3A : memref<!tpu.dma_semaphore, #tpu.memory_space<semaphore_mem>>) src(%dma_wait3A_1510 : memref<4x96xi32, #tpu.memory_space<hbm>>) dst(%arg6 : memref<4x96xi32, #tpu.memory_space<vmem>>)
      tpu.yield
    }) : () -> ()
    %dma_start3A_709 = arith.constant 0 : i32
    %dma_start3A_710 = arith.constant 10 : i32
    %dma_start3A_711 = arith.constant 0 : i32
    %dma_start3A_712 = tpu.memref_slice %arg8[%dma_start3A_710, %dma_start3A_711] : memref<400x128xf32, #tpu.memory_space<vmem>> -> memref<96x128xf32, #tpu.memory_space<vmem>>
    %dma_start3A_713 = arith.constant 0 : i32
    %dma_start3A_714 = tpu.memref_slice %arg6[%dma_start3A_709, %dma_start3A_713] : memref<4x96xi32, #tpu.memory_space<vmem>> -> memref<1x96xi32, #tpu.memory_space<vmem>>
    %dma_start3A_715 = tpu.memref_squeeze %dma_start3A_714 : memref<1x96xi32, #tpu.memory_space<vmem>> -> memref<96xi32, #tpu.memory_space<vmem>>
    %dma_start3A_716 = arith.constant 0 : i32
    %dma_start3A_717 = arith.constant 0 : i32
    %dma_start3A_718 = tpu.memref_slice %arg2[%dma_start3A_716, %dma_start3A_717] : memref<1000000x128xf32, #tpu.memory_space<hbm>> -> memref<1000000x128xf32, #tpu.memory_space<hbm>>
    tpu.enqueue_indirect_dma source(%dma_start3A_718 : memref<1000000x128xf32, #tpu.memory_space<hbm>>) target(%dma_start3A_712 : memref<96x128xf32, #tpu.memory_space<vmem>>) offsets(%dma_start3A_715 : memref<96xi32, #tpu.memory_space<vmem>>) semaphore(%arg10 : memref<!tpu.dma_semaphore, #tpu.memory_space<semaphore_mem>>)
    %dma_start3A_719 = arith.constant 1 : i32
    %dma_start3A_720 = arith.constant 104 : i32
    %dma_start3A_721 = arith.constant 0 : i32
    %dma_start3A_722 = tpu.memref_slice %arg8[%dma_start3A_720, %dma_start3A_721] : memref<400x128xf32, #tpu.memory_space<vmem>> -> memref<96x128xf32, #tpu.memory_space<vmem>>
    %dma_start3A_723 = arith.constant 0 : i32
    %dma_start3A_724 = tpu.memref_slice %arg6[%dma_start3A_719, %dma_start3A_723] : memref<4x96xi32, #tpu.memory_space<vmem>> -> memref<1x96xi32, #tpu.memory_space<vmem>>
    %dma_start3A_725 = tpu.memref_squeeze %dma_start3A_724 : memref<1x96xi32, #tpu.memory_space<vmem>> -> memref<96xi32, #tpu.memory_space<vmem>>
    %dma_start3A_726 = arith.constant 0 : i32
    %dma_start3A_727 = arith.constant 0 : i32
    %dma_start3A_728 = tpu.memref_slice %arg2[%dma_start3A_726, %dma_start3A_727] : memref<1000000x128xf32, #tpu.memory_space<hbm>> -> memref<1000000x128xf32, #tpu.memory_space<hbm>>
    tpu.enqueue_indirect_dma source(%dma_start3A_728 : memref<1000000x128xf32, #tpu.memory_space<hbm>>) target(%dma_start3A_722 : memref<96x128xf32, #tpu.memory_space<vmem>>) offsets(%dma_start3A_725 : memref<96xi32, #tpu.memory_space<vmem>>) semaphore(%arg10 : memref<!tpu.dma_semaphore, #tpu.memory_space<semaphore_mem>>)
    %dma_start3A_729 = arith.constant 2 : i32
    %dma_start3A_730 = arith.constant 210 : i32
    %dma_start3A_731 = arith.constant 0 : i32
    %dma_start3A_732 = tpu.memref_slice %arg8[%dma_start3A_730, %dma_start3A_731] : memref<400x128xf32, #tpu.memory_space<vmem>> -> memref<96x128xf32, #tpu.memory_space<vmem>>
    %dma_start3A_733 = arith.constant 0 : i32
    %dma_start3A_734 = tpu.memref_slice %arg6[%dma_start3A_729, %dma_start3A_733] : memref<4x96xi32, #tpu.memory_space<vmem>> -> memref<1x96xi32, #tpu.memory_space<vmem>>
    %dma_start3A_735 = tpu.memref_squeeze %dma_start3A_734 : memref<1x96xi32, #tpu.memory_space<vmem>> -> memref<96xi32, #tpu.memory_space<vmem>>
    %dma_start3A_736 = arith.constant 0 : i32
    %dma_start3A_737 = arith.constant 0 : i32
    %dma_start3A_738 = tpu.memref_slice %arg2[%dma_start3A_736, %dma_start3A_737] : memref<1000000x128xf32, #tpu.memory_space<hbm>> -> memref<1000000x128xf32, #tpu.memory_space<hbm>>
    tpu.enqueue_indirect_dma source(%dma_start3A_738 : memref<1000000x128xf32, #tpu.memory_space<hbm>>) target(%dma_start3A_732 : memref<96x128xf32, #tpu.memory_space<vmem>>) offsets(%dma_start3A_735 : memref<96xi32, #tpu.memory_space<vmem>>) semaphore(%arg10 : memref<!tpu.dma_semaphore, #tpu.memory_space<semaphore_mem>>)
    %dma_start3A_739 = arith.constant 3 : i32
    %dma_start3A_740 = arith.constant 304 : i32
    %dma_start3A_741 = arith.constant 0 : i32
    %dma_start3A_742 = tpu.memref_slice %arg8[%dma_start3A_740, %dma_start3A_741] : memref<400x128xf32, #tpu.memory_space<vmem>> -> memref<96x128xf32, #tpu.memory_space<vmem>>
    %dma_start3A_743 = arith.constant 0 : i32
    %dma_start3A_744 = tpu.memref_slice %arg6[%dma_start3A_739, %dma_start3A_743] : memref<4x96xi32, #tpu.memory_space<vmem>> -> memref<1x96xi32, #tpu.memory_space<vmem>>
    %dma_start3A_745 = tpu.memref_squeeze %dma_start3A_744 : memref<1x96xi32, #tpu.memory_space<vmem>> -> memref<96xi32, #tpu.memory_space<vmem>>
    %dma_start3A_746 = arith.constant 0 : i32
    %dma_start3A_747 = arith.constant 0 : i32
    %dma_start3A_748 = tpu.memref_slice %arg2[%dma_start3A_746, %dma_start3A_747] : memref<1000000x128xf32, #tpu.memory_space<hbm>> -> memref<1000000x128xf32, #tpu.memory_space<hbm>>
    tpu.enqueue_indirect_dma source(%dma_start3A_748 : memref<1000000x128xf32, #tpu.memory_space<hbm>>) target(%dma_start3A_742 : memref<96x128xf32, #tpu.memory_space<vmem>>) offsets(%dma_start3A_745 : memref<96xi32, #tpu.memory_space<vmem>>) semaphore(%arg10 : memref<!tpu.dma_semaphore, #tpu.memory_space<semaphore_mem>>)
    %dma_wait3A_749 = arith.constant 0 : i32
    %dma_wait3A_750 = arith.constant 10 : i32
    %dma_wait3A_751 = arith.constant 0 : i32
    %dma_wait3A_752 = tpu.memref_slice %arg9[%dma_wait3A_750, %dma_wait3A_751] : memref<400x128xf32, #tpu.memory_space<vmem>> -> memref<96x128xf32, #tpu.memory_space<vmem>>
    %dma_wait3A_753 = arith.constant 0 : i32
    %dma_wait3A_754 = tpu.memref_slice %arg7[%dma_wait3A_749, %dma_wait3A_753] : memref<4x96xi32, #tpu.memory_space<vmem>> -> memref<1x96xi32, #tpu.memory_space<vmem>>
    %dma_wait3A_755 = tpu.memref_squeeze %dma_wait3A_754 : memref<1x96xi32, #tpu.memory_space<vmem>> -> memref<96xi32, #tpu.memory_space<vmem>>
    %dma_wait3A_756 = arith.constant 0 : i32
    %dma_wait3A_757 = arith.constant 0 : i32
    %dma_wait3A_758 = tpu.memref_slice %arg2[%dma_wait3A_756, %dma_wait3A_757] : memref<1000000x128xf32, #tpu.memory_space<hbm>> -> memref<1000000x128xf32, #tpu.memory_space<hbm>>
    tpu.wait_indirect_dma semaphore(%arg11 : memref<!tpu.dma_semaphore, #tpu.memory_space<semaphore_mem>>) src(%dma_wait3A_758 : memref<1000000x128xf32, #tpu.memory_space<hbm>>) dst(%dma_wait3A_752 : memref<96x128xf32, #tpu.memory_space<vmem>>)
    %dma_wait3A_759 = arith.constant 1 : i32
    %dma_wait3A_760 = arith.constant 104 : i32
    %dma_wait3A_761 = arith.constant 0 : i32
    %dma_wait3A_762 = tpu.memref_slice %arg9[%dma_wait3A_760, %dma_wait3A_761] : memref<400x128xf32, #tpu.memory_space<vmem>> -> memref<96x128xf32, #tpu.memory_space<vmem>>
    %dma_wait3A_763 = arith.constant 0 : i32
    %dma_wait3A_764 = tpu.memref_slice %arg7[%dma_wait3A_759, %dma_wait3A_763] : memref<4x96xi32, #tpu.memory_space<vmem>> -> memref<1x96xi32, #tpu.memory_space<vmem>>
    %dma_wait3A_765 = tpu.memref_squeeze %dma_wait3A_764 : memref<1x96xi32, #tpu.memory_space<vmem>> -> memref<96xi32, #tpu.memory_space<vmem>>
    %dma_wait3A_766 = arith.constant 0 : i32
    %dma_wait3A_767 = arith.constant 0 : i32
    %dma_wait3A_768 = tpu.memref_slice %arg2[%dma_wait3A_766, %dma_wait3A_767] : memref<1000000x128xf32, #tpu.memory_space<hbm>> -> memref<1000000x128xf32, #tpu.memory_space<hbm>>
    tpu.wait_indirect_dma semaphore(%arg11 : memref<!tpu.dma_semaphore, #tpu.memory_space<semaphore_mem>>) src(%dma_wait3A_768 : memref<1000000x128xf32, #tpu.memory_space<hbm>>) dst(%dma_wait3A_762 : memref<96x128xf32, #tpu.memory_space<vmem>>)
    %dma_wait3A_769 = arith.constant 2 : i32
    %dma_wait3A_770 = arith.constant 210 : i32
    %dma_wait3A_771 = arith.constant 0 : i32
    %dma_wait3A_772 = tpu.memref_slice %arg9[%dma_wait3A_770, %dma_wait3A_771] : memref<400x128xf32, #tpu.memory_space<vmem>> -> memref<96x128xf32, #tpu.memory_space<vmem>>
    %dma_wait3A_773 = arith.constant 0 : i32
    %dma_wait3A_774 = tpu.memref_slice %arg7[%dma_wait3A_769, %dma_wait3A_773] : memref<4x96xi32, #tpu.memory_space<vmem>> -> memref<1x96xi32, #tpu.memory_space<vmem>>
    %dma_wait3A_775 = tpu.memref_squeeze %dma_wait3A_774 : memref<1x96xi32, #tpu.memory_space<vmem>> -> memref<96xi32, #tpu.memory_space<vmem>>
    %dma_wait3A_776 = arith.constant 0 : i32
    %dma_wait3A_777 = arith.constant 0 : i32
    %dma_wait3A_778 = tpu.memref_slice %arg2[%dma_wait3A_776, %dma_wait3A_777] : memref<1000000x128xf32, #tpu.memory_space<hbm>> -> memref<1000000x128xf32, #tpu.memory_space<hbm>>
    tpu.wait_indirect_dma semaphore(%arg11 : memref<!tpu.dma_semaphore, #tpu.memory_space<semaphore_mem>>) src(%dma_wait3A_778 : memref<1000000x128xf32, #tpu.memory_space<hbm>>) dst(%dma_wait3A_772 : memref<96x128xf32, #tpu.memory_space<vmem>>)
    %dma_wait3A_779 = arith.constant 3 : i32
    %dma_wait3A_780 = arith.constant 304 : i32
    %dma_wait3A_781 = arith.constant 0 : i32
    %dma_wait3A_782 = tpu.memref_slice %arg9[%dma_wait3A_780, %dma_wait3A_781] : memref<400x128xf32, #tpu.memory_space<vmem>> -> memref<96x128xf32, #tpu.memory_space<vmem>>
    %dma_wait3A_783 = arith.constant 0 : i32
    %dma_wait3A_784 = tpu.memref_slice %arg7[%dma_wait3A_779, %dma_wait3A_783] : memref<4x96xi32, #tpu.memory_space<vmem>> -> memref<1x96xi32, #tpu.memory_space<vmem>>
    %dma_wait3A_785 = tpu.memref_squeeze %dma_wait3A_784 : memref<1x96xi32, #tpu.memory_space<vmem>> -> memref<96xi32, #tpu.memory_space<vmem>>
    %dma_wait3A_786 = arith.constant 0 : i32
    %dma_wait3A_787 = arith.constant 0 : i32
    %dma_wait3A_788 = tpu.memref_slice %arg2[%dma_wait3A_786, %dma_wait3A_787] : memref<1000000x128xf32, #tpu.memory_space<hbm>> -> memref<1000000x128xf32, #tpu.memory_space<hbm>>
    tpu.wait_indirect_dma semaphore(%arg11 : memref<!tpu.dma_semaphore, #tpu.memory_space<semaphore_mem>>) src(%dma_wait3A_788 : memref<1000000x128xf32, #tpu.memory_space<hbm>>) dst(%dma_wait3A_782 : memref<96x128xf32, #tpu.memory_space<vmem>>)
    %mul3A_789 = arith.constant 32 : i32
    %mul3A_790 = arith.muli %add3A, %mul3A_789 : i32
    %add3A_791 = arith.constant 14 : i32
    %add3A_792 = arith.addi %mul3A_790, %add3A_791 : i32
    %add3A_793 = arith.constant 0 : i32
    %add3A_794 = arith.addi %add3A_792, %add3A_793 : i32
    "tpu.region"() ({
      %run_scoped3A = tpu.sem_alloc : memref<!tpu.dma_semaphore, #tpu.memory_space<semaphore_mem>>
      %dma_start3A_1503 = arith.constant 0 : i32
      %dma_start3A_1504 = arith.constant 0 : i32
      %dma_start3A_1505 = tpu.memref_slice %arg9[%dma_start3A_1503, %dma_start3A_1504] : memref<400x128xf32, #tpu.memory_space<vmem>> -> memref<200x64xf32, #tpu.memory_space<vmem>>
      %dma_start3A_1506 = arith.constant 0 : i32
      %dma_start3A_1507 = arith.constant 0 : i32
      %dma_start3A_1508 = tpu.memref_slice %arg5[%add3A_794, %dma_start3A_1506, %dma_start3A_1507] : memref<1024x200x64xf32, #tpu.memory_space<hbm>> -> memref<1x200x64xf32, #tpu.memory_space<hbm>>
      %dma_start3A_1509 = tpu.memref_squeeze %dma_start3A_1508 : memref<1x200x64xf32, #tpu.memory_space<hbm>> -> memref<200x64xf32, #tpu.memory_space<hbm>>
      %dma_start3A_1510 = arith.constant 0 : i32
      %dma_start3A_1511 = arith.constant 0 : i32
      %dma_start3A_1512 = tpu.memref_slice %arg5[%add3A_794, %dma_start3A_1510, %dma_start3A_1511] : memref<1024x200x64xf32, #tpu.memory_space<hbm>> -> memref<1x200x64xf32, #tpu.memory_space<hbm>>
      %dma_start3A_1513 = tpu.memref_squeeze %dma_start3A_1512 : memref<1x200x64xf32, #tpu.memory_space<hbm>> -> memref<200x64xf32, #tpu.memory_space<hbm>>
      %dma_start3A_1514 = arith.constant 0 : i32
      %dma_start3A_1515 = arith.constant 0 : i32
      %dma_start3A_1516 = tpu.memref_slice %arg9[%dma_start3A_1514, %dma_start3A_1515] : memref<400x128xf32, #tpu.memory_space<vmem>> -> memref<200x64xf32, #tpu.memory_space<vmem>>
      tpu.enqueue_dma source(%dma_start3A_1516 : memref<200x64xf32, #tpu.memory_space<vmem>>) target(%dma_start3A_1513 : memref<200x64xf32, #tpu.memory_space<hbm>>) target_semaphore(%run_scoped3A : memref<!tpu.dma_semaphore, #tpu.memory_space<semaphore_mem>>)
      %dma_wait3A_1517 = arith.constant 0 : i32
      %dma_wait3A_1518 = arith.constant 0 : i32
      %dma_wait3A_1519 = tpu.memref_slice %arg9[%dma_wait3A_1517, %dma_wait3A_1518] : memref<400x128xf32, #tpu.memory_space<vmem>> -> memref<200x64xf32, #tpu.memory_space<vmem>>
      %dma_wait3A_1520 = arith.constant 0 : i32
      %dma_wait3A_1521 = arith.constant 0 : i32
      %dma_wait3A_1522 = tpu.memref_slice %arg5[%add3A_794, %dma_wait3A_1520, %dma_wait3A_1521] : memref<1024x200x64xf32, #tpu.memory_space<hbm>> -> memref<1x200x64xf32, #tpu.memory_space<hbm>>
      %dma_wait3A_1523 = tpu.memref_squeeze %dma_wait3A_1522 : memref<1x200x64xf32, #tpu.memory_space<hbm>> -> memref<200x64xf32, #tpu.memory_space<hbm>>
      %dma_wait3A_1524 = arith.constant 0 : i32
      %dma_wait3A_1525 = arith.constant 0 : i32
      %dma_wait3A_1526 = tpu.memref_slice %arg5[%add3A_794, %dma_wait3A_1524, %dma_wait3A_1525] : memref<1024x200x64xf32, #tpu.memory_space<hbm>> -> memref<1x200x64xf32, #tpu.memory_space<hbm>>
      %dma_wait3A_1527 = tpu.memref_squeeze %dma_wait3A_1526 : memref<1x200x64xf32, #tpu.memory_space<hbm>> -> memref<200x64xf32, #tpu.memory_space<hbm>>
      %dma_wait3A_1528 = arith.constant 0 : i32
      %dma_wait3A_1529 = arith.constant 0 : i32
      %dma_wait3A_1530 = tpu.memref_slice %arg9[%dma_wait3A_1528, %dma_wait3A_1529] : memref<400x128xf32, #tpu.memory_space<vmem>> -> memref<200x64xf32, #tpu.memory_space<vmem>>
      tpu.wait_dma2 semaphore(%run_scoped3A : memref<!tpu.dma_semaphore, #tpu.memory_space<semaphore_mem>>) src(%dma_wait3A_1530 : memref<200x64xf32, #tpu.memory_space<vmem>>) dst(%dma_wait3A_1527 : memref<200x64xf32, #tpu.memory_space<hbm>>)
      tpu.yield
    }) : () -> ()
    %add3A_795 = arith.constant 1 : i32
    %add3A_796 = arith.addi %add3A_792, %add3A_795 : i32
    "tpu.region"() ({
      %run_scoped3A = tpu.sem_alloc : memref<!tpu.dma_semaphore, #tpu.memory_space<semaphore_mem>>
      %dma_start3A_1503 = arith.constant 200 : i32
      %dma_start3A_1504 = arith.constant 0 : i32
      %dma_start3A_1505 = tpu.memref_slice %arg9[%dma_start3A_1503, %dma_start3A_1504] : memref<400x128xf32, #tpu.memory_space<vmem>> -> memref<200x64xf32, #tpu.memory_space<vmem>>
      %dma_start3A_1506 = arith.constant 0 : i32
      %dma_start3A_1507 = arith.constant 0 : i32
      %dma_start3A_1508 = tpu.memref_slice %arg5[%add3A_796, %dma_start3A_1506, %dma_start3A_1507] : memref<1024x200x64xf32, #tpu.memory_space<hbm>> -> memref<1x200x64xf32, #tpu.memory_space<hbm>>
      %dma_start3A_1509 = tpu.memref_squeeze %dma_start3A_1508 : memref<1x200x64xf32, #tpu.memory_space<hbm>> -> memref<200x64xf32, #tpu.memory_space<hbm>>
      %dma_start3A_1510 = arith.constant 0 : i32
      %dma_start3A_1511 = arith.constant 0 : i32
      %dma_start3A_1512 = tpu.memref_slice %arg5[%add3A_796, %dma_start3A_1510, %dma_start3A_1511] : memref<1024x200x64xf32, #tpu.memory_space<hbm>> -> memref<1x200x64xf32, #tpu.memory_space<hbm>>
      %dma_start3A_1513 = tpu.memref_squeeze %dma_start3A_1512 : memref<1x200x64xf32, #tpu.memory_space<hbm>> -> memref<200x64xf32, #tpu.memory_space<hbm>>
      %dma_start3A_1514 = arith.constant 200 : i32
      %dma_start3A_1515 = arith.constant 0 : i32
      %dma_start3A_1516 = tpu.memref_slice %arg9[%dma_start3A_1514, %dma_start3A_1515] : memref<400x128xf32, #tpu.memory_space<vmem>> -> memref<200x64xf32, #tpu.memory_space<vmem>>
      tpu.enqueue_dma source(%dma_start3A_1516 : memref<200x64xf32, #tpu.memory_space<vmem>>) target(%dma_start3A_1513 : memref<200x64xf32, #tpu.memory_space<hbm>>) target_semaphore(%run_scoped3A : memref<!tpu.dma_semaphore, #tpu.memory_space<semaphore_mem>>)
      %dma_wait3A_1517 = arith.constant 200 : i32
      %dma_wait3A_1518 = arith.constant 0 : i32
      %dma_wait3A_1519 = tpu.memref_slice %arg9[%dma_wait3A_1517, %dma_wait3A_1518] : memref<400x128xf32, #tpu.memory_space<vmem>> -> memref<200x64xf32, #tpu.memory_space<vmem>>
      %dma_wait3A_1520 = arith.constant 0 : i32
      %dma_wait3A_1521 = arith.constant 0 : i32
      %dma_wait3A_1522 = tpu.memref_slice %arg5[%add3A_796, %dma_wait3A_1520, %dma_wait3A_1521] : memref<1024x200x64xf32, #tpu.memory_space<hbm>> -> memref<1x200x64xf32, #tpu.memory_space<hbm>>
      %dma_wait3A_1523 = tpu.memref_squeeze %dma_wait3A_1522 : memref<1x200x64xf32, #tpu.memory_space<hbm>> -> memref<200x64xf32, #tpu.memory_space<hbm>>
      %dma_wait3A_1524 = arith.constant 0 : i32
      %dma_wait3A_1525 = arith.constant 0 : i32
      %dma_wait3A_1526 = tpu.memref_slice %arg5[%add3A_796, %dma_wait3A_1524, %dma_wait3A_1525] : memref<1024x200x64xf32, #tpu.memory_space<hbm>> -> memref<1x200x64xf32, #tpu.memory_space<hbm>>
      %dma_wait3A_1527 = tpu.memref_squeeze %dma_wait3A_1526 : memref<1x200x64xf32, #tpu.memory_space<hbm>> -> memref<200x64xf32, #tpu.memory_space<hbm>>
      %dma_wait3A_1528 = arith.constant 200 : i32
      %dma_wait3A_1529 = arith.constant 0 : i32
      %dma_wait3A_1530 = tpu.memref_slice %arg9[%dma_wait3A_1528, %dma_wait3A_1529] : memref<400x128xf32, #tpu.memory_space<vmem>> -> memref<200x64xf32, #tpu.memory_space<vmem>>
      tpu.wait_dma2 semaphore(%run_scoped3A : memref<!tpu.dma_semaphore, #tpu.memory_space<semaphore_mem>>) src(%dma_wait3A_1530 : memref<200x64xf32, #tpu.memory_space<vmem>>) dst(%dma_wait3A_1527 : memref<200x64xf32, #tpu.memory_space<hbm>>)
      tpu.yield
    }) : () -> ()
    %mul3A_797 = arith.constant 32 : i32
    %mul3A_798 = arith.muli %add3A, %mul3A_797 : i32
    %add3A_799 = arith.constant 18 : i32
    %add3A_800 = arith.addi %mul3A_798, %add3A_799 : i32
    %mul3A_801 = arith.constant 2 : i32
    %mul3A_802 = arith.muli %add3A_800, %mul3A_801 : i32
    "tpu.region"() ({
      %run_scoped3A = tpu.sem_alloc : memref<!tpu.dma_semaphore, #tpu.memory_space<semaphore_mem>>
      %dma_start3A_1503 = arith.constant 0 : i32
      %dma_start3A_1504 = tpu.memref_slice %arg3[%mul3A_802, %dma_start3A_1503] : memref<2048x128xi32, #tpu.memory_space<hbm>> -> memref<4x96xi32, #tpu.memory_space<hbm>>
      %dma_start3A_1505 = arith.constant 0 : i32
      %dma_start3A_1506 = tpu.memref_slice %arg3[%mul3A_802, %dma_start3A_1505] : memref<2048x128xi32, #tpu.memory_space<hbm>> -> memref<4x96xi32, #tpu.memory_space<hbm>>
      tpu.enqueue_dma source(%dma_start3A_1506 : memref<4x96xi32, #tpu.memory_space<hbm>>) target(%arg7 : memref<4x96xi32, #tpu.memory_space<vmem>>) target_semaphore(%run_scoped3A : memref<!tpu.dma_semaphore, #tpu.memory_space<semaphore_mem>>)
      %dma_wait3A_1507 = arith.constant 0 : i32
      %dma_wait3A_1508 = tpu.memref_slice %arg3[%mul3A_802, %dma_wait3A_1507] : memref<2048x128xi32, #tpu.memory_space<hbm>> -> memref<4x96xi32, #tpu.memory_space<hbm>>
      %dma_wait3A_1509 = arith.constant 0 : i32
      %dma_wait3A_1510 = tpu.memref_slice %arg3[%mul3A_802, %dma_wait3A_1509] : memref<2048x128xi32, #tpu.memory_space<hbm>> -> memref<4x96xi32, #tpu.memory_space<hbm>>
      tpu.wait_dma2 semaphore(%run_scoped3A : memref<!tpu.dma_semaphore, #tpu.memory_space<semaphore_mem>>) src(%dma_wait3A_1510 : memref<4x96xi32, #tpu.memory_space<hbm>>) dst(%arg7 : memref<4x96xi32, #tpu.memory_space<vmem>>)
      tpu.yield
    }) : () -> ()
    %dma_start3A_803 = arith.constant 0 : i32
    %dma_start3A_804 = arith.constant 10 : i32
    %dma_start3A_805 = arith.constant 0 : i32
    %dma_start3A_806 = tpu.memref_slice %arg9[%dma_start3A_804, %dma_start3A_805] : memref<400x128xf32, #tpu.memory_space<vmem>> -> memref<96x128xf32, #tpu.memory_space<vmem>>
    %dma_start3A_807 = arith.constant 0 : i32
    %dma_start3A_808 = tpu.memref_slice %arg7[%dma_start3A_803, %dma_start3A_807] : memref<4x96xi32, #tpu.memory_space<vmem>> -> memref<1x96xi32, #tpu.memory_space<vmem>>
    %dma_start3A_809 = tpu.memref_squeeze %dma_start3A_808 : memref<1x96xi32, #tpu.memory_space<vmem>> -> memref<96xi32, #tpu.memory_space<vmem>>
    %dma_start3A_810 = arith.constant 0 : i32
    %dma_start3A_811 = arith.constant 0 : i32
    %dma_start3A_812 = tpu.memref_slice %arg2[%dma_start3A_810, %dma_start3A_811] : memref<1000000x128xf32, #tpu.memory_space<hbm>> -> memref<1000000x128xf32, #tpu.memory_space<hbm>>
    tpu.enqueue_indirect_dma source(%dma_start3A_812 : memref<1000000x128xf32, #tpu.memory_space<hbm>>) target(%dma_start3A_806 : memref<96x128xf32, #tpu.memory_space<vmem>>) offsets(%dma_start3A_809 : memref<96xi32, #tpu.memory_space<vmem>>) semaphore(%arg11 : memref<!tpu.dma_semaphore, #tpu.memory_space<semaphore_mem>>)
    %dma_start3A_813 = arith.constant 1 : i32
    %dma_start3A_814 = arith.constant 104 : i32
    %dma_start3A_815 = arith.constant 0 : i32
    %dma_start3A_816 = tpu.memref_slice %arg9[%dma_start3A_814, %dma_start3A_815] : memref<400x128xf32, #tpu.memory_space<vmem>> -> memref<96x128xf32, #tpu.memory_space<vmem>>
    %dma_start3A_817 = arith.constant 0 : i32
    %dma_start3A_818 = tpu.memref_slice %arg7[%dma_start3A_813, %dma_start3A_817] : memref<4x96xi32, #tpu.memory_space<vmem>> -> memref<1x96xi32, #tpu.memory_space<vmem>>
    %dma_start3A_819 = tpu.memref_squeeze %dma_start3A_818 : memref<1x96xi32, #tpu.memory_space<vmem>> -> memref<96xi32, #tpu.memory_space<vmem>>
    %dma_start3A_820 = arith.constant 0 : i32
    %dma_start3A_821 = arith.constant 0 : i32
    %dma_start3A_822 = tpu.memref_slice %arg2[%dma_start3A_820, %dma_start3A_821] : memref<1000000x128xf32, #tpu.memory_space<hbm>> -> memref<1000000x128xf32, #tpu.memory_space<hbm>>
    tpu.enqueue_indirect_dma source(%dma_start3A_822 : memref<1000000x128xf32, #tpu.memory_space<hbm>>) target(%dma_start3A_816 : memref<96x128xf32, #tpu.memory_space<vmem>>) offsets(%dma_start3A_819 : memref<96xi32, #tpu.memory_space<vmem>>) semaphore(%arg11 : memref<!tpu.dma_semaphore, #tpu.memory_space<semaphore_mem>>)
    %dma_start3A_823 = arith.constant 2 : i32
    %dma_start3A_824 = arith.constant 210 : i32
    %dma_start3A_825 = arith.constant 0 : i32
    %dma_start3A_826 = tpu.memref_slice %arg9[%dma_start3A_824, %dma_start3A_825] : memref<400x128xf32, #tpu.memory_space<vmem>> -> memref<96x128xf32, #tpu.memory_space<vmem>>
    %dma_start3A_827 = arith.constant 0 : i32
    %dma_start3A_828 = tpu.memref_slice %arg7[%dma_start3A_823, %dma_start3A_827] : memref<4x96xi32, #tpu.memory_space<vmem>> -> memref<1x96xi32, #tpu.memory_space<vmem>>
    %dma_start3A_829 = tpu.memref_squeeze %dma_start3A_828 : memref<1x96xi32, #tpu.memory_space<vmem>> -> memref<96xi32, #tpu.memory_space<vmem>>
    %dma_start3A_830 = arith.constant 0 : i32
    %dma_start3A_831 = arith.constant 0 : i32
    %dma_start3A_832 = tpu.memref_slice %arg2[%dma_start3A_830, %dma_start3A_831] : memref<1000000x128xf32, #tpu.memory_space<hbm>> -> memref<1000000x128xf32, #tpu.memory_space<hbm>>
    tpu.enqueue_indirect_dma source(%dma_start3A_832 : memref<1000000x128xf32, #tpu.memory_space<hbm>>) target(%dma_start3A_826 : memref<96x128xf32, #tpu.memory_space<vmem>>) offsets(%dma_start3A_829 : memref<96xi32, #tpu.memory_space<vmem>>) semaphore(%arg11 : memref<!tpu.dma_semaphore, #tpu.memory_space<semaphore_mem>>)
    %dma_start3A_833 = arith.constant 3 : i32
    %dma_start3A_834 = arith.constant 304 : i32
    %dma_start3A_835 = arith.constant 0 : i32
    %dma_start3A_836 = tpu.memref_slice %arg9[%dma_start3A_834, %dma_start3A_835] : memref<400x128xf32, #tpu.memory_space<vmem>> -> memref<96x128xf32, #tpu.memory_space<vmem>>
    %dma_start3A_837 = arith.constant 0 : i32
    %dma_start3A_838 = tpu.memref_slice %arg7[%dma_start3A_833, %dma_start3A_837] : memref<4x96xi32, #tpu.memory_space<vmem>> -> memref<1x96xi32, #tpu.memory_space<vmem>>
    %dma_start3A_839 = tpu.memref_squeeze %dma_start3A_838 : memref<1x96xi32, #tpu.memory_space<vmem>> -> memref<96xi32, #tpu.memory_space<vmem>>
    %dma_start3A_840 = arith.constant 0 : i32
    %dma_start3A_841 = arith.constant 0 : i32
    %dma_start3A_842 = tpu.memref_slice %arg2[%dma_start3A_840, %dma_start3A_841] : memref<1000000x128xf32, #tpu.memory_space<hbm>> -> memref<1000000x128xf32, #tpu.memory_space<hbm>>
    tpu.enqueue_indirect_dma source(%dma_start3A_842 : memref<1000000x128xf32, #tpu.memory_space<hbm>>) target(%dma_start3A_836 : memref<96x128xf32, #tpu.memory_space<vmem>>) offsets(%dma_start3A_839 : memref<96xi32, #tpu.memory_space<vmem>>) semaphore(%arg11 : memref<!tpu.dma_semaphore, #tpu.memory_space<semaphore_mem>>)
    %dma_wait3A_843 = arith.constant 0 : i32
    %dma_wait3A_844 = arith.constant 10 : i32
    %dma_wait3A_845 = arith.constant 0 : i32
    %dma_wait3A_846 = tpu.memref_slice %arg8[%dma_wait3A_844, %dma_wait3A_845] : memref<400x128xf32, #tpu.memory_space<vmem>> -> memref<96x128xf32, #tpu.memory_space<vmem>>
    %dma_wait3A_847 = arith.constant 0 : i32
    %dma_wait3A_848 = tpu.memref_slice %arg6[%dma_wait3A_843, %dma_wait3A_847] : memref<4x96xi32, #tpu.memory_space<vmem>> -> memref<1x96xi32, #tpu.memory_space<vmem>>
    %dma_wait3A_849 = tpu.memref_squeeze %dma_wait3A_848 : memref<1x96xi32, #tpu.memory_space<vmem>> -> memref<96xi32, #tpu.memory_space<vmem>>
    %dma_wait3A_850 = arith.constant 0 : i32
    %dma_wait3A_851 = arith.constant 0 : i32
    %dma_wait3A_852 = tpu.memref_slice %arg2[%dma_wait3A_850, %dma_wait3A_851] : memref<1000000x128xf32, #tpu.memory_space<hbm>> -> memref<1000000x128xf32, #tpu.memory_space<hbm>>
    tpu.wait_indirect_dma semaphore(%arg10 : memref<!tpu.dma_semaphore, #tpu.memory_space<semaphore_mem>>) src(%dma_wait3A_852 : memref<1000000x128xf32, #tpu.memory_space<hbm>>) dst(%dma_wait3A_846 : memref<96x128xf32, #tpu.memory_space<vmem>>)
    %dma_wait3A_853 = arith.constant 1 : i32
    %dma_wait3A_854 = arith.constant 104 : i32
    %dma_wait3A_855 = arith.constant 0 : i32
    %dma_wait3A_856 = tpu.memref_slice %arg8[%dma_wait3A_854, %dma_wait3A_855] : memref<400x128xf32, #tpu.memory_space<vmem>> -> memref<96x128xf32, #tpu.memory_space<vmem>>
    %dma_wait3A_857 = arith.constant 0 : i32
    %dma_wait3A_858 = tpu.memref_slice %arg6[%dma_wait3A_853, %dma_wait3A_857] : memref<4x96xi32, #tpu.memory_space<vmem>> -> memref<1x96xi32, #tpu.memory_space<vmem>>
    %dma_wait3A_859 = tpu.memref_squeeze %dma_wait3A_858 : memref<1x96xi32, #tpu.memory_space<vmem>> -> memref<96xi32, #tpu.memory_space<vmem>>
    %dma_wait3A_860 = arith.constant 0 : i32
    %dma_wait3A_861 = arith.constant 0 : i32
    %dma_wait3A_862 = tpu.memref_slice %arg2[%dma_wait3A_860, %dma_wait3A_861] : memref<1000000x128xf32, #tpu.memory_space<hbm>> -> memref<1000000x128xf32, #tpu.memory_space<hbm>>
    tpu.wait_indirect_dma semaphore(%arg10 : memref<!tpu.dma_semaphore, #tpu.memory_space<semaphore_mem>>) src(%dma_wait3A_862 : memref<1000000x128xf32, #tpu.memory_space<hbm>>) dst(%dma_wait3A_856 : memref<96x128xf32, #tpu.memory_space<vmem>>)
    %dma_wait3A_863 = arith.constant 2 : i32
    %dma_wait3A_864 = arith.constant 210 : i32
    %dma_wait3A_865 = arith.constant 0 : i32
    %dma_wait3A_866 = tpu.memref_slice %arg8[%dma_wait3A_864, %dma_wait3A_865] : memref<400x128xf32, #tpu.memory_space<vmem>> -> memref<96x128xf32, #tpu.memory_space<vmem>>
    %dma_wait3A_867 = arith.constant 0 : i32
    %dma_wait3A_868 = tpu.memref_slice %arg6[%dma_wait3A_863, %dma_wait3A_867] : memref<4x96xi32, #tpu.memory_space<vmem>> -> memref<1x96xi32, #tpu.memory_space<vmem>>
    %dma_wait3A_869 = tpu.memref_squeeze %dma_wait3A_868 : memref<1x96xi32, #tpu.memory_space<vmem>> -> memref<96xi32, #tpu.memory_space<vmem>>
    %dma_wait3A_870 = arith.constant 0 : i32
    %dma_wait3A_871 = arith.constant 0 : i32
    %dma_wait3A_872 = tpu.memref_slice %arg2[%dma_wait3A_870, %dma_wait3A_871] : memref<1000000x128xf32, #tpu.memory_space<hbm>> -> memref<1000000x128xf32, #tpu.memory_space<hbm>>
    tpu.wait_indirect_dma semaphore(%arg10 : memref<!tpu.dma_semaphore, #tpu.memory_space<semaphore_mem>>) src(%dma_wait3A_872 : memref<1000000x128xf32, #tpu.memory_space<hbm>>) dst(%dma_wait3A_866 : memref<96x128xf32, #tpu.memory_space<vmem>>)
    %dma_wait3A_873 = arith.constant 3 : i32
    %dma_wait3A_874 = arith.constant 304 : i32
    %dma_wait3A_875 = arith.constant 0 : i32
    %dma_wait3A_876 = tpu.memref_slice %arg8[%dma_wait3A_874, %dma_wait3A_875] : memref<400x128xf32, #tpu.memory_space<vmem>> -> memref<96x128xf32, #tpu.memory_space<vmem>>
    %dma_wait3A_877 = arith.constant 0 : i32
    %dma_wait3A_878 = tpu.memref_slice %arg6[%dma_wait3A_873, %dma_wait3A_877] : memref<4x96xi32, #tpu.memory_space<vmem>> -> memref<1x96xi32, #tpu.memory_space<vmem>>
    %dma_wait3A_879 = tpu.memref_squeeze %dma_wait3A_878 : memref<1x96xi32, #tpu.memory_space<vmem>> -> memref<96xi32, #tpu.memory_space<vmem>>
    %dma_wait3A_880 = arith.constant 0 : i32
    %dma_wait3A_881 = arith.constant 0 : i32
    %dma_wait3A_882 = tpu.memref_slice %arg2[%dma_wait3A_880, %dma_wait3A_881] : memref<1000000x128xf32, #tpu.memory_space<hbm>> -> memref<1000000x128xf32, #tpu.memory_space<hbm>>
    tpu.wait_indirect_dma semaphore(%arg10 : memref<!tpu.dma_semaphore, #tpu.memory_space<semaphore_mem>>) src(%dma_wait3A_882 : memref<1000000x128xf32, #tpu.memory_space<hbm>>) dst(%dma_wait3A_876 : memref<96x128xf32, #tpu.memory_space<vmem>>)
    %mul3A_883 = arith.constant 32 : i32
    %mul3A_884 = arith.muli %add3A, %mul3A_883 : i32
    %add3A_885 = arith.constant 16 : i32
    %add3A_886 = arith.addi %mul3A_884, %add3A_885 : i32
    %add3A_887 = arith.constant 0 : i32
    %add3A_888 = arith.addi %add3A_886, %add3A_887 : i32
    "tpu.region"() ({
      %run_scoped3A = tpu.sem_alloc : memref<!tpu.dma_semaphore, #tpu.memory_space<semaphore_mem>>
      %dma_start3A_1503 = arith.constant 0 : i32
      %dma_start3A_1504 = arith.constant 0 : i32
      %dma_start3A_1505 = tpu.memref_slice %arg8[%dma_start3A_1503, %dma_start3A_1504] : memref<400x128xf32, #tpu.memory_space<vmem>> -> memref<200x64xf32, #tpu.memory_space<vmem>>
      %dma_start3A_1506 = arith.constant 0 : i32
      %dma_start3A_1507 = arith.constant 0 : i32
      %dma_start3A_1508 = tpu.memref_slice %arg5[%add3A_888, %dma_start3A_1506, %dma_start3A_1507] : memref<1024x200x64xf32, #tpu.memory_space<hbm>> -> memref<1x200x64xf32, #tpu.memory_space<hbm>>
      %dma_start3A_1509 = tpu.memref_squeeze %dma_start3A_1508 : memref<1x200x64xf32, #tpu.memory_space<hbm>> -> memref<200x64xf32, #tpu.memory_space<hbm>>
      %dma_start3A_1510 = arith.constant 0 : i32
      %dma_start3A_1511 = arith.constant 0 : i32
      %dma_start3A_1512 = tpu.memref_slice %arg5[%add3A_888, %dma_start3A_1510, %dma_start3A_1511] : memref<1024x200x64xf32, #tpu.memory_space<hbm>> -> memref<1x200x64xf32, #tpu.memory_space<hbm>>
      %dma_start3A_1513 = tpu.memref_squeeze %dma_start3A_1512 : memref<1x200x64xf32, #tpu.memory_space<hbm>> -> memref<200x64xf32, #tpu.memory_space<hbm>>
      %dma_start3A_1514 = arith.constant 0 : i32
      %dma_start3A_1515 = arith.constant 0 : i32
      %dma_start3A_1516 = tpu.memref_slice %arg8[%dma_start3A_1514, %dma_start3A_1515] : memref<400x128xf32, #tpu.memory_space<vmem>> -> memref<200x64xf32, #tpu.memory_space<vmem>>
      tpu.enqueue_dma source(%dma_start3A_1516 : memref<200x64xf32, #tpu.memory_space<vmem>>) target(%dma_start3A_1513 : memref<200x64xf32, #tpu.memory_space<hbm>>) target_semaphore(%run_scoped3A : memref<!tpu.dma_semaphore, #tpu.memory_space<semaphore_mem>>)
      %dma_wait3A_1517 = arith.constant 0 : i32
      %dma_wait3A_1518 = arith.constant 0 : i32
      %dma_wait3A_1519 = tpu.memref_slice %arg8[%dma_wait3A_1517, %dma_wait3A_1518] : memref<400x128xf32, #tpu.memory_space<vmem>> -> memref<200x64xf32, #tpu.memory_space<vmem>>
      %dma_wait3A_1520 = arith.constant 0 : i32
      %dma_wait3A_1521 = arith.constant 0 : i32
      %dma_wait3A_1522 = tpu.memref_slice %arg5[%add3A_888, %dma_wait3A_1520, %dma_wait3A_1521] : memref<1024x200x64xf32, #tpu.memory_space<hbm>> -> memref<1x200x64xf32, #tpu.memory_space<hbm>>
      %dma_wait3A_1523 = tpu.memref_squeeze %dma_wait3A_1522 : memref<1x200x64xf32, #tpu.memory_space<hbm>> -> memref<200x64xf32, #tpu.memory_space<hbm>>
      %dma_wait3A_1524 = arith.constant 0 : i32
      %dma_wait3A_1525 = arith.constant 0 : i32
      %dma_wait3A_1526 = tpu.memref_slice %arg5[%add3A_888, %dma_wait3A_1524, %dma_wait3A_1525] : memref<1024x200x64xf32, #tpu.memory_space<hbm>> -> memref<1x200x64xf32, #tpu.memory_space<hbm>>
      %dma_wait3A_1527 = tpu.memref_squeeze %dma_wait3A_1526 : memref<1x200x64xf32, #tpu.memory_space<hbm>> -> memref<200x64xf32, #tpu.memory_space<hbm>>
      %dma_wait3A_1528 = arith.constant 0 : i32
      %dma_wait3A_1529 = arith.constant 0 : i32
      %dma_wait3A_1530 = tpu.memref_slice %arg8[%dma_wait3A_1528, %dma_wait3A_1529] : memref<400x128xf32, #tpu.memory_space<vmem>> -> memref<200x64xf32, #tpu.memory_space<vmem>>
      tpu.wait_dma2 semaphore(%run_scoped3A : memref<!tpu.dma_semaphore, #tpu.memory_space<semaphore_mem>>) src(%dma_wait3A_1530 : memref<200x64xf32, #tpu.memory_space<vmem>>) dst(%dma_wait3A_1527 : memref<200x64xf32, #tpu.memory_space<hbm>>)
      tpu.yield
    }) : () -> ()
    %add3A_889 = arith.constant 1 : i32
    %add3A_890 = arith.addi %add3A_886, %add3A_889 : i32
    "tpu.region"() ({
      %run_scoped3A = tpu.sem_alloc : memref<!tpu.dma_semaphore, #tpu.memory_space<semaphore_mem>>
      %dma_start3A_1503 = arith.constant 200 : i32
      %dma_start3A_1504 = arith.constant 0 : i32
      %dma_start3A_1505 = tpu.memref_slice %arg8[%dma_start3A_1503, %dma_start3A_1504] : memref<400x128xf32, #tpu.memory_space<vmem>> -> memref<200x64xf32, #tpu.memory_space<vmem>>
      %dma_start3A_1506 = arith.constant 0 : i32
      %dma_start3A_1507 = arith.constant 0 : i32
      %dma_start3A_1508 = tpu.memref_slice %arg5[%add3A_890, %dma_start3A_1506, %dma_start3A_1507] : memref<1024x200x64xf32, #tpu.memory_space<hbm>> -> memref<1x200x64xf32, #tpu.memory_space<hbm>>
      %dma_start3A_1509 = tpu.memref_squeeze %dma_start3A_1508 : memref<1x200x64xf32, #tpu.memory_space<hbm>> -> memref<200x64xf32, #tpu.memory_space<hbm>>
      %dma_start3A_1510 = arith.constant 0 : i32
      %dma_start3A_1511 = arith.constant 0 : i32
      %dma_start3A_1512 = tpu.memref_slice %arg5[%add3A_890, %dma_start3A_1510, %dma_start3A_1511] : memref<1024x200x64xf32, #tpu.memory_space<hbm>> -> memref<1x200x64xf32, #tpu.memory_space<hbm>>
      %dma_start3A_1513 = tpu.memref_squeeze %dma_start3A_1512 : memref<1x200x64xf32, #tpu.memory_space<hbm>> -> memref<200x64xf32, #tpu.memory_space<hbm>>
      %dma_start3A_1514 = arith.constant 200 : i32
      %dma_start3A_1515 = arith.constant 0 : i32
      %dma_start3A_1516 = tpu.memref_slice %arg8[%dma_start3A_1514, %dma_start3A_1515] : memref<400x128xf32, #tpu.memory_space<vmem>> -> memref<200x64xf32, #tpu.memory_space<vmem>>
      tpu.enqueue_dma source(%dma_start3A_1516 : memref<200x64xf32, #tpu.memory_space<vmem>>) target(%dma_start3A_1513 : memref<200x64xf32, #tpu.memory_space<hbm>>) target_semaphore(%run_scoped3A : memref<!tpu.dma_semaphore, #tpu.memory_space<semaphore_mem>>)
      %dma_wait3A_1517 = arith.constant 200 : i32
      %dma_wait3A_1518 = arith.constant 0 : i32
      %dma_wait3A_1519 = tpu.memref_slice %arg8[%dma_wait3A_1517, %dma_wait3A_1518] : memref<400x128xf32, #tpu.memory_space<vmem>> -> memref<200x64xf32, #tpu.memory_space<vmem>>
      %dma_wait3A_1520 = arith.constant 0 : i32
      %dma_wait3A_1521 = arith.constant 0 : i32
      %dma_wait3A_1522 = tpu.memref_slice %arg5[%add3A_890, %dma_wait3A_1520, %dma_wait3A_1521] : memref<1024x200x64xf32, #tpu.memory_space<hbm>> -> memref<1x200x64xf32, #tpu.memory_space<hbm>>
      %dma_wait3A_1523 = tpu.memref_squeeze %dma_wait3A_1522 : memref<1x200x64xf32, #tpu.memory_space<hbm>> -> memref<200x64xf32, #tpu.memory_space<hbm>>
      %dma_wait3A_1524 = arith.constant 0 : i32
      %dma_wait3A_1525 = arith.constant 0 : i32
      %dma_wait3A_1526 = tpu.memref_slice %arg5[%add3A_890, %dma_wait3A_1524, %dma_wait3A_1525] : memref<1024x200x64xf32, #tpu.memory_space<hbm>> -> memref<1x200x64xf32, #tpu.memory_space<hbm>>
      %dma_wait3A_1527 = tpu.memref_squeeze %dma_wait3A_1526 : memref<1x200x64xf32, #tpu.memory_space<hbm>> -> memref<200x64xf32, #tpu.memory_space<hbm>>
      %dma_wait3A_1528 = arith.constant 200 : i32
      %dma_wait3A_1529 = arith.constant 0 : i32
      %dma_wait3A_1530 = tpu.memref_slice %arg8[%dma_wait3A_1528, %dma_wait3A_1529] : memref<400x128xf32, #tpu.memory_space<vmem>> -> memref<200x64xf32, #tpu.memory_space<vmem>>
      tpu.wait_dma2 semaphore(%run_scoped3A : memref<!tpu.dma_semaphore, #tpu.memory_space<semaphore_mem>>) src(%dma_wait3A_1530 : memref<200x64xf32, #tpu.memory_space<vmem>>) dst(%dma_wait3A_1527 : memref<200x64xf32, #tpu.memory_space<hbm>>)
      tpu.yield
    }) : () -> ()
    %mul3A_891 = arith.constant 32 : i32
    %mul3A_892 = arith.muli %add3A, %mul3A_891 : i32
    %add3A_893 = arith.constant 20 : i32
    %add3A_894 = arith.addi %mul3A_892, %add3A_893 : i32
    %mul3A_895 = arith.constant 2 : i32
    %mul3A_896 = arith.muli %add3A_894, %mul3A_895 : i32
    "tpu.region"() ({
      %run_scoped3A = tpu.sem_alloc : memref<!tpu.dma_semaphore, #tpu.memory_space<semaphore_mem>>
      %dma_start3A_1503 = arith.constant 0 : i32
      %dma_start3A_1504 = tpu.memref_slice %arg3[%mul3A_896, %dma_start3A_1503] : memref<2048x128xi32, #tpu.memory_space<hbm>> -> memref<4x96xi32, #tpu.memory_space<hbm>>
      %dma_start3A_1505 = arith.constant 0 : i32
      %dma_start3A_1506 = tpu.memref_slice %arg3[%mul3A_896, %dma_start3A_1505] : memref<2048x128xi32, #tpu.memory_space<hbm>> -> memref<4x96xi32, #tpu.memory_space<hbm>>
      tpu.enqueue_dma source(%dma_start3A_1506 : memref<4x96xi32, #tpu.memory_space<hbm>>) target(%arg6 : memref<4x96xi32, #tpu.memory_space<vmem>>) target_semaphore(%run_scoped3A : memref<!tpu.dma_semaphore, #tpu.memory_space<semaphore_mem>>)
      %dma_wait3A_1507 = arith.constant 0 : i32
      %dma_wait3A_1508 = tpu.memref_slice %arg3[%mul3A_896, %dma_wait3A_1507] : memref<2048x128xi32, #tpu.memory_space<hbm>> -> memref<4x96xi32, #tpu.memory_space<hbm>>
      %dma_wait3A_1509 = arith.constant 0 : i32
      %dma_wait3A_1510 = tpu.memref_slice %arg3[%mul3A_896, %dma_wait3A_1509] : memref<2048x128xi32, #tpu.memory_space<hbm>> -> memref<4x96xi32, #tpu.memory_space<hbm>>
      tpu.wait_dma2 semaphore(%run_scoped3A : memref<!tpu.dma_semaphore, #tpu.memory_space<semaphore_mem>>) src(%dma_wait3A_1510 : memref<4x96xi32, #tpu.memory_space<hbm>>) dst(%arg6 : memref<4x96xi32, #tpu.memory_space<vmem>>)
      tpu.yield
    }) : () -> ()
    %dma_start3A_897 = arith.constant 0 : i32
    %dma_start3A_898 = arith.constant 10 : i32
    %dma_start3A_899 = arith.constant 0 : i32
    %dma_start3A_900 = tpu.memref_slice %arg8[%dma_start3A_898, %dma_start3A_899] : memref<400x128xf32, #tpu.memory_space<vmem>> -> memref<96x128xf32, #tpu.memory_space<vmem>>
    %dma_start3A_901 = arith.constant 0 : i32
    %dma_start3A_902 = tpu.memref_slice %arg6[%dma_start3A_897, %dma_start3A_901] : memref<4x96xi32, #tpu.memory_space<vmem>> -> memref<1x96xi32, #tpu.memory_space<vmem>>
    %dma_start3A_903 = tpu.memref_squeeze %dma_start3A_902 : memref<1x96xi32, #tpu.memory_space<vmem>> -> memref<96xi32, #tpu.memory_space<vmem>>
    %dma_start3A_904 = arith.constant 0 : i32
    %dma_start3A_905 = arith.constant 0 : i32
    %dma_start3A_906 = tpu.memref_slice %arg2[%dma_start3A_904, %dma_start3A_905] : memref<1000000x128xf32, #tpu.memory_space<hbm>> -> memref<1000000x128xf32, #tpu.memory_space<hbm>>
    tpu.enqueue_indirect_dma source(%dma_start3A_906 : memref<1000000x128xf32, #tpu.memory_space<hbm>>) target(%dma_start3A_900 : memref<96x128xf32, #tpu.memory_space<vmem>>) offsets(%dma_start3A_903 : memref<96xi32, #tpu.memory_space<vmem>>) semaphore(%arg10 : memref<!tpu.dma_semaphore, #tpu.memory_space<semaphore_mem>>)
    %dma_start3A_907 = arith.constant 1 : i32
    %dma_start3A_908 = arith.constant 104 : i32
    %dma_start3A_909 = arith.constant 0 : i32
    %dma_start3A_910 = tpu.memref_slice %arg8[%dma_start3A_908, %dma_start3A_909] : memref<400x128xf32, #tpu.memory_space<vmem>> -> memref<96x128xf32, #tpu.memory_space<vmem>>
    %dma_start3A_911 = arith.constant 0 : i32
    %dma_start3A_912 = tpu.memref_slice %arg6[%dma_start3A_907, %dma_start3A_911] : memref<4x96xi32, #tpu.memory_space<vmem>> -> memref<1x96xi32, #tpu.memory_space<vmem>>
    %dma_start3A_913 = tpu.memref_squeeze %dma_start3A_912 : memref<1x96xi32, #tpu.memory_space<vmem>> -> memref<96xi32, #tpu.memory_space<vmem>>
    %dma_start3A_914 = arith.constant 0 : i32
    %dma_start3A_915 = arith.constant 0 : i32
    %dma_start3A_916 = tpu.memref_slice %arg2[%dma_start3A_914, %dma_start3A_915] : memref<1000000x128xf32, #tpu.memory_space<hbm>> -> memref<1000000x128xf32, #tpu.memory_space<hbm>>
    tpu.enqueue_indirect_dma source(%dma_start3A_916 : memref<1000000x128xf32, #tpu.memory_space<hbm>>) target(%dma_start3A_910 : memref<96x128xf32, #tpu.memory_space<vmem>>) offsets(%dma_start3A_913 : memref<96xi32, #tpu.memory_space<vmem>>) semaphore(%arg10 : memref<!tpu.dma_semaphore, #tpu.memory_space<semaphore_mem>>)
    %dma_start3A_917 = arith.constant 2 : i32
    %dma_start3A_918 = arith.constant 210 : i32
    %dma_start3A_919 = arith.constant 0 : i32
    %dma_start3A_920 = tpu.memref_slice %arg8[%dma_start3A_918, %dma_start3A_919] : memref<400x128xf32, #tpu.memory_space<vmem>> -> memref<96x128xf32, #tpu.memory_space<vmem>>
    %dma_start3A_921 = arith.constant 0 : i32
    %dma_start3A_922 = tpu.memref_slice %arg6[%dma_start3A_917, %dma_start3A_921] : memref<4x96xi32, #tpu.memory_space<vmem>> -> memref<1x96xi32, #tpu.memory_space<vmem>>
    %dma_start3A_923 = tpu.memref_squeeze %dma_start3A_922 : memref<1x96xi32, #tpu.memory_space<vmem>> -> memref<96xi32, #tpu.memory_space<vmem>>
    %dma_start3A_924 = arith.constant 0 : i32
    %dma_start3A_925 = arith.constant 0 : i32
    %dma_start3A_926 = tpu.memref_slice %arg2[%dma_start3A_924, %dma_start3A_925] : memref<1000000x128xf32, #tpu.memory_space<hbm>> -> memref<1000000x128xf32, #tpu.memory_space<hbm>>
    tpu.enqueue_indirect_dma source(%dma_start3A_926 : memref<1000000x128xf32, #tpu.memory_space<hbm>>) target(%dma_start3A_920 : memref<96x128xf32, #tpu.memory_space<vmem>>) offsets(%dma_start3A_923 : memref<96xi32, #tpu.memory_space<vmem>>) semaphore(%arg10 : memref<!tpu.dma_semaphore, #tpu.memory_space<semaphore_mem>>)
    %dma_start3A_927 = arith.constant 3 : i32
    %dma_start3A_928 = arith.constant 304 : i32
    %dma_start3A_929 = arith.constant 0 : i32
    %dma_start3A_930 = tpu.memref_slice %arg8[%dma_start3A_928, %dma_start3A_929] : memref<400x128xf32, #tpu.memory_space<vmem>> -> memref<96x128xf32, #tpu.memory_space<vmem>>
    %dma_start3A_931 = arith.constant 0 : i32
    %dma_start3A_932 = tpu.memref_slice %arg6[%dma_start3A_927, %dma_start3A_931] : memref<4x96xi32, #tpu.memory_space<vmem>> -> memref<1x96xi32, #tpu.memory_space<vmem>>
    %dma_start3A_933 = tpu.memref_squeeze %dma_start3A_932 : memref<1x96xi32, #tpu.memory_space<vmem>> -> memref<96xi32, #tpu.memory_space<vmem>>
    %dma_start3A_934 = arith.constant 0 : i32
    %dma_start3A_935 = arith.constant 0 : i32
    %dma_start3A_936 = tpu.memref_slice %arg2[%dma_start3A_934, %dma_start3A_935] : memref<1000000x128xf32, #tpu.memory_space<hbm>> -> memref<1000000x128xf32, #tpu.memory_space<hbm>>
    tpu.enqueue_indirect_dma source(%dma_start3A_936 : memref<1000000x128xf32, #tpu.memory_space<hbm>>) target(%dma_start3A_930 : memref<96x128xf32, #tpu.memory_space<vmem>>) offsets(%dma_start3A_933 : memref<96xi32, #tpu.memory_space<vmem>>) semaphore(%arg10 : memref<!tpu.dma_semaphore, #tpu.memory_space<semaphore_mem>>)
    %dma_wait3A_937 = arith.constant 0 : i32
    %dma_wait3A_938 = arith.constant 10 : i32
    %dma_wait3A_939 = arith.constant 0 : i32
    %dma_wait3A_940 = tpu.memref_slice %arg9[%dma_wait3A_938, %dma_wait3A_939] : memref<400x128xf32, #tpu.memory_space<vmem>> -> memref<96x128xf32, #tpu.memory_space<vmem>>
    %dma_wait3A_941 = arith.constant 0 : i32
    %dma_wait3A_942 = tpu.memref_slice %arg7[%dma_wait3A_937, %dma_wait3A_941] : memref<4x96xi32, #tpu.memory_space<vmem>> -> memref<1x96xi32, #tpu.memory_space<vmem>>
    %dma_wait3A_943 = tpu.memref_squeeze %dma_wait3A_942 : memref<1x96xi32, #tpu.memory_space<vmem>> -> memref<96xi32, #tpu.memory_space<vmem>>
    %dma_wait3A_944 = arith.constant 0 : i32
    %dma_wait3A_945 = arith.constant 0 : i32
    %dma_wait3A_946 = tpu.memref_slice %arg2[%dma_wait3A_944, %dma_wait3A_945] : memref<1000000x128xf32, #tpu.memory_space<hbm>> -> memref<1000000x128xf32, #tpu.memory_space<hbm>>
    tpu.wait_indirect_dma semaphore(%arg11 : memref<!tpu.dma_semaphore, #tpu.memory_space<semaphore_mem>>) src(%dma_wait3A_946 : memref<1000000x128xf32, #tpu.memory_space<hbm>>) dst(%dma_wait3A_940 : memref<96x128xf32, #tpu.memory_space<vmem>>)
    %dma_wait3A_947 = arith.constant 1 : i32
    %dma_wait3A_948 = arith.constant 104 : i32
    %dma_wait3A_949 = arith.constant 0 : i32
    %dma_wait3A_950 = tpu.memref_slice %arg9[%dma_wait3A_948, %dma_wait3A_949] : memref<400x128xf32, #tpu.memory_space<vmem>> -> memref<96x128xf32, #tpu.memory_space<vmem>>
    %dma_wait3A_951 = arith.constant 0 : i32
    %dma_wait3A_952 = tpu.memref_slice %arg7[%dma_wait3A_947, %dma_wait3A_951] : memref<4x96xi32, #tpu.memory_space<vmem>> -> memref<1x96xi32, #tpu.memory_space<vmem>>
    %dma_wait3A_953 = tpu.memref_squeeze %dma_wait3A_952 : memref<1x96xi32, #tpu.memory_space<vmem>> -> memref<96xi32, #tpu.memory_space<vmem>>
    %dma_wait3A_954 = arith.constant 0 : i32
    %dma_wait3A_955 = arith.constant 0 : i32
    %dma_wait3A_956 = tpu.memref_slice %arg2[%dma_wait3A_954, %dma_wait3A_955] : memref<1000000x128xf32, #tpu.memory_space<hbm>> -> memref<1000000x128xf32, #tpu.memory_space<hbm>>
    tpu.wait_indirect_dma semaphore(%arg11 : memref<!tpu.dma_semaphore, #tpu.memory_space<semaphore_mem>>) src(%dma_wait3A_956 : memref<1000000x128xf32, #tpu.memory_space<hbm>>) dst(%dma_wait3A_950 : memref<96x128xf32, #tpu.memory_space<vmem>>)
    %dma_wait3A_957 = arith.constant 2 : i32
    %dma_wait3A_958 = arith.constant 210 : i32
    %dma_wait3A_959 = arith.constant 0 : i32
    %dma_wait3A_960 = tpu.memref_slice %arg9[%dma_wait3A_958, %dma_wait3A_959] : memref<400x128xf32, #tpu.memory_space<vmem>> -> memref<96x128xf32, #tpu.memory_space<vmem>>
    %dma_wait3A_961 = arith.constant 0 : i32
    %dma_wait3A_962 = tpu.memref_slice %arg7[%dma_wait3A_957, %dma_wait3A_961] : memref<4x96xi32, #tpu.memory_space<vmem>> -> memref<1x96xi32, #tpu.memory_space<vmem>>
    %dma_wait3A_963 = tpu.memref_squeeze %dma_wait3A_962 : memref<1x96xi32, #tpu.memory_space<vmem>> -> memref<96xi32, #tpu.memory_space<vmem>>
    %dma_wait3A_964 = arith.constant 0 : i32
    %dma_wait3A_965 = arith.constant 0 : i32
    %dma_wait3A_966 = tpu.memref_slice %arg2[%dma_wait3A_964, %dma_wait3A_965] : memref<1000000x128xf32, #tpu.memory_space<hbm>> -> memref<1000000x128xf32, #tpu.memory_space<hbm>>
    tpu.wait_indirect_dma semaphore(%arg11 : memref<!tpu.dma_semaphore, #tpu.memory_space<semaphore_mem>>) src(%dma_wait3A_966 : memref<1000000x128xf32, #tpu.memory_space<hbm>>) dst(%dma_wait3A_960 : memref<96x128xf32, #tpu.memory_space<vmem>>)
    %dma_wait3A_967 = arith.constant 3 : i32
    %dma_wait3A_968 = arith.constant 304 : i32
    %dma_wait3A_969 = arith.constant 0 : i32
    %dma_wait3A_970 = tpu.memref_slice %arg9[%dma_wait3A_968, %dma_wait3A_969] : memref<400x128xf32, #tpu.memory_space<vmem>> -> memref<96x128xf32, #tpu.memory_space<vmem>>
    %dma_wait3A_971 = arith.constant 0 : i32
    %dma_wait3A_972 = tpu.memref_slice %arg7[%dma_wait3A_967, %dma_wait3A_971] : memref<4x96xi32, #tpu.memory_space<vmem>> -> memref<1x96xi32, #tpu.memory_space<vmem>>
    %dma_wait3A_973 = tpu.memref_squeeze %dma_wait3A_972 : memref<1x96xi32, #tpu.memory_space<vmem>> -> memref<96xi32, #tpu.memory_space<vmem>>
    %dma_wait3A_974 = arith.constant 0 : i32
    %dma_wait3A_975 = arith.constant 0 : i32
    %dma_wait3A_976 = tpu.memref_slice %arg2[%dma_wait3A_974, %dma_wait3A_975] : memref<1000000x128xf32, #tpu.memory_space<hbm>> -> memref<1000000x128xf32, #tpu.memory_space<hbm>>
    tpu.wait_indirect_dma semaphore(%arg11 : memref<!tpu.dma_semaphore, #tpu.memory_space<semaphore_mem>>) src(%dma_wait3A_976 : memref<1000000x128xf32, #tpu.memory_space<hbm>>) dst(%dma_wait3A_970 : memref<96x128xf32, #tpu.memory_space<vmem>>)
    %mul3A_977 = arith.constant 32 : i32
    %mul3A_978 = arith.muli %add3A, %mul3A_977 : i32
    %add3A_979 = arith.constant 18 : i32
    %add3A_980 = arith.addi %mul3A_978, %add3A_979 : i32
    %add3A_981 = arith.constant 0 : i32
    %add3A_982 = arith.addi %add3A_980, %add3A_981 : i32
    "tpu.region"() ({
      %run_scoped3A = tpu.sem_alloc : memref<!tpu.dma_semaphore, #tpu.memory_space<semaphore_mem>>
      %dma_start3A_1503 = arith.constant 0 : i32
      %dma_start3A_1504 = arith.constant 0 : i32
      %dma_start3A_1505 = tpu.memref_slice %arg9[%dma_start3A_1503, %dma_start3A_1504] : memref<400x128xf32, #tpu.memory_space<vmem>> -> memref<200x64xf32, #tpu.memory_space<vmem>>
      %dma_start3A_1506 = arith.constant 0 : i32
      %dma_start3A_1507 = arith.constant 0 : i32
      %dma_start3A_1508 = tpu.memref_slice %arg5[%add3A_982, %dma_start3A_1506, %dma_start3A_1507] : memref<1024x200x64xf32, #tpu.memory_space<hbm>> -> memref<1x200x64xf32, #tpu.memory_space<hbm>>
      %dma_start3A_1509 = tpu.memref_squeeze %dma_start3A_1508 : memref<1x200x64xf32, #tpu.memory_space<hbm>> -> memref<200x64xf32, #tpu.memory_space<hbm>>
      %dma_start3A_1510 = arith.constant 0 : i32
      %dma_start3A_1511 = arith.constant 0 : i32
      %dma_start3A_1512 = tpu.memref_slice %arg5[%add3A_982, %dma_start3A_1510, %dma_start3A_1511] : memref<1024x200x64xf32, #tpu.memory_space<hbm>> -> memref<1x200x64xf32, #tpu.memory_space<hbm>>
      %dma_start3A_1513 = tpu.memref_squeeze %dma_start3A_1512 : memref<1x200x64xf32, #tpu.memory_space<hbm>> -> memref<200x64xf32, #tpu.memory_space<hbm>>
      %dma_start3A_1514 = arith.constant 0 : i32
      %dma_start3A_1515 = arith.constant 0 : i32
      %dma_start3A_1516 = tpu.memref_slice %arg9[%dma_start3A_1514, %dma_start3A_1515] : memref<400x128xf32, #tpu.memory_space<vmem>> -> memref<200x64xf32, #tpu.memory_space<vmem>>
      tpu.enqueue_dma source(%dma_start3A_1516 : memref<200x64xf32, #tpu.memory_space<vmem>>) target(%dma_start3A_1513 : memref<200x64xf32, #tpu.memory_space<hbm>>) target_semaphore(%run_scoped3A : memref<!tpu.dma_semaphore, #tpu.memory_space<semaphore_mem>>)
      %dma_wait3A_1517 = arith.constant 0 : i32
      %dma_wait3A_1518 = arith.constant 0 : i32
      %dma_wait3A_1519 = tpu.memref_slice %arg9[%dma_wait3A_1517, %dma_wait3A_1518] : memref<400x128xf32, #tpu.memory_space<vmem>> -> memref<200x64xf32, #tpu.memory_space<vmem>>
      %dma_wait3A_1520 = arith.constant 0 : i32
      %dma_wait3A_1521 = arith.constant 0 : i32
      %dma_wait3A_1522 = tpu.memref_slice %arg5[%add3A_982, %dma_wait3A_1520, %dma_wait3A_1521] : memref<1024x200x64xf32, #tpu.memory_space<hbm>> -> memref<1x200x64xf32, #tpu.memory_space<hbm>>
      %dma_wait3A_1523 = tpu.memref_squeeze %dma_wait3A_1522 : memref<1x200x64xf32, #tpu.memory_space<hbm>> -> memref<200x64xf32, #tpu.memory_space<hbm>>
      %dma_wait3A_1524 = arith.constant 0 : i32
      %dma_wait3A_1525 = arith.constant 0 : i32
      %dma_wait3A_1526 = tpu.memref_slice %arg5[%add3A_982, %dma_wait3A_1524, %dma_wait3A_1525] : memref<1024x200x64xf32, #tpu.memory_space<hbm>> -> memref<1x200x64xf32, #tpu.memory_space<hbm>>
      %dma_wait3A_1527 = tpu.memref_squeeze %dma_wait3A_1526 : memref<1x200x64xf32, #tpu.memory_space<hbm>> -> memref<200x64xf32, #tpu.memory_space<hbm>>
      %dma_wait3A_1528 = arith.constant 0 : i32
      %dma_wait3A_1529 = arith.constant 0 : i32
      %dma_wait3A_1530 = tpu.memref_slice %arg9[%dma_wait3A_1528, %dma_wait3A_1529] : memref<400x128xf32, #tpu.memory_space<vmem>> -> memref<200x64xf32, #tpu.memory_space<vmem>>
      tpu.wait_dma2 semaphore(%run_scoped3A : memref<!tpu.dma_semaphore, #tpu.memory_space<semaphore_mem>>) src(%dma_wait3A_1530 : memref<200x64xf32, #tpu.memory_space<vmem>>) dst(%dma_wait3A_1527 : memref<200x64xf32, #tpu.memory_space<hbm>>)
      tpu.yield
    }) : () -> ()
    %add3A_983 = arith.constant 1 : i32
    %add3A_984 = arith.addi %add3A_980, %add3A_983 : i32
    "tpu.region"() ({
      %run_scoped3A = tpu.sem_alloc : memref<!tpu.dma_semaphore, #tpu.memory_space<semaphore_mem>>
      %dma_start3A_1503 = arith.constant 200 : i32
      %dma_start3A_1504 = arith.constant 0 : i32
      %dma_start3A_1505 = tpu.memref_slice %arg9[%dma_start3A_1503, %dma_start3A_1504] : memref<400x128xf32, #tpu.memory_space<vmem>> -> memref<200x64xf32, #tpu.memory_space<vmem>>
      %dma_start3A_1506 = arith.constant 0 : i32
      %dma_start3A_1507 = arith.constant 0 : i32
      %dma_start3A_1508 = tpu.memref_slice %arg5[%add3A_984, %dma_start3A_1506, %dma_start3A_1507] : memref<1024x200x64xf32, #tpu.memory_space<hbm>> -> memref<1x200x64xf32, #tpu.memory_space<hbm>>
      %dma_start3A_1509 = tpu.memref_squeeze %dma_start3A_1508 : memref<1x200x64xf32, #tpu.memory_space<hbm>> -> memref<200x64xf32, #tpu.memory_space<hbm>>
      %dma_start3A_1510 = arith.constant 0 : i32
      %dma_start3A_1511 = arith.constant 0 : i32
      %dma_start3A_1512 = tpu.memref_slice %arg5[%add3A_984, %dma_start3A_1510, %dma_start3A_1511] : memref<1024x200x64xf32, #tpu.memory_space<hbm>> -> memref<1x200x64xf32, #tpu.memory_space<hbm>>
      %dma_start3A_1513 = tpu.memref_squeeze %dma_start3A_1512 : memref<1x200x64xf32, #tpu.memory_space<hbm>> -> memref<200x64xf32, #tpu.memory_space<hbm>>
      %dma_start3A_1514 = arith.constant 200 : i32
      %dma_start3A_1515 = arith.constant 0 : i32
      %dma_start3A_1516 = tpu.memref_slice %arg9[%dma_start3A_1514, %dma_start3A_1515] : memref<400x128xf32, #tpu.memory_space<vmem>> -> memref<200x64xf32, #tpu.memory_space<vmem>>
      tpu.enqueue_dma source(%dma_start3A_1516 : memref<200x64xf32, #tpu.memory_space<vmem>>) target(%dma_start3A_1513 : memref<200x64xf32, #tpu.memory_space<hbm>>) target_semaphore(%run_scoped3A : memref<!tpu.dma_semaphore, #tpu.memory_space<semaphore_mem>>)
      %dma_wait3A_1517 = arith.constant 200 : i32
      %dma_wait3A_1518 = arith.constant 0 : i32
      %dma_wait3A_1519 = tpu.memref_slice %arg9[%dma_wait3A_1517, %dma_wait3A_1518] : memref<400x128xf32, #tpu.memory_space<vmem>> -> memref<200x64xf32, #tpu.memory_space<vmem>>
      %dma_wait3A_1520 = arith.constant 0 : i32
      %dma_wait3A_1521 = arith.constant 0 : i32
      %dma_wait3A_1522 = tpu.memref_slice %arg5[%add3A_984, %dma_wait3A_1520, %dma_wait3A_1521] : memref<1024x200x64xf32, #tpu.memory_space<hbm>> -> memref<1x200x64xf32, #tpu.memory_space<hbm>>
      %dma_wait3A_1523 = tpu.memref_squeeze %dma_wait3A_1522 : memref<1x200x64xf32, #tpu.memory_space<hbm>> -> memref<200x64xf32, #tpu.memory_space<hbm>>
      %dma_wait3A_1524 = arith.constant 0 : i32
      %dma_wait3A_1525 = arith.constant 0 : i32
      %dma_wait3A_1526 = tpu.memref_slice %arg5[%add3A_984, %dma_wait3A_1524, %dma_wait3A_1525] : memref<1024x200x64xf32, #tpu.memory_space<hbm>> -> memref<1x200x64xf32, #tpu.memory_space<hbm>>
      %dma_wait3A_1527 = tpu.memref_squeeze %dma_wait3A_1526 : memref<1x200x64xf32, #tpu.memory_space<hbm>> -> memref<200x64xf32, #tpu.memory_space<hbm>>
      %dma_wait3A_1528 = arith.constant 200 : i32
      %dma_wait3A_1529 = arith.constant 0 : i32
      %dma_wait3A_1530 = tpu.memref_slice %arg9[%dma_wait3A_1528, %dma_wait3A_1529] : memref<400x128xf32, #tpu.memory_space<vmem>> -> memref<200x64xf32, #tpu.memory_space<vmem>>
      tpu.wait_dma2 semaphore(%run_scoped3A : memref<!tpu.dma_semaphore, #tpu.memory_space<semaphore_mem>>) src(%dma_wait3A_1530 : memref<200x64xf32, #tpu.memory_space<vmem>>) dst(%dma_wait3A_1527 : memref<200x64xf32, #tpu.memory_space<hbm>>)
      tpu.yield
    }) : () -> ()
    %mul3A_985 = arith.constant 32 : i32
    %mul3A_986 = arith.muli %add3A, %mul3A_985 : i32
    %add3A_987 = arith.constant 22 : i32
    %add3A_988 = arith.addi %mul3A_986, %add3A_987 : i32
    %mul3A_989 = arith.constant 2 : i32
    %mul3A_990 = arith.muli %add3A_988, %mul3A_989 : i32
    "tpu.region"() ({
      %run_scoped3A = tpu.sem_alloc : memref<!tpu.dma_semaphore, #tpu.memory_space<semaphore_mem>>
      %dma_start3A_1503 = arith.constant 0 : i32
      %dma_start3A_1504 = tpu.memref_slice %arg3[%mul3A_990, %dma_start3A_1503] : memref<2048x128xi32, #tpu.memory_space<hbm>> -> memref<4x96xi32, #tpu.memory_space<hbm>>
      %dma_start3A_1505 = arith.constant 0 : i32
      %dma_start3A_1506 = tpu.memref_slice %arg3[%mul3A_990, %dma_start3A_1505] : memref<2048x128xi32, #tpu.memory_space<hbm>> -> memref<4x96xi32, #tpu.memory_space<hbm>>
      tpu.enqueue_dma source(%dma_start3A_1506 : memref<4x96xi32, #tpu.memory_space<hbm>>) target(%arg7 : memref<4x96xi32, #tpu.memory_space<vmem>>) target_semaphore(%run_scoped3A : memref<!tpu.dma_semaphore, #tpu.memory_space<semaphore_mem>>)
      %dma_wait3A_1507 = arith.constant 0 : i32
      %dma_wait3A_1508 = tpu.memref_slice %arg3[%mul3A_990, %dma_wait3A_1507] : memref<2048x128xi32, #tpu.memory_space<hbm>> -> memref<4x96xi32, #tpu.memory_space<hbm>>
      %dma_wait3A_1509 = arith.constant 0 : i32
      %dma_wait3A_1510 = tpu.memref_slice %arg3[%mul3A_990, %dma_wait3A_1509] : memref<2048x128xi32, #tpu.memory_space<hbm>> -> memref<4x96xi32, #tpu.memory_space<hbm>>
      tpu.wait_dma2 semaphore(%run_scoped3A : memref<!tpu.dma_semaphore, #tpu.memory_space<semaphore_mem>>) src(%dma_wait3A_1510 : memref<4x96xi32, #tpu.memory_space<hbm>>) dst(%arg7 : memref<4x96xi32, #tpu.memory_space<vmem>>)
      tpu.yield
    }) : () -> ()
    %dma_start3A_991 = arith.constant 0 : i32
    %dma_start3A_992 = arith.constant 10 : i32
    %dma_start3A_993 = arith.constant 0 : i32
    %dma_start3A_994 = tpu.memref_slice %arg9[%dma_start3A_992, %dma_start3A_993] : memref<400x128xf32, #tpu.memory_space<vmem>> -> memref<96x128xf32, #tpu.memory_space<vmem>>
    %dma_start3A_995 = arith.constant 0 : i32
    %dma_start3A_996 = tpu.memref_slice %arg7[%dma_start3A_991, %dma_start3A_995] : memref<4x96xi32, #tpu.memory_space<vmem>> -> memref<1x96xi32, #tpu.memory_space<vmem>>
    %dma_start3A_997 = tpu.memref_squeeze %dma_start3A_996 : memref<1x96xi32, #tpu.memory_space<vmem>> -> memref<96xi32, #tpu.memory_space<vmem>>
    %dma_start3A_998 = arith.constant 0 : i32
    %dma_start3A_999 = arith.constant 0 : i32
    %dma_start3A_1000 = tpu.memref_slice %arg2[%dma_start3A_998, %dma_start3A_999] : memref<1000000x128xf32, #tpu.memory_space<hbm>> -> memref<1000000x128xf32, #tpu.memory_space<hbm>>
    tpu.enqueue_indirect_dma source(%dma_start3A_1000 : memref<1000000x128xf32, #tpu.memory_space<hbm>>) target(%dma_start3A_994 : memref<96x128xf32, #tpu.memory_space<vmem>>) offsets(%dma_start3A_997 : memref<96xi32, #tpu.memory_space<vmem>>) semaphore(%arg11 : memref<!tpu.dma_semaphore, #tpu.memory_space<semaphore_mem>>)
    %dma_start3A_1001 = arith.constant 1 : i32
    %dma_start3A_1002 = arith.constant 104 : i32
    %dma_start3A_1003 = arith.constant 0 : i32
    %dma_start3A_1004 = tpu.memref_slice %arg9[%dma_start3A_1002, %dma_start3A_1003] : memref<400x128xf32, #tpu.memory_space<vmem>> -> memref<96x128xf32, #tpu.memory_space<vmem>>
    %dma_start3A_1005 = arith.constant 0 : i32
    %dma_start3A_1006 = tpu.memref_slice %arg7[%dma_start3A_1001, %dma_start3A_1005] : memref<4x96xi32, #tpu.memory_space<vmem>> -> memref<1x96xi32, #tpu.memory_space<vmem>>
    %dma_start3A_1007 = tpu.memref_squeeze %dma_start3A_1006 : memref<1x96xi32, #tpu.memory_space<vmem>> -> memref<96xi32, #tpu.memory_space<vmem>>
    %dma_start3A_1008 = arith.constant 0 : i32
    %dma_start3A_1009 = arith.constant 0 : i32
    %dma_start3A_1010 = tpu.memref_slice %arg2[%dma_start3A_1008, %dma_start3A_1009] : memref<1000000x128xf32, #tpu.memory_space<hbm>> -> memref<1000000x128xf32, #tpu.memory_space<hbm>>
    tpu.enqueue_indirect_dma source(%dma_start3A_1010 : memref<1000000x128xf32, #tpu.memory_space<hbm>>) target(%dma_start3A_1004 : memref<96x128xf32, #tpu.memory_space<vmem>>) offsets(%dma_start3A_1007 : memref<96xi32, #tpu.memory_space<vmem>>) semaphore(%arg11 : memref<!tpu.dma_semaphore, #tpu.memory_space<semaphore_mem>>)
    %dma_start3A_1011 = arith.constant 2 : i32
    %dma_start3A_1012 = arith.constant 210 : i32
    %dma_start3A_1013 = arith.constant 0 : i32
    %dma_start3A_1014 = tpu.memref_slice %arg9[%dma_start3A_1012, %dma_start3A_1013] : memref<400x128xf32, #tpu.memory_space<vmem>> -> memref<96x128xf32, #tpu.memory_space<vmem>>
    %dma_start3A_1015 = arith.constant 0 : i32
    %dma_start3A_1016 = tpu.memref_slice %arg7[%dma_start3A_1011, %dma_start3A_1015] : memref<4x96xi32, #tpu.memory_space<vmem>> -> memref<1x96xi32, #tpu.memory_space<vmem>>
    %dma_start3A_1017 = tpu.memref_squeeze %dma_start3A_1016 : memref<1x96xi32, #tpu.memory_space<vmem>> -> memref<96xi32, #tpu.memory_space<vmem>>
    %dma_start3A_1018 = arith.constant 0 : i32
    %dma_start3A_1019 = arith.constant 0 : i32
    %dma_start3A_1020 = tpu.memref_slice %arg2[%dma_start3A_1018, %dma_start3A_1019] : memref<1000000x128xf32, #tpu.memory_space<hbm>> -> memref<1000000x128xf32, #tpu.memory_space<hbm>>
    tpu.enqueue_indirect_dma source(%dma_start3A_1020 : memref<1000000x128xf32, #tpu.memory_space<hbm>>) target(%dma_start3A_1014 : memref<96x128xf32, #tpu.memory_space<vmem>>) offsets(%dma_start3A_1017 : memref<96xi32, #tpu.memory_space<vmem>>) semaphore(%arg11 : memref<!tpu.dma_semaphore, #tpu.memory_space<semaphore_mem>>)
    %dma_start3A_1021 = arith.constant 3 : i32
    %dma_start3A_1022 = arith.constant 304 : i32
    %dma_start3A_1023 = arith.constant 0 : i32
    %dma_start3A_1024 = tpu.memref_slice %arg9[%dma_start3A_1022, %dma_start3A_1023] : memref<400x128xf32, #tpu.memory_space<vmem>> -> memref<96x128xf32, #tpu.memory_space<vmem>>
    %dma_start3A_1025 = arith.constant 0 : i32
    %dma_start3A_1026 = tpu.memref_slice %arg7[%dma_start3A_1021, %dma_start3A_1025] : memref<4x96xi32, #tpu.memory_space<vmem>> -> memref<1x96xi32, #tpu.memory_space<vmem>>
    %dma_start3A_1027 = tpu.memref_squeeze %dma_start3A_1026 : memref<1x96xi32, #tpu.memory_space<vmem>> -> memref<96xi32, #tpu.memory_space<vmem>>
    %dma_start3A_1028 = arith.constant 0 : i32
    %dma_start3A_1029 = arith.constant 0 : i32
    %dma_start3A_1030 = tpu.memref_slice %arg2[%dma_start3A_1028, %dma_start3A_1029] : memref<1000000x128xf32, #tpu.memory_space<hbm>> -> memref<1000000x128xf32, #tpu.memory_space<hbm>>
    tpu.enqueue_indirect_dma source(%dma_start3A_1030 : memref<1000000x128xf32, #tpu.memory_space<hbm>>) target(%dma_start3A_1024 : memref<96x128xf32, #tpu.memory_space<vmem>>) offsets(%dma_start3A_1027 : memref<96xi32, #tpu.memory_space<vmem>>) semaphore(%arg11 : memref<!tpu.dma_semaphore, #tpu.memory_space<semaphore_mem>>)
    %dma_wait3A_1031 = arith.constant 0 : i32
    %dma_wait3A_1032 = arith.constant 10 : i32
    %dma_wait3A_1033 = arith.constant 0 : i32
    %dma_wait3A_1034 = tpu.memref_slice %arg8[%dma_wait3A_1032, %dma_wait3A_1033] : memref<400x128xf32, #tpu.memory_space<vmem>> -> memref<96x128xf32, #tpu.memory_space<vmem>>
    %dma_wait3A_1035 = arith.constant 0 : i32
    %dma_wait3A_1036 = tpu.memref_slice %arg6[%dma_wait3A_1031, %dma_wait3A_1035] : memref<4x96xi32, #tpu.memory_space<vmem>> -> memref<1x96xi32, #tpu.memory_space<vmem>>
    %dma_wait3A_1037 = tpu.memref_squeeze %dma_wait3A_1036 : memref<1x96xi32, #tpu.memory_space<vmem>> -> memref<96xi32, #tpu.memory_space<vmem>>
    %dma_wait3A_1038 = arith.constant 0 : i32
    %dma_wait3A_1039 = arith.constant 0 : i32
    %dma_wait3A_1040 = tpu.memref_slice %arg2[%dma_wait3A_1038, %dma_wait3A_1039] : memref<1000000x128xf32, #tpu.memory_space<hbm>> -> memref<1000000x128xf32, #tpu.memory_space<hbm>>
    tpu.wait_indirect_dma semaphore(%arg10 : memref<!tpu.dma_semaphore, #tpu.memory_space<semaphore_mem>>) src(%dma_wait3A_1040 : memref<1000000x128xf32, #tpu.memory_space<hbm>>) dst(%dma_wait3A_1034 : memref<96x128xf32, #tpu.memory_space<vmem>>)
    %dma_wait3A_1041 = arith.constant 1 : i32
    %dma_wait3A_1042 = arith.constant 104 : i32
    %dma_wait3A_1043 = arith.constant 0 : i32
    %dma_wait3A_1044 = tpu.memref_slice %arg8[%dma_wait3A_1042, %dma_wait3A_1043] : memref<400x128xf32, #tpu.memory_space<vmem>> -> memref<96x128xf32, #tpu.memory_space<vmem>>
    %dma_wait3A_1045 = arith.constant 0 : i32
    %dma_wait3A_1046 = tpu.memref_slice %arg6[%dma_wait3A_1041, %dma_wait3A_1045] : memref<4x96xi32, #tpu.memory_space<vmem>> -> memref<1x96xi32, #tpu.memory_space<vmem>>
    %dma_wait3A_1047 = tpu.memref_squeeze %dma_wait3A_1046 : memref<1x96xi32, #tpu.memory_space<vmem>> -> memref<96xi32, #tpu.memory_space<vmem>>
    %dma_wait3A_1048 = arith.constant 0 : i32
    %dma_wait3A_1049 = arith.constant 0 : i32
    %dma_wait3A_1050 = tpu.memref_slice %arg2[%dma_wait3A_1048, %dma_wait3A_1049] : memref<1000000x128xf32, #tpu.memory_space<hbm>> -> memref<1000000x128xf32, #tpu.memory_space<hbm>>
    tpu.wait_indirect_dma semaphore(%arg10 : memref<!tpu.dma_semaphore, #tpu.memory_space<semaphore_mem>>) src(%dma_wait3A_1050 : memref<1000000x128xf32, #tpu.memory_space<hbm>>) dst(%dma_wait3A_1044 : memref<96x128xf32, #tpu.memory_space<vmem>>)
    %dma_wait3A_1051 = arith.constant 2 : i32
    %dma_wait3A_1052 = arith.constant 210 : i32
    %dma_wait3A_1053 = arith.constant 0 : i32
    %dma_wait3A_1054 = tpu.memref_slice %arg8[%dma_wait3A_1052, %dma_wait3A_1053] : memref<400x128xf32, #tpu.memory_space<vmem>> -> memref<96x128xf32, #tpu.memory_space<vmem>>
    %dma_wait3A_1055 = arith.constant 0 : i32
    %dma_wait3A_1056 = tpu.memref_slice %arg6[%dma_wait3A_1051, %dma_wait3A_1055] : memref<4x96xi32, #tpu.memory_space<vmem>> -> memref<1x96xi32, #tpu.memory_space<vmem>>
    %dma_wait3A_1057 = tpu.memref_squeeze %dma_wait3A_1056 : memref<1x96xi32, #tpu.memory_space<vmem>> -> memref<96xi32, #tpu.memory_space<vmem>>
    %dma_wait3A_1058 = arith.constant 0 : i32
    %dma_wait3A_1059 = arith.constant 0 : i32
    %dma_wait3A_1060 = tpu.memref_slice %arg2[%dma_wait3A_1058, %dma_wait3A_1059] : memref<1000000x128xf32, #tpu.memory_space<hbm>> -> memref<1000000x128xf32, #tpu.memory_space<hbm>>
    tpu.wait_indirect_dma semaphore(%arg10 : memref<!tpu.dma_semaphore, #tpu.memory_space<semaphore_mem>>) src(%dma_wait3A_1060 : memref<1000000x128xf32, #tpu.memory_space<hbm>>) dst(%dma_wait3A_1054 : memref<96x128xf32, #tpu.memory_space<vmem>>)
    %dma_wait3A_1061 = arith.constant 3 : i32
    %dma_wait3A_1062 = arith.constant 304 : i32
    %dma_wait3A_1063 = arith.constant 0 : i32
    %dma_wait3A_1064 = tpu.memref_slice %arg8[%dma_wait3A_1062, %dma_wait3A_1063] : memref<400x128xf32, #tpu.memory_space<vmem>> -> memref<96x128xf32, #tpu.memory_space<vmem>>
    %dma_wait3A_1065 = arith.constant 0 : i32
    %dma_wait3A_1066 = tpu.memref_slice %arg6[%dma_wait3A_1061, %dma_wait3A_1065] : memref<4x96xi32, #tpu.memory_space<vmem>> -> memref<1x96xi32, #tpu.memory_space<vmem>>
    %dma_wait3A_1067 = tpu.memref_squeeze %dma_wait3A_1066 : memref<1x96xi32, #tpu.memory_space<vmem>> -> memref<96xi32, #tpu.memory_space<vmem>>
    %dma_wait3A_1068 = arith.constant 0 : i32
    %dma_wait3A_1069 = arith.constant 0 : i32
    %dma_wait3A_1070 = tpu.memref_slice %arg2[%dma_wait3A_1068, %dma_wait3A_1069] : memref<1000000x128xf32, #tpu.memory_space<hbm>> -> memref<1000000x128xf32, #tpu.memory_space<hbm>>
    tpu.wait_indirect_dma semaphore(%arg10 : memref<!tpu.dma_semaphore, #tpu.memory_space<semaphore_mem>>) src(%dma_wait3A_1070 : memref<1000000x128xf32, #tpu.memory_space<hbm>>) dst(%dma_wait3A_1064 : memref<96x128xf32, #tpu.memory_space<vmem>>)
    %mul3A_1071 = arith.constant 32 : i32
    %mul3A_1072 = arith.muli %add3A, %mul3A_1071 : i32
    %add3A_1073 = arith.constant 20 : i32
    %add3A_1074 = arith.addi %mul3A_1072, %add3A_1073 : i32
    %add3A_1075 = arith.constant 0 : i32
    %add3A_1076 = arith.addi %add3A_1074, %add3A_1075 : i32
    "tpu.region"() ({
      %run_scoped3A = tpu.sem_alloc : memref<!tpu.dma_semaphore, #tpu.memory_space<semaphore_mem>>
      %dma_start3A_1503 = arith.constant 0 : i32
      %dma_start3A_1504 = arith.constant 0 : i32
      %dma_start3A_1505 = tpu.memref_slice %arg8[%dma_start3A_1503, %dma_start3A_1504] : memref<400x128xf32, #tpu.memory_space<vmem>> -> memref<200x64xf32, #tpu.memory_space<vmem>>
      %dma_start3A_1506 = arith.constant 0 : i32
      %dma_start3A_1507 = arith.constant 0 : i32
      %dma_start3A_1508 = tpu.memref_slice %arg5[%add3A_1076, %dma_start3A_1506, %dma_start3A_1507] : memref<1024x200x64xf32, #tpu.memory_space<hbm>> -> memref<1x200x64xf32, #tpu.memory_space<hbm>>
      %dma_start3A_1509 = tpu.memref_squeeze %dma_start3A_1508 : memref<1x200x64xf32, #tpu.memory_space<hbm>> -> memref<200x64xf32, #tpu.memory_space<hbm>>
      %dma_start3A_1510 = arith.constant 0 : i32
      %dma_start3A_1511 = arith.constant 0 : i32
      %dma_start3A_1512 = tpu.memref_slice %arg5[%add3A_1076, %dma_start3A_1510, %dma_start3A_1511] : memref<1024x200x64xf32, #tpu.memory_space<hbm>> -> memref<1x200x64xf32, #tpu.memory_space<hbm>>
      %dma_start3A_1513 = tpu.memref_squeeze %dma_start3A_1512 : memref<1x200x64xf32, #tpu.memory_space<hbm>> -> memref<200x64xf32, #tpu.memory_space<hbm>>
      %dma_start3A_1514 = arith.constant 0 : i32
      %dma_start3A_1515 = arith.constant 0 : i32
      %dma_start3A_1516 = tpu.memref_slice %arg8[%dma_start3A_1514, %dma_start3A_1515] : memref<400x128xf32, #tpu.memory_space<vmem>> -> memref<200x64xf32, #tpu.memory_space<vmem>>
      tpu.enqueue_dma source(%dma_start3A_1516 : memref<200x64xf32, #tpu.memory_space<vmem>>) target(%dma_start3A_1513 : memref<200x64xf32, #tpu.memory_space<hbm>>) target_semaphore(%run_scoped3A : memref<!tpu.dma_semaphore, #tpu.memory_space<semaphore_mem>>)
      %dma_wait3A_1517 = arith.constant 0 : i32
      %dma_wait3A_1518 = arith.constant 0 : i32
      %dma_wait3A_1519 = tpu.memref_slice %arg8[%dma_wait3A_1517, %dma_wait3A_1518] : memref<400x128xf32, #tpu.memory_space<vmem>> -> memref<200x64xf32, #tpu.memory_space<vmem>>
      %dma_wait3A_1520 = arith.constant 0 : i32
      %dma_wait3A_1521 = arith.constant 0 : i32
      %dma_wait3A_1522 = tpu.memref_slice %arg5[%add3A_1076, %dma_wait3A_1520, %dma_wait3A_1521] : memref<1024x200x64xf32, #tpu.memory_space<hbm>> -> memref<1x200x64xf32, #tpu.memory_space<hbm>>
      %dma_wait3A_1523 = tpu.memref_squeeze %dma_wait3A_1522 : memref<1x200x64xf32, #tpu.memory_space<hbm>> -> memref<200x64xf32, #tpu.memory_space<hbm>>
      %dma_wait3A_1524 = arith.constant 0 : i32
      %dma_wait3A_1525 = arith.constant 0 : i32
      %dma_wait3A_1526 = tpu.memref_slice %arg5[%add3A_1076, %dma_wait3A_1524, %dma_wait3A_1525] : memref<1024x200x64xf32, #tpu.memory_space<hbm>> -> memref<1x200x64xf32, #tpu.memory_space<hbm>>
      %dma_wait3A_1527 = tpu.memref_squeeze %dma_wait3A_1526 : memref<1x200x64xf32, #tpu.memory_space<hbm>> -> memref<200x64xf32, #tpu.memory_space<hbm>>
      %dma_wait3A_1528 = arith.constant 0 : i32
      %dma_wait3A_1529 = arith.constant 0 : i32
      %dma_wait3A_1530 = tpu.memref_slice %arg8[%dma_wait3A_1528, %dma_wait3A_1529] : memref<400x128xf32, #tpu.memory_space<vmem>> -> memref<200x64xf32, #tpu.memory_space<vmem>>
      tpu.wait_dma2 semaphore(%run_scoped3A : memref<!tpu.dma_semaphore, #tpu.memory_space<semaphore_mem>>) src(%dma_wait3A_1530 : memref<200x64xf32, #tpu.memory_space<vmem>>) dst(%dma_wait3A_1527 : memref<200x64xf32, #tpu.memory_space<hbm>>)
      tpu.yield
    }) : () -> ()
    %add3A_1077 = arith.constant 1 : i32
    %add3A_1078 = arith.addi %add3A_1074, %add3A_1077 : i32
    "tpu.region"() ({
      %run_scoped3A = tpu.sem_alloc : memref<!tpu.dma_semaphore, #tpu.memory_space<semaphore_mem>>
      %dma_start3A_1503 = arith.constant 200 : i32
      %dma_start3A_1504 = arith.constant 0 : i32
      %dma_start3A_1505 = tpu.memref_slice %arg8[%dma_start3A_1503, %dma_start3A_1504] : memref<400x128xf32, #tpu.memory_space<vmem>> -> memref<200x64xf32, #tpu.memory_space<vmem>>
      %dma_start3A_1506 = arith.constant 0 : i32
      %dma_start3A_1507 = arith.constant 0 : i32
      %dma_start3A_1508 = tpu.memref_slice %arg5[%add3A_1078, %dma_start3A_1506, %dma_start3A_1507] : memref<1024x200x64xf32, #tpu.memory_space<hbm>> -> memref<1x200x64xf32, #tpu.memory_space<hbm>>
      %dma_start3A_1509 = tpu.memref_squeeze %dma_start3A_1508 : memref<1x200x64xf32, #tpu.memory_space<hbm>> -> memref<200x64xf32, #tpu.memory_space<hbm>>
      %dma_start3A_1510 = arith.constant 0 : i32
      %dma_start3A_1511 = arith.constant 0 : i32
      %dma_start3A_1512 = tpu.memref_slice %arg5[%add3A_1078, %dma_start3A_1510, %dma_start3A_1511] : memref<1024x200x64xf32, #tpu.memory_space<hbm>> -> memref<1x200x64xf32, #tpu.memory_space<hbm>>
      %dma_start3A_1513 = tpu.memref_squeeze %dma_start3A_1512 : memref<1x200x64xf32, #tpu.memory_space<hbm>> -> memref<200x64xf32, #tpu.memory_space<hbm>>
      %dma_start3A_1514 = arith.constant 200 : i32
      %dma_start3A_1515 = arith.constant 0 : i32
      %dma_start3A_1516 = tpu.memref_slice %arg8[%dma_start3A_1514, %dma_start3A_1515] : memref<400x128xf32, #tpu.memory_space<vmem>> -> memref<200x64xf32, #tpu.memory_space<vmem>>
      tpu.enqueue_dma source(%dma_start3A_1516 : memref<200x64xf32, #tpu.memory_space<vmem>>) target(%dma_start3A_1513 : memref<200x64xf32, #tpu.memory_space<hbm>>) target_semaphore(%run_scoped3A : memref<!tpu.dma_semaphore, #tpu.memory_space<semaphore_mem>>)
      %dma_wait3A_1517 = arith.constant 200 : i32
      %dma_wait3A_1518 = arith.constant 0 : i32
      %dma_wait3A_1519 = tpu.memref_slice %arg8[%dma_wait3A_1517, %dma_wait3A_1518] : memref<400x128xf32, #tpu.memory_space<vmem>> -> memref<200x64xf32, #tpu.memory_space<vmem>>
      %dma_wait3A_1520 = arith.constant 0 : i32
      %dma_wait3A_1521 = arith.constant 0 : i32
      %dma_wait3A_1522 = tpu.memref_slice %arg5[%add3A_1078, %dma_wait3A_1520, %dma_wait3A_1521] : memref<1024x200x64xf32, #tpu.memory_space<hbm>> -> memref<1x200x64xf32, #tpu.memory_space<hbm>>
      %dma_wait3A_1523 = tpu.memref_squeeze %dma_wait3A_1522 : memref<1x200x64xf32, #tpu.memory_space<hbm>> -> memref<200x64xf32, #tpu.memory_space<hbm>>
      %dma_wait3A_1524 = arith.constant 0 : i32
      %dma_wait3A_1525 = arith.constant 0 : i32
      %dma_wait3A_1526 = tpu.memref_slice %arg5[%add3A_1078, %dma_wait3A_1524, %dma_wait3A_1525] : memref<1024x200x64xf32, #tpu.memory_space<hbm>> -> memref<1x200x64xf32, #tpu.memory_space<hbm>>
      %dma_wait3A_1527 = tpu.memref_squeeze %dma_wait3A_1526 : memref<1x200x64xf32, #tpu.memory_space<hbm>> -> memref<200x64xf32, #tpu.memory_space<hbm>>
      %dma_wait3A_1528 = arith.constant 200 : i32
      %dma_wait3A_1529 = arith.constant 0 : i32
      %dma_wait3A_1530 = tpu.memref_slice %arg8[%dma_wait3A_1528, %dma_wait3A_1529] : memref<400x128xf32, #tpu.memory_space<vmem>> -> memref<200x64xf32, #tpu.memory_space<vmem>>
      tpu.wait_dma2 semaphore(%run_scoped3A : memref<!tpu.dma_semaphore, #tpu.memory_space<semaphore_mem>>) src(%dma_wait3A_1530 : memref<200x64xf32, #tpu.memory_space<vmem>>) dst(%dma_wait3A_1527 : memref<200x64xf32, #tpu.memory_space<hbm>>)
      tpu.yield
    }) : () -> ()
    %mul3A_1079 = arith.constant 32 : i32
    %mul3A_1080 = arith.muli %add3A, %mul3A_1079 : i32
    %add3A_1081 = arith.constant 24 : i32
    %add3A_1082 = arith.addi %mul3A_1080, %add3A_1081 : i32
    %mul3A_1083 = arith.constant 2 : i32
    %mul3A_1084 = arith.muli %add3A_1082, %mul3A_1083 : i32
    "tpu.region"() ({
      %run_scoped3A = tpu.sem_alloc : memref<!tpu.dma_semaphore, #tpu.memory_space<semaphore_mem>>
      %dma_start3A_1503 = arith.constant 0 : i32
      %dma_start3A_1504 = tpu.memref_slice %arg3[%mul3A_1084, %dma_start3A_1503] : memref<2048x128xi32, #tpu.memory_space<hbm>> -> memref<4x96xi32, #tpu.memory_space<hbm>>
      %dma_start3A_1505 = arith.constant 0 : i32
      %dma_start3A_1506 = tpu.memref_slice %arg3[%mul3A_1084, %dma_start3A_1505] : memref<2048x128xi32, #tpu.memory_space<hbm>> -> memref<4x96xi32, #tpu.memory_space<hbm>>
      tpu.enqueue_dma source(%dma_start3A_1506 : memref<4x96xi32, #tpu.memory_space<hbm>>) target(%arg6 : memref<4x96xi32, #tpu.memory_space<vmem>>) target_semaphore(%run_scoped3A : memref<!tpu.dma_semaphore, #tpu.memory_space<semaphore_mem>>)
      %dma_wait3A_1507 = arith.constant 0 : i32
      %dma_wait3A_1508 = tpu.memref_slice %arg3[%mul3A_1084, %dma_wait3A_1507] : memref<2048x128xi32, #tpu.memory_space<hbm>> -> memref<4x96xi32, #tpu.memory_space<hbm>>
      %dma_wait3A_1509 = arith.constant 0 : i32
      %dma_wait3A_1510 = tpu.memref_slice %arg3[%mul3A_1084, %dma_wait3A_1509] : memref<2048x128xi32, #tpu.memory_space<hbm>> -> memref<4x96xi32, #tpu.memory_space<hbm>>
      tpu.wait_dma2 semaphore(%run_scoped3A : memref<!tpu.dma_semaphore, #tpu.memory_space<semaphore_mem>>) src(%dma_wait3A_1510 : memref<4x96xi32, #tpu.memory_space<hbm>>) dst(%arg6 : memref<4x96xi32, #tpu.memory_space<vmem>>)
      tpu.yield
    }) : () -> ()
    %dma_start3A_1085 = arith.constant 0 : i32
    %dma_start3A_1086 = arith.constant 10 : i32
    %dma_start3A_1087 = arith.constant 0 : i32
    %dma_start3A_1088 = tpu.memref_slice %arg8[%dma_start3A_1086, %dma_start3A_1087] : memref<400x128xf32, #tpu.memory_space<vmem>> -> memref<96x128xf32, #tpu.memory_space<vmem>>
    %dma_start3A_1089 = arith.constant 0 : i32
    %dma_start3A_1090 = tpu.memref_slice %arg6[%dma_start3A_1085, %dma_start3A_1089] : memref<4x96xi32, #tpu.memory_space<vmem>> -> memref<1x96xi32, #tpu.memory_space<vmem>>
    %dma_start3A_1091 = tpu.memref_squeeze %dma_start3A_1090 : memref<1x96xi32, #tpu.memory_space<vmem>> -> memref<96xi32, #tpu.memory_space<vmem>>
    %dma_start3A_1092 = arith.constant 0 : i32
    %dma_start3A_1093 = arith.constant 0 : i32
    %dma_start3A_1094 = tpu.memref_slice %arg2[%dma_start3A_1092, %dma_start3A_1093] : memref<1000000x128xf32, #tpu.memory_space<hbm>> -> memref<1000000x128xf32, #tpu.memory_space<hbm>>
    tpu.enqueue_indirect_dma source(%dma_start3A_1094 : memref<1000000x128xf32, #tpu.memory_space<hbm>>) target(%dma_start3A_1088 : memref<96x128xf32, #tpu.memory_space<vmem>>) offsets(%dma_start3A_1091 : memref<96xi32, #tpu.memory_space<vmem>>) semaphore(%arg10 : memref<!tpu.dma_semaphore, #tpu.memory_space<semaphore_mem>>)
    %dma_start3A_1095 = arith.constant 1 : i32
    %dma_start3A_1096 = arith.constant 104 : i32
    %dma_start3A_1097 = arith.constant 0 : i32
    %dma_start3A_1098 = tpu.memref_slice %arg8[%dma_start3A_1096, %dma_start3A_1097] : memref<400x128xf32, #tpu.memory_space<vmem>> -> memref<96x128xf32, #tpu.memory_space<vmem>>
    %dma_start3A_1099 = arith.constant 0 : i32
    %dma_start3A_1100 = tpu.memref_slice %arg6[%dma_start3A_1095, %dma_start3A_1099] : memref<4x96xi32, #tpu.memory_space<vmem>> -> memref<1x96xi32, #tpu.memory_space<vmem>>
    %dma_start3A_1101 = tpu.memref_squeeze %dma_start3A_1100 : memref<1x96xi32, #tpu.memory_space<vmem>> -> memref<96xi32, #tpu.memory_space<vmem>>
    %dma_start3A_1102 = arith.constant 0 : i32
    %dma_start3A_1103 = arith.constant 0 : i32
    %dma_start3A_1104 = tpu.memref_slice %arg2[%dma_start3A_1102, %dma_start3A_1103] : memref<1000000x128xf32, #tpu.memory_space<hbm>> -> memref<1000000x128xf32, #tpu.memory_space<hbm>>
    tpu.enqueue_indirect_dma source(%dma_start3A_1104 : memref<1000000x128xf32, #tpu.memory_space<hbm>>) target(%dma_start3A_1098 : memref<96x128xf32, #tpu.memory_space<vmem>>) offsets(%dma_start3A_1101 : memref<96xi32, #tpu.memory_space<vmem>>) semaphore(%arg10 : memref<!tpu.dma_semaphore, #tpu.memory_space<semaphore_mem>>)
    %dma_start3A_1105 = arith.constant 2 : i32
    %dma_start3A_1106 = arith.constant 210 : i32
    %dma_start3A_1107 = arith.constant 0 : i32
    %dma_start3A_1108 = tpu.memref_slice %arg8[%dma_start3A_1106, %dma_start3A_1107] : memref<400x128xf32, #tpu.memory_space<vmem>> -> memref<96x128xf32, #tpu.memory_space<vmem>>
    %dma_start3A_1109 = arith.constant 0 : i32
    %dma_start3A_1110 = tpu.memref_slice %arg6[%dma_start3A_1105, %dma_start3A_1109] : memref<4x96xi32, #tpu.memory_space<vmem>> -> memref<1x96xi32, #tpu.memory_space<vmem>>
    %dma_start3A_1111 = tpu.memref_squeeze %dma_start3A_1110 : memref<1x96xi32, #tpu.memory_space<vmem>> -> memref<96xi32, #tpu.memory_space<vmem>>
    %dma_start3A_1112 = arith.constant 0 : i32
    %dma_start3A_1113 = arith.constant 0 : i32
    %dma_start3A_1114 = tpu.memref_slice %arg2[%dma_start3A_1112, %dma_start3A_1113] : memref<1000000x128xf32, #tpu.memory_space<hbm>> -> memref<1000000x128xf32, #tpu.memory_space<hbm>>
    tpu.enqueue_indirect_dma source(%dma_start3A_1114 : memref<1000000x128xf32, #tpu.memory_space<hbm>>) target(%dma_start3A_1108 : memref<96x128xf32, #tpu.memory_space<vmem>>) offsets(%dma_start3A_1111 : memref<96xi32, #tpu.memory_space<vmem>>) semaphore(%arg10 : memref<!tpu.dma_semaphore, #tpu.memory_space<semaphore_mem>>)
    %dma_start3A_1115 = arith.constant 3 : i32
    %dma_start3A_1116 = arith.constant 304 : i32
    %dma_start3A_1117 = arith.constant 0 : i32
    %dma_start3A_1118 = tpu.memref_slice %arg8[%dma_start3A_1116, %dma_start3A_1117] : memref<400x128xf32, #tpu.memory_space<vmem>> -> memref<96x128xf32, #tpu.memory_space<vmem>>
    %dma_start3A_1119 = arith.constant 0 : i32
    %dma_start3A_1120 = tpu.memref_slice %arg6[%dma_start3A_1115, %dma_start3A_1119] : memref<4x96xi32, #tpu.memory_space<vmem>> -> memref<1x96xi32, #tpu.memory_space<vmem>>
    %dma_start3A_1121 = tpu.memref_squeeze %dma_start3A_1120 : memref<1x96xi32, #tpu.memory_space<vmem>> -> memref<96xi32, #tpu.memory_space<vmem>>
    %dma_start3A_1122 = arith.constant 0 : i32
    %dma_start3A_1123 = arith.constant 0 : i32
    %dma_start3A_1124 = tpu.memref_slice %arg2[%dma_start3A_1122, %dma_start3A_1123] : memref<1000000x128xf32, #tpu.memory_space<hbm>> -> memref<1000000x128xf32, #tpu.memory_space<hbm>>
    tpu.enqueue_indirect_dma source(%dma_start3A_1124 : memref<1000000x128xf32, #tpu.memory_space<hbm>>) target(%dma_start3A_1118 : memref<96x128xf32, #tpu.memory_space<vmem>>) offsets(%dma_start3A_1121 : memref<96xi32, #tpu.memory_space<vmem>>) semaphore(%arg10 : memref<!tpu.dma_semaphore, #tpu.memory_space<semaphore_mem>>)
    %dma_wait3A_1125 = arith.constant 0 : i32
    %dma_wait3A_1126 = arith.constant 10 : i32
    %dma_wait3A_1127 = arith.constant 0 : i32
    %dma_wait3A_1128 = tpu.memref_slice %arg9[%dma_wait3A_1126, %dma_wait3A_1127] : memref<400x128xf32, #tpu.memory_space<vmem>> -> memref<96x128xf32, #tpu.memory_space<vmem>>
    %dma_wait3A_1129 = arith.constant 0 : i32
    %dma_wait3A_1130 = tpu.memref_slice %arg7[%dma_wait3A_1125, %dma_wait3A_1129] : memref<4x96xi32, #tpu.memory_space<vmem>> -> memref<1x96xi32, #tpu.memory_space<vmem>>
    %dma_wait3A_1131 = tpu.memref_squeeze %dma_wait3A_1130 : memref<1x96xi32, #tpu.memory_space<vmem>> -> memref<96xi32, #tpu.memory_space<vmem>>
    %dma_wait3A_1132 = arith.constant 0 : i32
    %dma_wait3A_1133 = arith.constant 0 : i32
    %dma_wait3A_1134 = tpu.memref_slice %arg2[%dma_wait3A_1132, %dma_wait3A_1133] : memref<1000000x128xf32, #tpu.memory_space<hbm>> -> memref<1000000x128xf32, #tpu.memory_space<hbm>>
    tpu.wait_indirect_dma semaphore(%arg11 : memref<!tpu.dma_semaphore, #tpu.memory_space<semaphore_mem>>) src(%dma_wait3A_1134 : memref<1000000x128xf32, #tpu.memory_space<hbm>>) dst(%dma_wait3A_1128 : memref<96x128xf32, #tpu.memory_space<vmem>>)
    %dma_wait3A_1135 = arith.constant 1 : i32
    %dma_wait3A_1136 = arith.constant 104 : i32
    %dma_wait3A_1137 = arith.constant 0 : i32
    %dma_wait3A_1138 = tpu.memref_slice %arg9[%dma_wait3A_1136, %dma_wait3A_1137] : memref<400x128xf32, #tpu.memory_space<vmem>> -> memref<96x128xf32, #tpu.memory_space<vmem>>
    %dma_wait3A_1139 = arith.constant 0 : i32
    %dma_wait3A_1140 = tpu.memref_slice %arg7[%dma_wait3A_1135, %dma_wait3A_1139] : memref<4x96xi32, #tpu.memory_space<vmem>> -> memref<1x96xi32, #tpu.memory_space<vmem>>
    %dma_wait3A_1141 = tpu.memref_squeeze %dma_wait3A_1140 : memref<1x96xi32, #tpu.memory_space<vmem>> -> memref<96xi32, #tpu.memory_space<vmem>>
    %dma_wait3A_1142 = arith.constant 0 : i32
    %dma_wait3A_1143 = arith.constant 0 : i32
    %dma_wait3A_1144 = tpu.memref_slice %arg2[%dma_wait3A_1142, %dma_wait3A_1143] : memref<1000000x128xf32, #tpu.memory_space<hbm>> -> memref<1000000x128xf32, #tpu.memory_space<hbm>>
    tpu.wait_indirect_dma semaphore(%arg11 : memref<!tpu.dma_semaphore, #tpu.memory_space<semaphore_mem>>) src(%dma_wait3A_1144 : memref<1000000x128xf32, #tpu.memory_space<hbm>>) dst(%dma_wait3A_1138 : memref<96x128xf32, #tpu.memory_space<vmem>>)
    %dma_wait3A_1145 = arith.constant 2 : i32
    %dma_wait3A_1146 = arith.constant 210 : i32
    %dma_wait3A_1147 = arith.constant 0 : i32
    %dma_wait3A_1148 = tpu.memref_slice %arg9[%dma_wait3A_1146, %dma_wait3A_1147] : memref<400x128xf32, #tpu.memory_space<vmem>> -> memref<96x128xf32, #tpu.memory_space<vmem>>
    %dma_wait3A_1149 = arith.constant 0 : i32
    %dma_wait3A_1150 = tpu.memref_slice %arg7[%dma_wait3A_1145, %dma_wait3A_1149] : memref<4x96xi32, #tpu.memory_space<vmem>> -> memref<1x96xi32, #tpu.memory_space<vmem>>
    %dma_wait3A_1151 = tpu.memref_squeeze %dma_wait3A_1150 : memref<1x96xi32, #tpu.memory_space<vmem>> -> memref<96xi32, #tpu.memory_space<vmem>>
    %dma_wait3A_1152 = arith.constant 0 : i32
    %dma_wait3A_1153 = arith.constant 0 : i32
    %dma_wait3A_1154 = tpu.memref_slice %arg2[%dma_wait3A_1152, %dma_wait3A_1153] : memref<1000000x128xf32, #tpu.memory_space<hbm>> -> memref<1000000x128xf32, #tpu.memory_space<hbm>>
    tpu.wait_indirect_dma semaphore(%arg11 : memref<!tpu.dma_semaphore, #tpu.memory_space<semaphore_mem>>) src(%dma_wait3A_1154 : memref<1000000x128xf32, #tpu.memory_space<hbm>>) dst(%dma_wait3A_1148 : memref<96x128xf32, #tpu.memory_space<vmem>>)
    %dma_wait3A_1155 = arith.constant 3 : i32
    %dma_wait3A_1156 = arith.constant 304 : i32
    %dma_wait3A_1157 = arith.constant 0 : i32
    %dma_wait3A_1158 = tpu.memref_slice %arg9[%dma_wait3A_1156, %dma_wait3A_1157] : memref<400x128xf32, #tpu.memory_space<vmem>> -> memref<96x128xf32, #tpu.memory_space<vmem>>
    %dma_wait3A_1159 = arith.constant 0 : i32
    %dma_wait3A_1160 = tpu.memref_slice %arg7[%dma_wait3A_1155, %dma_wait3A_1159] : memref<4x96xi32, #tpu.memory_space<vmem>> -> memref<1x96xi32, #tpu.memory_space<vmem>>
    %dma_wait3A_1161 = tpu.memref_squeeze %dma_wait3A_1160 : memref<1x96xi32, #tpu.memory_space<vmem>> -> memref<96xi32, #tpu.memory_space<vmem>>
    %dma_wait3A_1162 = arith.constant 0 : i32
    %dma_wait3A_1163 = arith.constant 0 : i32
    %dma_wait3A_1164 = tpu.memref_slice %arg2[%dma_wait3A_1162, %dma_wait3A_1163] : memref<1000000x128xf32, #tpu.memory_space<hbm>> -> memref<1000000x128xf32, #tpu.memory_space<hbm>>
    tpu.wait_indirect_dma semaphore(%arg11 : memref<!tpu.dma_semaphore, #tpu.memory_space<semaphore_mem>>) src(%dma_wait3A_1164 : memref<1000000x128xf32, #tpu.memory_space<hbm>>) dst(%dma_wait3A_1158 : memref<96x128xf32, #tpu.memory_space<vmem>>)
    %mul3A_1165 = arith.constant 32 : i32
    %mul3A_1166 = arith.muli %add3A, %mul3A_1165 : i32
    %add3A_1167 = arith.constant 22 : i32
    %add3A_1168 = arith.addi %mul3A_1166, %add3A_1167 : i32
    %add3A_1169 = arith.constant 0 : i32
    %add3A_1170 = arith.addi %add3A_1168, %add3A_1169 : i32
    "tpu.region"() ({
      %run_scoped3A = tpu.sem_alloc : memref<!tpu.dma_semaphore, #tpu.memory_space<semaphore_mem>>
      %dma_start3A_1503 = arith.constant 0 : i32
      %dma_start3A_1504 = arith.constant 0 : i32
      %dma_start3A_1505 = tpu.memref_slice %arg9[%dma_start3A_1503, %dma_start3A_1504] : memref<400x128xf32, #tpu.memory_space<vmem>> -> memref<200x64xf32, #tpu.memory_space<vmem>>
      %dma_start3A_1506 = arith.constant 0 : i32
      %dma_start3A_1507 = arith.constant 0 : i32
      %dma_start3A_1508 = tpu.memref_slice %arg5[%add3A_1170, %dma_start3A_1506, %dma_start3A_1507] : memref<1024x200x64xf32, #tpu.memory_space<hbm>> -> memref<1x200x64xf32, #tpu.memory_space<hbm>>
      %dma_start3A_1509 = tpu.memref_squeeze %dma_start3A_1508 : memref<1x200x64xf32, #tpu.memory_space<hbm>> -> memref<200x64xf32, #tpu.memory_space<hbm>>
      %dma_start3A_1510 = arith.constant 0 : i32
      %dma_start3A_1511 = arith.constant 0 : i32
      %dma_start3A_1512 = tpu.memref_slice %arg5[%add3A_1170, %dma_start3A_1510, %dma_start3A_1511] : memref<1024x200x64xf32, #tpu.memory_space<hbm>> -> memref<1x200x64xf32, #tpu.memory_space<hbm>>
      %dma_start3A_1513 = tpu.memref_squeeze %dma_start3A_1512 : memref<1x200x64xf32, #tpu.memory_space<hbm>> -> memref<200x64xf32, #tpu.memory_space<hbm>>
      %dma_start3A_1514 = arith.constant 0 : i32
      %dma_start3A_1515 = arith.constant 0 : i32
      %dma_start3A_1516 = tpu.memref_slice %arg9[%dma_start3A_1514, %dma_start3A_1515] : memref<400x128xf32, #tpu.memory_space<vmem>> -> memref<200x64xf32, #tpu.memory_space<vmem>>
      tpu.enqueue_dma source(%dma_start3A_1516 : memref<200x64xf32, #tpu.memory_space<vmem>>) target(%dma_start3A_1513 : memref<200x64xf32, #tpu.memory_space<hbm>>) target_semaphore(%run_scoped3A : memref<!tpu.dma_semaphore, #tpu.memory_space<semaphore_mem>>)
      %dma_wait3A_1517 = arith.constant 0 : i32
      %dma_wait3A_1518 = arith.constant 0 : i32
      %dma_wait3A_1519 = tpu.memref_slice %arg9[%dma_wait3A_1517, %dma_wait3A_1518] : memref<400x128xf32, #tpu.memory_space<vmem>> -> memref<200x64xf32, #tpu.memory_space<vmem>>
      %dma_wait3A_1520 = arith.constant 0 : i32
      %dma_wait3A_1521 = arith.constant 0 : i32
      %dma_wait3A_1522 = tpu.memref_slice %arg5[%add3A_1170, %dma_wait3A_1520, %dma_wait3A_1521] : memref<1024x200x64xf32, #tpu.memory_space<hbm>> -> memref<1x200x64xf32, #tpu.memory_space<hbm>>
      %dma_wait3A_1523 = tpu.memref_squeeze %dma_wait3A_1522 : memref<1x200x64xf32, #tpu.memory_space<hbm>> -> memref<200x64xf32, #tpu.memory_space<hbm>>
      %dma_wait3A_1524 = arith.constant 0 : i32
      %dma_wait3A_1525 = arith.constant 0 : i32
      %dma_wait3A_1526 = tpu.memref_slice %arg5[%add3A_1170, %dma_wait3A_1524, %dma_wait3A_1525] : memref<1024x200x64xf32, #tpu.memory_space<hbm>> -> memref<1x200x64xf32, #tpu.memory_space<hbm>>
      %dma_wait3A_1527 = tpu.memref_squeeze %dma_wait3A_1526 : memref<1x200x64xf32, #tpu.memory_space<hbm>> -> memref<200x64xf32, #tpu.memory_space<hbm>>
      %dma_wait3A_1528 = arith.constant 0 : i32
      %dma_wait3A_1529 = arith.constant 0 : i32
      %dma_wait3A_1530 = tpu.memref_slice %arg9[%dma_wait3A_1528, %dma_wait3A_1529] : memref<400x128xf32, #tpu.memory_space<vmem>> -> memref<200x64xf32, #tpu.memory_space<vmem>>
      tpu.wait_dma2 semaphore(%run_scoped3A : memref<!tpu.dma_semaphore, #tpu.memory_space<semaphore_mem>>) src(%dma_wait3A_1530 : memref<200x64xf32, #tpu.memory_space<vmem>>) dst(%dma_wait3A_1527 : memref<200x64xf32, #tpu.memory_space<hbm>>)
      tpu.yield
    }) : () -> ()
    %add3A_1171 = arith.constant 1 : i32
    %add3A_1172 = arith.addi %add3A_1168, %add3A_1171 : i32
    "tpu.region"() ({
      %run_scoped3A = tpu.sem_alloc : memref<!tpu.dma_semaphore, #tpu.memory_space<semaphore_mem>>
      %dma_start3A_1503 = arith.constant 200 : i32
      %dma_start3A_1504 = arith.constant 0 : i32
      %dma_start3A_1505 = tpu.memref_slice %arg9[%dma_start3A_1503, %dma_start3A_1504] : memref<400x128xf32, #tpu.memory_space<vmem>> -> memref<200x64xf32, #tpu.memory_space<vmem>>
      %dma_start3A_1506 = arith.constant 0 : i32
      %dma_start3A_1507 = arith.constant 0 : i32
      %dma_start3A_1508 = tpu.memref_slice %arg5[%add3A_1172, %dma_start3A_1506, %dma_start3A_1507] : memref<1024x200x64xf32, #tpu.memory_space<hbm>> -> memref<1x200x64xf32, #tpu.memory_space<hbm>>
      %dma_start3A_1509 = tpu.memref_squeeze %dma_start3A_1508 : memref<1x200x64xf32, #tpu.memory_space<hbm>> -> memref<200x64xf32, #tpu.memory_space<hbm>>
      %dma_start3A_1510 = arith.constant 0 : i32
      %dma_start3A_1511 = arith.constant 0 : i32
      %dma_start3A_1512 = tpu.memref_slice %arg5[%add3A_1172, %dma_start3A_1510, %dma_start3A_1511] : memref<1024x200x64xf32, #tpu.memory_space<hbm>> -> memref<1x200x64xf32, #tpu.memory_space<hbm>>
      %dma_start3A_1513 = tpu.memref_squeeze %dma_start3A_1512 : memref<1x200x64xf32, #tpu.memory_space<hbm>> -> memref<200x64xf32, #tpu.memory_space<hbm>>
      %dma_start3A_1514 = arith.constant 200 : i32
      %dma_start3A_1515 = arith.constant 0 : i32
      %dma_start3A_1516 = tpu.memref_slice %arg9[%dma_start3A_1514, %dma_start3A_1515] : memref<400x128xf32, #tpu.memory_space<vmem>> -> memref<200x64xf32, #tpu.memory_space<vmem>>
      tpu.enqueue_dma source(%dma_start3A_1516 : memref<200x64xf32, #tpu.memory_space<vmem>>) target(%dma_start3A_1513 : memref<200x64xf32, #tpu.memory_space<hbm>>) target_semaphore(%run_scoped3A : memref<!tpu.dma_semaphore, #tpu.memory_space<semaphore_mem>>)
      %dma_wait3A_1517 = arith.constant 200 : i32
      %dma_wait3A_1518 = arith.constant 0 : i32
      %dma_wait3A_1519 = tpu.memref_slice %arg9[%dma_wait3A_1517, %dma_wait3A_1518] : memref<400x128xf32, #tpu.memory_space<vmem>> -> memref<200x64xf32, #tpu.memory_space<vmem>>
      %dma_wait3A_1520 = arith.constant 0 : i32
      %dma_wait3A_1521 = arith.constant 0 : i32
      %dma_wait3A_1522 = tpu.memref_slice %arg5[%add3A_1172, %dma_wait3A_1520, %dma_wait3A_1521] : memref<1024x200x64xf32, #tpu.memory_space<hbm>> -> memref<1x200x64xf32, #tpu.memory_space<hbm>>
      %dma_wait3A_1523 = tpu.memref_squeeze %dma_wait3A_1522 : memref<1x200x64xf32, #tpu.memory_space<hbm>> -> memref<200x64xf32, #tpu.memory_space<hbm>>
      %dma_wait3A_1524 = arith.constant 0 : i32
      %dma_wait3A_1525 = arith.constant 0 : i32
      %dma_wait3A_1526 = tpu.memref_slice %arg5[%add3A_1172, %dma_wait3A_1524, %dma_wait3A_1525] : memref<1024x200x64xf32, #tpu.memory_space<hbm>> -> memref<1x200x64xf32, #tpu.memory_space<hbm>>
      %dma_wait3A_1527 = tpu.memref_squeeze %dma_wait3A_1526 : memref<1x200x64xf32, #tpu.memory_space<hbm>> -> memref<200x64xf32, #tpu.memory_space<hbm>>
      %dma_wait3A_1528 = arith.constant 200 : i32
      %dma_wait3A_1529 = arith.constant 0 : i32
      %dma_wait3A_1530 = tpu.memref_slice %arg9[%dma_wait3A_1528, %dma_wait3A_1529] : memref<400x128xf32, #tpu.memory_space<vmem>> -> memref<200x64xf32, #tpu.memory_space<vmem>>
      tpu.wait_dma2 semaphore(%run_scoped3A : memref<!tpu.dma_semaphore, #tpu.memory_space<semaphore_mem>>) src(%dma_wait3A_1530 : memref<200x64xf32, #tpu.memory_space<vmem>>) dst(%dma_wait3A_1527 : memref<200x64xf32, #tpu.memory_space<hbm>>)
      tpu.yield
    }) : () -> ()
    %mul3A_1173 = arith.constant 32 : i32
    %mul3A_1174 = arith.muli %add3A, %mul3A_1173 : i32
    %add3A_1175 = arith.constant 26 : i32
    %add3A_1176 = arith.addi %mul3A_1174, %add3A_1175 : i32
    %mul3A_1177 = arith.constant 2 : i32
    %mul3A_1178 = arith.muli %add3A_1176, %mul3A_1177 : i32
    "tpu.region"() ({
      %run_scoped3A = tpu.sem_alloc : memref<!tpu.dma_semaphore, #tpu.memory_space<semaphore_mem>>
      %dma_start3A_1503 = arith.constant 0 : i32
      %dma_start3A_1504 = tpu.memref_slice %arg3[%mul3A_1178, %dma_start3A_1503] : memref<2048x128xi32, #tpu.memory_space<hbm>> -> memref<4x96xi32, #tpu.memory_space<hbm>>
      %dma_start3A_1505 = arith.constant 0 : i32
      %dma_start3A_1506 = tpu.memref_slice %arg3[%mul3A_1178, %dma_start3A_1505] : memref<2048x128xi32, #tpu.memory_space<hbm>> -> memref<4x96xi32, #tpu.memory_space<hbm>>
      tpu.enqueue_dma source(%dma_start3A_1506 : memref<4x96xi32, #tpu.memory_space<hbm>>) target(%arg7 : memref<4x96xi32, #tpu.memory_space<vmem>>) target_semaphore(%run_scoped3A : memref<!tpu.dma_semaphore, #tpu.memory_space<semaphore_mem>>)
      %dma_wait3A_1507 = arith.constant 0 : i32
      %dma_wait3A_1508 = tpu.memref_slice %arg3[%mul3A_1178, %dma_wait3A_1507] : memref<2048x128xi32, #tpu.memory_space<hbm>> -> memref<4x96xi32, #tpu.memory_space<hbm>>
      %dma_wait3A_1509 = arith.constant 0 : i32
      %dma_wait3A_1510 = tpu.memref_slice %arg3[%mul3A_1178, %dma_wait3A_1509] : memref<2048x128xi32, #tpu.memory_space<hbm>> -> memref<4x96xi32, #tpu.memory_space<hbm>>
      tpu.wait_dma2 semaphore(%run_scoped3A : memref<!tpu.dma_semaphore, #tpu.memory_space<semaphore_mem>>) src(%dma_wait3A_1510 : memref<4x96xi32, #tpu.memory_space<hbm>>) dst(%arg7 : memref<4x96xi32, #tpu.memory_space<vmem>>)
      tpu.yield
    }) : () -> ()
    %dma_start3A_1179 = arith.constant 0 : i32
    %dma_start3A_1180 = arith.constant 10 : i32
    %dma_start3A_1181 = arith.constant 0 : i32
    %dma_start3A_1182 = tpu.memref_slice %arg9[%dma_start3A_1180, %dma_start3A_1181] : memref<400x128xf32, #tpu.memory_space<vmem>> -> memref<96x128xf32, #tpu.memory_space<vmem>>
    %dma_start3A_1183 = arith.constant 0 : i32
    %dma_start3A_1184 = tpu.memref_slice %arg7[%dma_start3A_1179, %dma_start3A_1183] : memref<4x96xi32, #tpu.memory_space<vmem>> -> memref<1x96xi32, #tpu.memory_space<vmem>>
    %dma_start3A_1185 = tpu.memref_squeeze %dma_start3A_1184 : memref<1x96xi32, #tpu.memory_space<vmem>> -> memref<96xi32, #tpu.memory_space<vmem>>
    %dma_start3A_1186 = arith.constant 0 : i32
    %dma_start3A_1187 = arith.constant 0 : i32
    %dma_start3A_1188 = tpu.memref_slice %arg2[%dma_start3A_1186, %dma_start3A_1187] : memref<1000000x128xf32, #tpu.memory_space<hbm>> -> memref<1000000x128xf32, #tpu.memory_space<hbm>>
    tpu.enqueue_indirect_dma source(%dma_start3A_1188 : memref<1000000x128xf32, #tpu.memory_space<hbm>>) target(%dma_start3A_1182 : memref<96x128xf32, #tpu.memory_space<vmem>>) offsets(%dma_start3A_1185 : memref<96xi32, #tpu.memory_space<vmem>>) semaphore(%arg11 : memref<!tpu.dma_semaphore, #tpu.memory_space<semaphore_mem>>)
    %dma_start3A_1189 = arith.constant 1 : i32
    %dma_start3A_1190 = arith.constant 104 : i32
    %dma_start3A_1191 = arith.constant 0 : i32
    %dma_start3A_1192 = tpu.memref_slice %arg9[%dma_start3A_1190, %dma_start3A_1191] : memref<400x128xf32, #tpu.memory_space<vmem>> -> memref<96x128xf32, #tpu.memory_space<vmem>>
    %dma_start3A_1193 = arith.constant 0 : i32
    %dma_start3A_1194 = tpu.memref_slice %arg7[%dma_start3A_1189, %dma_start3A_1193] : memref<4x96xi32, #tpu.memory_space<vmem>> -> memref<1x96xi32, #tpu.memory_space<vmem>>
    %dma_start3A_1195 = tpu.memref_squeeze %dma_start3A_1194 : memref<1x96xi32, #tpu.memory_space<vmem>> -> memref<96xi32, #tpu.memory_space<vmem>>
    %dma_start3A_1196 = arith.constant 0 : i32
    %dma_start3A_1197 = arith.constant 0 : i32
    %dma_start3A_1198 = tpu.memref_slice %arg2[%dma_start3A_1196, %dma_start3A_1197] : memref<1000000x128xf32, #tpu.memory_space<hbm>> -> memref<1000000x128xf32, #tpu.memory_space<hbm>>
    tpu.enqueue_indirect_dma source(%dma_start3A_1198 : memref<1000000x128xf32, #tpu.memory_space<hbm>>) target(%dma_start3A_1192 : memref<96x128xf32, #tpu.memory_space<vmem>>) offsets(%dma_start3A_1195 : memref<96xi32, #tpu.memory_space<vmem>>) semaphore(%arg11 : memref<!tpu.dma_semaphore, #tpu.memory_space<semaphore_mem>>)
    %dma_start3A_1199 = arith.constant 2 : i32
    %dma_start3A_1200 = arith.constant 210 : i32
    %dma_start3A_1201 = arith.constant 0 : i32
    %dma_start3A_1202 = tpu.memref_slice %arg9[%dma_start3A_1200, %dma_start3A_1201] : memref<400x128xf32, #tpu.memory_space<vmem>> -> memref<96x128xf32, #tpu.memory_space<vmem>>
    %dma_start3A_1203 = arith.constant 0 : i32
    %dma_start3A_1204 = tpu.memref_slice %arg7[%dma_start3A_1199, %dma_start3A_1203] : memref<4x96xi32, #tpu.memory_space<vmem>> -> memref<1x96xi32, #tpu.memory_space<vmem>>
    %dma_start3A_1205 = tpu.memref_squeeze %dma_start3A_1204 : memref<1x96xi32, #tpu.memory_space<vmem>> -> memref<96xi32, #tpu.memory_space<vmem>>
    %dma_start3A_1206 = arith.constant 0 : i32
    %dma_start3A_1207 = arith.constant 0 : i32
    %dma_start3A_1208 = tpu.memref_slice %arg2[%dma_start3A_1206, %dma_start3A_1207] : memref<1000000x128xf32, #tpu.memory_space<hbm>> -> memref<1000000x128xf32, #tpu.memory_space<hbm>>
    tpu.enqueue_indirect_dma source(%dma_start3A_1208 : memref<1000000x128xf32, #tpu.memory_space<hbm>>) target(%dma_start3A_1202 : memref<96x128xf32, #tpu.memory_space<vmem>>) offsets(%dma_start3A_1205 : memref<96xi32, #tpu.memory_space<vmem>>) semaphore(%arg11 : memref<!tpu.dma_semaphore, #tpu.memory_space<semaphore_mem>>)
    %dma_start3A_1209 = arith.constant 3 : i32
    %dma_start3A_1210 = arith.constant 304 : i32
    %dma_start3A_1211 = arith.constant 0 : i32
    %dma_start3A_1212 = tpu.memref_slice %arg9[%dma_start3A_1210, %dma_start3A_1211] : memref<400x128xf32, #tpu.memory_space<vmem>> -> memref<96x128xf32, #tpu.memory_space<vmem>>
    %dma_start3A_1213 = arith.constant 0 : i32
    %dma_start3A_1214 = tpu.memref_slice %arg7[%dma_start3A_1209, %dma_start3A_1213] : memref<4x96xi32, #tpu.memory_space<vmem>> -> memref<1x96xi32, #tpu.memory_space<vmem>>
    %dma_start3A_1215 = tpu.memref_squeeze %dma_start3A_1214 : memref<1x96xi32, #tpu.memory_space<vmem>> -> memref<96xi32, #tpu.memory_space<vmem>>
    %dma_start3A_1216 = arith.constant 0 : i32
    %dma_start3A_1217 = arith.constant 0 : i32
    %dma_start3A_1218 = tpu.memref_slice %arg2[%dma_start3A_1216, %dma_start3A_1217] : memref<1000000x128xf32, #tpu.memory_space<hbm>> -> memref<1000000x128xf32, #tpu.memory_space<hbm>>
    tpu.enqueue_indirect_dma source(%dma_start3A_1218 : memref<1000000x128xf32, #tpu.memory_space<hbm>>) target(%dma_start3A_1212 : memref<96x128xf32, #tpu.memory_space<vmem>>) offsets(%dma_start3A_1215 : memref<96xi32, #tpu.memory_space<vmem>>) semaphore(%arg11 : memref<!tpu.dma_semaphore, #tpu.memory_space<semaphore_mem>>)
    %dma_wait3A_1219 = arith.constant 0 : i32
    %dma_wait3A_1220 = arith.constant 10 : i32
    %dma_wait3A_1221 = arith.constant 0 : i32
    %dma_wait3A_1222 = tpu.memref_slice %arg8[%dma_wait3A_1220, %dma_wait3A_1221] : memref<400x128xf32, #tpu.memory_space<vmem>> -> memref<96x128xf32, #tpu.memory_space<vmem>>
    %dma_wait3A_1223 = arith.constant 0 : i32
    %dma_wait3A_1224 = tpu.memref_slice %arg6[%dma_wait3A_1219, %dma_wait3A_1223] : memref<4x96xi32, #tpu.memory_space<vmem>> -> memref<1x96xi32, #tpu.memory_space<vmem>>
    %dma_wait3A_1225 = tpu.memref_squeeze %dma_wait3A_1224 : memref<1x96xi32, #tpu.memory_space<vmem>> -> memref<96xi32, #tpu.memory_space<vmem>>
    %dma_wait3A_1226 = arith.constant 0 : i32
    %dma_wait3A_1227 = arith.constant 0 : i32
    %dma_wait3A_1228 = tpu.memref_slice %arg2[%dma_wait3A_1226, %dma_wait3A_1227] : memref<1000000x128xf32, #tpu.memory_space<hbm>> -> memref<1000000x128xf32, #tpu.memory_space<hbm>>
    tpu.wait_indirect_dma semaphore(%arg10 : memref<!tpu.dma_semaphore, #tpu.memory_space<semaphore_mem>>) src(%dma_wait3A_1228 : memref<1000000x128xf32, #tpu.memory_space<hbm>>) dst(%dma_wait3A_1222 : memref<96x128xf32, #tpu.memory_space<vmem>>)
    %dma_wait3A_1229 = arith.constant 1 : i32
    %dma_wait3A_1230 = arith.constant 104 : i32
    %dma_wait3A_1231 = arith.constant 0 : i32
    %dma_wait3A_1232 = tpu.memref_slice %arg8[%dma_wait3A_1230, %dma_wait3A_1231] : memref<400x128xf32, #tpu.memory_space<vmem>> -> memref<96x128xf32, #tpu.memory_space<vmem>>
    %dma_wait3A_1233 = arith.constant 0 : i32
    %dma_wait3A_1234 = tpu.memref_slice %arg6[%dma_wait3A_1229, %dma_wait3A_1233] : memref<4x96xi32, #tpu.memory_space<vmem>> -> memref<1x96xi32, #tpu.memory_space<vmem>>
    %dma_wait3A_1235 = tpu.memref_squeeze %dma_wait3A_1234 : memref<1x96xi32, #tpu.memory_space<vmem>> -> memref<96xi32, #tpu.memory_space<vmem>>
    %dma_wait3A_1236 = arith.constant 0 : i32
    %dma_wait3A_1237 = arith.constant 0 : i32
    %dma_wait3A_1238 = tpu.memref_slice %arg2[%dma_wait3A_1236, %dma_wait3A_1237] : memref<1000000x128xf32, #tpu.memory_space<hbm>> -> memref<1000000x128xf32, #tpu.memory_space<hbm>>
    tpu.wait_indirect_dma semaphore(%arg10 : memref<!tpu.dma_semaphore, #tpu.memory_space<semaphore_mem>>) src(%dma_wait3A_1238 : memref<1000000x128xf32, #tpu.memory_space<hbm>>) dst(%dma_wait3A_1232 : memref<96x128xf32, #tpu.memory_space<vmem>>)
    %dma_wait3A_1239 = arith.constant 2 : i32
    %dma_wait3A_1240 = arith.constant 210 : i32
    %dma_wait3A_1241 = arith.constant 0 : i32
    %dma_wait3A_1242 = tpu.memref_slice %arg8[%dma_wait3A_1240, %dma_wait3A_1241] : memref<400x128xf32, #tpu.memory_space<vmem>> -> memref<96x128xf32, #tpu.memory_space<vmem>>
    %dma_wait3A_1243 = arith.constant 0 : i32
    %dma_wait3A_1244 = tpu.memref_slice %arg6[%dma_wait3A_1239, %dma_wait3A_1243] : memref<4x96xi32, #tpu.memory_space<vmem>> -> memref<1x96xi32, #tpu.memory_space<vmem>>
    %dma_wait3A_1245 = tpu.memref_squeeze %dma_wait3A_1244 : memref<1x96xi32, #tpu.memory_space<vmem>> -> memref<96xi32, #tpu.memory_space<vmem>>
    %dma_wait3A_1246 = arith.constant 0 : i32
    %dma_wait3A_1247 = arith.constant 0 : i32
    %dma_wait3A_1248 = tpu.memref_slice %arg2[%dma_wait3A_1246, %dma_wait3A_1247] : memref<1000000x128xf32, #tpu.memory_space<hbm>> -> memref<1000000x128xf32, #tpu.memory_space<hbm>>
    tpu.wait_indirect_dma semaphore(%arg10 : memref<!tpu.dma_semaphore, #tpu.memory_space<semaphore_mem>>) src(%dma_wait3A_1248 : memref<1000000x128xf32, #tpu.memory_space<hbm>>) dst(%dma_wait3A_1242 : memref<96x128xf32, #tpu.memory_space<vmem>>)
    %dma_wait3A_1249 = arith.constant 3 : i32
    %dma_wait3A_1250 = arith.constant 304 : i32
    %dma_wait3A_1251 = arith.constant 0 : i32
    %dma_wait3A_1252 = tpu.memref_slice %arg8[%dma_wait3A_1250, %dma_wait3A_1251] : memref<400x128xf32, #tpu.memory_space<vmem>> -> memref<96x128xf32, #tpu.memory_space<vmem>>
    %dma_wait3A_1253 = arith.constant 0 : i32
    %dma_wait3A_1254 = tpu.memref_slice %arg6[%dma_wait3A_1249, %dma_wait3A_1253] : memref<4x96xi32, #tpu.memory_space<vmem>> -> memref<1x96xi32, #tpu.memory_space<vmem>>
    %dma_wait3A_1255 = tpu.memref_squeeze %dma_wait3A_1254 : memref<1x96xi32, #tpu.memory_space<vmem>> -> memref<96xi32, #tpu.memory_space<vmem>>
    %dma_wait3A_1256 = arith.constant 0 : i32
    %dma_wait3A_1257 = arith.constant 0 : i32
    %dma_wait3A_1258 = tpu.memref_slice %arg2[%dma_wait3A_1256, %dma_wait3A_1257] : memref<1000000x128xf32, #tpu.memory_space<hbm>> -> memref<1000000x128xf32, #tpu.memory_space<hbm>>
    tpu.wait_indirect_dma semaphore(%arg10 : memref<!tpu.dma_semaphore, #tpu.memory_space<semaphore_mem>>) src(%dma_wait3A_1258 : memref<1000000x128xf32, #tpu.memory_space<hbm>>) dst(%dma_wait3A_1252 : memref<96x128xf32, #tpu.memory_space<vmem>>)
    %mul3A_1259 = arith.constant 32 : i32
    %mul3A_1260 = arith.muli %add3A, %mul3A_1259 : i32
    %add3A_1261 = arith.constant 24 : i32
    %add3A_1262 = arith.addi %mul3A_1260, %add3A_1261 : i32
    %add3A_1263 = arith.constant 0 : i32
    %add3A_1264 = arith.addi %add3A_1262, %add3A_1263 : i32
    "tpu.region"() ({
      %run_scoped3A = tpu.sem_alloc : memref<!tpu.dma_semaphore, #tpu.memory_space<semaphore_mem>>
      %dma_start3A_1503 = arith.constant 0 : i32
      %dma_start3A_1504 = arith.constant 0 : i32
      %dma_start3A_1505 = tpu.memref_slice %arg8[%dma_start3A_1503, %dma_start3A_1504] : memref<400x128xf32, #tpu.memory_space<vmem>> -> memref<200x64xf32, #tpu.memory_space<vmem>>
      %dma_start3A_1506 = arith.constant 0 : i32
      %dma_start3A_1507 = arith.constant 0 : i32
      %dma_start3A_1508 = tpu.memref_slice %arg5[%add3A_1264, %dma_start3A_1506, %dma_start3A_1507] : memref<1024x200x64xf32, #tpu.memory_space<hbm>> -> memref<1x200x64xf32, #tpu.memory_space<hbm>>
      %dma_start3A_1509 = tpu.memref_squeeze %dma_start3A_1508 : memref<1x200x64xf32, #tpu.memory_space<hbm>> -> memref<200x64xf32, #tpu.memory_space<hbm>>
      %dma_start3A_1510 = arith.constant 0 : i32
      %dma_start3A_1511 = arith.constant 0 : i32
      %dma_start3A_1512 = tpu.memref_slice %arg5[%add3A_1264, %dma_start3A_1510, %dma_start3A_1511] : memref<1024x200x64xf32, #tpu.memory_space<hbm>> -> memref<1x200x64xf32, #tpu.memory_space<hbm>>
      %dma_start3A_1513 = tpu.memref_squeeze %dma_start3A_1512 : memref<1x200x64xf32, #tpu.memory_space<hbm>> -> memref<200x64xf32, #tpu.memory_space<hbm>>
      %dma_start3A_1514 = arith.constant 0 : i32
      %dma_start3A_1515 = arith.constant 0 : i32
      %dma_start3A_1516 = tpu.memref_slice %arg8[%dma_start3A_1514, %dma_start3A_1515] : memref<400x128xf32, #tpu.memory_space<vmem>> -> memref<200x64xf32, #tpu.memory_space<vmem>>
      tpu.enqueue_dma source(%dma_start3A_1516 : memref<200x64xf32, #tpu.memory_space<vmem>>) target(%dma_start3A_1513 : memref<200x64xf32, #tpu.memory_space<hbm>>) target_semaphore(%run_scoped3A : memref<!tpu.dma_semaphore, #tpu.memory_space<semaphore_mem>>)
      %dma_wait3A_1517 = arith.constant 0 : i32
      %dma_wait3A_1518 = arith.constant 0 : i32
      %dma_wait3A_1519 = tpu.memref_slice %arg8[%dma_wait3A_1517, %dma_wait3A_1518] : memref<400x128xf32, #tpu.memory_space<vmem>> -> memref<200x64xf32, #tpu.memory_space<vmem>>
      %dma_wait3A_1520 = arith.constant 0 : i32
      %dma_wait3A_1521 = arith.constant 0 : i32
      %dma_wait3A_1522 = tpu.memref_slice %arg5[%add3A_1264, %dma_wait3A_1520, %dma_wait3A_1521] : memref<1024x200x64xf32, #tpu.memory_space<hbm>> -> memref<1x200x64xf32, #tpu.memory_space<hbm>>
      %dma_wait3A_1523 = tpu.memref_squeeze %dma_wait3A_1522 : memref<1x200x64xf32, #tpu.memory_space<hbm>> -> memref<200x64xf32, #tpu.memory_space<hbm>>
      %dma_wait3A_1524 = arith.constant 0 : i32
      %dma_wait3A_1525 = arith.constant 0 : i32
      %dma_wait3A_1526 = tpu.memref_slice %arg5[%add3A_1264, %dma_wait3A_1524, %dma_wait3A_1525] : memref<1024x200x64xf32, #tpu.memory_space<hbm>> -> memref<1x200x64xf32, #tpu.memory_space<hbm>>
      %dma_wait3A_1527 = tpu.memref_squeeze %dma_wait3A_1526 : memref<1x200x64xf32, #tpu.memory_space<hbm>> -> memref<200x64xf32, #tpu.memory_space<hbm>>
      %dma_wait3A_1528 = arith.constant 0 : i32
      %dma_wait3A_1529 = arith.constant 0 : i32
      %dma_wait3A_1530 = tpu.memref_slice %arg8[%dma_wait3A_1528, %dma_wait3A_1529] : memref<400x128xf32, #tpu.memory_space<vmem>> -> memref<200x64xf32, #tpu.memory_space<vmem>>
      tpu.wait_dma2 semaphore(%run_scoped3A : memref<!tpu.dma_semaphore, #tpu.memory_space<semaphore_mem>>) src(%dma_wait3A_1530 : memref<200x64xf32, #tpu.memory_space<vmem>>) dst(%dma_wait3A_1527 : memref<200x64xf32, #tpu.memory_space<hbm>>)
      tpu.yield
    }) : () -> ()
    %add3A_1265 = arith.constant 1 : i32
    %add3A_1266 = arith.addi %add3A_1262, %add3A_1265 : i32
    "tpu.region"() ({
      %run_scoped3A = tpu.sem_alloc : memref<!tpu.dma_semaphore, #tpu.memory_space<semaphore_mem>>
      %dma_start3A_1503 = arith.constant 200 : i32
      %dma_start3A_1504 = arith.constant 0 : i32
      %dma_start3A_1505 = tpu.memref_slice %arg8[%dma_start3A_1503, %dma_start3A_1504] : memref<400x128xf32, #tpu.memory_space<vmem>> -> memref<200x64xf32, #tpu.memory_space<vmem>>
      %dma_start3A_1506 = arith.constant 0 : i32
      %dma_start3A_1507 = arith.constant 0 : i32
      %dma_start3A_1508 = tpu.memref_slice %arg5[%add3A_1266, %dma_start3A_1506, %dma_start3A_1507] : memref<1024x200x64xf32, #tpu.memory_space<hbm>> -> memref<1x200x64xf32, #tpu.memory_space<hbm>>
      %dma_start3A_1509 = tpu.memref_squeeze %dma_start3A_1508 : memref<1x200x64xf32, #tpu.memory_space<hbm>> -> memref<200x64xf32, #tpu.memory_space<hbm>>
      %dma_start3A_1510 = arith.constant 0 : i32
      %dma_start3A_1511 = arith.constant 0 : i32
      %dma_start3A_1512 = tpu.memref_slice %arg5[%add3A_1266, %dma_start3A_1510, %dma_start3A_1511] : memref<1024x200x64xf32, #tpu.memory_space<hbm>> -> memref<1x200x64xf32, #tpu.memory_space<hbm>>
      %dma_start3A_1513 = tpu.memref_squeeze %dma_start3A_1512 : memref<1x200x64xf32, #tpu.memory_space<hbm>> -> memref<200x64xf32, #tpu.memory_space<hbm>>
      %dma_start3A_1514 = arith.constant 200 : i32
      %dma_start3A_1515 = arith.constant 0 : i32
      %dma_start3A_1516 = tpu.memref_slice %arg8[%dma_start3A_1514, %dma_start3A_1515] : memref<400x128xf32, #tpu.memory_space<vmem>> -> memref<200x64xf32, #tpu.memory_space<vmem>>
      tpu.enqueue_dma source(%dma_start3A_1516 : memref<200x64xf32, #tpu.memory_space<vmem>>) target(%dma_start3A_1513 : memref<200x64xf32, #tpu.memory_space<hbm>>) target_semaphore(%run_scoped3A : memref<!tpu.dma_semaphore, #tpu.memory_space<semaphore_mem>>)
      %dma_wait3A_1517 = arith.constant 200 : i32
      %dma_wait3A_1518 = arith.constant 0 : i32
      %dma_wait3A_1519 = tpu.memref_slice %arg8[%dma_wait3A_1517, %dma_wait3A_1518] : memref<400x128xf32, #tpu.memory_space<vmem>> -> memref<200x64xf32, #tpu.memory_space<vmem>>
      %dma_wait3A_1520 = arith.constant 0 : i32
      %dma_wait3A_1521 = arith.constant 0 : i32
      %dma_wait3A_1522 = tpu.memref_slice %arg5[%add3A_1266, %dma_wait3A_1520, %dma_wait3A_1521] : memref<1024x200x64xf32, #tpu.memory_space<hbm>> -> memref<1x200x64xf32, #tpu.memory_space<hbm>>
      %dma_wait3A_1523 = tpu.memref_squeeze %dma_wait3A_1522 : memref<1x200x64xf32, #tpu.memory_space<hbm>> -> memref<200x64xf32, #tpu.memory_space<hbm>>
      %dma_wait3A_1524 = arith.constant 0 : i32
      %dma_wait3A_1525 = arith.constant 0 : i32
      %dma_wait3A_1526 = tpu.memref_slice %arg5[%add3A_1266, %dma_wait3A_1524, %dma_wait3A_1525] : memref<1024x200x64xf32, #tpu.memory_space<hbm>> -> memref<1x200x64xf32, #tpu.memory_space<hbm>>
      %dma_wait3A_1527 = tpu.memref_squeeze %dma_wait3A_1526 : memref<1x200x64xf32, #tpu.memory_space<hbm>> -> memref<200x64xf32, #tpu.memory_space<hbm>>
      %dma_wait3A_1528 = arith.constant 200 : i32
      %dma_wait3A_1529 = arith.constant 0 : i32
      %dma_wait3A_1530 = tpu.memref_slice %arg8[%dma_wait3A_1528, %dma_wait3A_1529] : memref<400x128xf32, #tpu.memory_space<vmem>> -> memref<200x64xf32, #tpu.memory_space<vmem>>
      tpu.wait_dma2 semaphore(%run_scoped3A : memref<!tpu.dma_semaphore, #tpu.memory_space<semaphore_mem>>) src(%dma_wait3A_1530 : memref<200x64xf32, #tpu.memory_space<vmem>>) dst(%dma_wait3A_1527 : memref<200x64xf32, #tpu.memory_space<hbm>>)
      tpu.yield
    }) : () -> ()
    %mul3A_1267 = arith.constant 32 : i32
    %mul3A_1268 = arith.muli %add3A, %mul3A_1267 : i32
    %add3A_1269 = arith.constant 28 : i32
    %add3A_1270 = arith.addi %mul3A_1268, %add3A_1269 : i32
    %mul3A_1271 = arith.constant 2 : i32
    %mul3A_1272 = arith.muli %add3A_1270, %mul3A_1271 : i32
    "tpu.region"() ({
      %run_scoped3A = tpu.sem_alloc : memref<!tpu.dma_semaphore, #tpu.memory_space<semaphore_mem>>
      %dma_start3A_1503 = arith.constant 0 : i32
      %dma_start3A_1504 = tpu.memref_slice %arg3[%mul3A_1272, %dma_start3A_1503] : memref<2048x128xi32, #tpu.memory_space<hbm>> -> memref<4x96xi32, #tpu.memory_space<hbm>>
      %dma_start3A_1505 = arith.constant 0 : i32
      %dma_start3A_1506 = tpu.memref_slice %arg3[%mul3A_1272, %dma_start3A_1505] : memref<2048x128xi32, #tpu.memory_space<hbm>> -> memref<4x96xi32, #tpu.memory_space<hbm>>
      tpu.enqueue_dma source(%dma_start3A_1506 : memref<4x96xi32, #tpu.memory_space<hbm>>) target(%arg6 : memref<4x96xi32, #tpu.memory_space<vmem>>) target_semaphore(%run_scoped3A : memref<!tpu.dma_semaphore, #tpu.memory_space<semaphore_mem>>)
      %dma_wait3A_1507 = arith.constant 0 : i32
      %dma_wait3A_1508 = tpu.memref_slice %arg3[%mul3A_1272, %dma_wait3A_1507] : memref<2048x128xi32, #tpu.memory_space<hbm>> -> memref<4x96xi32, #tpu.memory_space<hbm>>
      %dma_wait3A_1509 = arith.constant 0 : i32
      %dma_wait3A_1510 = tpu.memref_slice %arg3[%mul3A_1272, %dma_wait3A_1509] : memref<2048x128xi32, #tpu.memory_space<hbm>> -> memref<4x96xi32, #tpu.memory_space<hbm>>
      tpu.wait_dma2 semaphore(%run_scoped3A : memref<!tpu.dma_semaphore, #tpu.memory_space<semaphore_mem>>) src(%dma_wait3A_1510 : memref<4x96xi32, #tpu.memory_space<hbm>>) dst(%arg6 : memref<4x96xi32, #tpu.memory_space<vmem>>)
      tpu.yield
    }) : () -> ()
    %dma_start3A_1273 = arith.constant 0 : i32
    %dma_start3A_1274 = arith.constant 10 : i32
    %dma_start3A_1275 = arith.constant 0 : i32
    %dma_start3A_1276 = tpu.memref_slice %arg8[%dma_start3A_1274, %dma_start3A_1275] : memref<400x128xf32, #tpu.memory_space<vmem>> -> memref<96x128xf32, #tpu.memory_space<vmem>>
    %dma_start3A_1277 = arith.constant 0 : i32
    %dma_start3A_1278 = tpu.memref_slice %arg6[%dma_start3A_1273, %dma_start3A_1277] : memref<4x96xi32, #tpu.memory_space<vmem>> -> memref<1x96xi32, #tpu.memory_space<vmem>>
    %dma_start3A_1279 = tpu.memref_squeeze %dma_start3A_1278 : memref<1x96xi32, #tpu.memory_space<vmem>> -> memref<96xi32, #tpu.memory_space<vmem>>
    %dma_start3A_1280 = arith.constant 0 : i32
    %dma_start3A_1281 = arith.constant 0 : i32
    %dma_start3A_1282 = tpu.memref_slice %arg2[%dma_start3A_1280, %dma_start3A_1281] : memref<1000000x128xf32, #tpu.memory_space<hbm>> -> memref<1000000x128xf32, #tpu.memory_space<hbm>>
    tpu.enqueue_indirect_dma source(%dma_start3A_1282 : memref<1000000x128xf32, #tpu.memory_space<hbm>>) target(%dma_start3A_1276 : memref<96x128xf32, #tpu.memory_space<vmem>>) offsets(%dma_start3A_1279 : memref<96xi32, #tpu.memory_space<vmem>>) semaphore(%arg10 : memref<!tpu.dma_semaphore, #tpu.memory_space<semaphore_mem>>)
    %dma_start3A_1283 = arith.constant 1 : i32
    %dma_start3A_1284 = arith.constant 104 : i32
    %dma_start3A_1285 = arith.constant 0 : i32
    %dma_start3A_1286 = tpu.memref_slice %arg8[%dma_start3A_1284, %dma_start3A_1285] : memref<400x128xf32, #tpu.memory_space<vmem>> -> memref<96x128xf32, #tpu.memory_space<vmem>>
    %dma_start3A_1287 = arith.constant 0 : i32
    %dma_start3A_1288 = tpu.memref_slice %arg6[%dma_start3A_1283, %dma_start3A_1287] : memref<4x96xi32, #tpu.memory_space<vmem>> -> memref<1x96xi32, #tpu.memory_space<vmem>>
    %dma_start3A_1289 = tpu.memref_squeeze %dma_start3A_1288 : memref<1x96xi32, #tpu.memory_space<vmem>> -> memref<96xi32, #tpu.memory_space<vmem>>
    %dma_start3A_1290 = arith.constant 0 : i32
    %dma_start3A_1291 = arith.constant 0 : i32
    %dma_start3A_1292 = tpu.memref_slice %arg2[%dma_start3A_1290, %dma_start3A_1291] : memref<1000000x128xf32, #tpu.memory_space<hbm>> -> memref<1000000x128xf32, #tpu.memory_space<hbm>>
    tpu.enqueue_indirect_dma source(%dma_start3A_1292 : memref<1000000x128xf32, #tpu.memory_space<hbm>>) target(%dma_start3A_1286 : memref<96x128xf32, #tpu.memory_space<vmem>>) offsets(%dma_start3A_1289 : memref<96xi32, #tpu.memory_space<vmem>>) semaphore(%arg10 : memref<!tpu.dma_semaphore, #tpu.memory_space<semaphore_mem>>)
    %dma_start3A_1293 = arith.constant 2 : i32
    %dma_start3A_1294 = arith.constant 210 : i32
    %dma_start3A_1295 = arith.constant 0 : i32
    %dma_start3A_1296 = tpu.memref_slice %arg8[%dma_start3A_1294, %dma_start3A_1295] : memref<400x128xf32, #tpu.memory_space<vmem>> -> memref<96x128xf32, #tpu.memory_space<vmem>>
    %dma_start3A_1297 = arith.constant 0 : i32
    %dma_start3A_1298 = tpu.memref_slice %arg6[%dma_start3A_1293, %dma_start3A_1297] : memref<4x96xi32, #tpu.memory_space<vmem>> -> memref<1x96xi32, #tpu.memory_space<vmem>>
    %dma_start3A_1299 = tpu.memref_squeeze %dma_start3A_1298 : memref<1x96xi32, #tpu.memory_space<vmem>> -> memref<96xi32, #tpu.memory_space<vmem>>
    %dma_start3A_1300 = arith.constant 0 : i32
    %dma_start3A_1301 = arith.constant 0 : i32
    %dma_start3A_1302 = tpu.memref_slice %arg2[%dma_start3A_1300, %dma_start3A_1301] : memref<1000000x128xf32, #tpu.memory_space<hbm>> -> memref<1000000x128xf32, #tpu.memory_space<hbm>>
    tpu.enqueue_indirect_dma source(%dma_start3A_1302 : memref<1000000x128xf32, #tpu.memory_space<hbm>>) target(%dma_start3A_1296 : memref<96x128xf32, #tpu.memory_space<vmem>>) offsets(%dma_start3A_1299 : memref<96xi32, #tpu.memory_space<vmem>>) semaphore(%arg10 : memref<!tpu.dma_semaphore, #tpu.memory_space<semaphore_mem>>)
    %dma_start3A_1303 = arith.constant 3 : i32
    %dma_start3A_1304 = arith.constant 304 : i32
    %dma_start3A_1305 = arith.constant 0 : i32
    %dma_start3A_1306 = tpu.memref_slice %arg8[%dma_start3A_1304, %dma_start3A_1305] : memref<400x128xf32, #tpu.memory_space<vmem>> -> memref<96x128xf32, #tpu.memory_space<vmem>>
    %dma_start3A_1307 = arith.constant 0 : i32
    %dma_start3A_1308 = tpu.memref_slice %arg6[%dma_start3A_1303, %dma_start3A_1307] : memref<4x96xi32, #tpu.memory_space<vmem>> -> memref<1x96xi32, #tpu.memory_space<vmem>>
    %dma_start3A_1309 = tpu.memref_squeeze %dma_start3A_1308 : memref<1x96xi32, #tpu.memory_space<vmem>> -> memref<96xi32, #tpu.memory_space<vmem>>
    %dma_start3A_1310 = arith.constant 0 : i32
    %dma_start3A_1311 = arith.constant 0 : i32
    %dma_start3A_1312 = tpu.memref_slice %arg2[%dma_start3A_1310, %dma_start3A_1311] : memref<1000000x128xf32, #tpu.memory_space<hbm>> -> memref<1000000x128xf32, #tpu.memory_space<hbm>>
    tpu.enqueue_indirect_dma source(%dma_start3A_1312 : memref<1000000x128xf32, #tpu.memory_space<hbm>>) target(%dma_start3A_1306 : memref<96x128xf32, #tpu.memory_space<vmem>>) offsets(%dma_start3A_1309 : memref<96xi32, #tpu.memory_space<vmem>>) semaphore(%arg10 : memref<!tpu.dma_semaphore, #tpu.memory_space<semaphore_mem>>)
    %dma_wait3A_1313 = arith.constant 0 : i32
    %dma_wait3A_1314 = arith.constant 10 : i32
    %dma_wait3A_1315 = arith.constant 0 : i32
    %dma_wait3A_1316 = tpu.memref_slice %arg9[%dma_wait3A_1314, %dma_wait3A_1315] : memref<400x128xf32, #tpu.memory_space<vmem>> -> memref<96x128xf32, #tpu.memory_space<vmem>>
    %dma_wait3A_1317 = arith.constant 0 : i32
    %dma_wait3A_1318 = tpu.memref_slice %arg7[%dma_wait3A_1313, %dma_wait3A_1317] : memref<4x96xi32, #tpu.memory_space<vmem>> -> memref<1x96xi32, #tpu.memory_space<vmem>>
    %dma_wait3A_1319 = tpu.memref_squeeze %dma_wait3A_1318 : memref<1x96xi32, #tpu.memory_space<vmem>> -> memref<96xi32, #tpu.memory_space<vmem>>
    %dma_wait3A_1320 = arith.constant 0 : i32
    %dma_wait3A_1321 = arith.constant 0 : i32
    %dma_wait3A_1322 = tpu.memref_slice %arg2[%dma_wait3A_1320, %dma_wait3A_1321] : memref<1000000x128xf32, #tpu.memory_space<hbm>> -> memref<1000000x128xf32, #tpu.memory_space<hbm>>
    tpu.wait_indirect_dma semaphore(%arg11 : memref<!tpu.dma_semaphore, #tpu.memory_space<semaphore_mem>>) src(%dma_wait3A_1322 : memref<1000000x128xf32, #tpu.memory_space<hbm>>) dst(%dma_wait3A_1316 : memref<96x128xf32, #tpu.memory_space<vmem>>)
    %dma_wait3A_1323 = arith.constant 1 : i32
    %dma_wait3A_1324 = arith.constant 104 : i32
    %dma_wait3A_1325 = arith.constant 0 : i32
    %dma_wait3A_1326 = tpu.memref_slice %arg9[%dma_wait3A_1324, %dma_wait3A_1325] : memref<400x128xf32, #tpu.memory_space<vmem>> -> memref<96x128xf32, #tpu.memory_space<vmem>>
    %dma_wait3A_1327 = arith.constant 0 : i32
    %dma_wait3A_1328 = tpu.memref_slice %arg7[%dma_wait3A_1323, %dma_wait3A_1327] : memref<4x96xi32, #tpu.memory_space<vmem>> -> memref<1x96xi32, #tpu.memory_space<vmem>>
    %dma_wait3A_1329 = tpu.memref_squeeze %dma_wait3A_1328 : memref<1x96xi32, #tpu.memory_space<vmem>> -> memref<96xi32, #tpu.memory_space<vmem>>
    %dma_wait3A_1330 = arith.constant 0 : i32
    %dma_wait3A_1331 = arith.constant 0 : i32
    %dma_wait3A_1332 = tpu.memref_slice %arg2[%dma_wait3A_1330, %dma_wait3A_1331] : memref<1000000x128xf32, #tpu.memory_space<hbm>> -> memref<1000000x128xf32, #tpu.memory_space<hbm>>
    tpu.wait_indirect_dma semaphore(%arg11 : memref<!tpu.dma_semaphore, #tpu.memory_space<semaphore_mem>>) src(%dma_wait3A_1332 : memref<1000000x128xf32, #tpu.memory_space<hbm>>) dst(%dma_wait3A_1326 : memref<96x128xf32, #tpu.memory_space<vmem>>)
    %dma_wait3A_1333 = arith.constant 2 : i32
    %dma_wait3A_1334 = arith.constant 210 : i32
    %dma_wait3A_1335 = arith.constant 0 : i32
    %dma_wait3A_1336 = tpu.memref_slice %arg9[%dma_wait3A_1334, %dma_wait3A_1335] : memref<400x128xf32, #tpu.memory_space<vmem>> -> memref<96x128xf32, #tpu.memory_space<vmem>>
    %dma_wait3A_1337 = arith.constant 0 : i32
    %dma_wait3A_1338 = tpu.memref_slice %arg7[%dma_wait3A_1333, %dma_wait3A_1337] : memref<4x96xi32, #tpu.memory_space<vmem>> -> memref<1x96xi32, #tpu.memory_space<vmem>>
    %dma_wait3A_1339 = tpu.memref_squeeze %dma_wait3A_1338 : memref<1x96xi32, #tpu.memory_space<vmem>> -> memref<96xi32, #tpu.memory_space<vmem>>
    %dma_wait3A_1340 = arith.constant 0 : i32
    %dma_wait3A_1341 = arith.constant 0 : i32
    %dma_wait3A_1342 = tpu.memref_slice %arg2[%dma_wait3A_1340, %dma_wait3A_1341] : memref<1000000x128xf32, #tpu.memory_space<hbm>> -> memref<1000000x128xf32, #tpu.memory_space<hbm>>
    tpu.wait_indirect_dma semaphore(%arg11 : memref<!tpu.dma_semaphore, #tpu.memory_space<semaphore_mem>>) src(%dma_wait3A_1342 : memref<1000000x128xf32, #tpu.memory_space<hbm>>) dst(%dma_wait3A_1336 : memref<96x128xf32, #tpu.memory_space<vmem>>)
    %dma_wait3A_1343 = arith.constant 3 : i32
    %dma_wait3A_1344 = arith.constant 304 : i32
    %dma_wait3A_1345 = arith.constant 0 : i32
    %dma_wait3A_1346 = tpu.memref_slice %arg9[%dma_wait3A_1344, %dma_wait3A_1345] : memref<400x128xf32, #tpu.memory_space<vmem>> -> memref<96x128xf32, #tpu.memory_space<vmem>>
    %dma_wait3A_1347 = arith.constant 0 : i32
    %dma_wait3A_1348 = tpu.memref_slice %arg7[%dma_wait3A_1343, %dma_wait3A_1347] : memref<4x96xi32, #tpu.memory_space<vmem>> -> memref<1x96xi32, #tpu.memory_space<vmem>>
    %dma_wait3A_1349 = tpu.memref_squeeze %dma_wait3A_1348 : memref<1x96xi32, #tpu.memory_space<vmem>> -> memref<96xi32, #tpu.memory_space<vmem>>
    %dma_wait3A_1350 = arith.constant 0 : i32
    %dma_wait3A_1351 = arith.constant 0 : i32
    %dma_wait3A_1352 = tpu.memref_slice %arg2[%dma_wait3A_1350, %dma_wait3A_1351] : memref<1000000x128xf32, #tpu.memory_space<hbm>> -> memref<1000000x128xf32, #tpu.memory_space<hbm>>
    tpu.wait_indirect_dma semaphore(%arg11 : memref<!tpu.dma_semaphore, #tpu.memory_space<semaphore_mem>>) src(%dma_wait3A_1352 : memref<1000000x128xf32, #tpu.memory_space<hbm>>) dst(%dma_wait3A_1346 : memref<96x128xf32, #tpu.memory_space<vmem>>)
    %mul3A_1353 = arith.constant 32 : i32
    %mul3A_1354 = arith.muli %add3A, %mul3A_1353 : i32
    %add3A_1355 = arith.constant 26 : i32
    %add3A_1356 = arith.addi %mul3A_1354, %add3A_1355 : i32
    %add3A_1357 = arith.constant 0 : i32
    %add3A_1358 = arith.addi %add3A_1356, %add3A_1357 : i32
    "tpu.region"() ({
      %run_scoped3A = tpu.sem_alloc : memref<!tpu.dma_semaphore, #tpu.memory_space<semaphore_mem>>
      %dma_start3A_1503 = arith.constant 0 : i32
      %dma_start3A_1504 = arith.constant 0 : i32
      %dma_start3A_1505 = tpu.memref_slice %arg9[%dma_start3A_1503, %dma_start3A_1504] : memref<400x128xf32, #tpu.memory_space<vmem>> -> memref<200x64xf32, #tpu.memory_space<vmem>>
      %dma_start3A_1506 = arith.constant 0 : i32
      %dma_start3A_1507 = arith.constant 0 : i32
      %dma_start3A_1508 = tpu.memref_slice %arg5[%add3A_1358, %dma_start3A_1506, %dma_start3A_1507] : memref<1024x200x64xf32, #tpu.memory_space<hbm>> -> memref<1x200x64xf32, #tpu.memory_space<hbm>>
      %dma_start3A_1509 = tpu.memref_squeeze %dma_start3A_1508 : memref<1x200x64xf32, #tpu.memory_space<hbm>> -> memref<200x64xf32, #tpu.memory_space<hbm>>
      %dma_start3A_1510 = arith.constant 0 : i32
      %dma_start3A_1511 = arith.constant 0 : i32
      %dma_start3A_1512 = tpu.memref_slice %arg5[%add3A_1358, %dma_start3A_1510, %dma_start3A_1511] : memref<1024x200x64xf32, #tpu.memory_space<hbm>> -> memref<1x200x64xf32, #tpu.memory_space<hbm>>
      %dma_start3A_1513 = tpu.memref_squeeze %dma_start3A_1512 : memref<1x200x64xf32, #tpu.memory_space<hbm>> -> memref<200x64xf32, #tpu.memory_space<hbm>>
      %dma_start3A_1514 = arith.constant 0 : i32
      %dma_start3A_1515 = arith.constant 0 : i32
      %dma_start3A_1516 = tpu.memref_slice %arg9[%dma_start3A_1514, %dma_start3A_1515] : memref<400x128xf32, #tpu.memory_space<vmem>> -> memref<200x64xf32, #tpu.memory_space<vmem>>
      tpu.enqueue_dma source(%dma_start3A_1516 : memref<200x64xf32, #tpu.memory_space<vmem>>) target(%dma_start3A_1513 : memref<200x64xf32, #tpu.memory_space<hbm>>) target_semaphore(%run_scoped3A : memref<!tpu.dma_semaphore, #tpu.memory_space<semaphore_mem>>)
      %dma_wait3A_1517 = arith.constant 0 : i32
      %dma_wait3A_1518 = arith.constant 0 : i32
      %dma_wait3A_1519 = tpu.memref_slice %arg9[%dma_wait3A_1517, %dma_wait3A_1518] : memref<400x128xf32, #tpu.memory_space<vmem>> -> memref<200x64xf32, #tpu.memory_space<vmem>>
      %dma_wait3A_1520 = arith.constant 0 : i32
      %dma_wait3A_1521 = arith.constant 0 : i32
      %dma_wait3A_1522 = tpu.memref_slice %arg5[%add3A_1358, %dma_wait3A_1520, %dma_wait3A_1521] : memref<1024x200x64xf32, #tpu.memory_space<hbm>> -> memref<1x200x64xf32, #tpu.memory_space<hbm>>
      %dma_wait3A_1523 = tpu.memref_squeeze %dma_wait3A_1522 : memref<1x200x64xf32, #tpu.memory_space<hbm>> -> memref<200x64xf32, #tpu.memory_space<hbm>>
      %dma_wait3A_1524 = arith.constant 0 : i32
      %dma_wait3A_1525 = arith.constant 0 : i32
      %dma_wait3A_1526 = tpu.memref_slice %arg5[%add3A_1358, %dma_wait3A_1524, %dma_wait3A_1525] : memref<1024x200x64xf32, #tpu.memory_space<hbm>> -> memref<1x200x64xf32, #tpu.memory_space<hbm>>
      %dma_wait3A_1527 = tpu.memref_squeeze %dma_wait3A_1526 : memref<1x200x64xf32, #tpu.memory_space<hbm>> -> memref<200x64xf32, #tpu.memory_space<hbm>>
      %dma_wait3A_1528 = arith.constant 0 : i32
      %dma_wait3A_1529 = arith.constant 0 : i32
      %dma_wait3A_1530 = tpu.memref_slice %arg9[%dma_wait3A_1528, %dma_wait3A_1529] : memref<400x128xf32, #tpu.memory_space<vmem>> -> memref<200x64xf32, #tpu.memory_space<vmem>>
      tpu.wait_dma2 semaphore(%run_scoped3A : memref<!tpu.dma_semaphore, #tpu.memory_space<semaphore_mem>>) src(%dma_wait3A_1530 : memref<200x64xf32, #tpu.memory_space<vmem>>) dst(%dma_wait3A_1527 : memref<200x64xf32, #tpu.memory_space<hbm>>)
      tpu.yield
    }) : () -> ()
    %add3A_1359 = arith.constant 1 : i32
    %add3A_1360 = arith.addi %add3A_1356, %add3A_1359 : i32
    "tpu.region"() ({
      %run_scoped3A = tpu.sem_alloc : memref<!tpu.dma_semaphore, #tpu.memory_space<semaphore_mem>>
      %dma_start3A_1503 = arith.constant 200 : i32
      %dma_start3A_1504 = arith.constant 0 : i32
      %dma_start3A_1505 = tpu.memref_slice %arg9[%dma_start3A_1503, %dma_start3A_1504] : memref<400x128xf32, #tpu.memory_space<vmem>> -> memref<200x64xf32, #tpu.memory_space<vmem>>
      %dma_start3A_1506 = arith.constant 0 : i32
      %dma_start3A_1507 = arith.constant 0 : i32
      %dma_start3A_1508 = tpu.memref_slice %arg5[%add3A_1360, %dma_start3A_1506, %dma_start3A_1507] : memref<1024x200x64xf32, #tpu.memory_space<hbm>> -> memref<1x200x64xf32, #tpu.memory_space<hbm>>
      %dma_start3A_1509 = tpu.memref_squeeze %dma_start3A_1508 : memref<1x200x64xf32, #tpu.memory_space<hbm>> -> memref<200x64xf32, #tpu.memory_space<hbm>>
      %dma_start3A_1510 = arith.constant 0 : i32
      %dma_start3A_1511 = arith.constant 0 : i32
      %dma_start3A_1512 = tpu.memref_slice %arg5[%add3A_1360, %dma_start3A_1510, %dma_start3A_1511] : memref<1024x200x64xf32, #tpu.memory_space<hbm>> -> memref<1x200x64xf32, #tpu.memory_space<hbm>>
      %dma_start3A_1513 = tpu.memref_squeeze %dma_start3A_1512 : memref<1x200x64xf32, #tpu.memory_space<hbm>> -> memref<200x64xf32, #tpu.memory_space<hbm>>
      %dma_start3A_1514 = arith.constant 200 : i32
      %dma_start3A_1515 = arith.constant 0 : i32
      %dma_start3A_1516 = tpu.memref_slice %arg9[%dma_start3A_1514, %dma_start3A_1515] : memref<400x128xf32, #tpu.memory_space<vmem>> -> memref<200x64xf32, #tpu.memory_space<vmem>>
      tpu.enqueue_dma source(%dma_start3A_1516 : memref<200x64xf32, #tpu.memory_space<vmem>>) target(%dma_start3A_1513 : memref<200x64xf32, #tpu.memory_space<hbm>>) target_semaphore(%run_scoped3A : memref<!tpu.dma_semaphore, #tpu.memory_space<semaphore_mem>>)
      %dma_wait3A_1517 = arith.constant 200 : i32
      %dma_wait3A_1518 = arith.constant 0 : i32
      %dma_wait3A_1519 = tpu.memref_slice %arg9[%dma_wait3A_1517, %dma_wait3A_1518] : memref<400x128xf32, #tpu.memory_space<vmem>> -> memref<200x64xf32, #tpu.memory_space<vmem>>
      %dma_wait3A_1520 = arith.constant 0 : i32
      %dma_wait3A_1521 = arith.constant 0 : i32
      %dma_wait3A_1522 = tpu.memref_slice %arg5[%add3A_1360, %dma_wait3A_1520, %dma_wait3A_1521] : memref<1024x200x64xf32, #tpu.memory_space<hbm>> -> memref<1x200x64xf32, #tpu.memory_space<hbm>>
      %dma_wait3A_1523 = tpu.memref_squeeze %dma_wait3A_1522 : memref<1x200x64xf32, #tpu.memory_space<hbm>> -> memref<200x64xf32, #tpu.memory_space<hbm>>
      %dma_wait3A_1524 = arith.constant 0 : i32
      %dma_wait3A_1525 = arith.constant 0 : i32
      %dma_wait3A_1526 = tpu.memref_slice %arg5[%add3A_1360, %dma_wait3A_1524, %dma_wait3A_1525] : memref<1024x200x64xf32, #tpu.memory_space<hbm>> -> memref<1x200x64xf32, #tpu.memory_space<hbm>>
      %dma_wait3A_1527 = tpu.memref_squeeze %dma_wait3A_1526 : memref<1x200x64xf32, #tpu.memory_space<hbm>> -> memref<200x64xf32, #tpu.memory_space<hbm>>
      %dma_wait3A_1528 = arith.constant 200 : i32
      %dma_wait3A_1529 = arith.constant 0 : i32
      %dma_wait3A_1530 = tpu.memref_slice %arg9[%dma_wait3A_1528, %dma_wait3A_1529] : memref<400x128xf32, #tpu.memory_space<vmem>> -> memref<200x64xf32, #tpu.memory_space<vmem>>
      tpu.wait_dma2 semaphore(%run_scoped3A : memref<!tpu.dma_semaphore, #tpu.memory_space<semaphore_mem>>) src(%dma_wait3A_1530 : memref<200x64xf32, #tpu.memory_space<vmem>>) dst(%dma_wait3A_1527 : memref<200x64xf32, #tpu.memory_space<hbm>>)
      tpu.yield
    }) : () -> ()
    %mul3A_1361 = arith.constant 32 : i32
    %mul3A_1362 = arith.muli %add3A, %mul3A_1361 : i32
    %add3A_1363 = arith.constant 30 : i32
    %add3A_1364 = arith.addi %mul3A_1362, %add3A_1363 : i32
    %mul3A_1365 = arith.constant 2 : i32
    %mul3A_1366 = arith.muli %add3A_1364, %mul3A_1365 : i32
    "tpu.region"() ({
      %run_scoped3A = tpu.sem_alloc : memref<!tpu.dma_semaphore, #tpu.memory_space<semaphore_mem>>
      %dma_start3A_1503 = arith.constant 0 : i32
      %dma_start3A_1504 = tpu.memref_slice %arg3[%mul3A_1366, %dma_start3A_1503] : memref<2048x128xi32, #tpu.memory_space<hbm>> -> memref<4x96xi32, #tpu.memory_space<hbm>>
      %dma_start3A_1505 = arith.constant 0 : i32
      %dma_start3A_1506 = tpu.memref_slice %arg3[%mul3A_1366, %dma_start3A_1505] : memref<2048x128xi32, #tpu.memory_space<hbm>> -> memref<4x96xi32, #tpu.memory_space<hbm>>
      tpu.enqueue_dma source(%dma_start3A_1506 : memref<4x96xi32, #tpu.memory_space<hbm>>) target(%arg7 : memref<4x96xi32, #tpu.memory_space<vmem>>) target_semaphore(%run_scoped3A : memref<!tpu.dma_semaphore, #tpu.memory_space<semaphore_mem>>)
      %dma_wait3A_1507 = arith.constant 0 : i32
      %dma_wait3A_1508 = tpu.memref_slice %arg3[%mul3A_1366, %dma_wait3A_1507] : memref<2048x128xi32, #tpu.memory_space<hbm>> -> memref<4x96xi32, #tpu.memory_space<hbm>>
      %dma_wait3A_1509 = arith.constant 0 : i32
      %dma_wait3A_1510 = tpu.memref_slice %arg3[%mul3A_1366, %dma_wait3A_1509] : memref<2048x128xi32, #tpu.memory_space<hbm>> -> memref<4x96xi32, #tpu.memory_space<hbm>>
      tpu.wait_dma2 semaphore(%run_scoped3A : memref<!tpu.dma_semaphore, #tpu.memory_space<semaphore_mem>>) src(%dma_wait3A_1510 : memref<4x96xi32, #tpu.memory_space<hbm>>) dst(%arg7 : memref<4x96xi32, #tpu.memory_space<vmem>>)
      tpu.yield
    }) : () -> ()
    %dma_start3A_1367 = arith.constant 0 : i32
    %dma_start3A_1368 = arith.constant 10 : i32
    %dma_start3A_1369 = arith.constant 0 : i32
    %dma_start3A_1370 = tpu.memref_slice %arg9[%dma_start3A_1368, %dma_start3A_1369] : memref<400x128xf32, #tpu.memory_space<vmem>> -> memref<96x128xf32, #tpu.memory_space<vmem>>
    %dma_start3A_1371 = arith.constant 0 : i32
    %dma_start3A_1372 = tpu.memref_slice %arg7[%dma_start3A_1367, %dma_start3A_1371] : memref<4x96xi32, #tpu.memory_space<vmem>> -> memref<1x96xi32, #tpu.memory_space<vmem>>
    %dma_start3A_1373 = tpu.memref_squeeze %dma_start3A_1372 : memref<1x96xi32, #tpu.memory_space<vmem>> -> memref<96xi32, #tpu.memory_space<vmem>>
    %dma_start3A_1374 = arith.constant 0 : i32
    %dma_start3A_1375 = arith.constant 0 : i32
    %dma_start3A_1376 = tpu.memref_slice %arg2[%dma_start3A_1374, %dma_start3A_1375] : memref<1000000x128xf32, #tpu.memory_space<hbm>> -> memref<1000000x128xf32, #tpu.memory_space<hbm>>
    tpu.enqueue_indirect_dma source(%dma_start3A_1376 : memref<1000000x128xf32, #tpu.memory_space<hbm>>) target(%dma_start3A_1370 : memref<96x128xf32, #tpu.memory_space<vmem>>) offsets(%dma_start3A_1373 : memref<96xi32, #tpu.memory_space<vmem>>) semaphore(%arg11 : memref<!tpu.dma_semaphore, #tpu.memory_space<semaphore_mem>>)
    %dma_start3A_1377 = arith.constant 1 : i32
    %dma_start3A_1378 = arith.constant 104 : i32
    %dma_start3A_1379 = arith.constant 0 : i32
    %dma_start3A_1380 = tpu.memref_slice %arg9[%dma_start3A_1378, %dma_start3A_1379] : memref<400x128xf32, #tpu.memory_space<vmem>> -> memref<96x128xf32, #tpu.memory_space<vmem>>
    %dma_start3A_1381 = arith.constant 0 : i32
    %dma_start3A_1382 = tpu.memref_slice %arg7[%dma_start3A_1377, %dma_start3A_1381] : memref<4x96xi32, #tpu.memory_space<vmem>> -> memref<1x96xi32, #tpu.memory_space<vmem>>
    %dma_start3A_1383 = tpu.memref_squeeze %dma_start3A_1382 : memref<1x96xi32, #tpu.memory_space<vmem>> -> memref<96xi32, #tpu.memory_space<vmem>>
    %dma_start3A_1384 = arith.constant 0 : i32
    %dma_start3A_1385 = arith.constant 0 : i32
    %dma_start3A_1386 = tpu.memref_slice %arg2[%dma_start3A_1384, %dma_start3A_1385] : memref<1000000x128xf32, #tpu.memory_space<hbm>> -> memref<1000000x128xf32, #tpu.memory_space<hbm>>
    tpu.enqueue_indirect_dma source(%dma_start3A_1386 : memref<1000000x128xf32, #tpu.memory_space<hbm>>) target(%dma_start3A_1380 : memref<96x128xf32, #tpu.memory_space<vmem>>) offsets(%dma_start3A_1383 : memref<96xi32, #tpu.memory_space<vmem>>) semaphore(%arg11 : memref<!tpu.dma_semaphore, #tpu.memory_space<semaphore_mem>>)
    %dma_start3A_1387 = arith.constant 2 : i32
    %dma_start3A_1388 = arith.constant 210 : i32
    %dma_start3A_1389 = arith.constant 0 : i32
    %dma_start3A_1390 = tpu.memref_slice %arg9[%dma_start3A_1388, %dma_start3A_1389] : memref<400x128xf32, #tpu.memory_space<vmem>> -> memref<96x128xf32, #tpu.memory_space<vmem>>
    %dma_start3A_1391 = arith.constant 0 : i32
    %dma_start3A_1392 = tpu.memref_slice %arg7[%dma_start3A_1387, %dma_start3A_1391] : memref<4x96xi32, #tpu.memory_space<vmem>> -> memref<1x96xi32, #tpu.memory_space<vmem>>
    %dma_start3A_1393 = tpu.memref_squeeze %dma_start3A_1392 : memref<1x96xi32, #tpu.memory_space<vmem>> -> memref<96xi32, #tpu.memory_space<vmem>>
    %dma_start3A_1394 = arith.constant 0 : i32
    %dma_start3A_1395 = arith.constant 0 : i32
    %dma_start3A_1396 = tpu.memref_slice %arg2[%dma_start3A_1394, %dma_start3A_1395] : memref<1000000x128xf32, #tpu.memory_space<hbm>> -> memref<1000000x128xf32, #tpu.memory_space<hbm>>
    tpu.enqueue_indirect_dma source(%dma_start3A_1396 : memref<1000000x128xf32, #tpu.memory_space<hbm>>) target(%dma_start3A_1390 : memref<96x128xf32, #tpu.memory_space<vmem>>) offsets(%dma_start3A_1393 : memref<96xi32, #tpu.memory_space<vmem>>) semaphore(%arg11 : memref<!tpu.dma_semaphore, #tpu.memory_space<semaphore_mem>>)
    %dma_start3A_1397 = arith.constant 3 : i32
    %dma_start3A_1398 = arith.constant 304 : i32
    %dma_start3A_1399 = arith.constant 0 : i32
    %dma_start3A_1400 = tpu.memref_slice %arg9[%dma_start3A_1398, %dma_start3A_1399] : memref<400x128xf32, #tpu.memory_space<vmem>> -> memref<96x128xf32, #tpu.memory_space<vmem>>
    %dma_start3A_1401 = arith.constant 0 : i32
    %dma_start3A_1402 = tpu.memref_slice %arg7[%dma_start3A_1397, %dma_start3A_1401] : memref<4x96xi32, #tpu.memory_space<vmem>> -> memref<1x96xi32, #tpu.memory_space<vmem>>
    %dma_start3A_1403 = tpu.memref_squeeze %dma_start3A_1402 : memref<1x96xi32, #tpu.memory_space<vmem>> -> memref<96xi32, #tpu.memory_space<vmem>>
    %dma_start3A_1404 = arith.constant 0 : i32
    %dma_start3A_1405 = arith.constant 0 : i32
    %dma_start3A_1406 = tpu.memref_slice %arg2[%dma_start3A_1404, %dma_start3A_1405] : memref<1000000x128xf32, #tpu.memory_space<hbm>> -> memref<1000000x128xf32, #tpu.memory_space<hbm>>
    tpu.enqueue_indirect_dma source(%dma_start3A_1406 : memref<1000000x128xf32, #tpu.memory_space<hbm>>) target(%dma_start3A_1400 : memref<96x128xf32, #tpu.memory_space<vmem>>) offsets(%dma_start3A_1403 : memref<96xi32, #tpu.memory_space<vmem>>) semaphore(%arg11 : memref<!tpu.dma_semaphore, #tpu.memory_space<semaphore_mem>>)
    %dma_wait3A_1407 = arith.constant 0 : i32
    %dma_wait3A_1408 = arith.constant 10 : i32
    %dma_wait3A_1409 = arith.constant 0 : i32
    %dma_wait3A_1410 = tpu.memref_slice %arg8[%dma_wait3A_1408, %dma_wait3A_1409] : memref<400x128xf32, #tpu.memory_space<vmem>> -> memref<96x128xf32, #tpu.memory_space<vmem>>
    %dma_wait3A_1411 = arith.constant 0 : i32
    %dma_wait3A_1412 = tpu.memref_slice %arg6[%dma_wait3A_1407, %dma_wait3A_1411] : memref<4x96xi32, #tpu.memory_space<vmem>> -> memref<1x96xi32, #tpu.memory_space<vmem>>
    %dma_wait3A_1413 = tpu.memref_squeeze %dma_wait3A_1412 : memref<1x96xi32, #tpu.memory_space<vmem>> -> memref<96xi32, #tpu.memory_space<vmem>>
    %dma_wait3A_1414 = arith.constant 0 : i32
    %dma_wait3A_1415 = arith.constant 0 : i32
    %dma_wait3A_1416 = tpu.memref_slice %arg2[%dma_wait3A_1414, %dma_wait3A_1415] : memref<1000000x128xf32, #tpu.memory_space<hbm>> -> memref<1000000x128xf32, #tpu.memory_space<hbm>>
    tpu.wait_indirect_dma semaphore(%arg10 : memref<!tpu.dma_semaphore, #tpu.memory_space<semaphore_mem>>) src(%dma_wait3A_1416 : memref<1000000x128xf32, #tpu.memory_space<hbm>>) dst(%dma_wait3A_1410 : memref<96x128xf32, #tpu.memory_space<vmem>>)
    %dma_wait3A_1417 = arith.constant 1 : i32
    %dma_wait3A_1418 = arith.constant 104 : i32
    %dma_wait3A_1419 = arith.constant 0 : i32
    %dma_wait3A_1420 = tpu.memref_slice %arg8[%dma_wait3A_1418, %dma_wait3A_1419] : memref<400x128xf32, #tpu.memory_space<vmem>> -> memref<96x128xf32, #tpu.memory_space<vmem>>
    %dma_wait3A_1421 = arith.constant 0 : i32
    %dma_wait3A_1422 = tpu.memref_slice %arg6[%dma_wait3A_1417, %dma_wait3A_1421] : memref<4x96xi32, #tpu.memory_space<vmem>> -> memref<1x96xi32, #tpu.memory_space<vmem>>
    %dma_wait3A_1423 = tpu.memref_squeeze %dma_wait3A_1422 : memref<1x96xi32, #tpu.memory_space<vmem>> -> memref<96xi32, #tpu.memory_space<vmem>>
    %dma_wait3A_1424 = arith.constant 0 : i32
    %dma_wait3A_1425 = arith.constant 0 : i32
    %dma_wait3A_1426 = tpu.memref_slice %arg2[%dma_wait3A_1424, %dma_wait3A_1425] : memref<1000000x128xf32, #tpu.memory_space<hbm>> -> memref<1000000x128xf32, #tpu.memory_space<hbm>>
    tpu.wait_indirect_dma semaphore(%arg10 : memref<!tpu.dma_semaphore, #tpu.memory_space<semaphore_mem>>) src(%dma_wait3A_1426 : memref<1000000x128xf32, #tpu.memory_space<hbm>>) dst(%dma_wait3A_1420 : memref<96x128xf32, #tpu.memory_space<vmem>>)
    %dma_wait3A_1427 = arith.constant 2 : i32
    %dma_wait3A_1428 = arith.constant 210 : i32
    %dma_wait3A_1429 = arith.constant 0 : i32
    %dma_wait3A_1430 = tpu.memref_slice %arg8[%dma_wait3A_1428, %dma_wait3A_1429] : memref<400x128xf32, #tpu.memory_space<vmem>> -> memref<96x128xf32, #tpu.memory_space<vmem>>
    %dma_wait3A_1431 = arith.constant 0 : i32
    %dma_wait3A_1432 = tpu.memref_slice %arg6[%dma_wait3A_1427, %dma_wait3A_1431] : memref<4x96xi32, #tpu.memory_space<vmem>> -> memref<1x96xi32, #tpu.memory_space<vmem>>
    %dma_wait3A_1433 = tpu.memref_squeeze %dma_wait3A_1432 : memref<1x96xi32, #tpu.memory_space<vmem>> -> memref<96xi32, #tpu.memory_space<vmem>>
    %dma_wait3A_1434 = arith.constant 0 : i32
    %dma_wait3A_1435 = arith.constant 0 : i32
    %dma_wait3A_1436 = tpu.memref_slice %arg2[%dma_wait3A_1434, %dma_wait3A_1435] : memref<1000000x128xf32, #tpu.memory_space<hbm>> -> memref<1000000x128xf32, #tpu.memory_space<hbm>>
    tpu.wait_indirect_dma semaphore(%arg10 : memref<!tpu.dma_semaphore, #tpu.memory_space<semaphore_mem>>) src(%dma_wait3A_1436 : memref<1000000x128xf32, #tpu.memory_space<hbm>>) dst(%dma_wait3A_1430 : memref<96x128xf32, #tpu.memory_space<vmem>>)
    %dma_wait3A_1437 = arith.constant 3 : i32
    %dma_wait3A_1438 = arith.constant 304 : i32
    %dma_wait3A_1439 = arith.constant 0 : i32
    %dma_wait3A_1440 = tpu.memref_slice %arg8[%dma_wait3A_1438, %dma_wait3A_1439] : memref<400x128xf32, #tpu.memory_space<vmem>> -> memref<96x128xf32, #tpu.memory_space<vmem>>
    %dma_wait3A_1441 = arith.constant 0 : i32
    %dma_wait3A_1442 = tpu.memref_slice %arg6[%dma_wait3A_1437, %dma_wait3A_1441] : memref<4x96xi32, #tpu.memory_space<vmem>> -> memref<1x96xi32, #tpu.memory_space<vmem>>
    %dma_wait3A_1443 = tpu.memref_squeeze %dma_wait3A_1442 : memref<1x96xi32, #tpu.memory_space<vmem>> -> memref<96xi32, #tpu.memory_space<vmem>>
    %dma_wait3A_1444 = arith.constant 0 : i32
    %dma_wait3A_1445 = arith.constant 0 : i32
    %dma_wait3A_1446 = tpu.memref_slice %arg2[%dma_wait3A_1444, %dma_wait3A_1445] : memref<1000000x128xf32, #tpu.memory_space<hbm>> -> memref<1000000x128xf32, #tpu.memory_space<hbm>>
    tpu.wait_indirect_dma semaphore(%arg10 : memref<!tpu.dma_semaphore, #tpu.memory_space<semaphore_mem>>) src(%dma_wait3A_1446 : memref<1000000x128xf32, #tpu.memory_space<hbm>>) dst(%dma_wait3A_1440 : memref<96x128xf32, #tpu.memory_space<vmem>>)
    %mul3A_1447 = arith.constant 32 : i32
    %mul3A_1448 = arith.muli %add3A, %mul3A_1447 : i32
    %add3A_1449 = arith.constant 28 : i32
    %add3A_1450 = arith.addi %mul3A_1448, %add3A_1449 : i32
    %add3A_1451 = arith.constant 0 : i32
    %add3A_1452 = arith.addi %add3A_1450, %add3A_1451 : i32
    "tpu.region"() ({
      %run_scoped3A = tpu.sem_alloc : memref<!tpu.dma_semaphore, #tpu.memory_space<semaphore_mem>>
      %dma_start3A_1503 = arith.constant 0 : i32
      %dma_start3A_1504 = arith.constant 0 : i32
      %dma_start3A_1505 = tpu.memref_slice %arg8[%dma_start3A_1503, %dma_start3A_1504] : memref<400x128xf32, #tpu.memory_space<vmem>> -> memref<200x64xf32, #tpu.memory_space<vmem>>
      %dma_start3A_1506 = arith.constant 0 : i32
      %dma_start3A_1507 = arith.constant 0 : i32
      %dma_start3A_1508 = tpu.memref_slice %arg5[%add3A_1452, %dma_start3A_1506, %dma_start3A_1507] : memref<1024x200x64xf32, #tpu.memory_space<hbm>> -> memref<1x200x64xf32, #tpu.memory_space<hbm>>
      %dma_start3A_1509 = tpu.memref_squeeze %dma_start3A_1508 : memref<1x200x64xf32, #tpu.memory_space<hbm>> -> memref<200x64xf32, #tpu.memory_space<hbm>>
      %dma_start3A_1510 = arith.constant 0 : i32
      %dma_start3A_1511 = arith.constant 0 : i32
      %dma_start3A_1512 = tpu.memref_slice %arg5[%add3A_1452, %dma_start3A_1510, %dma_start3A_1511] : memref<1024x200x64xf32, #tpu.memory_space<hbm>> -> memref<1x200x64xf32, #tpu.memory_space<hbm>>
      %dma_start3A_1513 = tpu.memref_squeeze %dma_start3A_1512 : memref<1x200x64xf32, #tpu.memory_space<hbm>> -> memref<200x64xf32, #tpu.memory_space<hbm>>
      %dma_start3A_1514 = arith.constant 0 : i32
      %dma_start3A_1515 = arith.constant 0 : i32
      %dma_start3A_1516 = tpu.memref_slice %arg8[%dma_start3A_1514, %dma_start3A_1515] : memref<400x128xf32, #tpu.memory_space<vmem>> -> memref<200x64xf32, #tpu.memory_space<vmem>>
      tpu.enqueue_dma source(%dma_start3A_1516 : memref<200x64xf32, #tpu.memory_space<vmem>>) target(%dma_start3A_1513 : memref<200x64xf32, #tpu.memory_space<hbm>>) target_semaphore(%run_scoped3A : memref<!tpu.dma_semaphore, #tpu.memory_space<semaphore_mem>>)
      %dma_wait3A_1517 = arith.constant 0 : i32
      %dma_wait3A_1518 = arith.constant 0 : i32
      %dma_wait3A_1519 = tpu.memref_slice %arg8[%dma_wait3A_1517, %dma_wait3A_1518] : memref<400x128xf32, #tpu.memory_space<vmem>> -> memref<200x64xf32, #tpu.memory_space<vmem>>
      %dma_wait3A_1520 = arith.constant 0 : i32
      %dma_wait3A_1521 = arith.constant 0 : i32
      %dma_wait3A_1522 = tpu.memref_slice %arg5[%add3A_1452, %dma_wait3A_1520, %dma_wait3A_1521] : memref<1024x200x64xf32, #tpu.memory_space<hbm>> -> memref<1x200x64xf32, #tpu.memory_space<hbm>>
      %dma_wait3A_1523 = tpu.memref_squeeze %dma_wait3A_1522 : memref<1x200x64xf32, #tpu.memory_space<hbm>> -> memref<200x64xf32, #tpu.memory_space<hbm>>
      %dma_wait3A_1524 = arith.constant 0 : i32
      %dma_wait3A_1525 = arith.constant 0 : i32
      %dma_wait3A_1526 = tpu.memref_slice %arg5[%add3A_1452, %dma_wait3A_1524, %dma_wait3A_1525] : memref<1024x200x64xf32, #tpu.memory_space<hbm>> -> memref<1x200x64xf32, #tpu.memory_space<hbm>>
      %dma_wait3A_1527 = tpu.memref_squeeze %dma_wait3A_1526 : memref<1x200x64xf32, #tpu.memory_space<hbm>> -> memref<200x64xf32, #tpu.memory_space<hbm>>
      %dma_wait3A_1528 = arith.constant 0 : i32
      %dma_wait3A_1529 = arith.constant 0 : i32
      %dma_wait3A_1530 = tpu.memref_slice %arg8[%dma_wait3A_1528, %dma_wait3A_1529] : memref<400x128xf32, #tpu.memory_space<vmem>> -> memref<200x64xf32, #tpu.memory_space<vmem>>
      tpu.wait_dma2 semaphore(%run_scoped3A : memref<!tpu.dma_semaphore, #tpu.memory_space<semaphore_mem>>) src(%dma_wait3A_1530 : memref<200x64xf32, #tpu.memory_space<vmem>>) dst(%dma_wait3A_1527 : memref<200x64xf32, #tpu.memory_space<hbm>>)
      tpu.yield
    }) : () -> ()
    %add3A_1453 = arith.constant 1 : i32
    %add3A_1454 = arith.addi %add3A_1450, %add3A_1453 : i32
    "tpu.region"() ({
      %run_scoped3A = tpu.sem_alloc : memref<!tpu.dma_semaphore, #tpu.memory_space<semaphore_mem>>
      %dma_start3A_1503 = arith.constant 200 : i32
      %dma_start3A_1504 = arith.constant 0 : i32
      %dma_start3A_1505 = tpu.memref_slice %arg8[%dma_start3A_1503, %dma_start3A_1504] : memref<400x128xf32, #tpu.memory_space<vmem>> -> memref<200x64xf32, #tpu.memory_space<vmem>>
      %dma_start3A_1506 = arith.constant 0 : i32
      %dma_start3A_1507 = arith.constant 0 : i32
      %dma_start3A_1508 = tpu.memref_slice %arg5[%add3A_1454, %dma_start3A_1506, %dma_start3A_1507] : memref<1024x200x64xf32, #tpu.memory_space<hbm>> -> memref<1x200x64xf32, #tpu.memory_space<hbm>>
      %dma_start3A_1509 = tpu.memref_squeeze %dma_start3A_1508 : memref<1x200x64xf32, #tpu.memory_space<hbm>> -> memref<200x64xf32, #tpu.memory_space<hbm>>
      %dma_start3A_1510 = arith.constant 0 : i32
      %dma_start3A_1511 = arith.constant 0 : i32
      %dma_start3A_1512 = tpu.memref_slice %arg5[%add3A_1454, %dma_start3A_1510, %dma_start3A_1511] : memref<1024x200x64xf32, #tpu.memory_space<hbm>> -> memref<1x200x64xf32, #tpu.memory_space<hbm>>
      %dma_start3A_1513 = tpu.memref_squeeze %dma_start3A_1512 : memref<1x200x64xf32, #tpu.memory_space<hbm>> -> memref<200x64xf32, #tpu.memory_space<hbm>>
      %dma_start3A_1514 = arith.constant 200 : i32
      %dma_start3A_1515 = arith.constant 0 : i32
      %dma_start3A_1516 = tpu.memref_slice %arg8[%dma_start3A_1514, %dma_start3A_1515] : memref<400x128xf32, #tpu.memory_space<vmem>> -> memref<200x64xf32, #tpu.memory_space<vmem>>
      tpu.enqueue_dma source(%dma_start3A_1516 : memref<200x64xf32, #tpu.memory_space<vmem>>) target(%dma_start3A_1513 : memref<200x64xf32, #tpu.memory_space<hbm>>) target_semaphore(%run_scoped3A : memref<!tpu.dma_semaphore, #tpu.memory_space<semaphore_mem>>)
      %dma_wait3A_1517 = arith.constant 200 : i32
      %dma_wait3A_1518 = arith.constant 0 : i32
      %dma_wait3A_1519 = tpu.memref_slice %arg8[%dma_wait3A_1517, %dma_wait3A_1518] : memref<400x128xf32, #tpu.memory_space<vmem>> -> memref<200x64xf32, #tpu.memory_space<vmem>>
      %dma_wait3A_1520 = arith.constant 0 : i32
      %dma_wait3A_1521 = arith.constant 0 : i32
      %dma_wait3A_1522 = tpu.memref_slice %arg5[%add3A_1454, %dma_wait3A_1520, %dma_wait3A_1521] : memref<1024x200x64xf32, #tpu.memory_space<hbm>> -> memref<1x200x64xf32, #tpu.memory_space<hbm>>
      %dma_wait3A_1523 = tpu.memref_squeeze %dma_wait3A_1522 : memref<1x200x64xf32, #tpu.memory_space<hbm>> -> memref<200x64xf32, #tpu.memory_space<hbm>>
      %dma_wait3A_1524 = arith.constant 0 : i32
      %dma_wait3A_1525 = arith.constant 0 : i32
      %dma_wait3A_1526 = tpu.memref_slice %arg5[%add3A_1454, %dma_wait3A_1524, %dma_wait3A_1525] : memref<1024x200x64xf32, #tpu.memory_space<hbm>> -> memref<1x200x64xf32, #tpu.memory_space<hbm>>
      %dma_wait3A_1527 = tpu.memref_squeeze %dma_wait3A_1526 : memref<1x200x64xf32, #tpu.memory_space<hbm>> -> memref<200x64xf32, #tpu.memory_space<hbm>>
      %dma_wait3A_1528 = arith.constant 200 : i32
      %dma_wait3A_1529 = arith.constant 0 : i32
      %dma_wait3A_1530 = tpu.memref_slice %arg8[%dma_wait3A_1528, %dma_wait3A_1529] : memref<400x128xf32, #tpu.memory_space<vmem>> -> memref<200x64xf32, #tpu.memory_space<vmem>>
      tpu.wait_dma2 semaphore(%run_scoped3A : memref<!tpu.dma_semaphore, #tpu.memory_space<semaphore_mem>>) src(%dma_wait3A_1530 : memref<200x64xf32, #tpu.memory_space<vmem>>) dst(%dma_wait3A_1527 : memref<200x64xf32, #tpu.memory_space<hbm>>)
      tpu.yield
    }) : () -> ()
    %dma_wait3A_1455 = arith.constant 0 : i32
    %dma_wait3A_1456 = arith.constant 10 : i32
    %dma_wait3A_1457 = arith.constant 0 : i32
    %dma_wait3A_1458 = tpu.memref_slice %arg9[%dma_wait3A_1456, %dma_wait3A_1457] : memref<400x128xf32, #tpu.memory_space<vmem>> -> memref<96x128xf32, #tpu.memory_space<vmem>>
    %dma_wait3A_1459 = arith.constant 0 : i32
    %dma_wait3A_1460 = tpu.memref_slice %arg7[%dma_wait3A_1455, %dma_wait3A_1459] : memref<4x96xi32, #tpu.memory_space<vmem>> -> memref<1x96xi32, #tpu.memory_space<vmem>>
    %dma_wait3A_1461 = tpu.memref_squeeze %dma_wait3A_1460 : memref<1x96xi32, #tpu.memory_space<vmem>> -> memref<96xi32, #tpu.memory_space<vmem>>
    %dma_wait3A_1462 = arith.constant 0 : i32
    %dma_wait3A_1463 = arith.constant 0 : i32
    %dma_wait3A_1464 = tpu.memref_slice %arg2[%dma_wait3A_1462, %dma_wait3A_1463] : memref<1000000x128xf32, #tpu.memory_space<hbm>> -> memref<1000000x128xf32, #tpu.memory_space<hbm>>
    tpu.wait_indirect_dma semaphore(%arg11 : memref<!tpu.dma_semaphore, #tpu.memory_space<semaphore_mem>>) src(%dma_wait3A_1464 : memref<1000000x128xf32, #tpu.memory_space<hbm>>) dst(%dma_wait3A_1458 : memref<96x128xf32, #tpu.memory_space<vmem>>)
    %dma_wait3A_1465 = arith.constant 1 : i32
    %dma_wait3A_1466 = arith.constant 104 : i32
    %dma_wait3A_1467 = arith.constant 0 : i32
    %dma_wait3A_1468 = tpu.memref_slice %arg9[%dma_wait3A_1466, %dma_wait3A_1467] : memref<400x128xf32, #tpu.memory_space<vmem>> -> memref<96x128xf32, #tpu.memory_space<vmem>>
    %dma_wait3A_1469 = arith.constant 0 : i32
    %dma_wait3A_1470 = tpu.memref_slice %arg7[%dma_wait3A_1465, %dma_wait3A_1469] : memref<4x96xi32, #tpu.memory_space<vmem>> -> memref<1x96xi32, #tpu.memory_space<vmem>>
    %dma_wait3A_1471 = tpu.memref_squeeze %dma_wait3A_1470 : memref<1x96xi32, #tpu.memory_space<vmem>> -> memref<96xi32, #tpu.memory_space<vmem>>
    %dma_wait3A_1472 = arith.constant 0 : i32
    %dma_wait3A_1473 = arith.constant 0 : i32
    %dma_wait3A_1474 = tpu.memref_slice %arg2[%dma_wait3A_1472, %dma_wait3A_1473] : memref<1000000x128xf32, #tpu.memory_space<hbm>> -> memref<1000000x128xf32, #tpu.memory_space<hbm>>
    tpu.wait_indirect_dma semaphore(%arg11 : memref<!tpu.dma_semaphore, #tpu.memory_space<semaphore_mem>>) src(%dma_wait3A_1474 : memref<1000000x128xf32, #tpu.memory_space<hbm>>) dst(%dma_wait3A_1468 : memref<96x128xf32, #tpu.memory_space<vmem>>)
    %dma_wait3A_1475 = arith.constant 2 : i32
    %dma_wait3A_1476 = arith.constant 210 : i32
    %dma_wait3A_1477 = arith.constant 0 : i32
    %dma_wait3A_1478 = tpu.memref_slice %arg9[%dma_wait3A_1476, %dma_wait3A_1477] : memref<400x128xf32, #tpu.memory_space<vmem>> -> memref<96x128xf32, #tpu.memory_space<vmem>>
    %dma_wait3A_1479 = arith.constant 0 : i32
    %dma_wait3A_1480 = tpu.memref_slice %arg7[%dma_wait3A_1475, %dma_wait3A_1479] : memref<4x96xi32, #tpu.memory_space<vmem>> -> memref<1x96xi32, #tpu.memory_space<vmem>>
    %dma_wait3A_1481 = tpu.memref_squeeze %dma_wait3A_1480 : memref<1x96xi32, #tpu.memory_space<vmem>> -> memref<96xi32, #tpu.memory_space<vmem>>
    %dma_wait3A_1482 = arith.constant 0 : i32
    %dma_wait3A_1483 = arith.constant 0 : i32
    %dma_wait3A_1484 = tpu.memref_slice %arg2[%dma_wait3A_1482, %dma_wait3A_1483] : memref<1000000x128xf32, #tpu.memory_space<hbm>> -> memref<1000000x128xf32, #tpu.memory_space<hbm>>
    tpu.wait_indirect_dma semaphore(%arg11 : memref<!tpu.dma_semaphore, #tpu.memory_space<semaphore_mem>>) src(%dma_wait3A_1484 : memref<1000000x128xf32, #tpu.memory_space<hbm>>) dst(%dma_wait3A_1478 : memref<96x128xf32, #tpu.memory_space<vmem>>)
    %dma_wait3A_1485 = arith.constant 3 : i32
    %dma_wait3A_1486 = arith.constant 304 : i32
    %dma_wait3A_1487 = arith.constant 0 : i32
    %dma_wait3A_1488 = tpu.memref_slice %arg9[%dma_wait3A_1486, %dma_wait3A_1487] : memref<400x128xf32, #tpu.memory_space<vmem>> -> memref<96x128xf32, #tpu.memory_space<vmem>>
    %dma_wait3A_1489 = arith.constant 0 : i32
    %dma_wait3A_1490 = tpu.memref_slice %arg7[%dma_wait3A_1485, %dma_wait3A_1489] : memref<4x96xi32, #tpu.memory_space<vmem>> -> memref<1x96xi32, #tpu.memory_space<vmem>>
    %dma_wait3A_1491 = tpu.memref_squeeze %dma_wait3A_1490 : memref<1x96xi32, #tpu.memory_space<vmem>> -> memref<96xi32, #tpu.memory_space<vmem>>
    %dma_wait3A_1492 = arith.constant 0 : i32
    %dma_wait3A_1493 = arith.constant 0 : i32
    %dma_wait3A_1494 = tpu.memref_slice %arg2[%dma_wait3A_1492, %dma_wait3A_1493] : memref<1000000x128xf32, #tpu.memory_space<hbm>> -> memref<1000000x128xf32, #tpu.memory_space<hbm>>
    tpu.wait_indirect_dma semaphore(%arg11 : memref<!tpu.dma_semaphore, #tpu.memory_space<semaphore_mem>>) src(%dma_wait3A_1494 : memref<1000000x128xf32, #tpu.memory_space<hbm>>) dst(%dma_wait3A_1488 : memref<96x128xf32, #tpu.memory_space<vmem>>)
    %mul3A_1495 = arith.constant 32 : i32
    %mul3A_1496 = arith.muli %add3A, %mul3A_1495 : i32
    %add3A_1497 = arith.constant 30 : i32
    %add3A_1498 = arith.addi %mul3A_1496, %add3A_1497 : i32
    %add3A_1499 = arith.constant 0 : i32
    %add3A_1500 = arith.addi %add3A_1498, %add3A_1499 : i32
    "tpu.region"() ({
      %run_scoped3A = tpu.sem_alloc : memref<!tpu.dma_semaphore, #tpu.memory_space<semaphore_mem>>
      %dma_start3A_1503 = arith.constant 0 : i32
      %dma_start3A_1504 = arith.constant 0 : i32
      %dma_start3A_1505 = tpu.memref_slice %arg9[%dma_start3A_1503, %dma_start3A_1504] : memref<400x128xf32, #tpu.memory_space<vmem>> -> memref<200x64xf32, #tpu.memory_space<vmem>>
      %dma_start3A_1506 = arith.constant 0 : i32
      %dma_start3A_1507 = arith.constant 0 : i32
      %dma_start3A_1508 = tpu.memref_slice %arg5[%add3A_1500, %dma_start3A_1506, %dma_start3A_1507] : memref<1024x200x64xf32, #tpu.memory_space<hbm>> -> memref<1x200x64xf32, #tpu.memory_space<hbm>>
      %dma_start3A_1509 = tpu.memref_squeeze %dma_start3A_1508 : memref<1x200x64xf32, #tpu.memory_space<hbm>> -> memref<200x64xf32, #tpu.memory_space<hbm>>
      %dma_start3A_1510 = arith.constant 0 : i32
      %dma_start3A_1511 = arith.constant 0 : i32
      %dma_start3A_1512 = tpu.memref_slice %arg5[%add3A_1500, %dma_start3A_1510, %dma_start3A_1511] : memref<1024x200x64xf32, #tpu.memory_space<hbm>> -> memref<1x200x64xf32, #tpu.memory_space<hbm>>
      %dma_start3A_1513 = tpu.memref_squeeze %dma_start3A_1512 : memref<1x200x64xf32, #tpu.memory_space<hbm>> -> memref<200x64xf32, #tpu.memory_space<hbm>>
      %dma_start3A_1514 = arith.constant 0 : i32
      %dma_start3A_1515 = arith.constant 0 : i32
      %dma_start3A_1516 = tpu.memref_slice %arg9[%dma_start3A_1514, %dma_start3A_1515] : memref<400x128xf32, #tpu.memory_space<vmem>> -> memref<200x64xf32, #tpu.memory_space<vmem>>
      tpu.enqueue_dma source(%dma_start3A_1516 : memref<200x64xf32, #tpu.memory_space<vmem>>) target(%dma_start3A_1513 : memref<200x64xf32, #tpu.memory_space<hbm>>) target_semaphore(%run_scoped3A : memref<!tpu.dma_semaphore, #tpu.memory_space<semaphore_mem>>)
      %dma_wait3A_1517 = arith.constant 0 : i32
      %dma_wait3A_1518 = arith.constant 0 : i32
      %dma_wait3A_1519 = tpu.memref_slice %arg9[%dma_wait3A_1517, %dma_wait3A_1518] : memref<400x128xf32, #tpu.memory_space<vmem>> -> memref<200x64xf32, #tpu.memory_space<vmem>>
      %dma_wait3A_1520 = arith.constant 0 : i32
      %dma_wait3A_1521 = arith.constant 0 : i32
      %dma_wait3A_1522 = tpu.memref_slice %arg5[%add3A_1500, %dma_wait3A_1520, %dma_wait3A_1521] : memref<1024x200x64xf32, #tpu.memory_space<hbm>> -> memref<1x200x64xf32, #tpu.memory_space<hbm>>
      %dma_wait3A_1523 = tpu.memref_squeeze %dma_wait3A_1522 : memref<1x200x64xf32, #tpu.memory_space<hbm>> -> memref<200x64xf32, #tpu.memory_space<hbm>>
      %dma_wait3A_1524 = arith.constant 0 : i32
      %dma_wait3A_1525 = arith.constant 0 : i32
      %dma_wait3A_1526 = tpu.memref_slice %arg5[%add3A_1500, %dma_wait3A_1524, %dma_wait3A_1525] : memref<1024x200x64xf32, #tpu.memory_space<hbm>> -> memref<1x200x64xf32, #tpu.memory_space<hbm>>
      %dma_wait3A_1527 = tpu.memref_squeeze %dma_wait3A_1526 : memref<1x200x64xf32, #tpu.memory_space<hbm>> -> memref<200x64xf32, #tpu.memory_space<hbm>>
      %dma_wait3A_1528 = arith.constant 0 : i32
      %dma_wait3A_1529 = arith.constant 0 : i32
      %dma_wait3A_1530 = tpu.memref_slice %arg9[%dma_wait3A_1528, %dma_wait3A_1529] : memref<400x128xf32, #tpu.memory_space<vmem>> -> memref<200x64xf32, #tpu.memory_space<vmem>>
      tpu.wait_dma2 semaphore(%run_scoped3A : memref<!tpu.dma_semaphore, #tpu.memory_space<semaphore_mem>>) src(%dma_wait3A_1530 : memref<200x64xf32, #tpu.memory_space<vmem>>) dst(%dma_wait3A_1527 : memref<200x64xf32, #tpu.memory_space<hbm>>)
      tpu.yield
    }) : () -> ()
    %add3A_1501 = arith.constant 1 : i32
    %add3A_1502 = arith.addi %add3A_1498, %add3A_1501 : i32
    "tpu.region"() ({
      %run_scoped3A = tpu.sem_alloc : memref<!tpu.dma_semaphore, #tpu.memory_space<semaphore_mem>>
      %dma_start3A_1503 = arith.constant 200 : i32
      %dma_start3A_1504 = arith.constant 0 : i32
      %dma_start3A_1505 = tpu.memref_slice %arg9[%dma_start3A_1503, %dma_start3A_1504] : memref<400x128xf32, #tpu.memory_space<vmem>> -> memref<200x64xf32, #tpu.memory_space<vmem>>
      %dma_start3A_1506 = arith.constant 0 : i32
      %dma_start3A_1507 = arith.constant 0 : i32
      %dma_start3A_1508 = tpu.memref_slice %arg5[%add3A_1502, %dma_start3A_1506, %dma_start3A_1507] : memref<1024x200x64xf32, #tpu.memory_space<hbm>> -> memref<1x200x64xf32, #tpu.memory_space<hbm>>
      %dma_start3A_1509 = tpu.memref_squeeze %dma_start3A_1508 : memref<1x200x64xf32, #tpu.memory_space<hbm>> -> memref<200x64xf32, #tpu.memory_space<hbm>>
      %dma_start3A_1510 = arith.constant 0 : i32
      %dma_start3A_1511 = arith.constant 0 : i32
      %dma_start3A_1512 = tpu.memref_slice %arg5[%add3A_1502, %dma_start3A_1510, %dma_start3A_1511] : memref<1024x200x64xf32, #tpu.memory_space<hbm>> -> memref<1x200x64xf32, #tpu.memory_space<hbm>>
      %dma_start3A_1513 = tpu.memref_squeeze %dma_start3A_1512 : memref<1x200x64xf32, #tpu.memory_space<hbm>> -> memref<200x64xf32, #tpu.memory_space<hbm>>
      %dma_start3A_1514 = arith.constant 200 : i32
      %dma_start3A_1515 = arith.constant 0 : i32
      %dma_start3A_1516 = tpu.memref_slice %arg9[%dma_start3A_1514, %dma_start3A_1515] : memref<400x128xf32, #tpu.memory_space<vmem>> -> memref<200x64xf32, #tpu.memory_space<vmem>>
      tpu.enqueue_dma source(%dma_start3A_1516 : memref<200x64xf32, #tpu.memory_space<vmem>>) target(%dma_start3A_1513 : memref<200x64xf32, #tpu.memory_space<hbm>>) target_semaphore(%run_scoped3A : memref<!tpu.dma_semaphore, #tpu.memory_space<semaphore_mem>>)
      %dma_wait3A_1517 = arith.constant 200 : i32
      %dma_wait3A_1518 = arith.constant 0 : i32
      %dma_wait3A_1519 = tpu.memref_slice %arg9[%dma_wait3A_1517, %dma_wait3A_1518] : memref<400x128xf32, #tpu.memory_space<vmem>> -> memref<200x64xf32, #tpu.memory_space<vmem>>
      %dma_wait3A_1520 = arith.constant 0 : i32
      %dma_wait3A_1521 = arith.constant 0 : i32
      %dma_wait3A_1522 = tpu.memref_slice %arg5[%add3A_1502, %dma_wait3A_1520, %dma_wait3A_1521] : memref<1024x200x64xf32, #tpu.memory_space<hbm>> -> memref<1x200x64xf32, #tpu.memory_space<hbm>>
      %dma_wait3A_1523 = tpu.memref_squeeze %dma_wait3A_1522 : memref<1x200x64xf32, #tpu.memory_space<hbm>> -> memref<200x64xf32, #tpu.memory_space<hbm>>
      %dma_wait3A_1524 = arith.constant 0 : i32
      %dma_wait3A_1525 = arith.constant 0 : i32
      %dma_wait3A_1526 = tpu.memref_slice %arg5[%add3A_1502, %dma_wait3A_1524, %dma_wait3A_1525] : memref<1024x200x64xf32, #tpu.memory_space<hbm>> -> memref<1x200x64xf32, #tpu.memory_space<hbm>>
      %dma_wait3A_1527 = tpu.memref_squeeze %dma_wait3A_1526 : memref<1x200x64xf32, #tpu.memory_space<hbm>> -> memref<200x64xf32, #tpu.memory_space<hbm>>
      %dma_wait3A_1528 = arith.constant 200 : i32
      %dma_wait3A_1529 = arith.constant 0 : i32
      %dma_wait3A_1530 = tpu.memref_slice %arg9[%dma_wait3A_1528, %dma_wait3A_1529] : memref<400x128xf32, #tpu.memory_space<vmem>> -> memref<200x64xf32, #tpu.memory_space<vmem>>
      tpu.wait_dma2 semaphore(%run_scoped3A : memref<!tpu.dma_semaphore, #tpu.memory_space<semaphore_mem>>) src(%dma_wait3A_1530 : memref<200x64xf32, #tpu.memory_space<vmem>>) dst(%dma_wait3A_1527 : memref<200x64xf32, #tpu.memory_space<hbm>>)
      tpu.yield
    }) : () -> ()
    return
  }
}

</mosaic_0001>

<sc_bundles>
// kernel: kernel.3.cloned.1.call-start
scs
__scs_entry_jumppad:
0x0: {  	(pc) =	sbr.rel $0x88, $3  }
0x1: {  	(tag) =	ssettag $0x0;
	lr =	simm.s32 $0x1  }
0x2: {  	[smem:$0x3F9E] =	sst lr;
	_ =	strace $0xD0000000  }
0x3: {  	_ = 	snop  }
0x4: {  	_ = 	snop  }
0x5: {  	_ = 	snop  }
0x6: {  	_ = 	snop  }
0x7: {  	_ = 	snop  }
__scs_overlays_trampoline_lowered:
0x8: {  	[smem:$0x3FAD] =	sst s0  }
0x9: {  	[smem:$0x3FAE] =	sst s1  }
0xa: {  	[smem:$0x3FAF] =	sst s2  }
0xb: {  	[smem:$0x3FB0] =	sst s3  }
0xc: {  	[smem:$0x3FB1] =	sst s4  }
0xd: {  	[smem:$0x3FB2] =	sst s5  }
0xe: {  	[smem:$0x3FB3] =	sst s6  }
0xf: {  	[smem:$0x3FB4] =	sst s7  }
0x10: {  	[smem:$0x3FB5] =	sst s8  }
0x11: {  	[smem:$0x3FB6] =	sst s9;
	s0 =	simm.s32 @!p0 $0x0  }
0x12: {  	s1 =	sld [smem:$0x3F9C];
	s0 =	simm.s32 @p0 $0x1  }
0x13: {  	[smem:$0x3FB7] =	sst s0;
	s0 =	simm.s32 @!p1 $0x0  }
0x14: {  	s2 =	sld [smem:$0x3F9B];
	s0 =	simm.s32 @p1 $0x1  }
0x15: {  	[smem:$0x3FB8] =	sst s0;
	s0 =	simm.s32 @!p2 $0x0  }
0x16: {  	s3 =	sld [smem:$0x3FDB];
	s0 =	simm.s32 @p2 $0x1  }
0x17: {  	s4 =	simm.s32 $0x1BF5;
	[smem:$0x3FBA] =	sst s0  }
0x18: {  	s0 =	sld [smem:$0x3F9D];
	_ =	swait.ge [sflag:s4], $0x0  }
0x19: {  	s7 =	sld [smem:$0x3F9E]  }
0x1a: {  	s8 =	sadd.s32 $0xFFFFE003, lr  }
0x1b: {  	s9 =	sadd.s32 $0xFFFFFEF7, lr;
	s5 =	simm.s32 $0xFFFFFFFF;
	p2 =	slt.u32 s8, $0xFFFFF086  }
0x1c: {  	p1 =	slt.u32 s9, $0xF7A;
	s5 =	simm.s32 @!p2 $0x0  }
0x1d: {  	s5 =	simm.s32 @p1 $0x1;
	p0 =	seq.s32 s7, s2  }
0x1e: {  	s7 =	smul.u32 @!p0 $0xF7A, s2;
	p2 =	seq.s32 @!p0 s5, $0x0  }
0x1f: {  	s9 =	smul.u32 $0xF7A, s1;
	s8 =	simm.s32 @!p0 $0x1BF5;
	p2 =	por !p2, p0  }
0x20: {  	[sflag:s8] =	ssyncset.s32 @!p0 $0xFFFFF086;
	s6 =	sadd.s32 @!p0 s3, s7;
	s7 =	simm.s32 @!p0 $0x108  }
0x21: {  	s3 =	sadd.s32 s3, s9;
	s6 =	sadd.s32 @!p0 $0x88, s6;
	s7 =	simm.s32 @p2 $0x1082  }
0x22: {  	[simem:s7], [sflag:s8] =	dma.local @!p0 [hbm:s6], $0xF7A  }
0x23: {  	s9 =	sor.u32 $0xD0000000, s2;
	s6 =	simm.s32 $0x108;
	_ =	swait.ge @!p0 [sflag:s8], $0x0  }
0x24: {  	s3 =	sadd.s32 $0x88, s3;
	s6 =	simm.s32 @!p1 $0x1082;
	[sflag:s4] =	ssyncset.s32 $0xFFFFF086  }
0x25: {  	[simem:s6], [sflag:s4] =	dma.local [hbm:s3], $0xF7A  }
0x26: {  	[smem:$0x3F9E] =	sst s1;
	(tag) =	ssettag s2;
	_ =	strace s9  }
0x27: {  	s1 =	sld [smem:$0x3FAE]  }
0x28: {  	s2 =	sld [smem:$0x3FAF]  }
0x29: {  	s4 =	sld [smem:$0x3FB1]  }
0x2a: {  	p0 =	seq.s32 s5, $0x0;
	s5 =	sld [smem:$0x3FB2]  }
0x2b: {  	s6 =	sld [smem:$0x3FB3]  }
0x2c: {  	s7 =	sld [smem:$0x3FB4]  }
0x2d: {  	s3 =	simm.s32 $0x108;
	s8 =	sld [smem:$0x3FB5]  }
0x2e: {  	s3 =	simm.s32 @!p0 $0x1082;
	s9 =	sld [smem:$0x3FB6]  }
0x2f: {  	lr =	sadd.s32 s0, s3;
	s0 =	sld [smem:$0x3FAD]  }
0x30: {  	s3 =	sld [smem:$0x3FB0]  }
0x31: {  	[smem:$0x3FB9] =	sst s10  }
0x32: {  	s10 =	sld [smem:$0x3FB7];
	_ =	sdelay $0x3  }
0x33: {  	p0 =	seq.s32 s10, $0x1;
	s10 =	sld [smem:$0x3FB9];
	_ =	sdelay $0x3  }
0x34: {  	[smem:$0x3FB9] =	sst s10  }
0x35: {  	s10 =	sld [smem:$0x3FB8];
	_ =	sdelay $0x3  }
0x36: {  	p1 =	seq.s32 s10, $0x1;
	s10 =	sld [smem:$0x3FB9];
	_ =	sdelay $0x3  }
0x37: {  	[smem:$0x3FB9] =	sst s10  }
0x38: {  	s10 =	sld [smem:$0x3FBA]  }
0x39: {  	_ = 	snop;
	(pc) =	sbr.ind lr, $3  }
0x3a: {  	_ = 	snop  }
0x3b: {  	_ = 	snop  }
0x3c: {  	p2 =	seq.s32 s10, $0x1;
	s10 =	sld [smem:$0x3FB9]  }
0x3d: {  	_ =	shalt  }
0x3e: {  	_ =	shalt  }
0x3f: {  	_ =	shalt  }
0x40: {  	_ =	shalt  }
0x41: {  	_ =	shalt  }
0x42: {  	_ =	shalt  }
0x43: {  	_ =	shalt  }
0x44: {  	_ =	shalt  }
0x45: {  	_ =	shalt  }
0x46: {  	_ =	shalt  }
0x47: {  	_ =	shalt  }
0x48: {  	_ =	shalt  }
0x49: {  	_ =	shalt  }
0x4a: {  	_ =	shalt  }
0x4b: {  	_ =	shalt  }
0x4c: {  	_ =	shalt  }
0x4d: {  	_ =	shalt  }
0x4e: {  	_ =	shalt  }
0x4f: {  	_ =	shalt  }
0x50: {  	_ =	shalt  }
0x51: {  	_ =	shalt  }
0x52: {  	_ =	shalt  }
0x53: {  	_ =	shalt  }
0x54: {  	_ =	shalt  }
0x55: {  	_ =	shalt  }
0x56: {  	_ =	shalt  }
0x57: {  	_ =	shalt  }
0x58: {  	_ =	shalt  }
0x59: {  	_ =	shalt  }
0x5a: {  	_ =	shalt  }
0x5b: {  	_ =	shalt  }
0x5c: {  	_ =	shalt  }
0x5d: {  	_ =	shalt  }
0x5e: {  	_ =	shalt  }
0x5f: {  	_ =	shalt  }
0x60: {  	_ =	shalt  }
0x61: {  	_ =	shalt  }
0x62: {  	_ =	shalt  }
0x63: {  	_ =	shalt  }
0x64: {  	_ =	shalt  }
0x65: {  	_ =	shalt  }
0x66: {  	_ =	shalt  }
0x67: {  	_ =	shalt  }
0x68: {  	_ =	shalt  }
0x69: {  	_ =	shalt  }
0x6a: {  	_ =	shalt  }
0x6b: {  	_ =	shalt  }
0x6c: {  	_ =	shalt  }
0x6d: {  	_ =	shalt  }
0x6e: {  	_ =	shalt  }
0x6f: {  	_ =	shalt  }
0x70: {  	_ =	shalt  }
0x71: {  	_ =	shalt  }
0x72: {  	_ =	shalt  }
0x73: {  	_ =	shalt  }
0x74: {  	_ =	shalt  }
0x75: {  	_ =	shalt  }
0x76: {  	_ =	shalt  }
0x77: {  	_ =	shalt  }
0x78: {  	_ =	shalt  }
0x79: {  	_ =	shalt  }
0x7a: {  	_ =	shalt  }
0x7b: {  	_ =	shalt  }
0x7c: {  	_ =	shalt  }
0x7d: {  	_ =	shalt  }
0x7e: {  	_ =	shalt  }
0x7f: {  	_ =	shalt  }
0x80: {  	_ =	shalt  }
0x81: {  	_ =	shalt  }
0x82: {  	_ =	shalt  }
0x83: {  	_ =	shalt  }
0x84: {  	_ =	shalt  }
0x85: {  	_ =	shalt  }
0x86: {  	_ =	shalt  }
0x87: {  	_ =	shalt  }
.Lfunc_end0:
.L_simem_size_0:
called_computation.1_lowered:
.L_overlay_start_0:
0x88: {  	s2 =	sld [smem:$0x3FD9]  }
0x89: {  	s3 =	sld [smem:$0x3FFE];
	_ =	sdelay $0x1  }
0x8a: {  	s1 =	srdreg.scid  }
0x8b: {  	s0 =	sand.u32 $0x1, s1  }
0x8c: {  	s17 =	sshll.u32 s0, $0xA;
	s2 =	sadd.s32 s3, s2  }
0x8d: {  	s2 =	sadd.s32 s2, s17  }
0x8e: {  	[smem:$0x3FC5] =	sst s2  }
0x8f: {  	_ = 	snop  }
0x90: {  	s2 =	sld [smem:$0x3FD0];
	(tm) =	ssettm $0x1  }
0x91: {  	s18 =	sld [smem:$0x3FFB];
	_ =	sdelay $0x3  }
0x92: {  	_ =	strace s18  }
0x93: {  	s3 =	sld [smem:$0x3FFC];
	_ =	sdelay $0x3  }
0x94: {  	_ =	strace s3  }
0x95: {  	s3 =	sld [smem:$0x3FFD];
	_ =	sdelay $0x3  }
0x96: {  	_ =	strace s3  }
0x97: {  	_ =	strace $0x8FFFFFFF  }
0x98: {  	s19 =	sld [smem:$0x3FDB];
	_ =	sdelay $0x1  }
0x99: {  	s4 =	simm.s32 $_scs_section_size  }
0x9a: {  	s5 =	simm.s32 $_size__tile_overlayer_lowered;
	s6 =	simm.s32 $_tile_overlayer_lowered  }
0x9b: {  	s22 =	simm.s32 $0x1BFF;
	s21 =	sshll.u32 s6, $0x1;
	s3 =	sadd.s32 s4, s19  }
0x9c: {  	s7 =	simm.s32 $0x0;
	s20 =	sshll.u32 s5, $0x1;
	s5 =	sadd.s32 s21, s3  }
0x9d: {  	[timem:s7], [sflag:s22] =	dma.local [hbm:s5], s20  }
0x9e: {  	_ =	swait.ge [sflag:s22], s20  }
0x9f: {  	s4 =	ssub.s32 $0x0, s20;
	[sflag:s22] =	ssyncset.done $0x0  }
0xa0: {  	[sflag:s22] =	ssyncadd.s32 s4;
	_ =	sdelay $0x1  }
0xa1: {  	s23 =	simm.s32 $0x1B8B  }
0xa2: {  	_ =	swait.ge [sflag:s23], $0x1  }
0xa3: {  	[sflag:s23] =	ssyncset.done $0x0  }
0xa4: {  	s25 =	simm.s32 $0x1B8E;
	s24 =	sld [smem:$0x3FFE];
	[sflag:s23] =	ssyncadd.s32 $0xFFFFFFFF  }
0xa5: {  	s26 =	simm.s32 $execute0_lowered;
	[smem:$0x3FD2] =	sst s25  }
0xa6: {  	s5 =	sshll.u32 s26, $0x1;
	_ =	strace $0x80000046;
	[dreg:$0x1] =	wrdreg $0xFFFFFFFF  }
0xa7: {  	s28 =	simm.s32 $_size_execute0_lowered;
	s3 =	sadd.s32 s3, s5;
	[dreg:$0x0] =	wrdreg $0x0  }
0xa8: {  	s5 =	sshll.u32 s28, $0x1;
	[dreg:$0x2] =	wrdreg s3  }
0xa9: {  	[dreg:$0x3] =	wrdreg s5  }
0xaa: {  	[dreg:$0x4] =	wrdreg $0xC0  }
0xab: {  	_ =	task [dreg:s7], $0x5FFFF  }
0xac: {  	[dreg:$0x1] =	wrdreg $0xFFFFFFFF  }
0xad: {  	[dreg:$0x0] =	wrdreg $0x60  }
0xae: {  	[dreg:$0x2] =	wrdreg s24  }
0xaf: {  	[dreg:$0x3] =	wrdreg s2  }
0xb0: {  	[dreg:$0x4] =	wrdreg $0x9  }
0xb1: {  	_ =	task.clear_ibuf [dreg:s7], $0x5FFFF;
	_ =	strace $0x90000046  }
0xb2: {  	s29 =	simm.s32 $0x9;
	_ =	strace $0x80000048  }
0xb3: {  	_ =	swait.ge [sflag:s29], $0x1  }
0xb4: {  	[sflag:s29] =	ssyncadd.s32 $0xFFFFFFFF  }
0xb5: {  	_ =	strace $0x90000048  }
0xb6: {  	_ =	sfence  }
0xb7: {  	s30 =	sld [smem:$0x0];
	_ =	sdelay $0x2  }
0xb8: {  	s31 =	sshll.u32 s1, $0xD;
	s1 =	sshrl.u32 s1, $0x2  }
0xb9: {  	s3 =	sand.u32 $0x4000, s31;
	s1 =	sadd.s32 s1, s30  }
0xba: {  	s0 =	sor.u32 s3, s0;
	s1 =	sshll.u32 s1, $0x11  }
0xbb: {  	s0 =	sor.u32 s1, s0  }
0xbc: {  	s0 =	sadd.s32 $0x8F2B, s0  }
0xbd: {  	[sflag:s0] =	ssyncadd.remote.s32 $0x1  }
0xbe: {  	_ =	sfence.sel $0xFFFF  }
0xbf: {  	[dreg:$0x0] =	wrdreg $0xFFFFFFFF;
	(pc) =	sbr.abs _section_cstart, $3  }
0xc0: {  	[dreg:$0x1] =	wrdreg $0xFFFFFFFF  }
0xc1: {  	_ =	task.clear_ibuf [dreg:s7], $0x2FFFF;
	_ =	strace $0x9FFFFFFF  }
0xc2: {  	(tm) =	ssettm $0x7FFFFFFF  }
0xc3: {  	_ =	shalt  }
tec
execute0_lowered:
.L_overlay_start_1:
0x0: {  	(tag) =	ssettag $0x1  }
0x1: {  	s0 =	srdreg.scid  }
0x2: {  	s1 =	stileid.u32;
	s19 =	rddreg [dreg:$0x0];
	s0 =	sand.u32 $0x1, s0  }
0x3: {  	s2 =	sshll.u32 s1, $0x1;
	s1 =	simm.s32 $0x0;
	s5 =	sadd.s32 $0xF43200, s19  }
0x4: {  	s3 =	ssub.s32 $0x2, s0;
	s0 =	sor.u32 s0, s2;
	[smem:$0x7FF] =	sst s1  }
0x5: {  	s11 =	sshrl.u32 s3, $0x1;
	s4 =	sshll.u32 s0, $0x5;
	s13 =	sshll.u32 s0, $0xA  }
0x6: {  	s23 =	ssub.s32 s3, s11;
	s12 =	sor.u32 $0x2, s4;
	s7 =	sor.u32 $0x4, s4  }
0x7: {  	s3 =	sadd.s32 s5, s13;
	s16 =	sor.u32 $0x6, s4;
	s9 =	sor.u32 $0x8, s4  }
0x8: {  	s18 =	sor.u32 $0xA, s4;
	s11 =	sor.u32 $0xC, s4;
	s22 =	sor.u32 $0x10, s4  }
0x9: {  	s25 =	sor.u32 $0x14, s4;
	s6 =	sshll.u32 s12, $0x5;
	[dreg:$0x3] =	wrdreg s3  }
0xa: {  	s15 =	sshll.u32 s7, $0x5;
	s2 =	smul.u32 $0x640, s12;
	s8 =	sshll.u32 s16, $0x5  }
0xb: {  	s17 =	sshll.u32 s9, $0x5;
	s7 =	smul.u32 $0x640, s7;
	s10 =	sshll.u32 s18, $0x5  }
0xc: {  	s20 =	sshll.u32 s11, $0x5;
	s12 =	sor.u32 $0xE, s4;
	s9 =	smul.u32 $0x640, s9  }
0xd: {  	s11 =	smul.u32 $0x640, s11;
	s13 =	sshll.u32 s22, $0x5;
	s23 =	smax.u32 s23, $0x1  }
0xe: {  	s14 =	sadd.s32 s5, s6;
	s6 =	smul.u32 $0xC800, s0;
	s3 =	sadd.s32 s5, s15  }
0xf: {  	s0 =	smul.u32 $0x64000, s0;
	s8 =	sadd.s32 s5, s8;
	[dreg:$0x4] =	wrdreg s14  }
0x10: {  	s10 =	sadd.s32 s5, s10;
	s21 =	sshll.u32 s12, $0x5;
	[dreg:$0x5] =	wrdreg s3  }
0x11: {  	s13 =	sadd.s32 s5, s13;
	s12 =	smul.u32 $0x640, s12;
	[dreg:$0x6] =	wrdreg s8  }
0x12: {  	s15 =	sor.u32 $0x16, s4;
	s8 =	sadd.s32 s5, s17;
	[dreg:$0x8] =	wrdreg s10  }
0x13: {  	s3 =	smul.u32 $0x640, s16;
	s10 =	sadd.s32 s5, s20;
	[dreg:$0xb] =	wrdreg s13  }
0x14: {  	s14 =	sor.u32 $0x12, s4;
	s16 =	sshll.u32 s25, $0x5;
	[dreg:$0x7] =	wrdreg s8  }
0x15: {  	s17 =	sshll.u32 s15, $0x5;
	[dreg:$0x9] =	wrdreg s10;
	s10 =	sadd.s32 s5, s21  }
0x16: {  	s8 =	smul.u32 $0x640, s18;
	s16 =	sadd.s32 s5, s16;
	[dreg:$0xa] =	wrdreg s10  }
0x17: {  	s24 =	sshll.u32 s14, $0x5;
	s26 =	sadd.s32 s5, s17;
	[dreg:$0xd] =	wrdreg s16  }
0x18: {  	s18 =	sor.u32 $0x18, s4;
	s17 =	sor.u32 $0x1C, s4;
	[dreg:$0xe] =	wrdreg s26  }
0x19: {  	s0 =	sshrl.u32 s0, $0x3;
	s13 =	sadd.s32 s5, s24;
	s10 =	rddreg [dreg:$0x1]  }
0x1a: {  	s28 =	sshll.u32 s18, $0x5;
	s21 =	sshll.u32 s17, $0x5;
	[dreg:$0xc] =	wrdreg s13  }
0x1b: {  	s16 =	sadd.s32 s5, s28;
	s30 =	sadd.s32 s5, s21;
	s21 =	smul.u32 $0x640, s14  }
0x1c: {  	s24 =	sadd.s32 s10, s2;
	s13 =	sadd.s32 s10, s9;
	[dreg:$0xf] =	wrdreg s16  }
0x1d: {  	s16 =	sor.u32 $0x1A, s4;
	s4 =	sor.u32 $0x1E, s4;
	[dreg:$0x11] =	wrdreg s30  }
0x1e: {  	s30 =	sadd.s32 s10, s7;
	[dreg:$0x17] =	wrdreg s13;
	s20 =	sshll.u32 s16, $0x5  }
0x1f: {  	s31 =	sshll.u32 s4, $0x5;
	[dreg:$0x15] =	wrdreg s30;
	s30 =	sadd.s32 s10, s21  }
0x20: {  	s20 =	sadd.s32 s5, s20;
	s5 =	sadd.s32 s5, s31;
	s31 =	smul.u32 $0x640, s15  }
0x21: {  	s15 =	sadd.s32 s10, s11;
	[dreg:$0x12] =	wrdreg s5;
	s5 =	smul.u32 $0x640, s22  }
0x22: {  	[dreg:$0x10] =	wrdreg s20;
	s20 =	sadd.s32 s10, s0;
	s0 =	smul.u32 $0x640, s25  }
0x23: {  	s21 =	smul.u32 $0x640, s17;
	[dreg:$0x19] =	wrdreg s15;
	s5 =	sadd.s32 s10, s5  }
0x24: {  	s26 =	sadd.s32 s10, s8;
	s0 =	sadd.s32 s10, s0;
	[dreg:$0x1b] =	wrdreg s5  }
0x25: {  	s14 =	smul.u32 $0x640, s18;
	s2 =	sadd.s32 s10, s21;
	[dreg:$0x1d] =	wrdreg s0  }
0x26: {  	s21 =	sadd.s32 $0xE00, s19;
	_ =	strace $0x80000047;
	[dreg:$0x1f] =	wrdreg s23  }
0x27: {  	s18 =	smul.u32 $0x640, s16;
	s22 =	sadd.s32 s10, s6;
	[smem:$0x7F3] =	sst s21  }
0x28: {  	s28 =	sadd.s32 s10, s12;
	s4 =	smul.u32 $0x640, s4;
	[dreg:$0x13] =	wrdreg s22  }
0x29: {  	s29 =	sadd.s32 s10, s14;
	s25 =	sadd.s32 s10, s3;
	[dreg:$0x14] =	wrdreg s24  }
0x2a: {  	s3 =	sadd.s32 s10, s4;
	s31 =	sadd.s32 s10, s31;
	[dreg:$0x16] =	wrdreg s25  }
0x2b: {  	s4 =	sadd.s32 $0x12C0, s20;
	s6 =	sadd.s32 $0x2BC0, s20;
	[dreg:$0x18] =	wrdreg s26  }
0x2c: {  	s7 =	sadd.s32 $0x3840, s20;
	s8 =	sadd.s32 $0x44C0, s20;
	[dreg:$0x1a] =	wrdreg s28  }
0x2d: {  	s9 =	sadd.s32 $0x5140, s20;
	s11 =	sadd.s32 $0x6A40, s20;
	[dreg:$0x1c] =	wrdreg s30  }
0x2e: {  	s12 =	sadd.s32 $0x76C0, s20;
	s23 =	sadd.s32 $0xC00, s19;
	[dreg:$0x1e] =	wrdreg s31  }
0x2f: {  	s13 =	sadd.s32 $0x8340, s20;
	s21 =	sadd.s32 $0xC08, s19;
	[smem:$0x7F4] =	sst s23  }
0x30: {  	s14 =	sadd.s32 $0x8FC0, s20;
	[smem:$0x7F5] =	sst s21;
	s23 =	sadd.s32 $0xC10, s19  }
0x31: {  	s15 =	sadd.s32 $0x9C40, s20;
	s21 =	sadd.s32 $0xC18, s19;
	[smem:$0x7F6] =	sst s23  }
0x32: {  	s16 =	sadd.s32 $0xA8C0, s20;
	[smem:$0x7F7] =	sst s21;
	s23 =	sadd.s32 $0xC20, s19  }
0x33: {  	s17 =	sadd.s32 $0xB540, s20;
	s21 =	sadd.s32 $0xC28, s19;
	[smem:$0x7F8] =	sst s23  }
0x34: {  	s0 =	sadd.s32 s10, s18;
	[smem:$0x7F9] =	sst s21;
	s23 =	sadd.s32 $0xC30, s19  }
0x35: {  	s5 =	sadd.s32 $0x1F40, s20;
	s21 =	sadd.s32 $0xC38, s19;
	[smem:$0x7FA] =	sst s23  }
0x36: {  	s10 =	sadd.s32 $0x5DC0, s20;
	[smem:$0x7FB] =	sst s21;
	s23 =	sadd.s32 $0xC40, s19  }
0x37: {  	s18 =	sadd.s32 $0xC1C0, s20;
	s19 =	sadd.s32 $0xC48, s19;
	[smem:$0x7FC] =	sst s23  }
0x38: {  	s21 =	simm.s32 $0x0;
	[smem:$0x7FD] =	sst s19;
	s19 =	sadd.s32 $0x640, s22  }
.LBB2_1:
0x39: {  	s23 =	sld [smem:$0x7F4]  }
0x3a: {  	[smem:$0x7F2] =	sst s21  }
0x3b: {  	s20 =	simm.s32 $0x300;
	s26 =	sld [smem:$0x7F5]  }
0x3c: {  	[tilespmem:s20], [sflag:$0x3] =	stream.linear.gather [hbm4b:s23+s1], $0x40, $0x38;
	[tilespmem:$0x19300] =	vst v63  }
0x3d: {  	s22 =	simm.s32 $0x380;
	s24 =	sld [smem:$0x7F6]  }
0x3e: {  	[tilespmem:s22], [sflag:$0x3] =	stream.linear.gather [hbm4b:s26+s1], $0x40, $0x38;
	[tilespmem:$0x19300] =	vst v63  }
0x3f: {  	s28 =	simm.s32 $0x400;
	s30 =	sld [smem:$0x7F7]  }
0x40: {  	[tilespmem:s28], [sflag:$0x3] =	stream.linear.gather [hbm4b:s24+s1], $0x40, $0x38;
	[tilespmem:$0x19300] =	vst v63  }
0x41: {  	s31 =	simm.s32 $0x480;
	s21 =	sld [smem:$0x7F8]  }
0x42: {  	[tilespmem:s31], [sflag:$0x3] =	stream.linear.gather [hbm4b:s30+s1], $0x40, $0x38;
	[tilespmem:$0x19300] =	vst v63  }
0x43: {  	s25 =	simm.s32 $0x500;
	s26 =	sld [smem:$0x7F9]  }
0x44: {  	[tilespmem:s25], [sflag:$0x3] =	stream.linear.gather [hbm4b:s21+s1], $0x40, $0x38;
	[tilespmem:$0x19300] =	vst v63  }
0x45: {  	s28 =	simm.s32 $0x580;
	s30 =	sld [smem:$0x7FA]  }
0x46: {  	[tilespmem:s28], [sflag:$0x3] =	stream.linear.gather [hbm4b:s26+s1], $0x40, $0x38;
	[tilespmem:$0x19300] =	vst v63  }
0x47: {  	s31 =	simm.s32 $0x600;
	s21 =	sld [smem:$0x7FB]  }
0x48: {  	[tilespmem:s31], [sflag:$0x3] =	stream.linear.gather [hbm4b:s30+s1], $0x40, $0x38;
	[tilespmem:$0x19300] =	vst v63  }
0x49: {  	s25 =	simm.s32 $0x680;
	s26 =	sld [smem:$0x7FC]  }
0x4a: {  	[tilespmem:s25], [sflag:$0x3] =	stream.linear.gather [hbm4b:s21+s1], $0x40, $0x38;
	[tilespmem:$0x19300] =	vst v63  }
0x4b: {  	s28 =	simm.s32 $0x700;
	s30 =	sld [smem:$0x7FD]  }
0x4c: {  	[tilespmem:s28], [sflag:$0x3] =	stream.linear.gather [hbm4b:s26+s1], $0x40, $0x38;
	[tilespmem:$0x19300] =	vst v63  }
0x4d: {  	s31 =	simm.s32 $0x780;
	s25 =	simm.s32 $0x3  }
0x4e: {  	[tilespmem:s31], [sflag:$0x3] =	stream.linear.gather [hbm4b:s30+s1], $0x40, $0x38;
	[tilespmem:$0x19300] =	vst v63  }
0x4f: {  	_ =	swait.ge [sflag:s25], $0x280  }
0x50: {  	[sflag:s25] =	ssyncset.done $0x0  }
0x51: {  	s26 =	simm.s32 $0x6700;
	[sflag:s25] =	ssyncadd.s32 $0xFFFFFD80  }
0x52: {  	[tilespmem:s26], [sflag:$0x3] =	stream.linear.gather [hbm4b:s23+s1], $0x40, $0x38;
	[tilespmem:$0x19300] =	vst v63  }
0x53: {  	s23 =	sld [smem:$0x7F5];
	_ =	sdelay $0x1  }
0x54: {  	s28 =	simm.s32 $0x6780  }
0x55: {  	[tilespmem:s28], [sflag:$0x3] =	stream.linear.gather [hbm4b:s23+s1], $0x40, $0x38;
	[tilespmem:$0x19300] =	vst v63  }
0x56: {  	s30 =	simm.s32 $0x6800  }
0x57: {  	[tilespmem:s30], [sflag:$0x3] =	stream.linear.gather [hbm4b:s24+s1], $0x40, $0x38;
	[tilespmem:$0x19300] =	vst v63  }
0x58: {  	s24 =	sld [smem:$0x7F7];
	_ =	sdelay $0x1  }
0x59: {  	s31 =	simm.s32 $0x6880;
	s25 =	sld [smem:$0x7F8]  }
0x5a: {  	[tilespmem:s31], [sflag:$0x3] =	stream.linear.gather [hbm4b:s24+s1], $0x40, $0x38;
	[tilespmem:$0x19300] =	vst v63  }
0x5b: {  	s22 =	simm.s32 $0x6900;
	s28 =	sld [smem:$0x7F9]  }
0x5c: {  	[tilespmem:s22], [sflag:$0x3] =	stream.linear.gather [hbm4b:s25+s1], $0x40, $0x38;
	[tilespmem:$0x19300] =	vst v63  }
0x5d: {  	s26 =	simm.s32 $0x6980;
	s31 =	sld [smem:$0x7FA]  }
0x5e: {  	[tilespmem:s26], [sflag:$0x3] =	stream.linear.gather [hbm4b:s28+s1], $0x40, $0x38;
	[tilespmem:$0x19300] =	vst v63  }
0x5f: {  	s30 =	simm.s32 $0x6A00;
	s25 =	sld [smem:$0x7FB]  }
0x60: {  	[tilespmem:s30], [sflag:$0x3] =	stream.linear.gather [hbm4b:s31+s1], $0x40, $0x38;
	[tilespmem:$0x19300] =	vst v63  }
0x61: {  	s22 =	simm.s32 $0x6A80;
	s28 =	sld [smem:$0x7FC]  }
0x62: {  	[tilespmem:s22], [sflag:$0x3] =	stream.linear.gather [hbm4b:s25+s1], $0x40, $0x38;
	[tilespmem:$0x19300] =	vst v63  }
0x63: {  	s26 =	simm.s32 $0x6B00;
	s31 =	sld [smem:$0x7FD]  }
0x64: {  	[tilespmem:s26], [sflag:$0x3] =	stream.linear.gather [hbm4b:s28+s1], $0x40, $0x38;
	[tilespmem:$0x19300] =	vst v63  }
0x65: {  	s30 =	simm.s32 $0x6B80;
	s25 =	simm.s32 $0x3  }
0x66: {  	[tilespmem:s30], [sflag:$0x3] =	stream.linear.gather [hbm4b:s31+s1], $0x40, $0x38;
	[tilespmem:$0x19300] =	vst v63  }
0x67: {  	_ =	swait.ge [sflag:s25], $0x280  }
0x68: {  	s28 =	sld [smem:$0x7F4]  }
0x69: {  	[sflag:s25] =	ssyncset.done $0x0  }
0x6a: {  	s26 =	simm.s32 $0xCB00;
	[sflag:s25] =	ssyncadd.s32 $0xFFFFFD80  }
0x6b: {  	[tilespmem:s26], [sflag:$0x3] =	stream.linear.gather [hbm4b:s28+s1], $0x40, $0x38;
	[tilespmem:$0x19300] =	vst v63  }
0x6c: {  	s30 =	simm.s32 $0xCB80;
	s22 =	sld [smem:$0x7F6]  }
0x6d: {  	[tilespmem:s30], [sflag:$0x3] =	stream.linear.gather [hbm4b:s23+s1], $0x40, $0x38;
	[tilespmem:$0x19300] =	vst v63  }
0x6e: {  	s31 =	simm.s32 $0xCC00  }
0x6f: {  	[tilespmem:s31], [sflag:$0x3] =	stream.linear.gather [hbm4b:s22+s1], $0x40, $0x38;
	[tilespmem:$0x19300] =	vst v63  }
0x70: {  	s25 =	simm.s32 $0xCC80;
	s23 =	sld [smem:$0x7F8]  }
0x71: {  	[tilespmem:s25], [sflag:$0x3] =	stream.linear.gather [hbm4b:s24+s1], $0x40, $0x38;
	[tilespmem:$0x19300] =	vst v63  }
0x72: {  	s26 =	simm.s32 $0xCD00;
	s30 =	sld [smem:$0x7F9]  }
0x73: {  	[tilespmem:s26], [sflag:$0x3] =	stream.linear.gather [hbm4b:s23+s1], $0x40, $0x38;
	[tilespmem:$0x19300] =	vst v63  }
0x74: {  	s28 =	simm.s32 $0xCD80;
	s22 =	sld [smem:$0x7FA]  }
0x75: {  	[tilespmem:s28], [sflag:$0x3] =	stream.linear.gather [hbm4b:s30+s1], $0x40, $0x38;
	[tilespmem:$0x19300] =	vst v63  }
0x76: {  	s31 =	simm.s32 $0xCE00;
	s25 =	sld [smem:$0x7FB]  }
0x77: {  	[tilespmem:s31], [sflag:$0x3] =	stream.linear.gather [hbm4b:s22+s1], $0x40, $0x38;
	[tilespmem:$0x19300] =	vst v63  }
0x78: {  	s24 =	simm.s32 $0xCE80  }
0x79: {  	[tilespmem:s24], [sflag:$0x3] =	stream.linear.gather [hbm4b:s25+s1], $0x40, $0x38;
	[tilespmem:$0x19300] =	vst v63  }
0x7a: {  	s24 =	sld [smem:$0x7FC];
	_ =	sdelay $0x1  }
0x7b: {  	s26 =	simm.s32 $0xCF00;
	s30 =	sld [smem:$0x7FD]  }
0x7c: {  	[tilespmem:s26], [sflag:$0x3] =	stream.linear.gather [hbm4b:s24+s1], $0x40, $0x38;
	[tilespmem:$0x19300] =	vst v63  }
0x7d: {  	s28 =	simm.s32 $0xCF80;
	s31 =	simm.s32 $0x3  }
0x7e: {  	[tilespmem:s28], [sflag:$0x3] =	stream.linear.gather [hbm4b:s30+s1], $0x40, $0x38;
	[tilespmem:$0x19300] =	vst v63  }
0x7f: {  	_ =	swait.ge [sflag:s31], $0x280  }
0x80: {  	s25 =	sld [smem:$0x7F4]  }
0x81: {  	[sflag:s31] =	ssyncset.done $0x0  }
0x82: {  	s22 =	simm.s32 $0x12F00;
	s28 =	sld [smem:$0x7F5];
	[sflag:s31] =	ssyncadd.s32 $0xFFFFFD80  }
0x83: {  	[tilespmem:s22], [sflag:$0x3] =	stream.linear.gather [hbm4b:s25+s1], $0x40, $0x38;
	[tilespmem:$0x19300] =	vst v63  }
0x84: {  	s26 =	simm.s32 $0x12F80;
	s31 =	sld [smem:$0x7F6]  }
0x85: {  	[tilespmem:s26], [sflag:$0x3] =	stream.linear.gather [hbm4b:s28+s1], $0x40, $0x38;
	[tilespmem:$0x19300] =	vst v63  }
0x86: {  	s30 =	simm.s32 $0x13000;
	s26 =	sld [smem:$0x7F7]  }
0x87: {  	[tilespmem:s30], [sflag:$0x3] =	stream.linear.gather [hbm4b:s31+s1], $0x40, $0x38;
	[tilespmem:$0x19300] =	vst v63  }
0x88: {  	s25 =	simm.s32 $0x13080  }
0x89: {  	[tilespmem:s25], [sflag:$0x3] =	stream.linear.gather [hbm4b:s26+s1], $0x40, $0x38;
	[tilespmem:$0x19300] =	vst v63  }
0x8a: {  	s28 =	simm.s32 $0x13100;
	s31 =	sld [smem:$0x7F9]  }
0x8b: {  	[tilespmem:s28], [sflag:$0x3] =	stream.linear.gather [hbm4b:s23+s1], $0x40, $0x38;
	[tilespmem:$0x19300] =	vst v63  }
0x8c: {  	s30 =	simm.s32 $0x13180;
	s23 =	sld [smem:$0x7FA]  }
0x8d: {  	[tilespmem:s30], [sflag:$0x3] =	stream.linear.gather [hbm4b:s31+s1], $0x40, $0x38;
	[tilespmem:$0x19300] =	vst v63  }
0x8e: {  	s22 =	simm.s32 $0x13200;
	s26 =	sld [smem:$0x7FB]  }
0x8f: {  	[tilespmem:s22], [sflag:$0x3] =	stream.linear.gather [hbm4b:s23+s1], $0x40, $0x38;
	[tilespmem:$0x19300] =	vst v63  }
0x90: {  	s25 =	simm.s32 $0x13280  }
0x91: {  	[tilespmem:s25], [sflag:$0x3] =	stream.linear.gather [hbm4b:s26+s1], $0x40, $0x38;
	[tilespmem:$0x19300] =	vst v63  }
0x92: {  	s28 =	simm.s32 $0x13300;
	s31 =	sld [smem:$0x7FD]  }
0x93: {  	[tilespmem:s28], [sflag:$0x3] =	stream.linear.gather [hbm4b:s24+s1], $0x40, $0x38;
	[tilespmem:$0x19300] =	vst v63  }
0x94: {  	s30 =	simm.s32 $0x13380;
	s22 =	simm.s32 $0x3  }
0x95: {  	[tilespmem:s30], [sflag:$0x3] =	stream.linear.gather [hbm4b:s31+s1], $0x40, $0x38;
	[tilespmem:$0x19300] =	vst v63  }
0x96: {  	_ =	swait.ge [sflag:s22], $0x280  }
0x97: {  	s25 =	simm.s32 $0x3;
	s24 =	simm.s32 $0x80;
	[sflag:s22] =	ssyncset.done $0x0  }
0x98: {  	s23 =	rddreg [dreg:$0x3];
	[sflag:s22] =	ssyncadd.s32 $0xFFFFFD80;
	s22 =	simm.s32 $0x60  }
0x99: {  	[tilespmem:s1], [sflag:$0x3] =	stream.strided.gather [hbm4b:s23+s22], $0x180, s24, s22, $0x38;
	[tilespmem:$0x19300] =	vst v63  }
0x9a: {  	_ =	swait.ge [sflag:s25], $0x180  }
0x9b: {  	s23 =	sld [smem:$0x7F3]  }
0x9c: {  	[sflag:s25] =	ssyncset.done $0x0  }
0x9d: {  	s26 =	simm.s32 $0x800;
	[sflag:s25] =	ssyncadd.s32 $0xFFFFFE80  }
0x9e: {  	[tilespmem:s26], [sflag:$0x1] =	stream.indirect.gather [hbm4b:s23+s22], $0x80, s1, s22, $0xb8;
	[tilespmem:$0x19300] =	vst v63  }
0x9f: {  	s28 =	simm.s32 $0x3700  }
0xa0: {  	[tilespmem:s28], [sflag:$0x1] =	stream.indirect.gather [hbm4b:s23+s22], $0x80, s22, s22, $0xb8;
	[tilespmem:$0x19300] =	vst v63  }
0xa1: {  	s30 =	simm.s32 $0xC0;
	s31 =	simm.s32 $0x6C00;
	s24 =	simm.s32 $0x120  }
0xa2: {  	[tilespmem:s31], [sflag:$0x1] =	stream.indirect.gather [hbm4b:s23+s22], $0x80, s30, s22, $0xb8;
	[tilespmem:$0x19300] =	vst v63  }
0xa3: {  	s25 =	simm.s32 $0x9B00;
	s26 =	rddreg [dreg:$0x4];
	s28 =	simm.s32 $0x80  }
0xa4: {  	[tilespmem:s25], [sflag:$0x1] =	stream.indirect.gather [hbm4b:s23+s22], $0x80, s24, s22, $0xb8;
	[tilespmem:$0x19300] =	vst v63  }
0xa5: {  	s30 =	simm.s32 $0x180;
	s31 =	simm.s32 $0x60;
	s24 =	simm.s32 $0x3  }
0xa6: {  	[tilespmem:s30], [sflag:$0x3] =	stream.strided.gather [hbm4b:s26+s31], $0x180, s28, s31, $0x38;
	[tilespmem:$0x19300] =	vst v63  }
0xa7: {  	_ =	swait.ge [sflag:s24], $0x180  }
0xa8: {  	s23 =	sld [smem:$0x7F3]  }
0xa9: {  	s25 =	simm.s32 $0xD000;
	[sflag:s24] =	ssyncset.done $0x0  }
0xaa: {  	s26 =	simm.s32 $0x180;
	s28 =	simm.s32 $0x60;
	[sflag:s24] =	ssyncadd.s32 $0xFFFFFE80  }
0xab: {  	[tilespmem:s25], [sflag:$0x2] =	stream.indirect.gather [hbm4b:s23+s28], $0x80, s26, s28, $0xb8;
	[tilespmem:$0x19300] =	vst v63  }
0xac: {  	s30 =	simm.s32 $0x1E0;
	s31 =	simm.s32 $0xFF00  }
0xad: {  	[tilespmem:s31], [sflag:$0x2] =	stream.indirect.gather [hbm4b:s23+s28], $0x80, s30, s28, $0xb8;
	[tilespmem:$0x19300] =	vst v63  }
0xae: {  	s24 =	simm.s32 $0x240;
	s25 =	simm.s32 $0x13400;
	s26 =	simm.s32 $0x60  }
0xaf: {  	[tilespmem:s25], [sflag:$0x2] =	stream.indirect.gather [hbm4b:s23+s28], $0x80, s24, s28, $0xb8;
	[tilespmem:$0x19300] =	vst v63  }
0xb0: {  	s30 =	simm.s32 $0x16300;
	s31 =	simm.s32 $0x1;
	s28 =	simm.s32 $0x2A0  }
0xb1: {  	[tilespmem:s30], [sflag:$0x2] =	stream.indirect.gather [hbm4b:s23+s26], $0x80, s28, s26, $0xb8;
	[tilespmem:$0x19300] =	vst v63  }
0xb2: {  	_ =	swait.ge [sflag:s31], $0x3000  }
0xb3: {  	[sflag:s31] =	ssyncset.done $0x0  }
0xb4: {  	[sflag:s31] =	ssyncadd.s32 $0xFFFFD000  }
0xb5: {  	_ =	swait.ge [sflag:s31], $0x3000  }
0xb6: {  	[sflag:s31] =	ssyncset.done $0x0  }
0xb7: {  	[sflag:s31] =	ssyncadd.s32 $0xFFFFD000  }
0xb8: {  	_ =	swait.ge [sflag:s31], $0x3000  }
0xb9: {  	[sflag:s31] =	ssyncset.done $0x0  }
0xba: {  	[sflag:s31] =	ssyncadd.s32 $0xFFFFD000  }
0xbb: {  	_ =	swait.ge [sflag:s31], $0x3000  }
0xbc: {  	s21 =	simm.s32 $0x8;
	[sflag:s31] =	ssyncset.done $0x0;
	s24 =	rddreg [dreg:$0x13]  }
0xbd: {  	s22 =	simm.s32 $0x380;
	[sflag:s31] =	ssyncadd.s32 $0xFFFFD000;
	s23 =	sadd.s32 $0x0, s24  }
.LBB2_2:
0xbe: {  	[hbm4b:s23+s1] =	stream.linear.scatter [tilespmem:s20], [sflag:$0x3], $0x40, $0x38;
	[tilespmem:$0x19300] =	vst v63  }
0xbf: {  	s23 =	smov.u32 s21;
	s20 =	smov.u32 s22;
	p0 =	sne.s32 s21, $0x638  }
.Ltmp0:
0xc0: {  	s21 =	sadd.s32 $0x8, s21;
	(pc) =	sbr.rel @p0 .LBB2_2-.Ltmp0, $2  }
0xc1: {  	_ =	sdelay $0x2  }
0xc2: {  	s22 =	sadd.s32 $0x80, s22;
	s23 =	sadd.s32 s23, s24  }
0xc3: {  	[hbm4b:s23+s1] =	stream.linear.scatter [tilespmem:s20], [sflag:$0x3], $0x40, $0x38;
	[tilespmem:$0x19300] =	vst v63  }
0xc4: {  	s31 =	simm.s32 $0x3  }
0xc5: {  	_ =	swait.ge [sflag:s31], $0x3200  }
0xc6: {  	s20 =	simm.s32 $0x6700;
	s21 =	simm.s32 $0x8;
	[sflag:s31] =	ssyncset.done $0x0  }
0xc7: {  	s23 =	sadd.s32 $0x0, s19;
	s22 =	simm.s32 $0x6780;
	[sflag:s31] =	ssyncadd.s32 $0xFFFFCE00  }
.LBB2_4:
0xc8: {  	[hbm4b:s23+s1] =	stream.linear.scatter [tilespmem:s20], [sflag:$0x3], $0x40, $0x38;
	[tilespmem:$0x19300] =	vst v63  }
0xc9: {  	s23 =	smov.u32 s21;
	s20 =	smov.u32 s22;
	p0 =	sne.s32 s21, $0x638  }
.Ltmp1:
0xca: {  	s21 =	sadd.s32 $0x8, s21;
	(pc) =	sbr.rel @p0 .LBB2_4-.Ltmp1, $2  }
0xcb: {  	_ =	sdelay $0x2  }
0xcc: {  	s22 =	sadd.s32 $0x80, s22;
	s23 =	sadd.s32 s23, s19  }
0xcd: {  	[hbm4b:s23+s1] =	stream.linear.scatter [tilespmem:s20], [sflag:$0x3], $0x40, $0x38;
	[tilespmem:$0x19300] =	vst v63  }
0xce: {  	s22 =	simm.s32 $0x3  }
0xcf: {  	_ =	swait.ge [sflag:s22], $0x3200  }
0xd0: {  	s30 =	simm.s32 $0x0;
	s23 =	simm.s32 $0x60;
	[sflag:s22] =	ssyncset.done $0x0  }
0xd1: {  	s24 =	simm.s32 $0x80;
	s21 =	rddreg [dreg:$0x5];
	[sflag:s22] =	ssyncadd.s32 $0xFFFFCE00  }
0xd2: {  	[tilespmem:s30], [sflag:$0x3] =	stream.strided.gather [hbm4b:s21+s23], $0x180, s24, s23, $0x38;
	[tilespmem:$0x19300] =	vst v63  }
0xd3: {  	_ =	swait.ge [sflag:s22], $0x180  }
0xd4: {  	s21 =	sld [smem:$0x7F3]  }
0xd5: {  	[sflag:s22] =	ssyncset.done $0x0  }
0xd6: {  	s31 =	simm.s32 $0x800;
	[sflag:s22] =	ssyncadd.s32 $0xFFFFFE80  }
0xd7: {  	[tilespmem:s31], [sflag:$0x1] =	stream.indirect.gather [hbm4b:s21+s23], $0x80, s30, s23, $0xb8;
	[tilespmem:$0x19300] =	vst v63  }
0xd8: {  	s24 =	simm.s32 $0x3700  }
0xd9: {  	[tilespmem:s24], [sflag:$0x1] =	stream.indirect.gather [hbm4b:s21+s23], $0x80, s23, s23, $0xb8;
	[tilespmem:$0x19300] =	vst v63  }
0xda: {  	s25 =	simm.s32 $0xC0;
	s26 =	simm.s32 $0x6C00  }
0xdb: {  	[tilespmem:s26], [sflag:$0x1] =	stream.indirect.gather [hbm4b:s21+s23], $0x80, s25, s23, $0xb8;
	[tilespmem:$0x19300] =	vst v63  }
0xdc: {  	s28 =	simm.s32 $0x120;
	s30 =	simm.s32 $0x9B00;
	s31 =	simm.s32 $0x2  }
0xdd: {  	[tilespmem:s30], [sflag:$0x1] =	stream.indirect.gather [hbm4b:s21+s23], $0x80, s28, s23, $0xb8;
	[tilespmem:$0x19300] =	vst v63  }
0xde: {  	_ =	swait.ge [sflag:s31], $0x3000  }
0xdf: {  	[sflag:s31] =	ssyncset.done $0x0  }
0xe0: {  	[sflag:s31] =	ssyncadd.s32 $0xFFFFD000  }
0xe1: {  	_ =	swait.ge [sflag:s31], $0x3000  }
0xe2: {  	[sflag:s31] =	ssyncset.done $0x0  }
0xe3: {  	[sflag:s31] =	ssyncadd.s32 $0xFFFFD000  }
0xe4: {  	_ =	swait.ge [sflag:s31], $0x3000  }
0xe5: {  	[sflag:s31] =	ssyncset.done $0x0  }
0xe6: {  	[sflag:s31] =	ssyncadd.s32 $0xFFFFD000  }
0xe7: {  	s20 =	simm.s32 $0xCB00;
	_ =	swait.ge [sflag:s31], $0x3000  }
0xe8: {  	s22 =	simm.s32 $0xCB80;
	[sflag:s31] =	ssyncset.done $0x0;
	s24 =	rddreg [dreg:$0x14]  }
0xe9: {  	s21 =	simm.s32 $0x8;
	[sflag:s31] =	ssyncadd.s32 $0xFFFFD000;
	s23 =	sadd.s32 $0x0, s24  }
.LBB2_6:
0xea: {  	[hbm4b:s23+s1] =	stream.linear.scatter [tilespmem:s20], [sflag:$0x3], $0x40, $0x38;
	[tilespmem:$0x19300] =	vst v63  }
0xeb: {  	s23 =	smov.u32 s21;
	s20 =	smov.u32 s22;
	p0 =	sne.s32 s21, $0x638  }
.Ltmp2:
0xec: {  	s21 =	sadd.s32 $0x8, s21;
	(pc) =	sbr.rel @p0 .LBB2_6-.Ltmp2, $2  }
0xed: {  	_ =	sdelay $0x2  }
0xee: {  	s22 =	sadd.s32 $0x80, s22;
	s23 =	sadd.s32 s23, s24  }
0xef: {  	[hbm4b:s23+s1] =	stream.linear.scatter [tilespmem:s20], [sflag:$0x3], $0x40, $0x38;
	[tilespmem:$0x19300] =	vst v63  }
0xf0: {  	s25 =	simm.s32 $0x3  }
0xf1: {  	_ =	swait.ge [sflag:s25], $0x3200  }
0xf2: {  	s20 =	simm.s32 $0x12F00;
	s21 =	simm.s32 $0x8;
	[sflag:s25] =	ssyncset.done $0x0  }
0xf3: {  	s23 =	sadd.s32 $0x0, s4;
	s22 =	simm.s32 $0x12F80;
	[sflag:s25] =	ssyncadd.s32 $0xFFFFCE00  }
.LBB2_8:
0xf4: {  	[hbm4b:s23+s1] =	stream.linear.scatter [tilespmem:s20], [sflag:$0x3], $0x40, $0x38;
	[tilespmem:$0x19300] =	vst v63  }
0xf5: {  	s23 =	smov.u32 s21;
	s20 =	smov.u32 s22;
	p0 =	sne.s32 s21, $0x638  }
.Ltmp3:
0xf6: {  	s21 =	sadd.s32 $0x8, s21;
	(pc) =	sbr.rel @p0 .LBB2_8-.Ltmp3, $2  }
0xf7: {  	_ =	sdelay $0x2  }
0xf8: {  	s22 =	sadd.s32 $0x80, s22;
	s23 =	sadd.s32 s23, s4  }
0xf9: {  	[hbm4b:s23+s1] =	stream.linear.scatter [tilespmem:s20], [sflag:$0x3], $0x40, $0x38;
	[tilespmem:$0x19300] =	vst v63  }
0xfa: {  	_ =	swait.ge [sflag:s25], $0x3200  }
0xfb: {  	s21 =	simm.s32 $0x60;
	s22 =	simm.s32 $0x80;
	[sflag:s25] =	ssyncset.done $0x0  }
0xfc: {  	s30 =	simm.s32 $0x180;
	s28 =	rddreg [dreg:$0x6];
	[sflag:s25] =	ssyncadd.s32 $0xFFFFCE00  }
0xfd: {  	[tilespmem:s30], [sflag:$0x3] =	stream.strided.gather [hbm4b:s28+s21], $0x180, s22, s21, $0x38;
	[tilespmem:$0x19300] =	vst v63  }
0xfe: {  	_ =	swait.ge [sflag:s25], $0x180  }
0xff: {  	s20 =	sld [smem:$0x7F3]  }
0x100: {  	[sflag:s25] =	ssyncset.done $0x0  }
0x101: {  	s31 =	simm.s32 $0xD000;
	[sflag:s25] =	ssyncadd.s32 $0xFFFFFE80  }
0x102: {  	[tilespmem:s31], [sflag:$0x2] =	stream.indirect.gather [hbm4b:s20+s21], $0x80, s30, s21, $0xb8;
	[tilespmem:$0x19300] =	vst v63  }
0x103: {  	s23 =	simm.s32 $0x1E0;
	s24 =	simm.s32 $0xFF00  }
0x104: {  	[tilespmem:s24], [sflag:$0x2] =	stream.indirect.gather [hbm4b:s20+s21], $0x80, s23, s21, $0xb8;
	[tilespmem:$0x19300] =	vst v63  }
0x105: {  	s26 =	simm.s32 $0x13400;
	s25 =	simm.s32 $0x240  }
0x106: {  	[tilespmem:s26], [sflag:$0x2] =	stream.indirect.gather [hbm4b:s20+s21], $0x80, s25, s21, $0xb8;
	[tilespmem:$0x19300] =	vst v63  }
0x107: {  	s28 =	simm.s32 $0x2A0;
	s30 =	simm.s32 $0x16300;
	s31 =	simm.s32 $0x1  }
0x108: {  	[tilespmem:s30], [sflag:$0x2] =	stream.indirect.gather [hbm4b:s20+s21], $0x80, s28, s21, $0xb8;
	[tilespmem:$0x19300] =	vst v63  }
0x109: {  	_ =	swait.ge [sflag:s31], $0x3000  }
0x10a: {  	[sflag:s31] =	ssyncset.done $0x0  }
0x10b: {  	[sflag:s31] =	ssyncadd.s32 $0xFFFFD000  }
0x10c: {  	_ =	swait.ge [sflag:s31], $0x3000  }
0x10d: {  	[sflag:s31] =	ssyncset.done $0x0  }
0x10e: {  	[sflag:s31] =	ssyncadd.s32 $0xFFFFD000  }
0x10f: {  	_ =	swait.ge [sflag:s31], $0x3000  }
0x110: {  	[sflag:s31] =	ssyncset.done $0x0  }
0x111: {  	[sflag:s31] =	ssyncadd.s32 $0xFFFFD000  }
0x112: {  	s22 =	simm.s32 $0x380;
	_ =	swait.ge [sflag:s31], $0x3000  }
0x113: {  	s20 =	simm.s32 $0x300;
	[sflag:s31] =	ssyncset.done $0x0;
	s25 =	rddreg [dreg:$0x15]  }
0x114: {  	s21 =	simm.s32 $0x8;
	[sflag:s31] =	ssyncadd.s32 $0xFFFFD000;
	s23 =	sadd.s32 $0x0, s25  }
.LBB2_10:
0x115: {  	[hbm4b:s23+s1] =	stream.linear.scatter [tilespmem:s20], [sflag:$0x3], $0x40, $0x38;
	[tilespmem:$0x19300] =	vst v63  }
0x116: {  	s23 =	smov.u32 s21;
	s20 =	smov.u32 s22;
	p0 =	sne.s32 s21, $0x638  }
.Ltmp4:
0x117: {  	s21 =	sadd.s32 $0x8, s21;
	(pc) =	sbr.rel @p0 .LBB2_10-.Ltmp4, $2  }
0x118: {  	_ =	sdelay $0x2  }
0x119: {  	s22 =	sadd.s32 $0x80, s22;
	s23 =	sadd.s32 s23, s25  }
0x11a: {  	[hbm4b:s23+s1] =	stream.linear.scatter [tilespmem:s20], [sflag:$0x3], $0x40, $0x38;
	[tilespmem:$0x19300] =	vst v63  }
0x11b: {  	s25 =	simm.s32 $0x3  }
0x11c: {  	_ =	swait.ge [sflag:s25], $0x3200  }
0x11d: {  	s20 =	simm.s32 $0x6700;
	s21 =	simm.s32 $0x8;
	[sflag:s25] =	ssyncset.done $0x0  }
0x11e: {  	s23 =	sadd.s32 $0x0, s5;
	s22 =	simm.s32 $0x6780;
	[sflag:s25] =	ssyncadd.s32 $0xFFFFCE00  }
.LBB2_12:
0x11f: {  	[hbm4b:s23+s1] =	stream.linear.scatter [tilespmem:s20], [sflag:$0x3], $0x40, $0x38;
	[tilespmem:$0x19300] =	vst v63  }
0x120: {  	s23 =	smov.u32 s21;
	s20 =	smov.u32 s22;
	p0 =	sne.s32 s21, $0x638  }
.Ltmp5:
0x121: {  	s21 =	sadd.s32 $0x8, s21;
	(pc) =	sbr.rel @p0 .LBB2_12-.Ltmp5, $2  }
0x122: {  	_ =	sdelay $0x2  }
0x123: {  	s22 =	sadd.s32 $0x80, s22;
	s23 =	sadd.s32 s23, s5  }
0x124: {  	[hbm4b:s23+s1] =	stream.linear.scatter [tilespmem:s20], [sflag:$0x3], $0x40, $0x38;
	[tilespmem:$0x19300] =	vst v63  }
0x125: {  	_ =	swait.ge [sflag:s25], $0x3200  }
0x126: {  	s28 =	simm.s32 $0x0;
	s22 =	simm.s32 $0x60;
	[sflag:s25] =	ssyncset.done $0x0  }
0x127: {  	s30 =	simm.s32 $0x80;
	s21 =	rddreg [dreg:$0x7];
	[sflag:s25] =	ssyncadd.s32 $0xFFFFCE00  }
0x128: {  	[tilespmem:s28], [sflag:$0x3] =	stream.strided.gather [hbm4b:s21+s22], $0x180, s30, s22, $0x38;
	[tilespmem:$0x19300] =	vst v63  }
0x129: {  	_ =	swait.ge [sflag:s25], $0x180  }
0x12a: {  	s21 =	sld [smem:$0x7F3]  }
0x12b: {  	[sflag:s25] =	ssyncset.done $0x0  }
0x12c: {  	s31 =	simm.s32 $0x800;
	[sflag:s25] =	ssyncadd.s32 $0xFFFFFE80  }
0x12d: {  	[tilespmem:s31], [sflag:$0x1] =	stream.indirect.gather [hbm4b:s21+s22], $0x80, s28, s22, $0xb8;
	[tilespmem:$0x19300] =	vst v63  }
0x12e: {  	s24 =	simm.s32 $0x3700  }
0x12f: {  	[tilespmem:s24], [sflag:$0x1] =	stream.indirect.gather [hbm4b:s21+s22], $0x80, s22, s22, $0xb8;
	[tilespmem:$0x19300] =	vst v63  }
0x130: {  	s26 =	simm.s32 $0x6C00;
	s25 =	simm.s32 $0xC0  }
0x131: {  	[tilespmem:s26], [sflag:$0x1] =	stream.indirect.gather [hbm4b:s21+s22], $0x80, s25, s22, $0xb8;
	[tilespmem:$0x19300] =	vst v63  }
0x132: {  	s30 =	simm.s32 $0x9B00;
	s28 =	simm.s32 $0x120;
	s31 =	simm.s32 $0x2  }
0x133: {  	[tilespmem:s30], [sflag:$0x1] =	stream.indirect.gather [hbm4b:s21+s22], $0x80, s28, s22, $0xb8;
	[tilespmem:$0x19300] =	vst v63  }
0x134: {  	_ =	swait.ge [sflag:s31], $0x3000  }
0x135: {  	[sflag:s31] =	ssyncset.done $0x0  }
0x136: {  	[sflag:s31] =	ssyncadd.s32 $0xFFFFD000  }
0x137: {  	_ =	swait.ge [sflag:s31], $0x3000  }
0x138: {  	[sflag:s31] =	ssyncset.done $0x0  }
0x139: {  	[sflag:s31] =	ssyncadd.s32 $0xFFFFD000  }
0x13a: {  	_ =	swait.ge [sflag:s31], $0x3000  }
0x13b: {  	[sflag:s31] =	ssyncset.done $0x0  }
0x13c: {  	[sflag:s31] =	ssyncadd.s32 $0xFFFFD000  }
0x13d: {  	s20 =	simm.s32 $0xCB00;
	_ =	swait.ge [sflag:s31], $0x3000  }
0x13e: {  	s21 =	simm.s32 $0x8;
	[sflag:s31] =	ssyncset.done $0x0;
	s25 =	rddreg [dreg:$0x16]  }
0x13f: {  	s22 =	simm.s32 $0xCB80;
	[sflag:s31] =	ssyncadd.s32 $0xFFFFD000;
	s23 =	sadd.s32 $0x0, s25  }
.LBB2_14:
0x140: {  	[hbm4b:s23+s1] =	stream.linear.scatter [tilespmem:s20], [sflag:$0x3], $0x40, $0x38;
	[tilespmem:$0x19300] =	vst v63  }
0x141: {  	s23 =	smov.u32 s21;
	s20 =	smov.u32 s22;
	p0 =	sne.s32 s21, $0x638  }
.Ltmp6:
0x142: {  	s21 =	sadd.s32 $0x8, s21;
	(pc) =	sbr.rel @p0 .LBB2_14-.Ltmp6, $2  }
0x143: {  	_ =	sdelay $0x2  }
0x144: {  	s22 =	sadd.s32 $0x80, s22;
	s23 =	sadd.s32 s23, s25  }
0x145: {  	[hbm4b:s23+s1] =	stream.linear.scatter [tilespmem:s20], [sflag:$0x3], $0x40, $0x38;
	[tilespmem:$0x19300] =	vst v63  }
0x146: {  	s31 =	simm.s32 $0x3  }
0x147: {  	_ =	swait.ge [sflag:s31], $0x3200  }
0x148: {  	s20 =	simm.s32 $0x12F00;
	s21 =	simm.s32 $0x8;
	[sflag:s31] =	ssyncset.done $0x0  }
0x149: {  	s23 =	sadd.s32 $0x0, s6;
	s22 =	simm.s32 $0x12F80;
	[sflag:s31] =	ssyncadd.s32 $0xFFFFCE00  }
.LBB2_16:
0x14a: {  	[hbm4b:s23+s1] =	stream.linear.scatter [tilespmem:s20], [sflag:$0x3], $0x40, $0x38;
	[tilespmem:$0x19300] =	vst v63  }
0x14b: {  	s23 =	smov.u32 s21;
	s20 =	smov.u32 s22;
	p0 =	sne.s32 s21, $0x638  }
.Ltmp7:
0x14c: {  	s21 =	sadd.s32 $0x8, s21;
	(pc) =	sbr.rel @p0 .LBB2_16-.Ltmp7, $2  }
0x14d: {  	_ =	sdelay $0x2  }
0x14e: {  	s22 =	sadd.s32 $0x80, s22;
	s23 =	sadd.s32 s23, s6  }
0x14f: {  	[hbm4b:s23+s1] =	stream.linear.scatter [tilespmem:s20], [sflag:$0x3], $0x40, $0x38;
	[tilespmem:$0x19300] =	vst v63  }
0x150: {  	s21 =	simm.s32 $0x3  }
0x151: {  	_ =	swait.ge [sflag:s21], $0x3200  }
0x152: {  	s22 =	simm.s32 $0x60;
	s30 =	simm.s32 $0x80;
	[sflag:s21] =	ssyncset.done $0x0  }
0x153: {  	s26 =	simm.s32 $0x180;
	s28 =	rddreg [dreg:$0x8];
	[sflag:s21] =	ssyncadd.s32 $0xFFFFCE00  }
0x154: {  	[tilespmem:s26], [sflag:$0x3] =	stream.strided.gather [hbm4b:s28+s22], $0x180, s30, s22, $0x38;
	[tilespmem:$0x19300] =	vst v63  }
0x155: {  	_ =	swait.ge [sflag:s21], $0x180  }
0x156: {  	s20 =	sld [smem:$0x7F3]  }
0x157: {  	[sflag:s21] =	ssyncset.done $0x0  }
0x158: {  	s31 =	simm.s32 $0xD000;
	[sflag:s21] =	ssyncadd.s32 $0xFFFFFE80  }
0x159: {  	[tilespmem:s31], [sflag:$0x2] =	stream.indirect.gather [hbm4b:s20+s22], $0x80, s26, s22, $0xb8;
	[tilespmem:$0x19300] =	vst v63  }
0x15a: {  	s23 =	simm.s32 $0x1E0;
	s24 =	simm.s32 $0xFF00  }
0x15b: {  	[tilespmem:s24], [sflag:$0x2] =	stream.indirect.gather [hbm4b:s20+s22], $0x80, s23, s22, $0xb8;
	[tilespmem:$0x19300] =	vst v63  }
0x15c: {  	s25 =	simm.s32 $0x240;
	s26 =	simm.s32 $0x13400  }
0x15d: {  	[tilespmem:s26], [sflag:$0x2] =	stream.indirect.gather [hbm4b:s20+s22], $0x80, s25, s22, $0xb8;
	[tilespmem:$0x19300] =	vst v63  }
0x15e: {  	s28 =	simm.s32 $0x2A0;
	s30 =	simm.s32 $0x16300;
	s31 =	simm.s32 $0x1  }
0x15f: {  	[tilespmem:s30], [sflag:$0x2] =	stream.indirect.gather [hbm4b:s20+s22], $0x80, s28, s22, $0xb8;
	[tilespmem:$0x19300] =	vst v63  }
0x160: {  	_ =	swait.ge [sflag:s31], $0x3000  }
0x161: {  	[sflag:s31] =	ssyncset.done $0x0  }
0x162: {  	[sflag:s31] =	ssyncadd.s32 $0xFFFFD000  }
0x163: {  	_ =	swait.ge [sflag:s31], $0x3000  }
0x164: {  	[sflag:s31] =	ssyncset.done $0x0  }
0x165: {  	[sflag:s31] =	ssyncadd.s32 $0xFFFFD000  }
0x166: {  	_ =	swait.ge [sflag:s31], $0x3000  }
0x167: {  	[sflag:s31] =	ssyncset.done $0x0  }
0x168: {  	[sflag:s31] =	ssyncadd.s32 $0xFFFFD000  }
0x169: {  	s21 =	simm.s32 $0x8;
	_ =	swait.ge [sflag:s31], $0x3000  }
0x16a: {  	s20 =	simm.s32 $0x300;
	[sflag:s31] =	ssyncset.done $0x0;
	s26 =	rddreg [dreg:$0x17]  }
0x16b: {  	s22 =	simm.s32 $0x380;
	[sflag:s31] =	ssyncadd.s32 $0xFFFFD000;
	s23 =	sadd.s32 $0x0, s26  }
.LBB2_18:
0x16c: {  	[hbm4b:s23+s1] =	stream.linear.scatter [tilespmem:s20], [sflag:$0x3], $0x40, $0x38;
	[tilespmem:$0x19300] =	vst v63  }
0x16d: {  	s23 =	smov.u32 s21;
	s20 =	smov.u32 s22;
	p0 =	sne.s32 s21, $0x638  }
.Ltmp8:
0x16e: {  	s21 =	sadd.s32 $0x8, s21;
	(pc) =	sbr.rel @p0 .LBB2_18-.Ltmp8, $2  }
0x16f: {  	_ =	sdelay $0x2  }
0x170: {  	s22 =	sadd.s32 $0x80, s22;
	s23 =	sadd.s32 s23, s26  }
0x171: {  	[hbm4b:s23+s1] =	stream.linear.scatter [tilespmem:s20], [sflag:$0x3], $0x40, $0x38;
	[tilespmem:$0x19300] =	vst v63  }
0x172: {  	s31 =	simm.s32 $0x3  }
0x173: {  	_ =	swait.ge [sflag:s31], $0x3200  }
0x174: {  	s20 =	simm.s32 $0x6700;
	s21 =	simm.s32 $0x8;
	[sflag:s31] =	ssyncset.done $0x0  }
0x175: {  	s23 =	sadd.s32 $0x0, s7;
	s22 =	simm.s32 $0x6780;
	[sflag:s31] =	ssyncadd.s32 $0xFFFFCE00  }
.LBB2_20:
0x176: {  	[hbm4b:s23+s1] =	stream.linear.scatter [tilespmem:s20], [sflag:$0x3], $0x40, $0x38;
	[tilespmem:$0x19300] =	vst v63  }
0x177: {  	s23 =	smov.u32 s21;
	s20 =	smov.u32 s22;
	p0 =	sne.s32 s21, $0x638  }
.Ltmp9:
0x178: {  	s21 =	sadd.s32 $0x8, s21;
	(pc) =	sbr.rel @p0 .LBB2_20-.Ltmp9, $2  }
0x179: {  	_ =	sdelay $0x2  }
0x17a: {  	s22 =	sadd.s32 $0x80, s22;
	s23 =	sadd.s32 s23, s7  }
0x17b: {  	[hbm4b:s23+s1] =	stream.linear.scatter [tilespmem:s20], [sflag:$0x3], $0x40, $0x38;
	[tilespmem:$0x19300] =	vst v63  }
0x17c: {  	s22 =	simm.s32 $0x3  }
0x17d: {  	_ =	swait.ge [sflag:s22], $0x3200  }
0x17e: {  	s30 =	simm.s32 $0x0;
	s23 =	simm.s32 $0x60;
	[sflag:s22] =	ssyncset.done $0x0  }
0x17f: {  	s26 =	simm.s32 $0x80;
	s21 =	rddreg [dreg:$0x9];
	[sflag:s22] =	ssyncadd.s32 $0xFFFFCE00  }
0x180: {  	[tilespmem:s30], [sflag:$0x3] =	stream.strided.gather [hbm4b:s21+s23], $0x180, s26, s23, $0x38;
	[tilespmem:$0x19300] =	vst v63  }
0x181: {  	_ =	swait.ge [sflag:s22], $0x180  }
0x182: {  	s21 =	sld [smem:$0x7F3]  }
0x183: {  	[sflag:s22] =	ssyncset.done $0x0  }
0x184: {  	s31 =	simm.s32 $0x800;
	[sflag:s22] =	ssyncadd.s32 $0xFFFFFE80  }
0x185: {  	[tilespmem:s31], [sflag:$0x1] =	stream.indirect.gather [hbm4b:s21+s23], $0x80, s30, s23, $0xb8;
	[tilespmem:$0x19300] =	vst v63  }
0x186: {  	s24 =	simm.s32 $0x3700  }
0x187: {  	[tilespmem:s24], [sflag:$0x1] =	stream.indirect.gather [hbm4b:s21+s23], $0x80, s23, s23, $0xb8;
	[tilespmem:$0x19300] =	vst v63  }
0x188: {  	s25 =	simm.s32 $0xC0;
	s26 =	simm.s32 $0x6C00  }
0x189: {  	[tilespmem:s26], [sflag:$0x1] =	stream.indirect.gather [hbm4b:s21+s23], $0x80, s25, s23, $0xb8;
	[tilespmem:$0x19300] =	vst v63  }
0x18a: {  	s28 =	simm.s32 $0x120;
	s30 =	simm.s32 $0x9B00;
	s31 =	simm.s32 $0x2  }
0x18b: {  	[tilespmem:s30], [sflag:$0x1] =	stream.indirect.gather [hbm4b:s21+s23], $0x80, s28, s23, $0xb8;
	[tilespmem:$0x19300] =	vst v63  }
0x18c: {  	_ =	swait.ge [sflag:s31], $0x3000  }
0x18d: {  	[sflag:s31] =	ssyncset.done $0x0  }
0x18e: {  	[sflag:s31] =	ssyncadd.s32 $0xFFFFD000  }
0x18f: {  	_ =	swait.ge [sflag:s31], $0x3000  }
0x190: {  	[sflag:s31] =	ssyncset.done $0x0  }
0x191: {  	[sflag:s31] =	ssyncadd.s32 $0xFFFFD000  }
0x192: {  	_ =	swait.ge [sflag:s31], $0x3000  }
0x193: {  	[sflag:s31] =	ssyncset.done $0x0  }
0x194: {  	[sflag:s31] =	ssyncadd.s32 $0xFFFFD000  }
0x195: {  	s20 =	simm.s32 $0xCB00;
	_ =	swait.ge [sflag:s31], $0x3000  }
0x196: {  	s22 =	simm.s32 $0xCB80;
	[sflag:s31] =	ssyncset.done $0x0;
	s26 =	rddreg [dreg:$0x18]  }
0x197: {  	s21 =	simm.s32 $0x8;
	[sflag:s31] =	ssyncadd.s32 $0xFFFFD000;
	s23 =	sadd.s32 $0x0, s26  }
.LBB2_22:
0x198: {  	[hbm4b:s23+s1] =	stream.linear.scatter [tilespmem:s20], [sflag:$0x3], $0x40, $0x38;
	[tilespmem:$0x19300] =	vst v63  }
0x199: {  	s23 =	smov.u32 s21;
	s20 =	smov.u32 s22;
	p0 =	sne.s32 s21, $0x638  }
.Ltmp10:
0x19a: {  	s21 =	sadd.s32 $0x8, s21;
	(pc) =	sbr.rel @p0 .LBB2_22-.Ltmp10, $2  }
0x19b: {  	_ =	sdelay $0x2  }
0x19c: {  	s22 =	sadd.s32 $0x80, s22;
	s23 =	sadd.s32 s23, s26  }
0x19d: {  	[hbm4b:s23+s1] =	stream.linear.scatter [tilespmem:s20], [sflag:$0x3], $0x40, $0x38;
	[tilespmem:$0x19300] =	vst v63  }
0x19e: {  	s31 =	simm.s32 $0x3  }
0x19f: {  	_ =	swait.ge [sflag:s31], $0x3200  }
0x1a0: {  	s20 =	simm.s32 $0x12F00;
	s21 =	simm.s32 $0x8;
	[sflag:s31] =	ssyncset.done $0x0  }
0x1a1: {  	s23 =	sadd.s32 $0x0, s8;
	s22 =	simm.s32 $0x12F80;
	[sflag:s31] =	ssyncadd.s32 $0xFFFFCE00  }
.LBB2_24:
0x1a2: {  	[hbm4b:s23+s1] =	stream.linear.scatter [tilespmem:s20], [sflag:$0x3], $0x40, $0x38;
	[tilespmem:$0x19300] =	vst v63  }
0x1a3: {  	s23 =	smov.u32 s21;
	s20 =	smov.u32 s22;
	p0 =	sne.s32 s21, $0x638  }
.Ltmp11:
0x1a4: {  	s21 =	sadd.s32 $0x8, s21;
	(pc) =	sbr.rel @p0 .LBB2_24-.Ltmp11, $2  }
0x1a5: {  	_ =	sdelay $0x2  }
0x1a6: {  	s22 =	sadd.s32 $0x80, s22;
	s23 =	sadd.s32 s23, s8  }
0x1a7: {  	[hbm4b:s23+s1] =	stream.linear.scatter [tilespmem:s20], [sflag:$0x3], $0x40, $0x38;
	[tilespmem:$0x19300] =	vst v63  }
0x1a8: {  	s21 =	simm.s32 $0x3  }
0x1a9: {  	_ =	swait.ge [sflag:s21], $0x3200  }
0x1aa: {  	s22 =	simm.s32 $0x60;
	s25 =	simm.s32 $0x80;
	[sflag:s21] =	ssyncset.done $0x0  }
0x1ab: {  	s28 =	simm.s32 $0x180;
	s24 =	rddreg [dreg:$0xa];
	[sflag:s21] =	ssyncadd.s32 $0xFFFFCE00  }
0x1ac: {  	[tilespmem:s28], [sflag:$0x3] =	stream.strided.gather [hbm4b:s24+s22], $0x180, s25, s22, $0x38;
	[tilespmem:$0x19300] =	vst v63  }
0x1ad: {  	_ =	swait.ge [sflag:s21], $0x180  }
0x1ae: {  	s20 =	sld [smem:$0x7F3]  }
0x1af: {  	[sflag:s21] =	ssyncset.done $0x0  }
0x1b0: {  	s26 =	simm.s32 $0xD000;
	[sflag:s21] =	ssyncadd.s32 $0xFFFFFE80  }
0x1b1: {  	[tilespmem:s26], [sflag:$0x2] =	stream.indirect.gather [hbm4b:s20+s22], $0x80, s28, s22, $0xb8;
	[tilespmem:$0x19300] =	vst v63  }
0x1b2: {  	s30 =	simm.s32 $0x1E0;
	s31 =	simm.s32 $0xFF00  }
0x1b3: {  	[tilespmem:s31], [sflag:$0x2] =	stream.indirect.gather [hbm4b:s20+s22], $0x80, s30, s22, $0xb8;
	[tilespmem:$0x19300] =	vst v63  }
0x1b4: {  	s24 =	simm.s32 $0x240;
	s25 =	simm.s32 $0x13400  }
0x1b5: {  	[tilespmem:s25], [sflag:$0x2] =	stream.indirect.gather [hbm4b:s20+s22], $0x80, s24, s22, $0xb8;
	[tilespmem:$0x19300] =	vst v63  }
0x1b6: {  	s26 =	simm.s32 $0x2A0;
	s30 =	simm.s32 $0x16300;
	s31 =	simm.s32 $0x1  }
0x1b7: {  	[tilespmem:s30], [sflag:$0x2] =	stream.indirect.gather [hbm4b:s20+s22], $0x80, s26, s22, $0xb8;
	[tilespmem:$0x19300] =	vst v63  }
0x1b8: {  	_ =	swait.ge [sflag:s31], $0x3000  }
0x1b9: {  	[sflag:s31] =	ssyncset.done $0x0  }
0x1ba: {  	[sflag:s31] =	ssyncadd.s32 $0xFFFFD000  }
0x1bb: {  	_ =	swait.ge [sflag:s31], $0x3000  }
0x1bc: {  	[sflag:s31] =	ssyncset.done $0x0  }
0x1bd: {  	[sflag:s31] =	ssyncadd.s32 $0xFFFFD000  }
0x1be: {  	_ =	swait.ge [sflag:s31], $0x3000  }
0x1bf: {  	[sflag:s31] =	ssyncset.done $0x0  }
0x1c0: {  	[sflag:s31] =	ssyncadd.s32 $0xFFFFD000  }
0x1c1: {  	s21 =	simm.s32 $0x8;
	_ =	swait.ge [sflag:s31], $0x3000  }
0x1c2: {  	s20 =	simm.s32 $0x300;
	[sflag:s31] =	ssyncset.done $0x0;
	s28 =	rddreg [dreg:$0x19]  }
0x1c3: {  	s22 =	simm.s32 $0x380;
	[sflag:s31] =	ssyncadd.s32 $0xFFFFD000;
	s23 =	sadd.s32 $0x0, s28  }
.LBB2_26:
0x1c4: {  	[hbm4b:s23+s1] =	stream.linear.scatter [tilespmem:s20], [sflag:$0x3], $0x40, $0x38;
	[tilespmem:$0x19300] =	vst v63  }
0x1c5: {  	s23 =	smov.u32 s21;
	s20 =	smov.u32 s22;
	p0 =	sne.s32 s21, $0x638  }
.Ltmp12:
0x1c6: {  	s21 =	sadd.s32 $0x8, s21;
	(pc) =	sbr.rel @p0 .LBB2_26-.Ltmp12, $2  }
0x1c7: {  	_ =	sdelay $0x2  }
0x1c8: {  	s22 =	sadd.s32 $0x80, s22;
	s23 =	sadd.s32 s23, s28  }
0x1c9: {  	[hbm4b:s23+s1] =	stream.linear.scatter [tilespmem:s20], [sflag:$0x3], $0x40, $0x38;
	[tilespmem:$0x19300] =	vst v63  }
0x1ca: {  	s31 =	simm.s32 $0x3  }
0x1cb: {  	_ =	swait.ge [sflag:s31], $0x3200  }
0x1cc: {  	s20 =	simm.s32 $0x6700;
	s21 =	simm.s32 $0x8;
	[sflag:s31] =	ssyncset.done $0x0  }
0x1cd: {  	s23 =	sadd.s32 $0x0, s9;
	s22 =	simm.s32 $0x6780;
	[sflag:s31] =	ssyncadd.s32 $0xFFFFCE00  }
.LBB2_28:
0x1ce: {  	[hbm4b:s23+s1] =	stream.linear.scatter [tilespmem:s20], [sflag:$0x3], $0x40, $0x38;
	[tilespmem:$0x19300] =	vst v63  }
0x1cf: {  	s23 =	smov.u32 s21;
	s20 =	smov.u32 s22;
	p0 =	sne.s32 s21, $0x638  }
.Ltmp13:
0x1d0: {  	s21 =	sadd.s32 $0x8, s21;
	(pc) =	sbr.rel @p0 .LBB2_28-.Ltmp13, $2  }
0x1d1: {  	_ =	sdelay $0x2  }
0x1d2: {  	s22 =	sadd.s32 $0x80, s22;
	s23 =	sadd.s32 s23, s9  }
0x1d3: {  	[hbm4b:s23+s1] =	stream.linear.scatter [tilespmem:s20], [sflag:$0x3], $0x40, $0x38;
	[tilespmem:$0x19300] =	vst v63  }
0x1d4: {  	s22 =	simm.s32 $0x3  }
0x1d5: {  	_ =	swait.ge [sflag:s22], $0x3200  }
0x1d6: {  	s30 =	simm.s32 $0x0;
	s23 =	simm.s32 $0x60;
	[sflag:s22] =	ssyncset.done $0x0  }
0x1d7: {  	s28 =	simm.s32 $0x80;
	s21 =	rddreg [dreg:$0xb];
	[sflag:s22] =	ssyncadd.s32 $0xFFFFCE00  }
0x1d8: {  	[tilespmem:s30], [sflag:$0x3] =	stream.strided.gather [hbm4b:s21+s23], $0x180, s28, s23, $0x38;
	[tilespmem:$0x19300] =	vst v63  }
0x1d9: {  	_ =	swait.ge [sflag:s22], $0x180  }
0x1da: {  	s21 =	sld [smem:$0x7F3]  }
0x1db: {  	[sflag:s22] =	ssyncset.done $0x0  }
0x1dc: {  	s31 =	simm.s32 $0x800;
	[sflag:s22] =	ssyncadd.s32 $0xFFFFFE80  }
0x1dd: {  	[tilespmem:s31], [sflag:$0x1] =	stream.indirect.gather [hbm4b:s21+s23], $0x80, s30, s23, $0xb8;
	[tilespmem:$0x19300] =	vst v63  }
0x1de: {  	s22 =	simm.s32 $0x3700  }
0x1df: {  	[tilespmem:s22], [sflag:$0x1] =	stream.indirect.gather [hbm4b:s21+s23], $0x80, s23, s23, $0xb8;
	[tilespmem:$0x19300] =	vst v63  }
0x1e0: {  	s24 =	simm.s32 $0xC0;
	s25 =	simm.s32 $0x6C00  }
0x1e1: {  	[tilespmem:s25], [sflag:$0x1] =	stream.indirect.gather [hbm4b:s21+s23], $0x80, s24, s23, $0xb8;
	[tilespmem:$0x19300] =	vst v63  }
0x1e2: {  	s26 =	simm.s32 $0x120;
	s30 =	simm.s32 $0x9B00;
	s31 =	simm.s32 $0x2  }
0x1e3: {  	[tilespmem:s30], [sflag:$0x1] =	stream.indirect.gather [hbm4b:s21+s23], $0x80, s26, s23, $0xb8;
	[tilespmem:$0x19300] =	vst v63  }
0x1e4: {  	_ =	swait.ge [sflag:s31], $0x3000  }
0x1e5: {  	[sflag:s31] =	ssyncset.done $0x0  }
0x1e6: {  	[sflag:s31] =	ssyncadd.s32 $0xFFFFD000  }
0x1e7: {  	_ =	swait.ge [sflag:s31], $0x3000  }
0x1e8: {  	[sflag:s31] =	ssyncset.done $0x0  }
0x1e9: {  	[sflag:s31] =	ssyncadd.s32 $0xFFFFD000  }
0x1ea: {  	_ =	swait.ge [sflag:s31], $0x3000  }
0x1eb: {  	[sflag:s31] =	ssyncset.done $0x0  }
0x1ec: {  	[sflag:s31] =	ssyncadd.s32 $0xFFFFD000  }
0x1ed: {  	s20 =	simm.s32 $0xCB00;
	_ =	swait.ge [sflag:s31], $0x3000  }
0x1ee: {  	s22 =	simm.s32 $0xCB80;
	[sflag:s31] =	ssyncset.done $0x0;
	s28 =	rddreg [dreg:$0x1a]  }
0x1ef: {  	s21 =	simm.s32 $0x8;
	[sflag:s31] =	ssyncadd.s32 $0xFFFFD000;
	s23 =	sadd.s32 $0x0, s28  }
.LBB2_30:
0x1f0: {  	[hbm4b:s23+s1] =	stream.linear.scatter [tilespmem:s20], [sflag:$0x3], $0x40, $0x38;
	[tilespmem:$0x19300] =	vst v63  }
0x1f1: {  	s23 =	smov.u32 s21;
	s20 =	smov.u32 s22;
	p0 =	sne.s32 s21, $0x638  }
.Ltmp14:
0x1f2: {  	s21 =	sadd.s32 $0x8, s21;
	(pc) =	sbr.rel @p0 .LBB2_30-.Ltmp14, $2  }
0x1f3: {  	_ =	sdelay $0x2  }
0x1f4: {  	s22 =	sadd.s32 $0x80, s22;
	s23 =	sadd.s32 s23, s28  }
0x1f5: {  	[hbm4b:s23+s1] =	stream.linear.scatter [tilespmem:s20], [sflag:$0x3], $0x40, $0x38;
	[tilespmem:$0x19300] =	vst v63  }
0x1f6: {  	s31 =	simm.s32 $0x3  }
0x1f7: {  	_ =	swait.ge [sflag:s31], $0x3200  }
0x1f8: {  	s20 =	simm.s32 $0x12F00;
	s21 =	simm.s32 $0x8;
	[sflag:s31] =	ssyncset.done $0x0  }
0x1f9: {  	s23 =	sadd.s32 $0x0, s10;
	s22 =	simm.s32 $0x12F80;
	[sflag:s31] =	ssyncadd.s32 $0xFFFFCE00  }
.LBB2_32:
0x1fa: {  	[hbm4b:s23+s1] =	stream.linear.scatter [tilespmem:s20], [sflag:$0x3], $0x40, $0x38;
	[tilespmem:$0x19300] =	vst v63  }
0x1fb: {  	s23 =	smov.u32 s21;
	s20 =	smov.u32 s22;
	p0 =	sne.s32 s21, $0x638  }
.Ltmp15:
0x1fc: {  	s21 =	sadd.s32 $0x8, s21;
	(pc) =	sbr.rel @p0 .LBB2_32-.Ltmp15, $2  }
0x1fd: {  	_ =	sdelay $0x2  }
0x1fe: {  	s22 =	sadd.s32 $0x80, s22;
	s23 =	sadd.s32 s23, s10  }
0x1ff: {  	[hbm4b:s23+s1] =	stream.linear.scatter [tilespmem:s20], [sflag:$0x3], $0x40, $0x38;
	[tilespmem:$0x19300] =	vst v63  }
0x200: {  	s21 =	simm.s32 $0x3  }
0x201: {  	_ =	swait.ge [sflag:s21], $0x3200  }
0x202: {  	s22 =	simm.s32 $0x60;
	s25 =	simm.s32 $0x80;
	[sflag:s21] =	ssyncset.done $0x0  }
0x203: {  	s30 =	simm.s32 $0x180;
	s24 =	rddreg [dreg:$0xc];
	[sflag:s21] =	ssyncadd.s32 $0xFFFFCE00  }
0x204: {  	[tilespmem:s30], [sflag:$0x3] =	stream.strided.gather [hbm4b:s24+s22], $0x180, s25, s22, $0x38;
	[tilespmem:$0x19300] =	vst v63  }
0x205: {  	_ =	swait.ge [sflag:s21], $0x180  }
0x206: {  	s20 =	sld [smem:$0x7F3]  }
0x207: {  	[sflag:s21] =	ssyncset.done $0x0  }
0x208: {  	s26 =	simm.s32 $0xD000;
	[sflag:s21] =	ssyncadd.s32 $0xFFFFFE80  }
0x209: {  	[tilespmem:s26], [sflag:$0x2] =	stream.indirect.gather [hbm4b:s20+s22], $0x80, s30, s22, $0xb8;
	[tilespmem:$0x19300] =	vst v63  }
0x20a: {  	s28 =	simm.s32 $0x1E0;
	s31 =	simm.s32 $0xFF00  }
0x20b: {  	[tilespmem:s31], [sflag:$0x2] =	stream.indirect.gather [hbm4b:s20+s22], $0x80, s28, s22, $0xb8;
	[tilespmem:$0x19300] =	vst v63  }
0x20c: {  	s24 =	simm.s32 $0x240;
	s25 =	simm.s32 $0x13400  }
0x20d: {  	[tilespmem:s25], [sflag:$0x2] =	stream.indirect.gather [hbm4b:s20+s22], $0x80, s24, s22, $0xb8;
	[tilespmem:$0x19300] =	vst v63  }
0x20e: {  	s26 =	simm.s32 $0x2A0;
	s28 =	simm.s32 $0x16300;
	s31 =	simm.s32 $0x1  }
0x20f: {  	[tilespmem:s28], [sflag:$0x2] =	stream.indirect.gather [hbm4b:s20+s22], $0x80, s26, s22, $0xb8;
	[tilespmem:$0x19300] =	vst v63  }
0x210: {  	_ =	swait.ge [sflag:s31], $0x3000  }
0x211: {  	[sflag:s31] =	ssyncset.done $0x0  }
0x212: {  	[sflag:s31] =	ssyncadd.s32 $0xFFFFD000  }
0x213: {  	_ =	swait.ge [sflag:s31], $0x3000  }
0x214: {  	[sflag:s31] =	ssyncset.done $0x0  }
0x215: {  	[sflag:s31] =	ssyncadd.s32 $0xFFFFD000  }
0x216: {  	_ =	swait.ge [sflag:s31], $0x3000  }
0x217: {  	[sflag:s31] =	ssyncset.done $0x0  }
0x218: {  	[sflag:s31] =	ssyncadd.s32 $0xFFFFD000  }
0x219: {  	s21 =	simm.s32 $0x8;
	_ =	swait.ge [sflag:s31], $0x3000  }
0x21a: {  	s20 =	simm.s32 $0x300;
	[sflag:s31] =	ssyncset.done $0x0;
	s30 =	rddreg [dreg:$0x1b]  }
0x21b: {  	s22 =	simm.s32 $0x380;
	[sflag:s31] =	ssyncadd.s32 $0xFFFFD000;
	s23 =	sadd.s32 $0x0, s30  }
.LBB2_34:
0x21c: {  	[hbm4b:s23+s1] =	stream.linear.scatter [tilespmem:s20], [sflag:$0x3], $0x40, $0x38;
	[tilespmem:$0x19300] =	vst v63  }
0x21d: {  	s23 =	smov.u32 s21;
	s20 =	smov.u32 s22;
	p0 =	sne.s32 s21, $0x638  }
.Ltmp16:
0x21e: {  	s21 =	sadd.s32 $0x8, s21;
	(pc) =	sbr.rel @p0 .LBB2_34-.Ltmp16, $2  }
0x21f: {  	_ =	sdelay $0x2  }
0x220: {  	s22 =	sadd.s32 $0x80, s22;
	s23 =	sadd.s32 s23, s30  }
0x221: {  	[hbm4b:s23+s1] =	stream.linear.scatter [tilespmem:s20], [sflag:$0x3], $0x40, $0x38;
	[tilespmem:$0x19300] =	vst v63  }
0x222: {  	s31 =	simm.s32 $0x3  }
0x223: {  	_ =	swait.ge [sflag:s31], $0x3200  }
0x224: {  	s20 =	simm.s32 $0x6700;
	s21 =	simm.s32 $0x8;
	[sflag:s31] =	ssyncset.done $0x0  }
0x225: {  	s23 =	sadd.s32 $0x0, s11;
	s22 =	simm.s32 $0x6780;
	[sflag:s31] =	ssyncadd.s32 $0xFFFFCE00  }
.LBB2_36:
0x226: {  	[hbm4b:s23+s1] =	stream.linear.scatter [tilespmem:s20], [sflag:$0x3], $0x40, $0x38;
	[tilespmem:$0x19300] =	vst v63  }
0x227: {  	s23 =	smov.u32 s21;
	s20 =	smov.u32 s22;
	p0 =	sne.s32 s21, $0x638  }
.Ltmp17:
0x228: {  	s21 =	sadd.s32 $0x8, s21;
	(pc) =	sbr.rel @p0 .LBB2_36-.Ltmp17, $2  }
0x229: {  	_ =	sdelay $0x2  }
0x22a: {  	s22 =	sadd.s32 $0x80, s22;
	s23 =	sadd.s32 s23, s11  }
0x22b: {  	[hbm4b:s23+s1] =	stream.linear.scatter [tilespmem:s20], [sflag:$0x3], $0x40, $0x38;
	[tilespmem:$0x19300] =	vst v63  }
0x22c: {  	s22 =	simm.s32 $0x3  }
0x22d: {  	_ =	swait.ge [sflag:s22], $0x3200  }
0x22e: {  	s28 =	simm.s32 $0x0;
	s23 =	simm.s32 $0x60;
	[sflag:s22] =	ssyncset.done $0x0  }
0x22f: {  	s30 =	simm.s32 $0x80;
	s21 =	rddreg [dreg:$0xd];
	[sflag:s22] =	ssyncadd.s32 $0xFFFFCE00  }
0x230: {  	[tilespmem:s28], [sflag:$0x3] =	stream.strided.gather [hbm4b:s21+s23], $0x180, s30, s23, $0x38;
	[tilespmem:$0x19300] =	vst v63  }
0x231: {  	_ =	swait.ge [sflag:s22], $0x180  }
0x232: {  	s21 =	sld [smem:$0x7F3]  }
0x233: {  	[sflag:s22] =	ssyncset.done $0x0  }
0x234: {  	s31 =	simm.s32 $0x800;
	[sflag:s22] =	ssyncadd.s32 $0xFFFFFE80  }
0x235: {  	[tilespmem:s31], [sflag:$0x1] =	stream.indirect.gather [hbm4b:s21+s23], $0x80, s28, s23, $0xb8;
	[tilespmem:$0x19300] =	vst v63  }
0x236: {  	s22 =	simm.s32 $0x3700  }
0x237: {  	[tilespmem:s22], [sflag:$0x1] =	stream.indirect.gather [hbm4b:s21+s23], $0x80, s23, s23, $0xb8;
	[tilespmem:$0x19300] =	vst v63  }
0x238: {  	s24 =	simm.s32 $0xC0;
	s25 =	simm.s32 $0x6C00  }
0x239: {  	[tilespmem:s25], [sflag:$0x1] =	stream.indirect.gather [hbm4b:s21+s23], $0x80, s24, s23, $0xb8;
	[tilespmem:$0x19300] =	vst v63  }
0x23a: {  	s26 =	simm.s32 $0x120;
	s28 =	simm.s32 $0x9B00;
	s31 =	simm.s32 $0x2  }
0x23b: {  	[tilespmem:s28], [sflag:$0x1] =	stream.indirect.gather [hbm4b:s21+s23], $0x80, s26, s23, $0xb8;
	[tilespmem:$0x19300] =	vst v63  }
0x23c: {  	_ =	swait.ge [sflag:s31], $0x3000  }
0x23d: {  	[sflag:s31] =	ssyncset.done $0x0  }
0x23e: {  	[sflag:s31] =	ssyncadd.s32 $0xFFFFD000  }
0x23f: {  	_ =	swait.ge [sflag:s31], $0x3000  }
0x240: {  	[sflag:s31] =	ssyncset.done $0x0  }
0x241: {  	[sflag:s31] =	ssyncadd.s32 $0xFFFFD000  }
0x242: {  	_ =	swait.ge [sflag:s31], $0x3000  }
0x243: {  	[sflag:s31] =	ssyncset.done $0x0  }
0x244: {  	[sflag:s31] =	ssyncadd.s32 $0xFFFFD000  }
0x245: {  	s20 =	simm.s32 $0xCB00;
	_ =	swait.ge [sflag:s31], $0x3000  }
0x246: {  	s22 =	simm.s32 $0xCB80;
	[sflag:s31] =	ssyncset.done $0x0;
	s30 =	rddreg [dreg:$0x1c]  }
0x247: {  	s21 =	simm.s32 $0x8;
	[sflag:s31] =	ssyncadd.s32 $0xFFFFD000;
	s23 =	sadd.s32 $0x0, s30  }
.LBB2_38:
0x248: {  	[hbm4b:s23+s1] =	stream.linear.scatter [tilespmem:s20], [sflag:$0x3], $0x40, $0x38;
	[tilespmem:$0x19300] =	vst v63  }
0x249: {  	s23 =	smov.u32 s21;
	s20 =	smov.u32 s22;
	p0 =	sne.s32 s21, $0x638  }
.Ltmp18:
0x24a: {  	s21 =	sadd.s32 $0x8, s21;
	(pc) =	sbr.rel @p0 .LBB2_38-.Ltmp18, $2  }
0x24b: {  	_ =	sdelay $0x2  }
0x24c: {  	s22 =	sadd.s32 $0x80, s22;
	s23 =	sadd.s32 s23, s30  }
0x24d: {  	[hbm4b:s23+s1] =	stream.linear.scatter [tilespmem:s20], [sflag:$0x3], $0x40, $0x38;
	[tilespmem:$0x19300] =	vst v63  }
0x24e: {  	s31 =	simm.s32 $0x3  }
0x24f: {  	_ =	swait.ge [sflag:s31], $0x3200  }
0x250: {  	s20 =	simm.s32 $0x12F00;
	s21 =	simm.s32 $0x8;
	[sflag:s31] =	ssyncset.done $0x0  }
0x251: {  	s23 =	sadd.s32 $0x0, s12;
	s22 =	simm.s32 $0x12F80;
	[sflag:s31] =	ssyncadd.s32 $0xFFFFCE00  }
.LBB2_40:
0x252: {  	[hbm4b:s23+s1] =	stream.linear.scatter [tilespmem:s20], [sflag:$0x3], $0x40, $0x38;
	[tilespmem:$0x19300] =	vst v63  }
0x253: {  	s23 =	smov.u32 s21;
	s20 =	smov.u32 s22;
	p0 =	sne.s32 s21, $0x638  }
.Ltmp19:
0x254: {  	s21 =	sadd.s32 $0x8, s21;
	(pc) =	sbr.rel @p0 .LBB2_40-.Ltmp19, $2  }
0x255: {  	_ =	sdelay $0x2  }
0x256: {  	s22 =	sadd.s32 $0x80, s22;
	s23 =	sadd.s32 s23, s12  }
0x257: {  	[hbm4b:s23+s1] =	stream.linear.scatter [tilespmem:s20], [sflag:$0x3], $0x40, $0x38;
	[tilespmem:$0x19300] =	vst v63  }
0x258: {  	s21 =	simm.s32 $0x3  }
0x259: {  	_ =	swait.ge [sflag:s21], $0x3200  }
0x25a: {  	s22 =	simm.s32 $0x60;
	s25 =	simm.s32 $0x80;
	[sflag:s21] =	ssyncset.done $0x0  }
0x25b: {  	s31 =	simm.s32 $0x180;
	s24 =	rddreg [dreg:$0xe];
	[sflag:s21] =	ssyncadd.s32 $0xFFFFCE00  }
0x25c: {  	[tilespmem:s31], [sflag:$0x3] =	stream.strided.gather [hbm4b:s24+s22], $0x180, s25, s22, $0x38;
	[tilespmem:$0x19300] =	vst v63  }
0x25d: {  	_ =	swait.ge [sflag:s21], $0x180  }
0x25e: {  	s20 =	sld [smem:$0x7F3]  }
0x25f: {  	[sflag:s21] =	ssyncset.done $0x0  }
0x260: {  	s26 =	simm.s32 $0xD000;
	[sflag:s21] =	ssyncadd.s32 $0xFFFFFE80  }
0x261: {  	[tilespmem:s26], [sflag:$0x2] =	stream.indirect.gather [hbm4b:s20+s22], $0x80, s31, s22, $0xb8;
	[tilespmem:$0x19300] =	vst v63  }
0x262: {  	s28 =	simm.s32 $0x1E0;
	s30 =	simm.s32 $0xFF00  }
0x263: {  	[tilespmem:s30], [sflag:$0x2] =	stream.indirect.gather [hbm4b:s20+s22], $0x80, s28, s22, $0xb8;
	[tilespmem:$0x19300] =	vst v63  }
0x264: {  	s24 =	simm.s32 $0x240;
	s25 =	simm.s32 $0x13400  }
0x265: {  	[tilespmem:s25], [sflag:$0x2] =	stream.indirect.gather [hbm4b:s20+s22], $0x80, s24, s22, $0xb8;
	[tilespmem:$0x19300] =	vst v63  }
0x266: {  	s26 =	simm.s32 $0x2A0;
	s28 =	simm.s32 $0x16300;
	s30 =	simm.s32 $0x1  }
0x267: {  	[tilespmem:s28], [sflag:$0x2] =	stream.indirect.gather [hbm4b:s20+s22], $0x80, s26, s22, $0xb8;
	[tilespmem:$0x19300] =	vst v63  }
0x268: {  	_ =	swait.ge [sflag:s30], $0x3000  }
0x269: {  	[sflag:s30] =	ssyncset.done $0x0  }
0x26a: {  	[sflag:s30] =	ssyncadd.s32 $0xFFFFD000  }
0x26b: {  	_ =	swait.ge [sflag:s30], $0x3000  }
0x26c: {  	[sflag:s30] =	ssyncset.done $0x0  }
0x26d: {  	[sflag:s30] =	ssyncadd.s32 $0xFFFFD000  }
0x26e: {  	_ =	swait.ge [sflag:s30], $0x3000  }
0x26f: {  	[sflag:s30] =	ssyncset.done $0x0  }
0x270: {  	[sflag:s30] =	ssyncadd.s32 $0xFFFFD000  }
0x271: {  	s21 =	simm.s32 $0x8;
	_ =	swait.ge [sflag:s30], $0x3000  }
0x272: {  	s20 =	simm.s32 $0x300;
	[sflag:s30] =	ssyncset.done $0x0;
	s31 =	rddreg [dreg:$0x1d]  }
0x273: {  	s22 =	simm.s32 $0x380;
	[sflag:s30] =	ssyncadd.s32 $0xFFFFD000;
	s23 =	sadd.s32 $0x0, s31  }
.LBB2_42:
0x274: {  	[hbm4b:s23+s1] =	stream.linear.scatter [tilespmem:s20], [sflag:$0x3], $0x40, $0x38;
	[tilespmem:$0x19300] =	vst v63  }
0x275: {  	s23 =	smov.u32 s21;
	s20 =	smov.u32 s22;
	p0 =	sne.s32 s21, $0x638  }
.Ltmp20:
0x276: {  	s21 =	sadd.s32 $0x8, s21;
	(pc) =	sbr.rel @p0 .LBB2_42-.Ltmp20, $2  }
0x277: {  	_ =	sdelay $0x2  }
0x278: {  	s22 =	sadd.s32 $0x80, s22;
	s23 =	sadd.s32 s23, s31  }
0x279: {  	[hbm4b:s23+s1] =	stream.linear.scatter [tilespmem:s20], [sflag:$0x3], $0x40, $0x38;
	[tilespmem:$0x19300] =	vst v63  }
0x27a: {  	s31 =	simm.s32 $0x3  }
0x27b: {  	_ =	swait.ge [sflag:s31], $0x3200  }
0x27c: {  	s20 =	simm.s32 $0x6700;
	s21 =	simm.s32 $0x8;
	[sflag:s31] =	ssyncset.done $0x0  }
0x27d: {  	s23 =	sadd.s32 $0x0, s13;
	s22 =	simm.s32 $0x6780;
	[sflag:s31] =	ssyncadd.s32 $0xFFFFCE00  }
.LBB2_44:
0x27e: {  	[hbm4b:s23+s1] =	stream.linear.scatter [tilespmem:s20], [sflag:$0x3], $0x40, $0x38;
	[tilespmem:$0x19300] =	vst v63  }
0x27f: {  	s23 =	smov.u32 s21;
	s20 =	smov.u32 s22;
	p0 =	sne.s32 s21, $0x638  }
.Ltmp21:
0x280: {  	s21 =	sadd.s32 $0x8, s21;
	(pc) =	sbr.rel @p0 .LBB2_44-.Ltmp21, $2  }
0x281: {  	_ =	sdelay $0x2  }
0x282: {  	s22 =	sadd.s32 $0x80, s22;
	s23 =	sadd.s32 s23, s13  }
0x283: {  	[hbm4b:s23+s1] =	stream.linear.scatter [tilespmem:s20], [sflag:$0x3], $0x40, $0x38;
	[tilespmem:$0x19300] =	vst v63  }
0x284: {  	s22 =	simm.s32 $0x3  }
0x285: {  	_ =	swait.ge [sflag:s22], $0x3200  }
0x286: {  	s28 =	simm.s32 $0x0;
	s23 =	simm.s32 $0x60;
	[sflag:s22] =	ssyncset.done $0x0  }
0x287: {  	s31 =	simm.s32 $0x80;
	s21 =	rddreg [dreg:$0xf];
	[sflag:s22] =	ssyncadd.s32 $0xFFFFCE00  }
0x288: {  	[tilespmem:s28], [sflag:$0x3] =	stream.strided.gather [hbm4b:s21+s23], $0x180, s31, s23, $0x38;
	[tilespmem:$0x19300] =	vst v63  }
0x289: {  	_ =	swait.ge [sflag:s22], $0x180  }
0x28a: {  	s21 =	sld [smem:$0x7F3]  }
0x28b: {  	[sflag:s22] =	ssyncset.done $0x0  }
0x28c: {  	s30 =	simm.s32 $0x800;
	[sflag:s22] =	ssyncadd.s32 $0xFFFFFE80  }
0x28d: {  	[tilespmem:s30], [sflag:$0x1] =	stream.indirect.gather [hbm4b:s21+s23], $0x80, s28, s23, $0xb8;
	[tilespmem:$0x19300] =	vst v63  }
0x28e: {  	s22 =	simm.s32 $0x3700  }
0x28f: {  	[tilespmem:s22], [sflag:$0x1] =	stream.indirect.gather [hbm4b:s21+s23], $0x80, s23, s23, $0xb8;
	[tilespmem:$0x19300] =	vst v63  }
0x290: {  	s24 =	simm.s32 $0xC0;
	s25 =	simm.s32 $0x6C00  }
0x291: {  	[tilespmem:s25], [sflag:$0x1] =	stream.indirect.gather [hbm4b:s21+s23], $0x80, s24, s23, $0xb8;
	[tilespmem:$0x19300] =	vst v63  }
0x292: {  	s26 =	simm.s32 $0x120;
	s28 =	simm.s32 $0x9B00;
	s30 =	simm.s32 $0x2  }
0x293: {  	[tilespmem:s28], [sflag:$0x1] =	stream.indirect.gather [hbm4b:s21+s23], $0x80, s26, s23, $0xb8;
	[tilespmem:$0x19300] =	vst v63  }
0x294: {  	_ =	swait.ge [sflag:s30], $0x3000  }
0x295: {  	[sflag:s30] =	ssyncset.done $0x0  }
0x296: {  	[sflag:s30] =	ssyncadd.s32 $0xFFFFD000  }
0x297: {  	_ =	swait.ge [sflag:s30], $0x3000  }
0x298: {  	[sflag:s30] =	ssyncset.done $0x0  }
0x299: {  	[sflag:s30] =	ssyncadd.s32 $0xFFFFD000  }
0x29a: {  	_ =	swait.ge [sflag:s30], $0x3000  }
0x29b: {  	[sflag:s30] =	ssyncset.done $0x0  }
0x29c: {  	[sflag:s30] =	ssyncadd.s32 $0xFFFFD000  }
0x29d: {  	s20 =	simm.s32 $0xCB00;
	_ =	swait.ge [sflag:s30], $0x3000  }
0x29e: {  	s22 =	simm.s32 $0xCB80;
	[sflag:s30] =	ssyncset.done $0x0;
	s31 =	rddreg [dreg:$0x1e]  }
0x29f: {  	s21 =	simm.s32 $0x8;
	[sflag:s30] =	ssyncadd.s32 $0xFFFFD000;
	s23 =	sadd.s32 $0x0, s31  }
.LBB2_46:
0x2a0: {  	[hbm4b:s23+s1] =	stream.linear.scatter [tilespmem:s20], [sflag:$0x3], $0x40, $0x38;
	[tilespmem:$0x19300] =	vst v63  }
0x2a1: {  	s23 =	smov.u32 s21;
	s20 =	smov.u32 s22;
	p0 =	sne.s32 s21, $0x638  }
.Ltmp22:
0x2a2: {  	s21 =	sadd.s32 $0x8, s21;
	(pc) =	sbr.rel @p0 .LBB2_46-.Ltmp22, $2  }
0x2a3: {  	_ =	sdelay $0x2  }
0x2a4: {  	s22 =	sadd.s32 $0x80, s22;
	s23 =	sadd.s32 s23, s31  }
0x2a5: {  	[hbm4b:s23+s1] =	stream.linear.scatter [tilespmem:s20], [sflag:$0x3], $0x40, $0x38;
	[tilespmem:$0x19300] =	vst v63  }
0x2a6: {  	s31 =	simm.s32 $0x3  }
0x2a7: {  	_ =	swait.ge [sflag:s31], $0x3200  }
0x2a8: {  	s20 =	simm.s32 $0x12F00;
	s21 =	simm.s32 $0x8;
	[sflag:s31] =	ssyncset.done $0x0  }
0x2a9: {  	s23 =	sadd.s32 $0x0, s14;
	s22 =	simm.s32 $0x12F80;
	[sflag:s31] =	ssyncadd.s32 $0xFFFFCE00  }
.LBB2_48:
0x2aa: {  	[hbm4b:s23+s1] =	stream.linear.scatter [tilespmem:s20], [sflag:$0x3], $0x40, $0x38;
	[tilespmem:$0x19300] =	vst v63  }
0x2ab: {  	s23 =	smov.u32 s21;
	s20 =	smov.u32 s22;
	p0 =	sne.s32 s21, $0x638  }
.Ltmp23:
0x2ac: {  	s21 =	sadd.s32 $0x8, s21;
	(pc) =	sbr.rel @p0 .LBB2_48-.Ltmp23, $2  }
0x2ad: {  	_ =	sdelay $0x2  }
0x2ae: {  	s22 =	sadd.s32 $0x80, s22;
	s23 =	sadd.s32 s23, s14  }
0x2af: {  	[hbm4b:s23+s1] =	stream.linear.scatter [tilespmem:s20], [sflag:$0x3], $0x40, $0x38;
	[tilespmem:$0x19300] =	vst v63  }
0x2b0: {  	s28 =	simm.s32 $0x3  }
0x2b1: {  	s31 =	simm.s32 $0x80;
	_ =	swait.ge [sflag:s28], $0x3200  }
0x2b2: {  	s22 =	simm.s32 $0x180;
	s21 =	simm.s32 $0x60;
	[sflag:s28] =	ssyncset.done $0x0  }
0x2b3: {  	s25 =	simm.s32 $0x3;
	s30 =	rddreg [dreg:$0x10];
	[sflag:s28] =	ssyncadd.s32 $0xFFFFCE00  }
0x2b4: {  	[tilespmem:s22], [sflag:$0x3] =	stream.strided.gather [hbm4b:s30+s21], $0x180, s31, s21, $0x38;
	[tilespmem:$0x19300] =	vst v63  }
0x2b5: {  	_ =	swait.ge [sflag:s25], $0x180  }
0x2b6: {  	s20 =	sld [smem:$0x7F3]  }
0x2b7: {  	s24 =	simm.s32 $0x180;
	[sflag:s25] =	ssyncset.done $0x0  }
0x2b8: {  	s26 =	simm.s32 $0xD000;
	s28 =	simm.s32 $0x60;
	[sflag:s25] =	ssyncadd.s32 $0xFFFFFE80  }
0x2b9: {  	[tilespmem:s26], [sflag:$0x2] =	stream.indirect.gather [hbm4b:s20+s28], $0x80, s24, s28, $0xb8;
	[tilespmem:$0x19300] =	vst v63  }
0x2ba: {  	s30 =	simm.s32 $0x1E0;
	s31 =	simm.s32 $0xFF00  }
0x2bb: {  	[tilespmem:s31], [sflag:$0x2] =	stream.indirect.gather [hbm4b:s20+s28], $0x80, s30, s28, $0xb8;
	[tilespmem:$0x19300] =	vst v63  }
0x2bc: {  	s25 =	simm.s32 $0x13400;
	s24 =	simm.s32 $0x240;
	s26 =	simm.s32 $0x60  }
0x2bd: {  	[tilespmem:s25], [sflag:$0x2] =	stream.indirect.gather [hbm4b:s20+s28], $0x80, s24, s28, $0xb8;
	[tilespmem:$0x19300] =	vst v63  }
0x2be: {  	s30 =	simm.s32 $0x16300;
	s31 =	simm.s32 $0x1;
	s28 =	simm.s32 $0x2A0  }
0x2bf: {  	[tilespmem:s30], [sflag:$0x2] =	stream.indirect.gather [hbm4b:s20+s26], $0x80, s28, s26, $0xb8;
	[tilespmem:$0x19300] =	vst v63  }
0x2c0: {  	_ =	swait.ge [sflag:s31], $0x3000  }
0x2c1: {  	[sflag:s31] =	ssyncset.done $0x0  }
0x2c2: {  	[sflag:s31] =	ssyncadd.s32 $0xFFFFD000  }
0x2c3: {  	_ =	swait.ge [sflag:s31], $0x3000  }
0x2c4: {  	[sflag:s31] =	ssyncset.done $0x0  }
0x2c5: {  	[sflag:s31] =	ssyncadd.s32 $0xFFFFD000  }
0x2c6: {  	_ =	swait.ge [sflag:s31], $0x3000  }
0x2c7: {  	[sflag:s31] =	ssyncset.done $0x0  }
0x2c8: {  	[sflag:s31] =	ssyncadd.s32 $0xFFFFD000  }
0x2c9: {  	_ =	swait.ge [sflag:s31], $0x3000  }
0x2ca: {  	s23 =	sadd.s32 $0x0, s29;
	s21 =	simm.s32 $0x8;
	[sflag:s31] =	ssyncset.done $0x0  }
0x2cb: {  	s22 =	simm.s32 $0x380;
	s20 =	simm.s32 $0x300;
	[sflag:s31] =	ssyncadd.s32 $0xFFFFD000  }
.LBB2_50:
0x2cc: {  	[hbm4b:s23+s1] =	stream.linear.scatter [tilespmem:s20], [sflag:$0x3], $0x40, $0x38;
	[tilespmem:$0x19300] =	vst v63  }
0x2cd: {  	s23 =	smov.u32 s21;
	s20 =	smov.u32 s22;
	p0 =	sne.s32 s21, $0x638  }
.Ltmp24:
0x2ce: {  	s21 =	sadd.s32 $0x8, s21;
	(pc) =	sbr.rel @p0 .LBB2_50-.Ltmp24, $2  }
0x2cf: {  	_ =	sdelay $0x2  }
0x2d0: {  	s22 =	sadd.s32 $0x80, s22;
	s23 =	sadd.s32 s23, s29  }
0x2d1: {  	[hbm4b:s23+s1] =	stream.linear.scatter [tilespmem:s20], [sflag:$0x3], $0x40, $0x38;
	[tilespmem:$0x19300] =	vst v63  }
0x2d2: {  	s31 =	simm.s32 $0x3  }
0x2d3: {  	_ =	swait.ge [sflag:s31], $0x3200  }
0x2d4: {  	s20 =	simm.s32 $0x6700;
	s21 =	simm.s32 $0x8;
	[sflag:s31] =	ssyncset.done $0x0  }
0x2d5: {  	s23 =	sadd.s32 $0x0, s15;
	s22 =	simm.s32 $0x6780;
	[sflag:s31] =	ssyncadd.s32 $0xFFFFCE00  }
.LBB2_52:
0x2d6: {  	[hbm4b:s23+s1] =	stream.linear.scatter [tilespmem:s20], [sflag:$0x3], $0x40, $0x38;
	[tilespmem:$0x19300] =	vst v63  }
0x2d7: {  	s23 =	smov.u32 s21;
	s20 =	smov.u32 s22;
	p0 =	sne.s32 s21, $0x638  }
.Ltmp25:
0x2d8: {  	s21 =	sadd.s32 $0x8, s21;
	(pc) =	sbr.rel @p0 .LBB2_52-.Ltmp25, $2  }
0x2d9: {  	_ =	sdelay $0x2  }
0x2da: {  	s22 =	sadd.s32 $0x80, s22;
	s23 =	sadd.s32 s23, s15  }
0x2db: {  	[hbm4b:s23+s1] =	stream.linear.scatter [tilespmem:s20], [sflag:$0x3], $0x40, $0x38;
	[tilespmem:$0x19300] =	vst v63  }
0x2dc: {  	s23 =	simm.s32 $0x3  }
0x2dd: {  	s24 =	simm.s32 $0x80;
	_ =	swait.ge [sflag:s23], $0x3200  }
0x2de: {  	s25 =	simm.s32 $0x0;
	s22 =	simm.s32 $0x60;
	[sflag:s23] =	ssyncset.done $0x0  }
0x2df: {  	s26 =	simm.s32 $0x3;
	s21 =	rddreg [dreg:$0x11];
	[sflag:s23] =	ssyncadd.s32 $0xFFFFCE00  }
0x2e0: {  	[tilespmem:s25], [sflag:$0x3] =	stream.strided.gather [hbm4b:s21+s22], $0x180, s24, s22, $0x38;
	[tilespmem:$0x19300] =	vst v63  }
0x2e1: {  	_ =	swait.ge [sflag:s26], $0x180  }
0x2e2: {  	s21 =	sld [smem:$0x7F3]  }
0x2e3: {  	s28 =	simm.s32 $0x800;
	[sflag:s26] =	ssyncset.done $0x0  }
0x2e4: {  	s30 =	simm.s32 $0x60;
	s31 =	simm.s32 $0x0;
	[sflag:s26] =	ssyncadd.s32 $0xFFFFFE80  }
0x2e5: {  	[tilespmem:s28], [sflag:$0x1] =	stream.indirect.gather [hbm4b:s21+s30], $0x80, s31, s30, $0xb8;
	[tilespmem:$0x19300] =	vst v63  }
0x2e6: {  	s22 =	simm.s32 $0x3700  }
0x2e7: {  	[tilespmem:s22], [sflag:$0x1] =	stream.indirect.gather [hbm4b:s21+s30], $0x80, s30, s30, $0xb8;
	[tilespmem:$0x19300] =	vst v63  }
0x2e8: {  	s24 =	simm.s32 $0xC0;
	s25 =	simm.s32 $0x6C00;
	s26 =	simm.s32 $0x60  }
0x2e9: {  	[tilespmem:s25], [sflag:$0x1] =	stream.indirect.gather [hbm4b:s21+s30], $0x80, s24, s30, $0xb8;
	[tilespmem:$0x19300] =	vst v63  }
0x2ea: {  	s28 =	simm.s32 $0x120;
	s31 =	simm.s32 $0x2;
	s30 =	simm.s32 $0x9B00  }
0x2eb: {  	[tilespmem:s30], [sflag:$0x1] =	stream.indirect.gather [hbm4b:s21+s26], $0x80, s28, s26, $0xb8;
	[tilespmem:$0x19300] =	vst v63  }
0x2ec: {  	_ =	swait.ge [sflag:s31], $0x3000  }
0x2ed: {  	[sflag:s31] =	ssyncset.done $0x0  }
0x2ee: {  	[sflag:s31] =	ssyncadd.s32 $0xFFFFD000  }
0x2ef: {  	_ =	swait.ge [sflag:s31], $0x3000  }
0x2f0: {  	[sflag:s31] =	ssyncset.done $0x0  }
0x2f1: {  	[sflag:s31] =	ssyncadd.s32 $0xFFFFD000  }
0x2f2: {  	_ =	swait.ge [sflag:s31], $0x3000  }
0x2f3: {  	[sflag:s31] =	ssyncset.done $0x0  }
0x2f4: {  	[sflag:s31] =	ssyncadd.s32 $0xFFFFD000  }
0x2f5: {  	_ =	swait.ge [sflag:s31], $0x3000  }
0x2f6: {  	s20 =	simm.s32 $0xCB00;
	s23 =	sadd.s32 $0x0, s0;
	[sflag:s31] =	ssyncset.done $0x0  }
0x2f7: {  	s22 =	simm.s32 $0xCB80;
	s21 =	simm.s32 $0x8;
	[sflag:s31] =	ssyncadd.s32 $0xFFFFD000  }
.LBB2_54:
0x2f8: {  	[hbm4b:s23+s1] =	stream.linear.scatter [tilespmem:s20], [sflag:$0x3], $0x40, $0x38;
	[tilespmem:$0x19300] =	vst v63  }
0x2f9: {  	s23 =	smov.u32 s21;
	s20 =	smov.u32 s22;
	p0 =	sne.s32 s21, $0x638  }
.Ltmp26:
0x2fa: {  	s21 =	sadd.s32 $0x8, s21;
	(pc) =	sbr.rel @p0 .LBB2_54-.Ltmp26, $2  }
0x2fb: {  	_ =	sdelay $0x2  }
0x2fc: {  	s22 =	sadd.s32 $0x80, s22;
	s23 =	sadd.s32 s23, s0  }
0x2fd: {  	[hbm4b:s23+s1] =	stream.linear.scatter [tilespmem:s20], [sflag:$0x3], $0x40, $0x38;
	[tilespmem:$0x19300] =	vst v63  }
0x2fe: {  	s31 =	simm.s32 $0x3  }
0x2ff: {  	_ =	swait.ge [sflag:s31], $0x3200  }
0x300: {  	s20 =	simm.s32 $0x12F00;
	s21 =	simm.s32 $0x8;
	[sflag:s31] =	ssyncset.done $0x0  }
0x301: {  	s23 =	sadd.s32 $0x0, s16;
	s22 =	simm.s32 $0x12F80;
	[sflag:s31] =	ssyncadd.s32 $0xFFFFCE00  }
.LBB2_56:
0x302: {  	[hbm4b:s23+s1] =	stream.linear.scatter [tilespmem:s20], [sflag:$0x3], $0x40, $0x38;
	[tilespmem:$0x19300] =	vst v63  }
0x303: {  	s23 =	smov.u32 s21;
	s20 =	smov.u32 s22;
	p0 =	sne.s32 s21, $0x638  }
.Ltmp27:
0x304: {  	s21 =	sadd.s32 $0x8, s21;
	(pc) =	sbr.rel @p0 .LBB2_56-.Ltmp27, $2  }
0x305: {  	_ =	sdelay $0x2  }
0x306: {  	s22 =	sadd.s32 $0x80, s22;
	s23 =	sadd.s32 s23, s16  }
0x307: {  	[hbm4b:s23+s1] =	stream.linear.scatter [tilespmem:s20], [sflag:$0x3], $0x40, $0x38;
	[tilespmem:$0x19300] =	vst v63  }
0x308: {  	s28 =	simm.s32 $0x3  }
0x309: {  	s31 =	simm.s32 $0x80;
	_ =	swait.ge [sflag:s28], $0x3200  }
0x30a: {  	s22 =	simm.s32 $0x180;
	s21 =	simm.s32 $0x60;
	[sflag:s28] =	ssyncset.done $0x0  }
0x30b: {  	s25 =	simm.s32 $0x3;
	s30 =	rddreg [dreg:$0x12];
	[sflag:s28] =	ssyncadd.s32 $0xFFFFCE00  }
0x30c: {  	[tilespmem:s22], [sflag:$0x3] =	stream.strided.gather [hbm4b:s30+s21], $0x180, s31, s21, $0x38;
	[tilespmem:$0x19300] =	vst v63  }
0x30d: {  	_ =	swait.ge [sflag:s25], $0x180  }
0x30e: {  	s20 =	sld [smem:$0x7F3]  }
0x30f: {  	s24 =	simm.s32 $0x180;
	[sflag:s25] =	ssyncset.done $0x0  }
0x310: {  	s26 =	simm.s32 $0xD000;
	s28 =	simm.s32 $0x60;
	[sflag:s25] =	ssyncadd.s32 $0xFFFFFE80  }
0x311: {  	[tilespmem:s26], [sflag:$0x2] =	stream.indirect.gather [hbm4b:s20+s28], $0x80, s24, s28, $0xb8;
	[tilespmem:$0x19300] =	vst v63  }
0x312: {  	s30 =	simm.s32 $0x1E0;
	s31 =	simm.s32 $0xFF00  }
0x313: {  	[tilespmem:s31], [sflag:$0x2] =	stream.indirect.gather [hbm4b:s20+s28], $0x80, s30, s28, $0xb8;
	[tilespmem:$0x19300] =	vst v63  }
0x314: {  	s25 =	simm.s32 $0x13400;
	s24 =	simm.s32 $0x240;
	s26 =	simm.s32 $0x60  }
0x315: {  	[tilespmem:s25], [sflag:$0x2] =	stream.indirect.gather [hbm4b:s20+s28], $0x80, s24, s28, $0xb8;
	[tilespmem:$0x19300] =	vst v63  }
0x316: {  	s30 =	simm.s32 $0x16300;
	s31 =	simm.s32 $0x1;
	s28 =	simm.s32 $0x2A0  }
0x317: {  	[tilespmem:s30], [sflag:$0x2] =	stream.indirect.gather [hbm4b:s20+s26], $0x80, s28, s26, $0xb8;
	[tilespmem:$0x19300] =	vst v63  }
0x318: {  	_ =	swait.ge [sflag:s31], $0x3000  }
0x319: {  	[sflag:s31] =	ssyncset.done $0x0  }
0x31a: {  	[sflag:s31] =	ssyncadd.s32 $0xFFFFD000  }
0x31b: {  	_ =	swait.ge [sflag:s31], $0x3000  }
0x31c: {  	[sflag:s31] =	ssyncset.done $0x0  }
0x31d: {  	[sflag:s31] =	ssyncadd.s32 $0xFFFFD000  }
0x31e: {  	_ =	swait.ge [sflag:s31], $0x3000  }
0x31f: {  	[sflag:s31] =	ssyncset.done $0x0  }
0x320: {  	[sflag:s31] =	ssyncadd.s32 $0xFFFFD000  }
0x321: {  	_ =	swait.ge [sflag:s31], $0x3000  }
0x322: {  	s23 =	sadd.s32 $0x0, s2;
	s21 =	simm.s32 $0x8;
	[sflag:s31] =	ssyncset.done $0x0  }
0x323: {  	s22 =	simm.s32 $0x380;
	s20 =	simm.s32 $0x300;
	[sflag:s31] =	ssyncadd.s32 $0xFFFFD000  }
.LBB2_58:
0x324: {  	[hbm4b:s23+s1] =	stream.linear.scatter [tilespmem:s20], [sflag:$0x3], $0x40, $0x38;
	[tilespmem:$0x19300] =	vst v63  }
0x325: {  	s23 =	smov.u32 s21;
	s20 =	smov.u32 s22;
	p0 =	sne.s32 s21, $0x638  }
.Ltmp28:
0x326: {  	s21 =	sadd.s32 $0x8, s21;
	(pc) =	sbr.rel @p0 .LBB2_58-.Ltmp28, $2  }
0x327: {  	_ =	sdelay $0x2  }
0x328: {  	s22 =	sadd.s32 $0x80, s22;
	s23 =	sadd.s32 s23, s2  }
0x329: {  	[hbm4b:s23+s1] =	stream.linear.scatter [tilespmem:s20], [sflag:$0x3], $0x40, $0x38;
	[tilespmem:$0x19300] =	vst v63  }
0x32a: {  	s31 =	simm.s32 $0x3  }
0x32b: {  	_ =	swait.ge [sflag:s31], $0x3200  }
0x32c: {  	s20 =	simm.s32 $0x6700;
	s21 =	simm.s32 $0x8;
	[sflag:s31] =	ssyncset.done $0x0  }
0x32d: {  	s23 =	sadd.s32 $0x0, s17;
	s22 =	simm.s32 $0x6780;
	[sflag:s31] =	ssyncadd.s32 $0xFFFFCE00  }
.LBB2_60:
0x32e: {  	[hbm4b:s23+s1] =	stream.linear.scatter [tilespmem:s20], [sflag:$0x3], $0x40, $0x38;
	[tilespmem:$0x19300] =	vst v63  }
0x32f: {  	s23 =	smov.u32 s21;
	s20 =	smov.u32 s22;
	p0 =	sne.s32 s21, $0x638  }
.Ltmp29:
0x330: {  	s21 =	sadd.s32 $0x8, s21;
	(pc) =	sbr.rel @p0 .LBB2_60-.Ltmp29, $2  }
0x331: {  	_ =	sdelay $0x2  }
0x332: {  	s22 =	sadd.s32 $0x80, s22;
	s23 =	sadd.s32 s23, s17  }
0x333: {  	[hbm4b:s23+s1] =	stream.linear.scatter [tilespmem:s20], [sflag:$0x3], $0x40, $0x38;
	[tilespmem:$0x19300] =	vst v63  }
0x334: {  	s30 =	simm.s32 $0x3  }
0x335: {  	_ =	swait.ge [sflag:s30], $0x3200  }
0x336: {  	[sflag:s30] =	ssyncset.done $0x0  }
0x337: {  	s31 =	simm.s32 $0x2;
	[sflag:s30] =	ssyncadd.s32 $0xFFFFCE00  }
0x338: {  	_ =	swait.ge [sflag:s31], $0x3000  }
0x339: {  	[sflag:s31] =	ssyncset.done $0x0  }
0x33a: {  	[sflag:s31] =	ssyncadd.s32 $0xFFFFD000  }
0x33b: {  	_ =	swait.ge [sflag:s31], $0x3000  }
0x33c: {  	[sflag:s31] =	ssyncset.done $0x0  }
0x33d: {  	[sflag:s31] =	ssyncadd.s32 $0xFFFFD000  }
0x33e: {  	_ =	swait.ge [sflag:s31], $0x3000  }
0x33f: {  	[sflag:s31] =	ssyncset.done $0x0  }
0x340: {  	[sflag:s31] =	ssyncadd.s32 $0xFFFFD000  }
0x341: {  	_ =	swait.ge [sflag:s31], $0x3000  }
0x342: {  	s20 =	simm.s32 $0xCB00;
	s21 =	simm.s32 $0x8;
	[sflag:s31] =	ssyncset.done $0x0  }
0x343: {  	s23 =	sadd.s32 $0x0, s3;
	s22 =	simm.s32 $0xCB80;
	[sflag:s31] =	ssyncadd.s32 $0xFFFFD000  }
.LBB2_62:
0x344: {  	[hbm4b:s23+s1] =	stream.linear.scatter [tilespmem:s20], [sflag:$0x3], $0x40, $0x38;
	[tilespmem:$0x19300] =	vst v63  }
0x345: {  	s23 =	smov.u32 s21;
	s20 =	smov.u32 s22;
	p0 =	sne.s32 s21, $0x638  }
.Ltmp30:
0x346: {  	s21 =	sadd.s32 $0x8, s21;
	(pc) =	sbr.rel @p0 .LBB2_62-.Ltmp30, $2  }
0x347: {  	_ =	sdelay $0x2  }
0x348: {  	s22 =	sadd.s32 $0x80, s22;
	s23 =	sadd.s32 s23, s3  }
0x349: {  	[hbm4b:s23+s1] =	stream.linear.scatter [tilespmem:s20], [sflag:$0x3], $0x40, $0x38;
	[tilespmem:$0x19300] =	vst v63  }
0x34a: {  	s31 =	simm.s32 $0x3  }
0x34b: {  	_ =	swait.ge [sflag:s31], $0x3200  }
0x34c: {  	s20 =	simm.s32 $0x12F00;
	s21 =	simm.s32 $0x8;
	[sflag:s31] =	ssyncset.done $0x0  }
0x34d: {  	s23 =	sadd.s32 $0x0, s18;
	s22 =	simm.s32 $0x12F80;
	[sflag:s31] =	ssyncadd.s32 $0xFFFFCE00  }
.LBB2_64:
0x34e: {  	[hbm4b:s23+s1] =	stream.linear.scatter [tilespmem:s20], [sflag:$0x3], $0x40, $0x38;
	[tilespmem:$0x19300] =	vst v63  }
0x34f: {  	s23 =	smov.u32 s21;
	s20 =	smov.u32 s22;
	p0 =	sne.s32 s21, $0x638  }
.Ltmp31:
0x350: {  	s21 =	sadd.s32 $0x8, s21;
	(pc) =	sbr.rel @p0 .LBB2_64-.Ltmp31, $2  }
0x351: {  	_ =	sdelay $0x2  }
0x352: {  	s22 =	sadd.s32 $0x80, s22;
	s23 =	sadd.s32 s23, s18  }
0x353: {  	[hbm4b:s23+s1] =	stream.linear.scatter [tilespmem:s20], [sflag:$0x3], $0x40, $0x38;
	[tilespmem:$0x19300] =	vst v63  }
0x354: {  	s22 =	simm.s32 $0x3  }
0x355: {  	_ =	swait.ge [sflag:s22], $0x3200  }
0x356: {  	s21 =	sld [smem:$0x7F2];
	_ =	sdelay $0x2  }
0x357: {  	s31 =	rddreg [dreg:$0x1f];
	s21 =	sadd.s32 $0x1, s21  }
0x358: {  	p0 =	sne.s32 s21, s31  }
.Ltmp32:
0x359: {  	_ = 	snop;
	(pc) =	sbr.rel @p0 .LBB2_1-.Ltmp32, $3  }
0x35a: {  	_ =	sdelay $0x1  }
0x35b: {  	[sflag:s22] =	ssyncset.done $0x0  }
0x35c: {  	[sflag:s22] =	ssyncadd.s32 $0xFFFFCE00  }
0x35d: {  	_ =	sfence.sel $0x180000  }
0x35e: {  	[bflag:$0x0] =	sbarrier.arrive $0xFFFF  }
0x35f: {  	_ =	strace $0x90000047  }
0x360: {  	s0 =	stileid.u32;
	[bflag:$0x2] =	sbarrier.arrive $0xFFFF  }
0x361: {  	p0 =	sne.s32 s0, $0x0;
	s0 =	rddreg [dreg:$0x2]  }
0x362: {  	s0 =	sadd.s32 @!p0 $0x100000, s0  }
0x363: {  	[sflag:s0] =	ssyncadd.tile.s32 @!p0 $0x1;
	_ =	shalt  }
.Lfunc_end2:
_tile_overlayer_lowered:
.L_overlay_start_2:
0x364: {  	(tag) =	ssettag $0x2  }
0x365: {  	s0 =	rddreg [dreg:$0x0];
	s2 =	stileid.u32  }
0x366: {  	s1 =	rddreg [dreg:$0x1];
	p0 =	sne.s32 s2, $0x0  }
0x367: {  	s3 =	rddreg [dreg:$0x2];
	[bflag:$0x3] =	sbarrier.arrive $0xFFFF;
	s2 =	simm.s32 @!p0 $0x1C03  }
0x368: {  	[timem:s3], [sflag:s2] =	dma.local @!p0 [hbm:s0], s1  }
0x369: {  	s0 =	simm.s32 @!p0 $0x3  }
0x36a: {  	_ =	swait.ge @!p0 [sflag:s0], s1  }
0x36b: {  	s1 =	ssub.s32 @!p0 $0x0, s1;
	[sflag:s0] =	ssyncset.done @!p0 $0x0  }
0x36c: {  	[sflag:s0] =	ssyncadd.s32 @!p0 s1  }
0x36d: {  	[bflag:$0x3] =	sbarrier.arrive $0xFFFF  }
0x36e: {  	_ =	shalt  }

// kernel: sparse-core-data-format-call.cloned.1.call-start
scs
called_computation_lowered:
.L_overlay_start_0:
0x0: {  	s2 =	sld [smem:$0x3FD9]  }
0x1: {  	s3 =	sld [smem:$0x3FFE];
	_ =	sdelay $0x1  }
0x2: {  	s1 =	srdreg.scid  }
0x3: {  	s0 =	sand.u32 $0x1, s1  }
0x4: {  	s18 =	sshll.u32 s0, $0xA;
	s2 =	sadd.s32 s3, s2  }
0x5: {  	s2 =	sadd.s32 s2, s18  }
0x6: {  	[smem:$0x3FC5] =	sst s2  }
0x7: {  	_ = 	snop  }
0x8: {  	s2 =	sld [smem:$0x3FD0];
	(tm) =	ssettm $0x1  }
0x9: {  	s19 =	sld [smem:$0x3FFB];
	_ =	sdelay $0x3  }
0xa: {  	_ =	strace s19  }
0xb: {  	s3 =	sld [smem:$0x3FFC];
	_ =	sdelay $0x3  }
0xc: {  	_ =	strace s3  }
0xd: {  	s3 =	sld [smem:$0x3FFD];
	_ =	sdelay $0x3  }
0xe: {  	_ =	strace s3  }
0xf: {  	_ =	strace $0x8FFFFFFF  }
0x10: {  	s20 =	sld [smem:$0x3FDB];
	_ =	sdelay $0x1  }
0x11: {  	s4 =	simm.s32 $_scs_section_size  }
0x12: {  	s5 =	simm.s32 $_size__tile_overlayer_lowered;
	s6 =	simm.s32 $_tile_overlayer_lowered  }
0x13: {  	s23 =	simm.s32 $0x1BFF;
	s22 =	sshll.u32 s6, $0x1;
	s3 =	sadd.s32 s4, s20  }
0x14: {  	s7 =	simm.s32 $0x0;
	s21 =	sshll.u32 s5, $0x1;
	s5 =	sadd.s32 s22, s3  }
0x15: {  	[timem:s7], [sflag:s23] =	dma.local [hbm:s5], s21  }
0x16: {  	_ =	swait.ge [sflag:s23], s21  }
0x17: {  	s4 =	ssub.s32 $0x0, s21;
	[sflag:s23] =	ssyncset.done $0x0  }
0x18: {  	[sflag:s23] =	ssyncadd.s32 s4;
	_ =	sdelay $0x1  }
0x19: {  	s24 =	simm.s32 $0x1B8B  }
0x1a: {  	_ =	swait.ge [sflag:s24], $0x1  }
0x1b: {  	[sflag:s24] =	ssyncset.done $0x0  }
0x1c: {  	s26 =	simm.s32 $0x1B8E;
	s25 =	sld [smem:$0x3FFE];
	[sflag:s24] =	ssyncadd.s32 $0xFFFFFFFF  }
0x1d: {  	s27 =	simm.s32 $execute0_lowered;
	[smem:$0x3FD2] =	sst s26  }
0x1e: {  	s5 =	sshll.u32 s27, $0x1;
	_ =	strace $0x80000049;
	[dreg:$0x1] =	wrdreg $0xFFFFFFFF  }
0x1f: {  	s28 =	simm.s32 $_size_execute0_lowered;
	s3 =	sadd.s32 s3, s5;
	[dreg:$0x0] =	wrdreg $0x0  }
0x20: {  	s5 =	sshll.u32 s28, $0x1;
	[dreg:$0x2] =	wrdreg s3  }
0x21: {  	[dreg:$0x3] =	wrdreg s5  }
0x22: {  	[dreg:$0x4] =	wrdreg $0xC0  }
0x23: {  	_ =	task [dreg:s7], $0x5FFFF  }
0x24: {  	[dreg:$0x1] =	wrdreg $0xFFFFFFFF  }
0x25: {  	[dreg:$0x0] =	wrdreg $0x60  }
0x26: {  	[dreg:$0x2] =	wrdreg s25  }
0x27: {  	[dreg:$0x3] =	wrdreg s2  }
0x28: {  	[dreg:$0x4] =	wrdreg $0x9  }
0x29: {  	_ =	task.clear_ibuf [dreg:s7], $0x5FFFF;
	_ =	strace $0x90000049  }
0x2a: {  	s29 =	simm.s32 $0x9;
	_ =	strace $0x8000004B  }
0x2b: {  	_ =	swait.ge [sflag:s29], $0x1  }
0x2c: {  	[sflag:s29] =	ssyncadd.s32 $0xFFFFFFFF  }
0x2d: {  	_ =	strace $0x9000004B  }
0x2e: {  	_ =	sfence  }
0x2f: {  	s30 =	sld [smem:$0x0];
	_ =	sdelay $0x2  }
0x30: {  	s31 =	sshll.u32 s1, $0xD;
	s1 =	sshrl.u32 s1, $0x2  }
0x31: {  	s3 =	sand.u32 $0x4000, s31;
	s1 =	sadd.s32 s1, s30  }
0x32: {  	s0 =	sor.u32 s3, s0;
	s1 =	sshll.u32 s1, $0x11  }
0x33: {  	s0 =	sor.u32 s1, s0  }
0x34: {  	s0 =	sadd.s32 $0x8F2B, s0  }
0x35: {  	[sflag:s0] =	ssyncadd.remote.s32 $0x1  }
0x36: {  	_ =	sfence.sel $0xFFFF  }
0x37: {  	[dreg:$0x0] =	wrdreg $0xFFFFFFFF;
	(pc) =	sbr.abs _section_cstart, $3  }
0x38: {  	[dreg:$0x1] =	wrdreg $0xFFFFFFFF  }
0x39: {  	_ =	task.clear_ibuf [dreg:s7], $0x2FFFF;
	_ =	strace $0x9FFFFFFF  }
0x3a: {  	(tm) =	ssettm $0x7FFFFFFF  }
0x3b: {  	_ =	shalt  }
tec
execute0_lowered:
.L_overlay_start_1:
0x0: {  	(tag) =	ssettag $0x1  }
0x1: {  	s0 =	stileid.u32;
	s6 =	rddreg [dreg:$0x0]  }
0x2: {  	s2 =	rddreg [dreg:$0x1];
	s5 =	srdreg.scid  }
0x3: {  	s31 =	simm.s32 $0x2;
	s13 =	simm.s32 $0x0;
	s1 =	sshll.u32 s0, $0x7  }
0x4: {  	s14 =	simm.s32 $0x0;
	s12 =	simm.s32 $0x0;
	s3 =	sand.u32 $0x380, s1  }
0x5: {  	s5 =	sshll.u32 s5, $0x4;
	s6 =	sadd.s32 $0xC00, s6;
	s4 =	ssub.s32 $0x400, s3  }
0x6: {  	s1 =	rddreg [dreg:$0x2];
	_ =	strace $0x8000004A;
	s7 =	sand.u32 $0x380, s4  }
0x7: {  	s5 =	sand.u32 $0x10, s5;
	p0 =	sne.s32 s7, $0x0;
	s7 =	simm.s32 $0x1  }
.Ltmp0:
0x8: {  	s8 =	sshrl.u32 s4, $0xA;
	s7 =	simm.s32 @!p0 $0x0;
	(pc) =	sbr.rel .LBB1_1-.Ltmp0, $4  }
0x9: {  	s9 =	sor.u32 s0, s5;
	s4 =	simm.s32 $0x1;
	s30 =	sadd.s32 s7, s8  }
0xa: {  	s11 =	smov.u32 s3;
	[sflag:s4] =	ssyncpa.u1 $0x0;
	s5 =	smul.u32 $0x32, s30  }
0xb: {  	[sflag:s31] =	ssyncpa.u1 $0x0;
	p0 =	por $0x0, $0x0;
	s7 =	sshrl.u32 s9, $0x3  }
0xc: {  	s9 =	simm.s32 $0x2000;
	s10 =	smov.u32 s7;
	s8 =	sor.u32 $0x1, s5  }
.LBB1_4:
0xd: {  	s17 =	sand.u32 $0x1F80, s14;
	s13 =	sshll.u32 s13, $0xD  }
0xe: {  	[tilespmem:s16+$0x810 ss:$0x81] =	vst.msk $0xffff, v2;
	s18 =	sshrl.u32 s14, $0x3;
	s31 =	sand.u32 $0x7, s14;
	s17 =	sadd.s32 s2, s17  }
0xf: {  	[tilespmem:s16+$0x1020 ss:$0x81] =	vst.msk $0xffff, v0;
	s18 =	sand.u32 $0xF, s18;
	s14 =	sshll.u32 s31, $0x12;
	s13 =	sadd.s32 s13, s17  }
0x10: {  	[tilespmem:s16+$0x0 ss:$0x81] =	vst.msk $0xffff, v1;
	s14 =	sor.u32 $0x400, s14;
	s13 =	sadd.s32 s18, s13  }
0x11: {  	[hbm4b:s13+s14] =	stream.strided.scatter [tilespmem:s15], [sflag:$0x2], $0x2000, s9, s14, $0x20;
	[tilespmem:$0x8080] =	vst v63  }
.LBB1_5:
0x12: {  	s15 =	sadd.s32 $0x4, s10  }
0x13: {  	s13 =	sadd.s32 $0x400, s11;
	s17 =	smov.u32 s11;
	p2 =	sgt.s32 s15, $0xC7  }
0x14: {  	s17 =	smov.u32 @p2 s13  }
0x15: {  	s15 =	smov.u32 @p2 s7;
	p2 =	sgt.s32 s17, $0x3FF  }
0x16: {  	s17 =	smov.u32 @p2 s3;
	p2 =	sne.s32 s12, s8  }
.Ltmp1:
0x17: {  	p1 =	slt.u32 s12, $0x2;
	(pc) =	sbr.rel @!p2 .LBB1_6-.Ltmp1, $4  }
0x18: {  	s16 =	simm.s32 @!p1 $0x2  }
0x19: {  	s14 =	smov.u32 s11;
	p0 =	por !p0, !p0;
	_ =	swait.ge @!p1 [sflag:s16], $0x2000  }
0x1a: {  	s13 =	smov.u32 s10;
	[sflag:s16] =	ssyncset.done @!p1 $0x0;
	s10 =	smov.u32 s15  }
0x1b: {  	s12 =	sadd.s32 $0x1, s12;
	[sflag:s16] =	ssyncadd.s32 @!p1 $0xFFFFE000;
	s11 =	smov.u32 s17  }
.LBB1_1:
0x1c: {  	p1 =	sge.u32 s12, s5  }
0x1d: {  	s15 =	sand.u32 @!p1 $0x1FFFFFF, s10  }
0x1e: {  	s16 =	smulhi.u32 @!p1 $0x147AE15, s15;
	_ =	sdelay $0x1  }
0x1f: {  	s16 =	smul.u32 @!p1 $0xC8, s16  }
0x20: {  	s17 =	sxor.u32 @!p1 $0xFFFFFFFF, s12;
	s18 =	smul.u32 @!p1 $0xC80, s11  }
0x21: {  	s31 =	sadd.s32 $0xFFFFFFFF, s12;
	s17 =	sshll.u32 @!p1 s17, $0xD;
	s15 =	ssub.s32 @!p1 s15, s16  }
0x22: {  	s16 =	sand.u32 @!p1 $0x2000, s17;
	s17 =	sadd.s32 @!p1 s6, s18;
	s15 =	sshll.u32 @!p1 s15, $0x4  }
0x23: {  	s18 =	simm.s32 @!p1 $0x6400;
	s15 =	sadd.s32 @!p1 s15, s17;
	s17 =	simm.s32 @!p1 $0x40  }
0x24: {  	[tilespmem:s16], [sflag:$0x1] =	stream.strided.gather @!p1 [hbm4b:s15+s17], $0x2000, s18, s17, $0x38;
	[tilespmem:$0x8080] =	vst v63  }
0x25: {  	p1 =	sge.u32 s31, s5  }
.Ltmp2:
0x26: {  	_ = 	snop;
	(pc) =	sbr.rel @p1 .LBB1_5-.Ltmp2, $1  }
0x27: {  	_ =	sdelay $0x3  }
0x28: {  	s15 =	simm.s32 $0x1  }
0x29: {  	_ =	swait.ge [sflag:s4], $0x2000;
	s15 =	simm.s32 @!p0 $0x0  }
0x2a: {  	[sflag:s4] =	ssyncset.done $0x0;
	s16 =	sshll.u32 s15, $0xD  }
0x2b: {  	[sflag:s4] =	ssyncadd.s32 $0xFFFFE000;
	s19 =	sor.u32 $0x20, s16  }
0x2c: {  	s15 =	smul.u32 $0x8100, s15;
	v3 =	vld [tilespmem:s19+$0x10]  }
0x2d: {  	s30 =	sand.u32 $0x1, s12;
	v2 =	vld [tilespmem:s19+$0xFFFFFFF0]  }
0x2e: {  	s16 =	smul.u32 $0x8100, s30;
	s15 =	sshrl.u32 s15, $0x2;
	v0 =	vld [tilespmem:s19+$0x0]  }
0x2f: {  	v1 =	vld [tilespmem:s19+$0xFFFFFFE0];
	s17 =	sor.u32 $0x4000, s15  }
0x30: {  	s31 =	sshrl.u32 s16, $0x2;
	s16 =	sadd.s32 $0x0, s17  }
0x31: {  	s18 =	simm.s32 $0x4;
	s19 =	sadd.s32 $0x40, s19;
	s15 =	sor.u32 $0x4000, s31;
	[tilespmem:s16+$0x1830 ss:$0x81] =	vst.msk $0xffff, v3  }
.LBB1_3:
0x32: {  	v3 =	vld [tilespmem:s19+$0x10];
	p1 =	sne.s32 s18, $0x1FC;
	[tilespmem:s16+$0x810 ss:$0x81] =	vst.msk $0xffff, v2;
	s20 =	smov.u32 s18;
	s18 =	sadd.s32 $0x4, s18  }
.Ltmp3:
0x33: {  	v2 =	vld [tilespmem:s19+$0xFFFFFFF0];
	[tilespmem:s16+$0x1020 ss:$0x81] =	vst.msk $0xffff, v0;
	(pc) =	sbr.rel @p1 .LBB1_3-.Ltmp3, $4  }
0x34: {  	v0 =	vld [tilespmem:s19+$0x0];
	[tilespmem:s16+$0x0 ss:$0x81] =	vst.msk $0xffff, v1  }
0x35: {  	s16 =	sshra.s32 s20, $0x2;
	v1 =	vld [tilespmem:s19+$0xFFFFFFE0]  }
0x36: {  	s16 =	sadd.s32 s16, s17  }
0x37: {  	s19 =	sadd.s32 $0x40, s19;
	[tilespmem:s16+$0x1830 ss:$0x81] =	vst.msk $0xffff, v3  }
.Ltmp4:
0x38: {  	_ = 	snop;
	(pc) =	sbr.rel .LBB1_4-.Ltmp4, $1  }
0x39: {  	_ =	sdelay $0x3  }
.LBB1_6:
0x3a: {  	_ =	sfence.sel $0x180000  }
0x3b: {  	s2 =	simm.s32 $0x1;
	[bflag:$0x0] =	sbarrier.arrive $0xFFFF  }
0x3c: {  	s31 =	simm.s32 $0x2;
	[sflag:s2] =	ssyncpa.u1 $0x1  }
0x3d: {  	[sflag:s31] =	ssyncpa.u1 $0x1  }
0x3e: {  	p0 =	sne.s32 s0, $0x0;
	_ =	strace $0x9000004A  }
0x3f: {  	s0 =	sadd.s32 @!p0 $0x100000, s1;
	[bflag:$0x2] =	sbarrier.arrive $0xFFFF  }
0x40: {  	[sflag:s0] =	ssyncadd.tile.s32 @!p0 $0x1;
	_ =	shalt  }
.Lfunc_end1:
_tile_overlayer_lowered:
.L_overlay_start_2:
0x41: {  	(tag) =	ssettag $0x2  }
0x42: {  	s0 =	rddreg [dreg:$0x0];
	s2 =	stileid.u32  }
0x43: {  	s1 =	rddreg [dreg:$0x1];
	p0 =	sne.s32 s2, $0x0  }
0x44: {  	s3 =	rddreg [dreg:$0x2];
	[bflag:$0x3] =	sbarrier.arrive $0xFFFF;
	s2 =	simm.s32 @!p0 $0x1C01  }
0x45: {  	[timem:s3], [sflag:s2] =	dma.local @!p0 [hbm:s0], s1  }
0x46: {  	s0 =	simm.s32 @!p0 $0x1  }
0x47: {  	_ =	swait.ge @!p0 [sflag:s0], s1  }
0x48: {  	s1 =	ssub.s32 @!p0 $0x0, s1;
	[sflag:s0] =	ssyncset.done @!p0 $0x0  }
0x49: {  	[sflag:s0] =	ssyncadd.s32 @!p0 s1  }
0x4a: {  	[bflag:$0x3] =	sbarrier.arrive $0xFFFF  }
0x4b: {  	_ =	shalt  }

</sc_bundles>
